<compile_context>
chip_gen: v7x
topology: tpu7x:2x2x1
jax: 0.10.2.dev20260603
libtpu: 0.0.44.dev20260713+nightly
codegen_flags: <defaults>
</compile_context>

<pallas_src>
import functools

import jax
import jax.numpy as jnp
from jax import lax
from jax.experimental import pallas as pl
from jax.experimental.pallas import tpu as pltpu
from jax.experimental.pallas import tpu_sc as plsc

jax.config.update("jax_enable_x64", True)

U32 = jnp.uint32
I32 = jnp.int32



def _c(x):
    return jnp.asarray(x, dtype=U32)


def _add64(al, ah, bl, bh):
    lo = al + bl
    hi = ah + bh + (lo < al).astype(U32)
    return lo, hi


def _sub64(al, ah, bl, bh):
    lo = al - bl
    hi = ah - bh - (al < bl).astype(U32)
    return lo, hi


def _neg64(al, ah):
    return _sub64(jnp.zeros_like(al), jnp.zeros_like(ah), al, ah)


def _mul64(al, ah, bl, bh):
    x0 = al & 0xFFFF
    x1 = al >> 16
    y0 = bl & 0xFFFF
    y1 = bl >> 16
    ll = x0 * y0
    lh = x0 * y1
    hl = x1 * y0
    hh = x1 * y1
    mid = lh + hl
    midc = (mid < lh).astype(U32)
    lo = ll + (mid << 16)
    c1 = (lo < ll).astype(U32)
    hi = hh + (mid >> 16) + (midc << 16) + c1
    hi = hi + al * bh + ah * bl
    return lo, hi


def _shl64(al, ah, s):
    sm = s & 31
    lo_s = al << sm
    hi_s = (ah << sm) | ((al >> (31 - sm)) >> 1)
    big = s >= 32
    lo = jnp.where(big, jnp.zeros_like(al), lo_s)
    hi = jnp.where(big, al << sm, hi_s)
    return lo, hi


def _shr64a(al, ah, s):
    sm = s & 31
    smi = sm.astype(I32)
    ahs = ah.astype(I32)
    lo_s = (al >> sm) | ((ah << (31 - sm)) << 1)
    hi_s = (ahs >> smi).astype(U32)
    lo_b = (ahs >> smi).astype(U32)
    hi_b = (ahs >> 31).astype(U32)
    big = s >= 32
    return jnp.where(big, lo_b, lo_s), jnp.where(big, hi_b, hi_s)


def _ult64(al, ah, bl, bh):
    return (ah < bh) | ((ah == bh) & (al < bl))


def _slt64(al, ah, bl, bh):
    return (ah.astype(I32) < bh.astype(I32)) | ((ah == bh) & (al < bl))


def _eq64(al, ah, bl, bh):
    return (al == bl) & (ah == bh)


def _sel(c, a, b):
    return jnp.where(c, a[0], b[0]), jnp.where(c, a[1], b[1])


def _divmod_u64(nl, nh, dl, dh):
    zero = jnp.zeros_like(nl)

    def body(k, carry):
        rl, rh, ql, qh = carry
        i = 63 - k
        sh_h = jnp.maximum(i - 32, 0).astype(U32)
        sh_l = jnp.minimum(i, 31).astype(U32)
        bit = jnp.where(i >= 32, (nh >> sh_h) & 1, (nl >> sh_l) & 1)
        rl2 = (rl << 1) | bit
        rh2 = (rh << 1) | (rl >> 31)
        ge = ~_ult64(rl2, rh2, dl, dh)
        sl, sh = _sub64(rl2, rh2, dl, dh)
        rl3 = jnp.where(ge, sl, rl2)
        rh3 = jnp.where(ge, sh, rh2)
        ql2 = (ql << 1) | ge.astype(U32)
        qh2 = (qh << 1) | (ql >> 31)
        return rl3, rh3, ql2, qh2

    rl, rh, ql, qh = lax.fori_loop(
        jnp.int32(0), jnp.int32(64), body, (zero, zero, zero, zero)
    )
    return ql, qh, rl, rh


def _divmod_s64_floor(nl, nh, dl, dh):
    neg_n = nh.astype(I32) < 0
    neg_d = dh.astype(I32) < 0
    nnl, nnh = _neg64(nl, nh)
    dnl, dnh = _neg64(dl, dh)
    nml = jnp.where(neg_n, nnl, nl)
    nmh = jnp.where(neg_n, nnh, nh)
    dml = jnp.where(neg_d, dnl, dl)
    dmh = jnp.where(neg_d, dnh, dh)
    ql, qh, rl, rh = _divmod_u64(nml, nmh, dml, dmh)
    opp = neg_n != neg_d
    rzero = (rl | rh) == 0
    qnl, qnh = _neg64(ql, qh)
    q1l, q1h = _add64(ql, qh, _c(1), _c(0))
    qn1l, qn1h = _neg64(q1l, q1h)
    fql = jnp.where(opp, jnp.where(rzero, qnl, qn1l), ql)
    fqh = jnp.where(opp, jnp.where(rzero, qnh, qn1h), qh)
    rtl_n, rth_n = _neg64(rl, rh)
    rtl = jnp.where(neg_n, rtl_n, rl)
    rth = jnp.where(neg_n, rth_n, rh)
    ral, rah = _add64(rtl, rth, dl, dh)
    adj = opp & ~rzero
    frl = jnp.where(adj, ral, rtl)
    frh = jnp.where(adj, rah, rth)
    return fql, fqh, frl, frh


def _pack64(b):
    lo = b[0] | (b[1] << 8) | (b[2] << 16) | (b[3] << 24)
    hi = b[4] | (b[5] << 8) | (b[6] << 16) | (b[7] << 24)
    return lo, hi


def _clip_addr(al, ah, n):
    neg = ah.astype(I32) < 0
    big = (ah != 0) | (al >= n)
    return jnp.where(neg, jnp.zeros_like(al), jnp.where(big, _c(n - 1), al))


def _read_addrs(base_l, base_h, n):
    out = []
    for i in range(8):
        al, ah = _add64(base_l, base_h, _c(i), _c(0))
        out.append(_clip_addr(al, ah, n))
    return out


def _vm_step(pcl, pch, spl, sph, bpl, bph, axl, axh,
             b_pc, b_sp, b_ax, b_bp8, b_bp, n):
    zero = jnp.zeros_like(pcl)
    one = zero + 1

    il, ih = _pack64(b_pc)
    op = b_pc[0]
    imml = (il >> 8) | (ih << 24)
    immh = (ih.astype(I32) >> 8).astype(U32)
    stl, sth = _pack64(b_sp)
    maxl_, maxh_ = _pack64(b_ax)
    pfsl, pfsh = _pack64(b_bp8)
    bfsl, bfsh = _pack64(b_bp)

    pc8l, pc8h = _add64(pcl, pch, _c(8), zero)
    spm8l, spm8h = _sub64(spl, sph, _c(8), zero)
    spp8l, spp8h = _add64(spl, sph, _c(8), zero)
    sppil, sppih = _add64(spl, sph, imml, immh)
    spmil, spmih = _sub64(spm8l, spm8h, imml, immh)
    bp16l, bp16h = _add64(bpl, bph, _c(16), zero)
    bpil, bpih = _add64(bpl, bph, imml, immh)

    ax_zero = (axl | axh) == 0
    asl = jnp.where(ax_zero, one, axl)
    ash = jnp.where(ax_zero, zero, axh)

    addl, addh = _add64(stl, sth, axl, axh)
    subl, subh = _sub64(stl, sth, axl, axh)
    mull, mulh = _mul64(stl, sth, axl, axh)
    divl, divh, modl, modh = _divmod_s64_floor(stl, sth, asl, ash)
    sh = axl & 63
    shll, shlh = _shl64(stl, sth, sh)
    shrl, shrh = _shr64a(stl, sth, sh)
    f_eq = _eq64(stl, sth, axl, axh)
    f_lt = _slt64(stl, sth, axl, axh)
    f_gt = _slt64(axl, axh, stl, sth)

    oi = jnp.minimum(op, _c(38))

    npc = _sel((oi == 2) | (oi == 3), (imml, immh), (pc8l, pc8h))
    npc = _sel((oi == 4) & ax_zero, (imml, immh), npc)
    npc = _sel((oi == 5) & ~ax_zero, (imml, immh), npc)
    npc = _sel(oi == 8, (pfsl, pfsh), npc)
    npc = _sel(oi == 38, (pcl, pch), npc)

    nsp = _sel((oi == 3) | (oi == 13), (spm8l, spm8h), (spl, sph))
    nsp = _sel(oi == 6, (spmil, spmih), nsp)
    nsp = _sel(oi == 7, (sppil, sppih), nsp)
    nsp = _sel(oi == 8, (bp16l, bp16h), nsp)
    nsp = _sel((oi == 11) | (oi == 12) | ((oi >= 14) & (oi <= 29)),
               (spp8l, spp8h), nsp)

    nbp = _sel(oi == 6, (spm8l, spm8h), (bpl, bph))
    nbp = _sel(oi == 8, (bfsl, bfsh), nbp)

    nax = _sel(oi == 0, (bpil, bpih), (axl, axh))
    nax = _sel(oi == 1, (imml, immh), nax)
    nax = _sel(oi == 9, (maxl_, maxh_), nax)
    nax = _sel(oi == 10, (maxl_ & 255, zero), nax)
    nax = _sel(oi == 14, (addl, addh), nax)
    nax = _sel(oi == 15, (subl, subh), nax)
    nax = _sel(oi == 16, (mull, mulh), nax)
    nax = _sel(oi == 17, (divl, divh), nax)
    nax = _sel(oi == 18, (modl, modh), nax)
    nax = _sel(oi == 19, (stl | axl, sth | axh), nax)
    nax = _sel(oi == 20, (stl ^ axl, sth ^ axh), nax)
    nax = _sel(oi == 21, (stl & axl, sth & axh), nax)
    nax = _sel(oi == 22, (shll, shlh), nax)
    nax = _sel(oi == 23, (shrl, shrh), nax)
    nax = _sel(oi == 24, (f_eq.astype(U32), zero), nax)
    nax = _sel(oi == 25, ((~f_eq).astype(U32), zero), nax)
    nax = _sel(oi == 26, (f_lt.astype(U32), zero), nax)
    nax = _sel(oi == 27, (f_gt.astype(U32), zero), nax)
    nax = _sel(oi == 28, ((~f_gt).astype(U32), zero), nax)
    nax = _sel(oi == 29, ((~f_lt).astype(U32), zero), nax)
    nax = _sel((oi >= 30) & (oi <= 37), (zero, zero), nax)

    halted = (op == 38).astype(U32)

    is_psh = op == 13
    is_jsr = op == 3
    is_ent = op == 6
    is_si = op == 11
    is_sc = op == 12
    needs_push = is_psh | is_jsr | is_ent
    active8 = needs_push | is_si
    any_w = needs_push | is_si | is_sc

    pvl, pvh = _sel(is_jsr, (pc8l, pc8h), (axl, axh))
    pvl, pvh = _sel(is_ent, (bpl, bph), (pvl, pvh))
    wvl, wvh = _sel(needs_push, (pvl, pvh), (axl, axh))
    wbl, wbh = _sel(needs_push, (spm8l, spm8h), (stl, sth))

    wbytes = [
        (wvl >> 0) & 255, (wvl >> 8) & 255, (wvl >> 16) & 255, (wvl >> 24) & 255,
        (wvh >> 0) & 255, (wvh >> 8) & 255, (wvh >> 16) & 255, (wvh >> 24) & 255,
    ]
    cs, bs = [], []
    for i in range(8):
        ei = jnp.where(active8, _c(i), zero)
        eih = zero
        al, ah = _add64(wbl, wbh, ei, eih)
        cs.append(_clip_addr(al, ah, n))
        bi = wbytes[i]
        bs.append(jnp.where(active8, bi, wbytes[0]))
    vs = list(bs)
    for j in range(8):
        for i in range(8):
            vs[i] = jnp.where(cs[j] == cs[i], bs[j], vs[i])
    fb_idx = _clip_addr(spl, sph, n)
    fb_val = b_sp[0]
    pidx, pval = [], []
    for i in range(8):
        pidx.append(jnp.where(any_w, cs[i], fb_idx).astype(I32))
        pval.append(jnp.where(any_w, vs[i], fb_val).astype(I32))
    pidx = pidx + pidx
    pval = pval + pval

    return {
        "pc": npc, "sp": nsp, "bp": nbp, "ax": nax,
        "halted": halted, "pidx": pidx, "pval": pval,
    }


_NCHUNK = 16




def _bulk_body(n, mem_ref, out_ref, csem):
    ch = n // _NCHUNK
    copies = []
    for k in range(_NCHUNK):
        cp = pltpu.make_async_copy(
            mem_ref.at[pl.ds(k * ch, ch)], out_ref.at[pl.ds(k * ch, ch)], csem
        )
        cp.start()
        copies.append(cp)
    for cp in copies:
        cp.wait()


def _make_bulk(n):
    return pl.pallas_call(
        functools.partial(_bulk_body, n),
        in_specs=[pl.BlockSpec(memory_space=pltpu.HBM)],
        out_specs=pl.BlockSpec(memory_space=pltpu.HBM),
        out_shape=jax.ShapeDtypeStruct((n,), jnp.int32),
        scratch_shapes=[pltpu.SemaphoreType.DMA],
    )




def _sc_step_body(n, scal_hbm, mem_hbm, outscal_hbm, pbase_hbm, pgrp_hbm,
                  scalbuf, idxbuf, g1, g2, g3, gp, outbuf, pbbuf, pgbuf, sem):
    wid = lax.axis_index("c") * 16 + lax.axis_index("s")

    @pl.when(wid == 0)
    def _():
        pltpu.sync_copy(scal_hbm, scalbuf)
        sv = scalbuf[...]
        regs = [sv[i].astype(U32) for i in range(8)]
        pcl, pch, spl, sph, bpl, bph, axl, axh = regs

        lanes = lax.broadcasted_iota(I32, (16,), 0)

        def gather(base_a, base_b, gbuf):
            a_idx = _read_addrs(base_a[0], base_a[1], n)
            b_idx = _read_addrs(base_b[0], base_b[1], n)
            vec = jnp.zeros((16,), I32)
            for i in range(8):
                vec = jnp.where(lanes == i, a_idx[i].astype(I32), vec)
                vec = jnp.where(lanes == 8 + i, b_idx[i].astype(I32), vec)
            idxbuf[...] = vec
            pltpu.async_copy(mem_hbm.at[idxbuf], gbuf, sem).wait()

        bp8l, bp8h = _add64(bpl, bph, _c(8), _c(0))
        gather((pcl, pch), (spl, sph), g1)
        gather((axl, axh), (bp8l, bp8h), g2)
        gather((bpl, bph), (pcl, pch), g3)

        v1 = g1[...]
        v2 = g2[...]
        v3 = g3[...]
        b_pc = [v1[i].astype(U32) for i in range(8)]
        b_sp = [v1[8 + i].astype(U32) for i in range(8)]
        b_ax = [v2[i].astype(U32) for i in range(8)]
        b_bp8 = [v2[8 + i].astype(U32) for i in range(8)]
        b_bp = [v3[i].astype(U32) for i in range(8)]

        r = _vm_step(pcl, pch, spl, sph, bpl, bph, axl, axh,
                     b_pc, b_sp, b_ax, b_bp8, b_bp, n)

        gb0 = r["pidx"][0] & jnp.int32(~127)
        gb1 = r["pidx"][7] & jnp.int32(~127)
        for g, gb in enumerate((gb0, gb1)):
            gbs = pl.multiple_of(gb, 128)
            pltpu.sync_copy(mem_hbm.at[pl.ds(gbs, 128)], gp)
            for s in range(8):
                v = gp[pl.ds(16 * s, 16)]
                site = gb + jnp.int32(16 * s) + lanes
                for k in range(8):
                    v = jnp.where(site == r["pidx"][k], r["pval"][k], v)
                pgbuf[pl.ds(128 * g + 16 * s, 16)] = v

        scal_out = [
            r["pc"][0], r["pc"][1], r["sp"][0], r["sp"][1],
            r["bp"][0], r["bp"][1], r["ax"][0], r["ax"][1],
            r["halted"],
        ]
        ovec = jnp.zeros((16,), I32)
        for i, v in enumerate(scal_out):
            ovec = jnp.where(lanes == i, v.astype(I32), ovec)
        pbvec = jnp.where(lanes == 0, gb0,
                          jnp.where(lanes == 1, gb1, jnp.zeros((16,), I32)))
        outbuf[...] = ovec
        pbbuf[...] = pbvec
        pltpu.sync_copy(outbuf, outscal_hbm)
        pltpu.sync_copy(pbbuf, pbase_hbm)
        pltpu.sync_copy(pgbuf, pgrp_hbm)


def _make_sc_step(n):
    mesh = plsc.VectorSubcoreMesh(core_axis_name="c", subcore_axis_name="s")
    return pl.kernel(
        functools.partial(_sc_step_body, n),
        out_type=[
            jax.ShapeDtypeStruct((16,), jnp.int32),
            jax.ShapeDtypeStruct((16,), jnp.int32),
            jax.ShapeDtypeStruct((256,), jnp.int32),
        ],
        mesh=mesh,
        scratch_types=[
            pltpu.VMEM((16,), jnp.int32),
            pltpu.VMEM((16,), jnp.int32),
            pltpu.VMEM((16,), jnp.int32),
            pltpu.VMEM((16,), jnp.int32),
            pltpu.VMEM((16,), jnp.int32),
            pltpu.VMEM((128,), jnp.int32),
            pltpu.VMEM((16,), jnp.int32),
            pltpu.VMEM((16,), jnp.int32),
            pltpu.VMEM((256,), jnp.int32),
            pltpu.SemaphoreType.DMA,
        ],
    )




def _patch_body(pbase_ref, pgrp_ref, img_ref, out_ref, sem):
    del img_ref
    for j in range(2):
        base = pl.multiple_of(pbase_ref[j], 128)
        cp = pltpu.make_async_copy(
            pgrp_ref.at[pl.ds(128 * j, 128)], out_ref.at[pl.ds(base, 128)], sem
        )
        cp.start()
        cp.wait()


def _make_patch(n):
    return pl.pallas_call(
        _patch_body,
        in_specs=[
            pl.BlockSpec((16,), lambda: (jnp.zeros((), jnp.int32),),
                         memory_space=pltpu.SMEM),
            pl.BlockSpec(memory_space=pltpu.HBM),
            pl.BlockSpec(memory_space=pltpu.HBM),
        ],
        out_specs=pl.BlockSpec(memory_space=pltpu.HBM),
        out_shape=jax.ShapeDtypeStruct((n,), jnp.int32),
        input_output_aliases={2: 0},
        scratch_shapes=[pltpu.SemaphoreType.DMA],
    )




def kernel(pc, sp, bp, ax, memory):
    n = memory.shape[0]
    memory = jnp.asarray(memory, jnp.int64)
    lo32 = memory.astype(jnp.int32)
    regs = jnp.stack([
        jnp.asarray(pc, jnp.int64), jnp.asarray(sp, jnp.int64),
        jnp.asarray(bp, jnp.int64), jnp.asarray(ax, jnp.int64),
    ])
    scal = jnp.concatenate([
        lax.bitcast_convert_type(regs, jnp.int32).reshape(-1),
        jnp.zeros((8,), jnp.int32),
    ])

    outscal, pbase, pgrp = _make_sc_step(n)(scal, lo32)
    patched = _make_patch(n)(pbase, pgrp, lo32)
    new_mem = patched.astype(jnp.int64)

    sregs = lax.bitcast_convert_type(outscal[:8].reshape(4, 2), jnp.int64)
    new_pc, new_sp, new_bp, new_ax = sregs[0], sregs[1], sregs[2], sregs[3]
    halted = outscal[8] != 0
    return new_pc, new_sp, new_bp, new_ax, new_mem, halted

# --- scband reference (transcript-rebuilt; emitter-appended) ---
"""Pipeline reference for scband-c4-pure-transformer-62380105007321 (READ-ONLY COPY).

The authoritative reference and input builder live on the scoring server;
editing this copy changes nothing except your own understanding.
"""

import jax, jax.numpy as jnp
import numpy as np

jax.config.update("jax_enable_x64", True)

MEM_SIZE = 16777216


def _shifts():
    return jnp.array([0, 8, 16, 24, 32, 40, 48, 56], dtype=jnp.int64)


def _read_int(memory, addr):
    idx = jnp.clip(addr + jnp.arange(8, dtype=jnp.int64), 0, memory.shape[0] - 1)
    return jnp.sum(memory[idx].astype(jnp.int64) << _shifts())


def _fetch(memory, pc):
    instruction = _read_int(memory, pc)
    return instruction & 255, instruction >> 8


def _masked_write_int(memory, addr, value, mask):
    btw = (value >> _shifts()) & 255
    n = memory.shape[0]
    for i in range(8):
        idx = jnp.clip(addr + i, 0, n - 1)
        old = memory[idx]
        memory = memory.at[idx].set(mask * btw[i] + (1 - mask) * old)
    return memory


def _masked_write_byte(memory, addr, value, mask):
    idx = jnp.clip(addr, 0, memory.shape[0] - 1)
    old = memory[idx]
    return memory.at[idx].set(mask * (value & 255) + (1 - mask) * old)


def _step(pc, sp, bp, ax, memory):
    zero = jnp.array(0, dtype=jnp.int64)
    one = jnp.array(1, dtype=jnp.int64)
    opcode, imm = _fetch(memory, pc)
    stack_top = _read_int(memory, sp)
    mem_at_ax = _read_int(memory, ax)
    mem_at_bp_plus_imm = _read_int(memory, bp + imm)  # computed as in torch ref (unused)
    pc_plus_8 = pc + 8
    pc_eq_imm = imm
    pc_from_stack = _read_int(memory, bp + 8)
    sp_minus_8 = sp - 8
    sp_plus_8 = sp + 8
    sp_plus_imm = sp + imm
    bp_from_stack = _read_int(memory, bp)
    ax_safe = jnp.where(ax == zero, one, ax)
    ax_add = stack_top + ax
    ax_sub = stack_top - ax
    ax_mul = stack_top * ax
    ax_div = stack_top // ax_safe
    ax_mod = stack_top % ax_safe
    ax_or = stack_top | ax
    ax_xor = stack_top ^ ax
    ax_and = stack_top & ax
    ax_shl = stack_top << (ax & 63)
    ax_shr = stack_top >> (ax & 63)
    ax_eq = (stack_top == ax).astype(jnp.int64)
    ax_ne = (stack_top != ax).astype(jnp.int64)
    ax_lt = (stack_top < ax).astype(jnp.int64)
    ax_gt = (stack_top > ax).astype(jnp.int64)
    ax_le = (stack_top <= ax).astype(jnp.int64)
    ax_ge = (stack_top >= ax).astype(jnp.int64)
    all_pc = jnp.stack([pc_plus_8, pc_plus_8, pc_eq_imm, pc_eq_imm,
                        jnp.where(ax == zero, pc_eq_imm, pc_plus_8),
                        jnp.where(ax != zero, pc_eq_imm, pc_plus_8),
                        pc_plus_8, pc_plus_8, pc_from_stack] + [pc_plus_8] * 29 + [pc])
    all_sp = jnp.stack([sp, sp, sp, sp_minus_8, sp, sp, sp - 8 - imm, sp_plus_imm, bp + 16,
                        sp, sp, sp_plus_8, sp_plus_8, sp_minus_8] + [sp_plus_8] * 16 + [sp] * 9)
    all_bp = jnp.stack([bp] * 6 + [sp - 8, bp, bp_from_stack] + [bp] * 30)
    all_ax = jnp.stack([bp + imm, imm] + [ax] * 7 +
                       [mem_at_ax, mem_at_ax & 255, ax, ax, ax,
                        ax_add, ax_sub, ax_mul, ax_div, ax_mod, ax_or, ax_xor, ax_and,
                        ax_shl, ax_shr, ax_eq, ax_ne, ax_lt, ax_gt, ax_le, ax_ge] +
                       [zero] * 8 + [ax])
    opcode_idx = jnp.clip(opcode, 0, 38)
    new_pc = all_pc[opcode_idx]
    new_sp = all_sp[opcode_idx]
    new_bp = all_bp[opcode_idx]
    new_ax = all_ax[opcode_idx]
    is_psh = (opcode == 13).astype(jnp.int64)
    is_jsr = (opcode == 3).astype(jnp.int64)
    is_ent = (opcode == 6).astype(jnp.int64)
    is_si = (opcode == 11).astype(jnp.int64)
    is_sc = (opcode == 12).astype(jnp.int64)
    push_value = is_psh * ax + is_jsr * (pc + 8) + is_ent * bp
    needs_push = is_psh + is_jsr + is_ent
    new_memory = _masked_write_int(memory, sp - 8, push_value, needs_push)
    new_memory = _masked_write_int(new_memory, stack_top, ax, is_si)
    new_memory = _masked_write_byte(new_memory, stack_top, ax & 255, is_sc)
    halted = opcode == 38
    return new_pc, new_sp, new_bp, new_ax, new_memory, halted


def setup_inputs(seed: int = 0) -> dict:
    key = jax.random.key(seed)
    memory = jax.random.randint(key, (MEM_SIZE,), 0, 256, dtype=jnp.int64)
    pc = jnp.array(64, dtype=jnp.int64)
    sp = jnp.array(8388608, dtype=jnp.int64)
    bp = jnp.array(8388608, dtype=jnp.int64)
    ax = jnp.array(1024, dtype=jnp.int64)
    return {"pc": pc, "sp": sp, "bp": bp, "ax": ax, "memory": memory}


def reference(pc, sp, bp, ax, memory):
    pc = jnp.asarray(pc, dtype=jnp.int64)
    sp = jnp.asarray(sp, dtype=jnp.int64)
    bp = jnp.asarray(bp, dtype=jnp.int64)
    ax = jnp.asarray(ax, dtype=jnp.int64)
    memory = jnp.asarray(memory, dtype=jnp.int64)
    return _step(pc, sp, bp, ax, memory)

if __name__ == "__main__":
    import jax
    _d = setup_inputs()
    print(jax.jit(kernel)(*tuple(_d.values())))

</pallas_src>

<mosaic_0001>
#map = affine_map<(d0, d1) -> (0)>
module attributes {stable_mosaic.version = 14 : i64} {
  func.func @_sc_step_body(%arg0: i32, %arg1: i32, %arg2: memref<16xi32, #tpu.memory_space<hbm>>, %arg3: memref<16777216xi32, #tpu.memory_space<hbm>>, %arg4: memref<16xi32, #tpu.memory_space<hbm>>, %arg5: memref<16xi32, #tpu.memory_space<hbm>>, %arg6: memref<256xi32, #tpu.memory_space<hbm>>, %arg7: memref<16xi32, #tpu.memory_space<vmem>>, %arg8: memref<16xi32, #tpu.memory_space<vmem>>, %arg9: memref<16xi32, #tpu.memory_space<vmem>>, %arg10: memref<16xi32, #tpu.memory_space<vmem>>, %arg11: memref<16xi32, #tpu.memory_space<vmem>>, %arg12: memref<128xi32, #tpu.memory_space<vmem>>, %arg13: memref<16xi32, #tpu.memory_space<vmem>>, %arg14: memref<16xi32, #tpu.memory_space<vmem>>, %arg15: memref<256xi32, #tpu.memory_space<vmem>>, %arg16: memref<!tpu.dma_semaphore, #tpu.memory_space<semaphore_mem>>) attributes {dimension_semantics = [#tpu.dimension_semantics<core_parallel>, #tpu.dimension_semantics<subcore_parallel>], iteration_bounds = array<i64: 2, 16>, scalar_prefetch = 0 : i64, scratch_operands = 10 : i64, tpu.core_type = #tpu.core_type<sc_vector_subcore>, window_params = [{transform_indices = #map}, {transform_indices = #map}, {transform_indices = #map}, {transform_indices = #map}, {transform_indices = #map}]} {
    %mul3A = arith.constant 16 : i32
    %mul3A_0 = arith.muli %arg0, %mul3A : i32
    %add3A = arith.addi %mul3A_0, %arg1 : i32
    %eq3A = arith.constant 0 : i32
    %eq3A_1 = arith.cmpi eq, %add3A, %eq3A : i32
    %convert_element_type3A = arith.extui %eq3A_1 : i1 to i32
    %cond3A = arith.constant 0 : i32
    %cond3A_2 = arith.cmpi ne, %convert_element_type3A, %cond3A : i32
    scf.if %cond3A_2 {
      "tpu.region"() ({
        %run_scoped3A = tpu.sem_alloc : memref<!tpu.dma_semaphore, #tpu.memory_space<semaphore_mem>>
        tpu.enqueue_dma source(%arg2 : memref<16xi32, #tpu.memory_space<hbm>>) target(%arg7 : memref<16xi32, #tpu.memory_space<vmem>>) target_semaphore(%run_scoped3A : memref<!tpu.dma_semaphore, #tpu.memory_space<semaphore_mem>>)
        tpu.wait_dma2 semaphore(%run_scoped3A : memref<!tpu.dma_semaphore, #tpu.memory_space<semaphore_mem>>) src(%arg2 : memref<16xi32, #tpu.memory_space<hbm>>) dst(%arg7 : memref<16xi32, #tpu.memory_space<vmem>>)
        tpu.yield
      }) : () -> ()
      %get3A = arith.constant 0 : index
      %get3A_3 = tpu.vector_load %arg7[%get3A] {strides = array<i32>} : memref<16xi32, #tpu.memory_space<vmem>>, vector<16xi32>,
      %get3A_4 = vector.shape_cast %get3A_3 : vector<16xi32> to vector<16xi32>
      %slice3A = vector.extract_strided_slice %get3A_4 {offsets = [0], sizes = [1], strides = [1]} : vector<16xi32> to vector<1xi32>
      %squeeze3A = vector.extract %slice3A[0] : i32 from vector<1xi32>
      %slice3A_5 = vector.extract_strided_slice %get3A_4 {offsets = [1], sizes = [1], strides = [1]} : vector<16xi32> to vector<1xi32>
      %squeeze3A_6 = vector.extract %slice3A_5[0] : i32 from vector<1xi32>
      %slice3A_7 = vector.extract_strided_slice %get3A_4 {offsets = [2], sizes = [1], strides = [1]} : vector<16xi32> to vector<1xi32>
      %squeeze3A_8 = vector.extract %slice3A_7[0] : i32 from vector<1xi32>
      %slice3A_9 = vector.extract_strided_slice %get3A_4 {offsets = [3], sizes = [1], strides = [1]} : vector<16xi32> to vector<1xi32>
      %squeeze3A_10 = vector.extract %slice3A_9[0] : i32 from vector<1xi32>
      %slice3A_11 = vector.extract_strided_slice %get3A_4 {offsets = [4], sizes = [1], strides = [1]} : vector<16xi32> to vector<1xi32>
      %squeeze3A_12 = vector.extract %slice3A_11[0] : i32 from vector<1xi32>
      %slice3A_13 = vector.extract_strided_slice %get3A_4 {offsets = [5], sizes = [1], strides = [1]} : vector<16xi32> to vector<1xi32>
      %squeeze3A_14 = vector.extract %slice3A_13[0] : i32 from vector<1xi32>
      %slice3A_15 = vector.extract_strided_slice %get3A_4 {offsets = [6], sizes = [1], strides = [1]} : vector<16xi32> to vector<1xi32>
      %squeeze3A_16 = vector.extract %slice3A_15[0] : i32 from vector<1xi32>
      %slice3A_17 = vector.extract_strided_slice %get3A_4 {offsets = [7], sizes = [1], strides = [1]} : vector<16xi32> to vector<1xi32>
      %squeeze3A_18 = vector.extract %slice3A_17[0] : i32 from vector<1xi32>
      %iota3A = tpu.iota {dimensions = array<i32: 0>} : vector<16xi32>
      %add3A_19 = arith.constant 8 : i32
      %add3A_20 = arith.addi %squeeze3A_12, %add3A_19 : i32
      %add3A_21 = arith.constant 0 : i32
      %add3A_22 = arith.addi %squeeze3A_14, %add3A_21 : i32
      %lt3A = arith.cmpi ult, %add3A_20, %squeeze3A_12 : i32
      %convert_element_type3A_23 = arith.extui %lt3A : i1 to i32
      %add3A_24 = arith.addi %add3A_22, %convert_element_type3A_23 : i32
      %add3A_25 = arith.constant 0 : i32
      %add3A_26 = arith.addi %squeeze3A, %add3A_25 : i32
      %add3A_27 = arith.constant 0 : i32
      %add3A_28 = arith.addi %squeeze3A_6, %add3A_27 : i32
      %lt3A_29 = arith.cmpi ult, %add3A_26, %squeeze3A : i32
      %convert_element_type3A_30 = arith.extui %lt3A_29 : i1 to i32
      %add3A_31 = arith.addi %add3A_28, %convert_element_type3A_30 : i32
      %lt3A_32 = arith.constant 0 : i32
      %lt3A_33 = arith.cmpi slt, %add3A_31, %lt3A_32 : i32
      %ne3A = arith.constant 0 : i32
      %ne3A_34 = arith.cmpi ne, %add3A_31, %ne3A : i32
      %ge3A = arith.constant 16777216 : i32
      %ge3A_35 = arith.cmpi uge, %add3A_26, %ge3A : i32
      %or3A = arith.ori %ne3A_34, %ge3A_35 : i1
      %jit3A = arith.constant 16777215 : i32
      %select_n3A = arith.select %or3A, %jit3A, %add3A_26 : i32
      %jit3A_36 = arith.constant 0 : i32
      %select_n3A_37 = arith.select %lt3A_33, %jit3A_36, %select_n3A : i32
      %add3A_38 = arith.constant 1 : i32
      %add3A_39 = arith.addi %squeeze3A, %add3A_38 : i32
      %add3A_40 = arith.constant 0 : i32
      %add3A_41 = arith.addi %squeeze3A_6, %add3A_40 : i32
      %lt3A_42 = arith.cmpi ult, %add3A_39, %squeeze3A : i32
      %convert_element_type3A_43 = arith.extui %lt3A_42 : i1 to i32
      %add3A_44 = arith.addi %add3A_41, %convert_element_type3A_43 : i32
      %lt3A_45 = arith.constant 0 : i32
      %lt3A_46 = arith.cmpi slt, %add3A_44, %lt3A_45 : i32
      %ne3A_47 = arith.constant 0 : i32
      %ne3A_48 = arith.cmpi ne, %add3A_44, %ne3A_47 : i32
      %ge3A_49 = arith.constant 16777216 : i32
      %ge3A_50 = arith.cmpi uge, %add3A_39, %ge3A_49 : i32
      %or3A_51 = arith.ori %ne3A_48, %ge3A_50 : i1
      %jit3A_52 = arith.constant 16777215 : i32
      %select_n3A_53 = arith.select %or3A_51, %jit3A_52, %add3A_39 : i32
      %jit3A_54 = arith.constant 0 : i32
      %select_n3A_55 = arith.select %lt3A_46, %jit3A_54, %select_n3A_53 : i32
      %add3A_56 = arith.constant 2 : i32
      %add3A_57 = arith.addi %squeeze3A, %add3A_56 : i32
      %add3A_58 = arith.constant 0 : i32
      %add3A_59 = arith.addi %squeeze3A_6, %add3A_58 : i32
      %lt3A_60 = arith.cmpi ult, %add3A_57, %squeeze3A : i32
      %convert_element_type3A_61 = arith.extui %lt3A_60 : i1 to i32
      %add3A_62 = arith.addi %add3A_59, %convert_element_type3A_61 : i32
      %lt3A_63 = arith.constant 0 : i32
      %lt3A_64 = arith.cmpi slt, %add3A_62, %lt3A_63 : i32
      %ne3A_65 = arith.constant 0 : i32
      %ne3A_66 = arith.cmpi ne, %add3A_62, %ne3A_65 : i32
      %ge3A_67 = arith.constant 16777216 : i32
      %ge3A_68 = arith.cmpi uge, %add3A_57, %ge3A_67 : i32
      %or3A_69 = arith.ori %ne3A_66, %ge3A_68 : i1
      %jit3A_70 = arith.constant 16777215 : i32
      %select_n3A_71 = arith.select %or3A_69, %jit3A_70, %add3A_57 : i32
      %jit3A_72 = arith.constant 0 : i32
      %select_n3A_73 = arith.select %lt3A_64, %jit3A_72, %select_n3A_71 : i32
      %add3A_74 = arith.constant 3 : i32
      %add3A_75 = arith.addi %squeeze3A, %add3A_74 : i32
      %add3A_76 = arith.constant 0 : i32
      %add3A_77 = arith.addi %squeeze3A_6, %add3A_76 : i32
      %lt3A_78 = arith.cmpi ult, %add3A_75, %squeeze3A : i32
      %convert_element_type3A_79 = arith.extui %lt3A_78 : i1 to i32
      %add3A_80 = arith.addi %add3A_77, %convert_element_type3A_79 : i32
      %lt3A_81 = arith.constant 0 : i32
      %lt3A_82 = arith.cmpi slt, %add3A_80, %lt3A_81 : i32
      %ne3A_83 = arith.constant 0 : i32
      %ne3A_84 = arith.cmpi ne, %add3A_80, %ne3A_83 : i32
      %ge3A_85 = arith.constant 16777216 : i32
      %ge3A_86 = arith.cmpi uge, %add3A_75, %ge3A_85 : i32
      %or3A_87 = arith.ori %ne3A_84, %ge3A_86 : i1
      %jit3A_88 = arith.constant 16777215 : i32
      %select_n3A_89 = arith.select %or3A_87, %jit3A_88, %add3A_75 : i32
      %jit3A_90 = arith.constant 0 : i32
      %select_n3A_91 = arith.select %lt3A_82, %jit3A_90, %select_n3A_89 : i32
      %add3A_92 = arith.constant 4 : i32
      %add3A_93 = arith.addi %squeeze3A, %add3A_92 : i32
      %add3A_94 = arith.constant 0 : i32
      %add3A_95 = arith.addi %squeeze3A_6, %add3A_94 : i32
      %lt3A_96 = arith.cmpi ult, %add3A_93, %squeeze3A : i32
      %convert_element_type3A_97 = arith.extui %lt3A_96 : i1 to i32
      %add3A_98 = arith.addi %add3A_95, %convert_element_type3A_97 : i32
      %lt3A_99 = arith.constant 0 : i32
      %lt3A_100 = arith.cmpi slt, %add3A_98, %lt3A_99 : i32
      %ne3A_101 = arith.constant 0 : i32
      %ne3A_102 = arith.cmpi ne, %add3A_98, %ne3A_101 : i32
      %ge3A_103 = arith.constant 16777216 : i32
      %ge3A_104 = arith.cmpi uge, %add3A_93, %ge3A_103 : i32
      %or3A_105 = arith.ori %ne3A_102, %ge3A_104 : i1
      %jit3A_106 = arith.constant 16777215 : i32
      %select_n3A_107 = arith.select %or3A_105, %jit3A_106, %add3A_93 : i32
      %jit3A_108 = arith.constant 0 : i32
      %select_n3A_109 = arith.select %lt3A_100, %jit3A_108, %select_n3A_107 : i32
      %add3A_110 = arith.constant 5 : i32
      %add3A_111 = arith.addi %squeeze3A, %add3A_110 : i32
      %add3A_112 = arith.constant 0 : i32
      %add3A_113 = arith.addi %squeeze3A_6, %add3A_112 : i32
      %lt3A_114 = arith.cmpi ult, %add3A_111, %squeeze3A : i32
      %convert_element_type3A_115 = arith.extui %lt3A_114 : i1 to i32
      %add3A_116 = arith.addi %add3A_113, %convert_element_type3A_115 : i32
      %lt3A_117 = arith.constant 0 : i32
      %lt3A_118 = arith.cmpi slt, %add3A_116, %lt3A_117 : i32
      %ne3A_119 = arith.constant 0 : i32
      %ne3A_120 = arith.cmpi ne, %add3A_116, %ne3A_119 : i32
      %ge3A_121 = arith.constant 16777216 : i32
      %ge3A_122 = arith.cmpi uge, %add3A_111, %ge3A_121 : i32
      %or3A_123 = arith.ori %ne3A_120, %ge3A_122 : i1
      %jit3A_124 = arith.constant 16777215 : i32
      %select_n3A_125 = arith.select %or3A_123, %jit3A_124, %add3A_111 : i32
      %jit3A_126 = arith.constant 0 : i32
      %select_n3A_127 = arith.select %lt3A_118, %jit3A_126, %select_n3A_125 : i32
      %add3A_128 = arith.constant 6 : i32
      %add3A_129 = arith.addi %squeeze3A, %add3A_128 : i32
      %add3A_130 = arith.constant 0 : i32
      %add3A_131 = arith.addi %squeeze3A_6, %add3A_130 : i32
      %lt3A_132 = arith.cmpi ult, %add3A_129, %squeeze3A : i32
      %convert_element_type3A_133 = arith.extui %lt3A_132 : i1 to i32
      %add3A_134 = arith.addi %add3A_131, %convert_element_type3A_133 : i32
      %lt3A_135 = arith.constant 0 : i32
      %lt3A_136 = arith.cmpi slt, %add3A_134, %lt3A_135 : i32
      %ne3A_137 = arith.constant 0 : i32
      %ne3A_138 = arith.cmpi ne, %add3A_134, %ne3A_137 : i32
      %ge3A_139 = arith.constant 16777216 : i32
      %ge3A_140 = arith.cmpi uge, %add3A_129, %ge3A_139 : i32
      %or3A_141 = arith.ori %ne3A_138, %ge3A_140 : i1
      %jit3A_142 = arith.constant 16777215 : i32
      %select_n3A_143 = arith.select %or3A_141, %jit3A_142, %add3A_129 : i32
      %jit3A_144 = arith.constant 0 : i32
      %select_n3A_145 = arith.select %lt3A_136, %jit3A_144, %select_n3A_143 : i32
      %add3A_146 = arith.constant 7 : i32
      %add3A_147 = arith.addi %squeeze3A, %add3A_146 : i32
      %add3A_148 = arith.constant 0 : i32
      %add3A_149 = arith.addi %squeeze3A_6, %add3A_148 : i32
      %lt3A_150 = arith.cmpi ult, %add3A_147, %squeeze3A : i32
      %convert_element_type3A_151 = arith.extui %lt3A_150 : i1 to i32
      %add3A_152 = arith.addi %add3A_149, %convert_element_type3A_151 : i32
      %lt3A_153 = arith.constant 0 : i32
      %lt3A_154 = arith.cmpi slt, %add3A_152, %lt3A_153 : i32
      %ne3A_155 = arith.constant 0 : i32
      %ne3A_156 = arith.cmpi ne, %add3A_152, %ne3A_155 : i32
      %ge3A_157 = arith.constant 16777216 : i32
      %ge3A_158 = arith.cmpi uge, %add3A_147, %ge3A_157 : i32
      %or3A_159 = arith.ori %ne3A_156, %ge3A_158 : i1
      %jit3A_160 = arith.constant 16777215 : i32
      %select_n3A_161 = arith.select %or3A_159, %jit3A_160, %add3A_147 : i32
      %jit3A_162 = arith.constant 0 : i32
      %select_n3A_163 = arith.select %lt3A_154, %jit3A_162, %select_n3A_161 : i32
      %add3A_164 = arith.constant 0 : i32
      %add3A_165 = arith.addi %squeeze3A_8, %add3A_164 : i32
      %add3A_166 = arith.constant 0 : i32
      %add3A_167 = arith.addi %squeeze3A_10, %add3A_166 : i32
      %lt3A_168 = arith.cmpi ult, %add3A_165, %squeeze3A_8 : i32
      %convert_element_type3A_169 = arith.extui %lt3A_168 : i1 to i32
      %add3A_170 = arith.addi %add3A_167, %convert_element_type3A_169 : i32
      %lt3A_171 = arith.constant 0 : i32
      %lt3A_172 = arith.cmpi slt, %add3A_170, %lt3A_171 : i32
      %ne3A_173 = arith.constant 0 : i32
      %ne3A_174 = arith.cmpi ne, %add3A_170, %ne3A_173 : i32
      %ge3A_175 = arith.constant 16777216 : i32
      %ge3A_176 = arith.cmpi uge, %add3A_165, %ge3A_175 : i32
      %or3A_177 = arith.ori %ne3A_174, %ge3A_176 : i1
      %jit3A_178 = arith.constant 16777215 : i32
      %select_n3A_179 = arith.select %or3A_177, %jit3A_178, %add3A_165 : i32
      %jit3A_180 = arith.constant 0 : i32
      %select_n3A_181 = arith.select %lt3A_172, %jit3A_180, %select_n3A_179 : i32
      %add3A_182 = arith.constant 1 : i32
      %add3A_183 = arith.addi %squeeze3A_8, %add3A_182 : i32
      %add3A_184 = arith.constant 0 : i32
      %add3A_185 = arith.addi %squeeze3A_10, %add3A_184 : i32
      %lt3A_186 = arith.cmpi ult, %add3A_183, %squeeze3A_8 : i32
      %convert_element_type3A_187 = arith.extui %lt3A_186 : i1 to i32
      %add3A_188 = arith.addi %add3A_185, %convert_element_type3A_187 : i32
      %lt3A_189 = arith.constant 0 : i32
      %lt3A_190 = arith.cmpi slt, %add3A_188, %lt3A_189 : i32
      %ne3A_191 = arith.constant 0 : i32
      %ne3A_192 = arith.cmpi ne, %add3A_188, %ne3A_191 : i32
      %ge3A_193 = arith.constant 16777216 : i32
      %ge3A_194 = arith.cmpi uge, %add3A_183, %ge3A_193 : i32
      %or3A_195 = arith.ori %ne3A_192, %ge3A_194 : i1
      %jit3A_196 = arith.constant 16777215 : i32
      %select_n3A_197 = arith.select %or3A_195, %jit3A_196, %add3A_183 : i32
      %jit3A_198 = arith.constant 0 : i32
      %select_n3A_199 = arith.select %lt3A_190, %jit3A_198, %select_n3A_197 : i32
      %add3A_200 = arith.constant 2 : i32
      %add3A_201 = arith.addi %squeeze3A_8, %add3A_200 : i32
      %add3A_202 = arith.constant 0 : i32
      %add3A_203 = arith.addi %squeeze3A_10, %add3A_202 : i32
      %lt3A_204 = arith.cmpi ult, %add3A_201, %squeeze3A_8 : i32
      %convert_element_type3A_205 = arith.extui %lt3A_204 : i1 to i32
      %add3A_206 = arith.addi %add3A_203, %convert_element_type3A_205 : i32
      %lt3A_207 = arith.constant 0 : i32
      %lt3A_208 = arith.cmpi slt, %add3A_206, %lt3A_207 : i32
      %ne3A_209 = arith.constant 0 : i32
      %ne3A_210 = arith.cmpi ne, %add3A_206, %ne3A_209 : i32
      %ge3A_211 = arith.constant 16777216 : i32
      %ge3A_212 = arith.cmpi uge, %add3A_201, %ge3A_211 : i32
      %or3A_213 = arith.ori %ne3A_210, %ge3A_212 : i1
      %jit3A_214 = arith.constant 16777215 : i32
      %select_n3A_215 = arith.select %or3A_213, %jit3A_214, %add3A_201 : i32
      %jit3A_216 = arith.constant 0 : i32
      %select_n3A_217 = arith.select %lt3A_208, %jit3A_216, %select_n3A_215 : i32
      %add3A_218 = arith.constant 3 : i32
      %add3A_219 = arith.addi %squeeze3A_8, %add3A_218 : i32
      %add3A_220 = arith.constant 0 : i32
      %add3A_221 = arith.addi %squeeze3A_10, %add3A_220 : i32
      %lt3A_222 = arith.cmpi ult, %add3A_219, %squeeze3A_8 : i32
      %convert_element_type3A_223 = arith.extui %lt3A_222 : i1 to i32
      %add3A_224 = arith.addi %add3A_221, %convert_element_type3A_223 : i32
      %lt3A_225 = arith.constant 0 : i32
      %lt3A_226 = arith.cmpi slt, %add3A_224, %lt3A_225 : i32
      %ne3A_227 = arith.constant 0 : i32
      %ne3A_228 = arith.cmpi ne, %add3A_224, %ne3A_227 : i32
      %ge3A_229 = arith.constant 16777216 : i32
      %ge3A_230 = arith.cmpi uge, %add3A_219, %ge3A_229 : i32
      %or3A_231 = arith.ori %ne3A_228, %ge3A_230 : i1
      %jit3A_232 = arith.constant 16777215 : i32
      %select_n3A_233 = arith.select %or3A_231, %jit3A_232, %add3A_219 : i32
      %jit3A_234 = arith.constant 0 : i32
      %select_n3A_235 = arith.select %lt3A_226, %jit3A_234, %select_n3A_233 : i32
      %add3A_236 = arith.constant 4 : i32
      %add3A_237 = arith.addi %squeeze3A_8, %add3A_236 : i32
      %add3A_238 = arith.constant 0 : i32
      %add3A_239 = arith.addi %squeeze3A_10, %add3A_238 : i32
      %lt3A_240 = arith.cmpi ult, %add3A_237, %squeeze3A_8 : i32
      %convert_element_type3A_241 = arith.extui %lt3A_240 : i1 to i32
      %add3A_242 = arith.addi %add3A_239, %convert_element_type3A_241 : i32
      %lt3A_243 = arith.constant 0 : i32
      %lt3A_244 = arith.cmpi slt, %add3A_242, %lt3A_243 : i32
      %ne3A_245 = arith.constant 0 : i32
      %ne3A_246 = arith.cmpi ne, %add3A_242, %ne3A_245 : i32
      %ge3A_247 = arith.constant 16777216 : i32
      %ge3A_248 = arith.cmpi uge, %add3A_237, %ge3A_247 : i32
      %or3A_249 = arith.ori %ne3A_246, %ge3A_248 : i1
      %jit3A_250 = arith.constant 16777215 : i32
      %select_n3A_251 = arith.select %or3A_249, %jit3A_250, %add3A_237 : i32
      %jit3A_252 = arith.constant 0 : i32
      %select_n3A_253 = arith.select %lt3A_244, %jit3A_252, %select_n3A_251 : i32
      %add3A_254 = arith.constant 5 : i32
      %add3A_255 = arith.addi %squeeze3A_8, %add3A_254 : i32
      %add3A_256 = arith.constant 0 : i32
      %add3A_257 = arith.addi %squeeze3A_10, %add3A_256 : i32
      %lt3A_258 = arith.cmpi ult, %add3A_255, %squeeze3A_8 : i32
      %convert_element_type3A_259 = arith.extui %lt3A_258 : i1 to i32
      %add3A_260 = arith.addi %add3A_257, %convert_element_type3A_259 : i32
      %lt3A_261 = arith.constant 0 : i32
      %lt3A_262 = arith.cmpi slt, %add3A_260, %lt3A_261 : i32
      %ne3A_263 = arith.constant 0 : i32
      %ne3A_264 = arith.cmpi ne, %add3A_260, %ne3A_263 : i32
      %ge3A_265 = arith.constant 16777216 : i32
      %ge3A_266 = arith.cmpi uge, %add3A_255, %ge3A_265 : i32
      %or3A_267 = arith.ori %ne3A_264, %ge3A_266 : i1
      %jit3A_268 = arith.constant 16777215 : i32
      %select_n3A_269 = arith.select %or3A_267, %jit3A_268, %add3A_255 : i32
      %jit3A_270 = arith.constant 0 : i32
      %select_n3A_271 = arith.select %lt3A_262, %jit3A_270, %select_n3A_269 : i32
      %add3A_272 = arith.constant 6 : i32
      %add3A_273 = arith.addi %squeeze3A_8, %add3A_272 : i32
      %add3A_274 = arith.constant 0 : i32
      %add3A_275 = arith.addi %squeeze3A_10, %add3A_274 : i32
      %lt3A_276 = arith.cmpi ult, %add3A_273, %squeeze3A_8 : i32
      %convert_element_type3A_277 = arith.extui %lt3A_276 : i1 to i32
      %add3A_278 = arith.addi %add3A_275, %convert_element_type3A_277 : i32
      %lt3A_279 = arith.constant 0 : i32
      %lt3A_280 = arith.cmpi slt, %add3A_278, %lt3A_279 : i32
      %ne3A_281 = arith.constant 0 : i32
      %ne3A_282 = arith.cmpi ne, %add3A_278, %ne3A_281 : i32
      %ge3A_283 = arith.constant 16777216 : i32
      %ge3A_284 = arith.cmpi uge, %add3A_273, %ge3A_283 : i32
      %or3A_285 = arith.ori %ne3A_282, %ge3A_284 : i1
      %jit3A_286 = arith.constant 16777215 : i32
      %select_n3A_287 = arith.select %or3A_285, %jit3A_286, %add3A_273 : i32
      %jit3A_288 = arith.constant 0 : i32
      %select_n3A_289 = arith.select %lt3A_280, %jit3A_288, %select_n3A_287 : i32
      %add3A_290 = arith.constant 7 : i32
      %add3A_291 = arith.addi %squeeze3A_8, %add3A_290 : i32
      %add3A_292 = arith.constant 0 : i32
      %add3A_293 = arith.addi %squeeze3A_10, %add3A_292 : i32
      %lt3A_294 = arith.cmpi ult, %add3A_291, %squeeze3A_8 : i32
      %convert_element_type3A_295 = arith.extui %lt3A_294 : i1 to i32
      %add3A_296 = arith.addi %add3A_293, %convert_element_type3A_295 : i32
      %lt3A_297 = arith.constant 0 : i32
      %lt3A_298 = arith.cmpi slt, %add3A_296, %lt3A_297 : i32
      %ne3A_299 = arith.constant 0 : i32
      %ne3A_300 = arith.cmpi ne, %add3A_296, %ne3A_299 : i32
      %ge3A_301 = arith.constant 16777216 : i32
      %ge3A_302 = arith.cmpi uge, %add3A_291, %ge3A_301 : i32
      %or3A_303 = arith.ori %ne3A_300, %ge3A_302 : i1
      %jit3A_304 = arith.constant 16777215 : i32
      %select_n3A_305 = arith.select %or3A_303, %jit3A_304, %add3A_291 : i32
      %jit3A_306 = arith.constant 0 : i32
      %select_n3A_307 = arith.select %lt3A_298, %jit3A_306, %select_n3A_305 : i32
      %broadcast_in_dim3A = arith.constant 0 : i32
      %broadcast_in_dim3A_308 = vector.broadcast %broadcast_in_dim3A : i32 to vector<16xi32>
      %eq3A_309 = arith.constant 0 : i32
      %eq3A_310 = vector.broadcast %eq3A_309 : i32 to vector<16xi32>
      %eq3A_311 = arith.cmpi eq, %iota3A, %eq3A_310 : vector<16xi32>
      %broadcast_in_dim3A_312 = vector.broadcast %select_n3A_37 : i32 to vector<16xi32>
      %select_n3A_313 = arith.select %eq3A_311, %broadcast_in_dim3A_312, %broadcast_in_dim3A_308 : vector<16xi1>, vector<16xi32>
      %eq3A_314 = arith.constant 8 : i32
      %eq3A_315 = vector.broadcast %eq3A_314 : i32 to vector<16xi32>
      %eq3A_316 = arith.cmpi eq, %iota3A, %eq3A_315 : vector<16xi32>
      %broadcast_in_dim3A_317 = vector.broadcast %select_n3A_181 : i32 to vector<16xi32>
      %select_n3A_318 = arith.select %eq3A_316, %broadcast_in_dim3A_317, %select_n3A_313 : vector<16xi1>, vector<16xi32>
      %eq3A_319 = arith.constant 1 : i32
      %eq3A_320 = vector.broadcast %eq3A_319 : i32 to vector<16xi32>
      %eq3A_321 = arith.cmpi eq, %iota3A, %eq3A_320 : vector<16xi32>
      %broadcast_in_dim3A_322 = vector.broadcast %select_n3A_55 : i32 to vector<16xi32>
      %select_n3A_323 = arith.select %eq3A_321, %broadcast_in_dim3A_322, %select_n3A_318 : vector<16xi1>, vector<16xi32>
      %eq3A_324 = arith.constant 9 : i32
      %eq3A_325 = vector.broadcast %eq3A_324 : i32 to vector<16xi32>
      %eq3A_326 = arith.cmpi eq, %iota3A, %eq3A_325 : vector<16xi32>
      %broadcast_in_dim3A_327 = vector.broadcast %select_n3A_199 : i32 to vector<16xi32>
      %select_n3A_328 = arith.select %eq3A_326, %broadcast_in_dim3A_327, %select_n3A_323 : vector<16xi1>, vector<16xi32>
      %eq3A_329 = arith.constant 2 : i32
      %eq3A_330 = vector.broadcast %eq3A_329 : i32 to vector<16xi32>
      %eq3A_331 = arith.cmpi eq, %iota3A, %eq3A_330 : vector<16xi32>
      %broadcast_in_dim3A_332 = vector.broadcast %select_n3A_73 : i32 to vector<16xi32>
      %select_n3A_333 = arith.select %eq3A_331, %broadcast_in_dim3A_332, %select_n3A_328 : vector<16xi1>, vector<16xi32>
      %eq3A_334 = arith.constant 10 : i32
      %eq3A_335 = vector.broadcast %eq3A_334 : i32 to vector<16xi32>
      %eq3A_336 = arith.cmpi eq, %iota3A, %eq3A_335 : vector<16xi32>
      %broadcast_in_dim3A_337 = vector.broadcast %select_n3A_217 : i32 to vector<16xi32>
      %select_n3A_338 = arith.select %eq3A_336, %broadcast_in_dim3A_337, %select_n3A_333 : vector<16xi1>, vector<16xi32>
      %eq3A_339 = arith.constant 3 : i32
      %eq3A_340 = vector.broadcast %eq3A_339 : i32 to vector<16xi32>
      %eq3A_341 = arith.cmpi eq, %iota3A, %eq3A_340 : vector<16xi32>
      %broadcast_in_dim3A_342 = vector.broadcast %select_n3A_91 : i32 to vector<16xi32>
      %select_n3A_343 = arith.select %eq3A_341, %broadcast_in_dim3A_342, %select_n3A_338 : vector<16xi1>, vector<16xi32>
      %eq3A_344 = arith.constant 11 : i32
      %eq3A_345 = vector.broadcast %eq3A_344 : i32 to vector<16xi32>
      %eq3A_346 = arith.cmpi eq, %iota3A, %eq3A_345 : vector<16xi32>
      %broadcast_in_dim3A_347 = vector.broadcast %select_n3A_235 : i32 to vector<16xi32>
      %select_n3A_348 = arith.select %eq3A_346, %broadcast_in_dim3A_347, %select_n3A_343 : vector<16xi1>, vector<16xi32>
      %eq3A_349 = arith.constant 4 : i32
      %eq3A_350 = vector.broadcast %eq3A_349 : i32 to vector<16xi32>
      %eq3A_351 = arith.cmpi eq, %iota3A, %eq3A_350 : vector<16xi32>
      %broadcast_in_dim3A_352 = vector.broadcast %select_n3A_109 : i32 to vector<16xi32>
      %select_n3A_353 = arith.select %eq3A_351, %broadcast_in_dim3A_352, %select_n3A_348 : vector<16xi1>, vector<16xi32>
      %eq3A_354 = arith.constant 12 : i32
      %eq3A_355 = vector.broadcast %eq3A_354 : i32 to vector<16xi32>
      %eq3A_356 = arith.cmpi eq, %iota3A, %eq3A_355 : vector<16xi32>
      %broadcast_in_dim3A_357 = vector.broadcast %select_n3A_253 : i32 to vector<16xi32>
      %select_n3A_358 = arith.select %eq3A_356, %broadcast_in_dim3A_357, %select_n3A_353 : vector<16xi1>, vector<16xi32>
      %eq3A_359 = arith.constant 5 : i32
      %eq3A_360 = vector.broadcast %eq3A_359 : i32 to vector<16xi32>
      %eq3A_361 = arith.cmpi eq, %iota3A, %eq3A_360 : vector<16xi32>
      %broadcast_in_dim3A_362 = vector.broadcast %select_n3A_127 : i32 to vector<16xi32>
      %select_n3A_363 = arith.select %eq3A_361, %broadcast_in_dim3A_362, %select_n3A_358 : vector<16xi1>, vector<16xi32>
      %eq3A_364 = arith.constant 13 : i32
      %eq3A_365 = vector.broadcast %eq3A_364 : i32 to vector<16xi32>
      %eq3A_366 = arith.cmpi eq, %iota3A, %eq3A_365 : vector<16xi32>
      %broadcast_in_dim3A_367 = vector.broadcast %select_n3A_271 : i32 to vector<16xi32>
      %select_n3A_368 = arith.select %eq3A_366, %broadcast_in_dim3A_367, %select_n3A_363 : vector<16xi1>, vector<16xi32>
      %eq3A_369 = arith.constant 6 : i32
      %eq3A_370 = vector.broadcast %eq3A_369 : i32 to vector<16xi32>
      %eq3A_371 = arith.cmpi eq, %iota3A, %eq3A_370 : vector<16xi32>
      %broadcast_in_dim3A_372 = vector.broadcast %select_n3A_145 : i32 to vector<16xi32>
      %select_n3A_373 = arith.select %eq3A_371, %broadcast_in_dim3A_372, %select_n3A_368 : vector<16xi1>, vector<16xi32>
      %eq3A_374 = arith.constant 14 : i32
      %eq3A_375 = vector.broadcast %eq3A_374 : i32 to vector<16xi32>
      %eq3A_376 = arith.cmpi eq, %iota3A, %eq3A_375 : vector<16xi32>
      %broadcast_in_dim3A_377 = vector.broadcast %select_n3A_289 : i32 to vector<16xi32>
      %select_n3A_378 = arith.select %eq3A_376, %broadcast_in_dim3A_377, %select_n3A_373 : vector<16xi1>, vector<16xi32>
      %eq3A_379 = arith.constant 7 : i32
      %eq3A_380 = vector.broadcast %eq3A_379 : i32 to vector<16xi32>
      %eq3A_381 = arith.cmpi eq, %iota3A, %eq3A_380 : vector<16xi32>
      %broadcast_in_dim3A_382 = vector.broadcast %select_n3A_163 : i32 to vector<16xi32>
      %select_n3A_383 = arith.select %eq3A_381, %broadcast_in_dim3A_382, %select_n3A_378 : vector<16xi1>, vector<16xi32>
      %eq3A_384 = arith.constant 15 : i32
      %eq3A_385 = vector.broadcast %eq3A_384 : i32 to vector<16xi32>
      %eq3A_386 = arith.cmpi eq, %iota3A, %eq3A_385 : vector<16xi32>
      %broadcast_in_dim3A_387 = vector.broadcast %select_n3A_307 : i32 to vector<16xi32>
      %select_n3A_388 = arith.select %eq3A_386, %broadcast_in_dim3A_387, %select_n3A_383 : vector<16xi1>, vector<16xi32>
      %swap3A = arith.constant 0 : index
      %swap3A_389 = tpu.vector_load %arg8[%swap3A] {strides = array<i32>} : memref<16xi32, #tpu.memory_space<vmem>>, vector<16xi32>,
      %swap3A_390 = vector.shape_cast %swap3A_389 : vector<16xi32> to vector<16xi32>
      %swap3A_391 = vector.shape_cast %select_n3A_388 : vector<16xi32> to vector<16xi32>
      tpu.vector_store %arg8[%swap3A], %swap3A_391 {strides = array<i32>} : memref<16xi32, #tpu.memory_space<vmem>>, vector<16xi32>,
      %dma_start3A = arith.constant 0 : i32
      %dma_start3A_392 = tpu.memref_slice %arg3[%dma_start3A] : memref<16777216xi32, #tpu.memory_space<hbm>> -> memref<16777216xi32, #tpu.memory_space<hbm>>
      tpu.enqueue_indirect_dma source(%dma_start3A_392 : memref<16777216xi32, #tpu.memory_space<hbm>>) target(%arg9 : memref<16xi32, #tpu.memory_space<vmem>>) offsets(%arg8 : memref<16xi32, #tpu.memory_space<vmem>>) semaphore(%arg16 : memref<!tpu.dma_semaphore, #tpu.memory_space<semaphore_mem>>)
      %dma_wait3A = arith.constant 0 : i32
      %dma_wait3A_393 = tpu.memref_slice %arg3[%dma_wait3A] : memref<16777216xi32, #tpu.memory_space<hbm>> -> memref<16777216xi32, #tpu.memory_space<hbm>>
      tpu.wait_indirect_dma semaphore(%arg16 : memref<!tpu.dma_semaphore, #tpu.memory_space<semaphore_mem>>) src(%dma_wait3A_393 : memref<16777216xi32, #tpu.memory_space<hbm>>) dst(%arg9 : memref<16xi32, #tpu.memory_space<vmem>>)
      %add3A_394 = arith.constant 0 : i32
      %add3A_395 = arith.addi %squeeze3A_16, %add3A_394 : i32
      %add3A_396 = arith.constant 0 : i32
      %add3A_397 = arith.addi %squeeze3A_18, %add3A_396 : i32
      %lt3A_398 = arith.cmpi ult, %add3A_395, %squeeze3A_16 : i32
      %convert_element_type3A_399 = arith.extui %lt3A_398 : i1 to i32
      %add3A_400 = arith.addi %add3A_397, %convert_element_type3A_399 : i32
      %lt3A_401 = arith.constant 0 : i32
      %lt3A_402 = arith.cmpi slt, %add3A_400, %lt3A_401 : i32
      %ne3A_403 = arith.constant 0 : i32
      %ne3A_404 = arith.cmpi ne, %add3A_400, %ne3A_403 : i32
      %ge3A_405 = arith.constant 16777216 : i32
      %ge3A_406 = arith.cmpi uge, %add3A_395, %ge3A_405 : i32
      %or3A_407 = arith.ori %ne3A_404, %ge3A_406 : i1
      %jit3A_408 = arith.constant 16777215 : i32
      %select_n3A_409 = arith.select %or3A_407, %jit3A_408, %add3A_395 : i32
      %jit3A_410 = arith.constant 0 : i32
      %select_n3A_411 = arith.select %lt3A_402, %jit3A_410, %select_n3A_409 : i32
      %add3A_412 = arith.constant 1 : i32
      %add3A_413 = arith.addi %squeeze3A_16, %add3A_412 : i32
      %add3A_414 = arith.constant 0 : i32
      %add3A_415 = arith.addi %squeeze3A_18, %add3A_414 : i32
      %lt3A_416 = arith.cmpi ult, %add3A_413, %squeeze3A_16 : i32
      %convert_element_type3A_417 = arith.extui %lt3A_416 : i1 to i32
      %add3A_418 = arith.addi %add3A_415, %convert_element_type3A_417 : i32
      %lt3A_419 = arith.constant 0 : i32
      %lt3A_420 = arith.cmpi slt, %add3A_418, %lt3A_419 : i32
      %ne3A_421 = arith.constant 0 : i32
      %ne3A_422 = arith.cmpi ne, %add3A_418, %ne3A_421 : i32
      %ge3A_423 = arith.constant 16777216 : i32
      %ge3A_424 = arith.cmpi uge, %add3A_413, %ge3A_423 : i32
      %or3A_425 = arith.ori %ne3A_422, %ge3A_424 : i1
      %jit3A_426 = arith.constant 16777215 : i32
      %select_n3A_427 = arith.select %or3A_425, %jit3A_426, %add3A_413 : i32
      %jit3A_428 = arith.constant 0 : i32
      %select_n3A_429 = arith.select %lt3A_420, %jit3A_428, %select_n3A_427 : i32
      %add3A_430 = arith.constant 2 : i32
      %add3A_431 = arith.addi %squeeze3A_16, %add3A_430 : i32
      %add3A_432 = arith.constant 0 : i32
      %add3A_433 = arith.addi %squeeze3A_18, %add3A_432 : i32
      %lt3A_434 = arith.cmpi ult, %add3A_431, %squeeze3A_16 : i32
      %convert_element_type3A_435 = arith.extui %lt3A_434 : i1 to i32
      %add3A_436 = arith.addi %add3A_433, %convert_element_type3A_435 : i32
      %lt3A_437 = arith.constant 0 : i32
      %lt3A_438 = arith.cmpi slt, %add3A_436, %lt3A_437 : i32
      %ne3A_439 = arith.constant 0 : i32
      %ne3A_440 = arith.cmpi ne, %add3A_436, %ne3A_439 : i32
      %ge3A_441 = arith.constant 16777216 : i32
      %ge3A_442 = arith.cmpi uge, %add3A_431, %ge3A_441 : i32
      %or3A_443 = arith.ori %ne3A_440, %ge3A_442 : i1
      %jit3A_444 = arith.constant 16777215 : i32
      %select_n3A_445 = arith.select %or3A_443, %jit3A_444, %add3A_431 : i32
      %jit3A_446 = arith.constant 0 : i32
      %select_n3A_447 = arith.select %lt3A_438, %jit3A_446, %select_n3A_445 : i32
      %add3A_448 = arith.constant 3 : i32
      %add3A_449 = arith.addi %squeeze3A_16, %add3A_448 : i32
      %add3A_450 = arith.constant 0 : i32
      %add3A_451 = arith.addi %squeeze3A_18, %add3A_450 : i32
      %lt3A_452 = arith.cmpi ult, %add3A_449, %squeeze3A_16 : i32
      %convert_element_type3A_453 = arith.extui %lt3A_452 : i1 to i32
      %add3A_454 = arith.addi %add3A_451, %convert_element_type3A_453 : i32
      %lt3A_455 = arith.constant 0 : i32
      %lt3A_456 = arith.cmpi slt, %add3A_454, %lt3A_455 : i32
      %ne3A_457 = arith.constant 0 : i32
      %ne3A_458 = arith.cmpi ne, %add3A_454, %ne3A_457 : i32
      %ge3A_459 = arith.constant 16777216 : i32
      %ge3A_460 = arith.cmpi uge, %add3A_449, %ge3A_459 : i32
      %or3A_461 = arith.ori %ne3A_458, %ge3A_460 : i1
      %jit3A_462 = arith.constant 16777215 : i32
      %select_n3A_463 = arith.select %or3A_461, %jit3A_462, %add3A_449 : i32
      %jit3A_464 = arith.constant 0 : i32
      %select_n3A_465 = arith.select %lt3A_456, %jit3A_464, %select_n3A_463 : i32
      %add3A_466 = arith.constant 4 : i32
      %add3A_467 = arith.addi %squeeze3A_16, %add3A_466 : i32
      %add3A_468 = arith.constant 0 : i32
      %add3A_469 = arith.addi %squeeze3A_18, %add3A_468 : i32
      %lt3A_470 = arith.cmpi ult, %add3A_467, %squeeze3A_16 : i32
      %convert_element_type3A_471 = arith.extui %lt3A_470 : i1 to i32
      %add3A_472 = arith.addi %add3A_469, %convert_element_type3A_471 : i32
      %lt3A_473 = arith.constant 0 : i32
      %lt3A_474 = arith.cmpi slt, %add3A_472, %lt3A_473 : i32
      %ne3A_475 = arith.constant 0 : i32
      %ne3A_476 = arith.cmpi ne, %add3A_472, %ne3A_475 : i32
      %ge3A_477 = arith.constant 16777216 : i32
      %ge3A_478 = arith.cmpi uge, %add3A_467, %ge3A_477 : i32
      %or3A_479 = arith.ori %ne3A_476, %ge3A_478 : i1
      %jit3A_480 = arith.constant 16777215 : i32
      %select_n3A_481 = arith.select %or3A_479, %jit3A_480, %add3A_467 : i32
      %jit3A_482 = arith.constant 0 : i32
      %select_n3A_483 = arith.select %lt3A_474, %jit3A_482, %select_n3A_481 : i32
      %add3A_484 = arith.constant 5 : i32
      %add3A_485 = arith.addi %squeeze3A_16, %add3A_484 : i32
      %add3A_486 = arith.constant 0 : i32
      %add3A_487 = arith.addi %squeeze3A_18, %add3A_486 : i32
      %lt3A_488 = arith.cmpi ult, %add3A_485, %squeeze3A_16 : i32
      %convert_element_type3A_489 = arith.extui %lt3A_488 : i1 to i32
      %add3A_490 = arith.addi %add3A_487, %convert_element_type3A_489 : i32
      %lt3A_491 = arith.constant 0 : i32
      %lt3A_492 = arith.cmpi slt, %add3A_490, %lt3A_491 : i32
      %ne3A_493 = arith.constant 0 : i32
      %ne3A_494 = arith.cmpi ne, %add3A_490, %ne3A_493 : i32
      %ge3A_495 = arith.constant 16777216 : i32
      %ge3A_496 = arith.cmpi uge, %add3A_485, %ge3A_495 : i32
      %or3A_497 = arith.ori %ne3A_494, %ge3A_496 : i1
      %jit3A_498 = arith.constant 16777215 : i32
      %select_n3A_499 = arith.select %or3A_497, %jit3A_498, %add3A_485 : i32
      %jit3A_500 = arith.constant 0 : i32
      %select_n3A_501 = arith.select %lt3A_492, %jit3A_500, %select_n3A_499 : i32
      %add3A_502 = arith.constant 6 : i32
      %add3A_503 = arith.addi %squeeze3A_16, %add3A_502 : i32
      %add3A_504 = arith.constant 0 : i32
      %add3A_505 = arith.addi %squeeze3A_18, %add3A_504 : i32
      %lt3A_506 = arith.cmpi ult, %add3A_503, %squeeze3A_16 : i32
      %convert_element_type3A_507 = arith.extui %lt3A_506 : i1 to i32
      %add3A_508 = arith.addi %add3A_505, %convert_element_type3A_507 : i32
      %lt3A_509 = arith.constant 0 : i32
      %lt3A_510 = arith.cmpi slt, %add3A_508, %lt3A_509 : i32
      %ne3A_511 = arith.constant 0 : i32
      %ne3A_512 = arith.cmpi ne, %add3A_508, %ne3A_511 : i32
      %ge3A_513 = arith.constant 16777216 : i32
      %ge3A_514 = arith.cmpi uge, %add3A_503, %ge3A_513 : i32
      %or3A_515 = arith.ori %ne3A_512, %ge3A_514 : i1
      %jit3A_516 = arith.constant 16777215 : i32
      %select_n3A_517 = arith.select %or3A_515, %jit3A_516, %add3A_503 : i32
      %jit3A_518 = arith.constant 0 : i32
      %select_n3A_519 = arith.select %lt3A_510, %jit3A_518, %select_n3A_517 : i32
      %add3A_520 = arith.constant 7 : i32
      %add3A_521 = arith.addi %squeeze3A_16, %add3A_520 : i32
      %add3A_522 = arith.constant 0 : i32
      %add3A_523 = arith.addi %squeeze3A_18, %add3A_522 : i32
      %lt3A_524 = arith.cmpi ult, %add3A_521, %squeeze3A_16 : i32
      %convert_element_type3A_525 = arith.extui %lt3A_524 : i1 to i32
      %add3A_526 = arith.addi %add3A_523, %convert_element_type3A_525 : i32
      %lt3A_527 = arith.constant 0 : i32
      %lt3A_528 = arith.cmpi slt, %add3A_526, %lt3A_527 : i32
      %ne3A_529 = arith.constant 0 : i32
      %ne3A_530 = arith.cmpi ne, %add3A_526, %ne3A_529 : i32
      %ge3A_531 = arith.constant 16777216 : i32
      %ge3A_532 = arith.cmpi uge, %add3A_521, %ge3A_531 : i32
      %or3A_533 = arith.ori %ne3A_530, %ge3A_532 : i1
      %jit3A_534 = arith.constant 16777215 : i32
      %select_n3A_535 = arith.select %or3A_533, %jit3A_534, %add3A_521 : i32
      %jit3A_536 = arith.constant 0 : i32
      %select_n3A_537 = arith.select %lt3A_528, %jit3A_536, %select_n3A_535 : i32
      %add3A_538 = arith.constant 0 : i32
      %add3A_539 = arith.addi %add3A_20, %add3A_538 : i32
      %add3A_540 = arith.constant 0 : i32
      %add3A_541 = arith.addi %add3A_24, %add3A_540 : i32
      %lt3A_542 = arith.cmpi ult, %add3A_539, %add3A_20 : i32
      %convert_element_type3A_543 = arith.extui %lt3A_542 : i1 to i32
      %add3A_544 = arith.addi %add3A_541, %convert_element_type3A_543 : i32
      %lt3A_545 = arith.constant 0 : i32
      %lt3A_546 = arith.cmpi slt, %add3A_544, %lt3A_545 : i32
      %ne3A_547 = arith.constant 0 : i32
      %ne3A_548 = arith.cmpi ne, %add3A_544, %ne3A_547 : i32
      %ge3A_549 = arith.constant 16777216 : i32
      %ge3A_550 = arith.cmpi uge, %add3A_539, %ge3A_549 : i32
      %or3A_551 = arith.ori %ne3A_548, %ge3A_550 : i1
      %jit3A_552 = arith.constant 16777215 : i32
      %select_n3A_553 = arith.select %or3A_551, %jit3A_552, %add3A_539 : i32
      %jit3A_554 = arith.constant 0 : i32
      %select_n3A_555 = arith.select %lt3A_546, %jit3A_554, %select_n3A_553 : i32
      %add3A_556 = arith.constant 1 : i32
      %add3A_557 = arith.addi %add3A_20, %add3A_556 : i32
      %add3A_558 = arith.constant 0 : i32
      %add3A_559 = arith.addi %add3A_24, %add3A_558 : i32
      %lt3A_560 = arith.cmpi ult, %add3A_557, %add3A_20 : i32
      %convert_element_type3A_561 = arith.extui %lt3A_560 : i1 to i32
      %add3A_562 = arith.addi %add3A_559, %convert_element_type3A_561 : i32
      %lt3A_563 = arith.constant 0 : i32
      %lt3A_564 = arith.cmpi slt, %add3A_562, %lt3A_563 : i32
      %ne3A_565 = arith.constant 0 : i32
      %ne3A_566 = arith.cmpi ne, %add3A_562, %ne3A_565 : i32
      %ge3A_567 = arith.constant 16777216 : i32
      %ge3A_568 = arith.cmpi uge, %add3A_557, %ge3A_567 : i32
      %or3A_569 = arith.ori %ne3A_566, %ge3A_568 : i1
      %jit3A_570 = arith.constant 16777215 : i32
      %select_n3A_571 = arith.select %or3A_569, %jit3A_570, %add3A_557 : i32
      %jit3A_572 = arith.constant 0 : i32
      %select_n3A_573 = arith.select %lt3A_564, %jit3A_572, %select_n3A_571 : i32
      %add3A_574 = arith.constant 2 : i32
      %add3A_575 = arith.addi %add3A_20, %add3A_574 : i32
      %add3A_576 = arith.constant 0 : i32
      %add3A_577 = arith.addi %add3A_24, %add3A_576 : i32
      %lt3A_578 = arith.cmpi ult, %add3A_575, %add3A_20 : i32
      %convert_element_type3A_579 = arith.extui %lt3A_578 : i1 to i32
      %add3A_580 = arith.addi %add3A_577, %convert_element_type3A_579 : i32
      %lt3A_581 = arith.constant 0 : i32
      %lt3A_582 = arith.cmpi slt, %add3A_580, %lt3A_581 : i32
      %ne3A_583 = arith.constant 0 : i32
      %ne3A_584 = arith.cmpi ne, %add3A_580, %ne3A_583 : i32
      %ge3A_585 = arith.constant 16777216 : i32
      %ge3A_586 = arith.cmpi uge, %add3A_575, %ge3A_585 : i32
      %or3A_587 = arith.ori %ne3A_584, %ge3A_586 : i1
      %jit3A_588 = arith.constant 16777215 : i32
      %select_n3A_589 = arith.select %or3A_587, %jit3A_588, %add3A_575 : i32
      %jit3A_590 = arith.constant 0 : i32
      %select_n3A_591 = arith.select %lt3A_582, %jit3A_590, %select_n3A_589 : i32
      %add3A_592 = arith.constant 3 : i32
      %add3A_593 = arith.addi %add3A_20, %add3A_592 : i32
      %add3A_594 = arith.constant 0 : i32
      %add3A_595 = arith.addi %add3A_24, %add3A_594 : i32
      %lt3A_596 = arith.cmpi ult, %add3A_593, %add3A_20 : i32
      %convert_element_type3A_597 = arith.extui %lt3A_596 : i1 to i32
      %add3A_598 = arith.addi %add3A_595, %convert_element_type3A_597 : i32
      %lt3A_599 = arith.constant 0 : i32
      %lt3A_600 = arith.cmpi slt, %add3A_598, %lt3A_599 : i32
      %ne3A_601 = arith.constant 0 : i32
      %ne3A_602 = arith.cmpi ne, %add3A_598, %ne3A_601 : i32
      %ge3A_603 = arith.constant 16777216 : i32
      %ge3A_604 = arith.cmpi uge, %add3A_593, %ge3A_603 : i32
      %or3A_605 = arith.ori %ne3A_602, %ge3A_604 : i1
      %jit3A_606 = arith.constant 16777215 : i32
      %select_n3A_607 = arith.select %or3A_605, %jit3A_606, %add3A_593 : i32
      %jit3A_608 = arith.constant 0 : i32
      %select_n3A_609 = arith.select %lt3A_600, %jit3A_608, %select_n3A_607 : i32
      %add3A_610 = arith.constant 4 : i32
      %add3A_611 = arith.addi %add3A_20, %add3A_610 : i32
      %add3A_612 = arith.constant 0 : i32
      %add3A_613 = arith.addi %add3A_24, %add3A_612 : i32
      %lt3A_614 = arith.cmpi ult, %add3A_611, %add3A_20 : i32
      %convert_element_type3A_615 = arith.extui %lt3A_614 : i1 to i32
      %add3A_616 = arith.addi %add3A_613, %convert_element_type3A_615 : i32
      %lt3A_617 = arith.constant 0 : i32
      %lt3A_618 = arith.cmpi slt, %add3A_616, %lt3A_617 : i32
      %ne3A_619 = arith.constant 0 : i32
      %ne3A_620 = arith.cmpi ne, %add3A_616, %ne3A_619 : i32
      %ge3A_621 = arith.constant 16777216 : i32
      %ge3A_622 = arith.cmpi uge, %add3A_611, %ge3A_621 : i32
      %or3A_623 = arith.ori %ne3A_620, %ge3A_622 : i1
      %jit3A_624 = arith.constant 16777215 : i32
      %select_n3A_625 = arith.select %or3A_623, %jit3A_624, %add3A_611 : i32
      %jit3A_626 = arith.constant 0 : i32
      %select_n3A_627 = arith.select %lt3A_618, %jit3A_626, %select_n3A_625 : i32
      %add3A_628 = arith.constant 5 : i32
      %add3A_629 = arith.addi %add3A_20, %add3A_628 : i32
      %add3A_630 = arith.constant 0 : i32
      %add3A_631 = arith.addi %add3A_24, %add3A_630 : i32
      %lt3A_632 = arith.cmpi ult, %add3A_629, %add3A_20 : i32
      %convert_element_type3A_633 = arith.extui %lt3A_632 : i1 to i32
      %add3A_634 = arith.addi %add3A_631, %convert_element_type3A_633 : i32
      %lt3A_635 = arith.constant 0 : i32
      %lt3A_636 = arith.cmpi slt, %add3A_634, %lt3A_635 : i32
      %ne3A_637 = arith.constant 0 : i32
      %ne3A_638 = arith.cmpi ne, %add3A_634, %ne3A_637 : i32
      %ge3A_639 = arith.constant 16777216 : i32
      %ge3A_640 = arith.cmpi uge, %add3A_629, %ge3A_639 : i32
      %or3A_641 = arith.ori %ne3A_638, %ge3A_640 : i1
      %jit3A_642 = arith.constant 16777215 : i32
      %select_n3A_643 = arith.select %or3A_641, %jit3A_642, %add3A_629 : i32
      %jit3A_644 = arith.constant 0 : i32
      %select_n3A_645 = arith.select %lt3A_636, %jit3A_644, %select_n3A_643 : i32
      %add3A_646 = arith.constant 6 : i32
      %add3A_647 = arith.addi %add3A_20, %add3A_646 : i32
      %add3A_648 = arith.constant 0 : i32
      %add3A_649 = arith.addi %add3A_24, %add3A_648 : i32
      %lt3A_650 = arith.cmpi ult, %add3A_647, %add3A_20 : i32
      %convert_element_type3A_651 = arith.extui %lt3A_650 : i1 to i32
      %add3A_652 = arith.addi %add3A_649, %convert_element_type3A_651 : i32
      %lt3A_653 = arith.constant 0 : i32
      %lt3A_654 = arith.cmpi slt, %add3A_652, %lt3A_653 : i32
      %ne3A_655 = arith.constant 0 : i32
      %ne3A_656 = arith.cmpi ne, %add3A_652, %ne3A_655 : i32
      %ge3A_657 = arith.constant 16777216 : i32
      %ge3A_658 = arith.cmpi uge, %add3A_647, %ge3A_657 : i32
      %or3A_659 = arith.ori %ne3A_656, %ge3A_658 : i1
      %jit3A_660 = arith.constant 16777215 : i32
      %select_n3A_661 = arith.select %or3A_659, %jit3A_660, %add3A_647 : i32
      %jit3A_662 = arith.constant 0 : i32
      %select_n3A_663 = arith.select %lt3A_654, %jit3A_662, %select_n3A_661 : i32
      %add3A_664 = arith.constant 7 : i32
      %add3A_665 = arith.addi %add3A_20, %add3A_664 : i32
      %add3A_666 = arith.constant 0 : i32
      %add3A_667 = arith.addi %add3A_24, %add3A_666 : i32
      %lt3A_668 = arith.cmpi ult, %add3A_665, %add3A_20 : i32
      %convert_element_type3A_669 = arith.extui %lt3A_668 : i1 to i32
      %add3A_670 = arith.addi %add3A_667, %convert_element_type3A_669 : i32
      %lt3A_671 = arith.constant 0 : i32
      %lt3A_672 = arith.cmpi slt, %add3A_670, %lt3A_671 : i32
      %ne3A_673 = arith.constant 0 : i32
      %ne3A_674 = arith.cmpi ne, %add3A_670, %ne3A_673 : i32
      %ge3A_675 = arith.constant 16777216 : i32
      %ge3A_676 = arith.cmpi uge, %add3A_665, %ge3A_675 : i32
      %or3A_677 = arith.ori %ne3A_674, %ge3A_676 : i1
      %jit3A_678 = arith.constant 16777215 : i32
      %select_n3A_679 = arith.select %or3A_677, %jit3A_678, %add3A_665 : i32
      %jit3A_680 = arith.constant 0 : i32
      %select_n3A_681 = arith.select %lt3A_672, %jit3A_680, %select_n3A_679 : i32
      %broadcast_in_dim3A_682 = arith.constant 0 : i32
      %broadcast_in_dim3A_683 = vector.broadcast %broadcast_in_dim3A_682 : i32 to vector<16xi32>
      %eq3A_684 = arith.constant 0 : i32
      %eq3A_685 = vector.broadcast %eq3A_684 : i32 to vector<16xi32>
      %eq3A_686 = arith.cmpi eq, %iota3A, %eq3A_685 : vector<16xi32>
      %broadcast_in_dim3A_687 = vector.broadcast %select_n3A_411 : i32 to vector<16xi32>
      %select_n3A_688 = arith.select %eq3A_686, %broadcast_in_dim3A_687, %broadcast_in_dim3A_683 : vector<16xi1>, vector<16xi32>
      %eq3A_689 = arith.constant 8 : i32
      %eq3A_690 = vector.broadcast %eq3A_689 : i32 to vector<16xi32>
      %eq3A_691 = arith.cmpi eq, %iota3A, %eq3A_690 : vector<16xi32>
      %broadcast_in_dim3A_692 = vector.broadcast %select_n3A_555 : i32 to vector<16xi32>
      %select_n3A_693 = arith.select %eq3A_691, %broadcast_in_dim3A_692, %select_n3A_688 : vector<16xi1>, vector<16xi32>
      %eq3A_694 = arith.constant 1 : i32
      %eq3A_695 = vector.broadcast %eq3A_694 : i32 to vector<16xi32>
      %eq3A_696 = arith.cmpi eq, %iota3A, %eq3A_695 : vector<16xi32>
      %broadcast_in_dim3A_697 = vector.broadcast %select_n3A_429 : i32 to vector<16xi32>
      %select_n3A_698 = arith.select %eq3A_696, %broadcast_in_dim3A_697, %select_n3A_693 : vector<16xi1>, vector<16xi32>
      %eq3A_699 = arith.constant 9 : i32
      %eq3A_700 = vector.broadcast %eq3A_699 : i32 to vector<16xi32>
      %eq3A_701 = arith.cmpi eq, %iota3A, %eq3A_700 : vector<16xi32>
      %broadcast_in_dim3A_702 = vector.broadcast %select_n3A_573 : i32 to vector<16xi32>
      %select_n3A_703 = arith.select %eq3A_701, %broadcast_in_dim3A_702, %select_n3A_698 : vector<16xi1>, vector<16xi32>
      %eq3A_704 = arith.constant 2 : i32
      %eq3A_705 = vector.broadcast %eq3A_704 : i32 to vector<16xi32>
      %eq3A_706 = arith.cmpi eq, %iota3A, %eq3A_705 : vector<16xi32>
      %broadcast_in_dim3A_707 = vector.broadcast %select_n3A_447 : i32 to vector<16xi32>
      %select_n3A_708 = arith.select %eq3A_706, %broadcast_in_dim3A_707, %select_n3A_703 : vector<16xi1>, vector<16xi32>
      %eq3A_709 = arith.constant 10 : i32
      %eq3A_710 = vector.broadcast %eq3A_709 : i32 to vector<16xi32>
      %eq3A_711 = arith.cmpi eq, %iota3A, %eq3A_710 : vector<16xi32>
      %broadcast_in_dim3A_712 = vector.broadcast %select_n3A_591 : i32 to vector<16xi32>
      %select_n3A_713 = arith.select %eq3A_711, %broadcast_in_dim3A_712, %select_n3A_708 : vector<16xi1>, vector<16xi32>
      %eq3A_714 = arith.constant 3 : i32
      %eq3A_715 = vector.broadcast %eq3A_714 : i32 to vector<16xi32>
      %eq3A_716 = arith.cmpi eq, %iota3A, %eq3A_715 : vector<16xi32>
      %broadcast_in_dim3A_717 = vector.broadcast %select_n3A_465 : i32 to vector<16xi32>
      %select_n3A_718 = arith.select %eq3A_716, %broadcast_in_dim3A_717, %select_n3A_713 : vector<16xi1>, vector<16xi32>
      %eq3A_719 = arith.constant 11 : i32
      %eq3A_720 = vector.broadcast %eq3A_719 : i32 to vector<16xi32>
      %eq3A_721 = arith.cmpi eq, %iota3A, %eq3A_720 : vector<16xi32>
      %broadcast_in_dim3A_722 = vector.broadcast %select_n3A_609 : i32 to vector<16xi32>
      %select_n3A_723 = arith.select %eq3A_721, %broadcast_in_dim3A_722, %select_n3A_718 : vector<16xi1>, vector<16xi32>
      %eq3A_724 = arith.constant 4 : i32
      %eq3A_725 = vector.broadcast %eq3A_724 : i32 to vector<16xi32>
      %eq3A_726 = arith.cmpi eq, %iota3A, %eq3A_725 : vector<16xi32>
      %broadcast_in_dim3A_727 = vector.broadcast %select_n3A_483 : i32 to vector<16xi32>
      %select_n3A_728 = arith.select %eq3A_726, %broadcast_in_dim3A_727, %select_n3A_723 : vector<16xi1>, vector<16xi32>
      %eq3A_729 = arith.constant 12 : i32
      %eq3A_730 = vector.broadcast %eq3A_729 : i32 to vector<16xi32>
      %eq3A_731 = arith.cmpi eq, %iota3A, %eq3A_730 : vector<16xi32>
      %broadcast_in_dim3A_732 = vector.broadcast %select_n3A_627 : i32 to vector<16xi32>
      %select_n3A_733 = arith.select %eq3A_731, %broadcast_in_dim3A_732, %select_n3A_728 : vector<16xi1>, vector<16xi32>
      %eq3A_734 = arith.constant 5 : i32
      %eq3A_735 = vector.broadcast %eq3A_734 : i32 to vector<16xi32>
      %eq3A_736 = arith.cmpi eq, %iota3A, %eq3A_735 : vector<16xi32>
      %broadcast_in_dim3A_737 = vector.broadcast %select_n3A_501 : i32 to vector<16xi32>
      %select_n3A_738 = arith.select %eq3A_736, %broadcast_in_dim3A_737, %select_n3A_733 : vector<16xi1>, vector<16xi32>
      %eq3A_739 = arith.constant 13 : i32
      %eq3A_740 = vector.broadcast %eq3A_739 : i32 to vector<16xi32>
      %eq3A_741 = arith.cmpi eq, %iota3A, %eq3A_740 : vector<16xi32>
      %broadcast_in_dim3A_742 = vector.broadcast %select_n3A_645 : i32 to vector<16xi32>
      %select_n3A_743 = arith.select %eq3A_741, %broadcast_in_dim3A_742, %select_n3A_738 : vector<16xi1>, vector<16xi32>
      %eq3A_744 = arith.constant 6 : i32
      %eq3A_745 = vector.broadcast %eq3A_744 : i32 to vector<16xi32>
      %eq3A_746 = arith.cmpi eq, %iota3A, %eq3A_745 : vector<16xi32>
      %broadcast_in_dim3A_747 = vector.broadcast %select_n3A_519 : i32 to vector<16xi32>
      %select_n3A_748 = arith.select %eq3A_746, %broadcast_in_dim3A_747, %select_n3A_743 : vector<16xi1>, vector<16xi32>
      %eq3A_749 = arith.constant 14 : i32
      %eq3A_750 = vector.broadcast %eq3A_749 : i32 to vector<16xi32>
      %eq3A_751 = arith.cmpi eq, %iota3A, %eq3A_750 : vector<16xi32>
      %broadcast_in_dim3A_752 = vector.broadcast %select_n3A_663 : i32 to vector<16xi32>
      %select_n3A_753 = arith.select %eq3A_751, %broadcast_in_dim3A_752, %select_n3A_748 : vector<16xi1>, vector<16xi32>
      %eq3A_754 = arith.constant 7 : i32
      %eq3A_755 = vector.broadcast %eq3A_754 : i32 to vector<16xi32>
      %eq3A_756 = arith.cmpi eq, %iota3A, %eq3A_755 : vector<16xi32>
      %broadcast_in_dim3A_757 = vector.broadcast %select_n3A_537 : i32 to vector<16xi32>
      %select_n3A_758 = arith.select %eq3A_756, %broadcast_in_dim3A_757, %select_n3A_753 : vector<16xi1>, vector<16xi32>
      %eq3A_759 = arith.constant 15 : i32
      %eq3A_760 = vector.broadcast %eq3A_759 : i32 to vector<16xi32>
      %eq3A_761 = arith.cmpi eq, %iota3A, %eq3A_760 : vector<16xi32>
      %broadcast_in_dim3A_762 = vector.broadcast %select_n3A_681 : i32 to vector<16xi32>
      %select_n3A_763 = arith.select %eq3A_761, %broadcast_in_dim3A_762, %select_n3A_758 : vector<16xi1>, vector<16xi32>
      %swap3A_764 = arith.constant 0 : index
      %swap3A_765 = tpu.vector_load %arg8[%swap3A_764] {strides = array<i32>} : memref<16xi32, #tpu.memory_space<vmem>>, vector<16xi32>,
      %swap3A_766 = vector.shape_cast %swap3A_765 : vector<16xi32> to vector<16xi32>
      %swap3A_767 = vector.shape_cast %select_n3A_763 : vector<16xi32> to vector<16xi32>
      tpu.vector_store %arg8[%swap3A_764], %swap3A_767 {strides = array<i32>} : memref<16xi32, #tpu.memory_space<vmem>>, vector<16xi32>,
      %dma_start3A_768 = arith.constant 0 : i32
      %dma_start3A_769 = tpu.memref_slice %arg3[%dma_start3A_768] : memref<16777216xi32, #tpu.memory_space<hbm>> -> memref<16777216xi32, #tpu.memory_space<hbm>>
      tpu.enqueue_indirect_dma source(%dma_start3A_769 : memref<16777216xi32, #tpu.memory_space<hbm>>) target(%arg10 : memref<16xi32, #tpu.memory_space<vmem>>) offsets(%arg8 : memref<16xi32, #tpu.memory_space<vmem>>) semaphore(%arg16 : memref<!tpu.dma_semaphore, #tpu.memory_space<semaphore_mem>>)
      %dma_wait3A_770 = arith.constant 0 : i32
      %dma_wait3A_771 = tpu.memref_slice %arg3[%dma_wait3A_770] : memref<16777216xi32, #tpu.memory_space<hbm>> -> memref<16777216xi32, #tpu.memory_space<hbm>>
      tpu.wait_indirect_dma semaphore(%arg16 : memref<!tpu.dma_semaphore, #tpu.memory_space<semaphore_mem>>) src(%dma_wait3A_771 : memref<16777216xi32, #tpu.memory_space<hbm>>) dst(%arg10 : memref<16xi32, #tpu.memory_space<vmem>>)
      %add3A_772 = arith.constant 0 : i32
      %add3A_773 = arith.addi %squeeze3A_12, %add3A_772 : i32
      %add3A_774 = arith.constant 0 : i32
      %add3A_775 = arith.addi %squeeze3A_14, %add3A_774 : i32
      %lt3A_776 = arith.cmpi ult, %add3A_773, %squeeze3A_12 : i32
      %convert_element_type3A_777 = arith.extui %lt3A_776 : i1 to i32
      %add3A_778 = arith.addi %add3A_775, %convert_element_type3A_777 : i32
      %lt3A_779 = arith.constant 0 : i32
      %lt3A_780 = arith.cmpi slt, %add3A_778, %lt3A_779 : i32
      %ne3A_781 = arith.constant 0 : i32
      %ne3A_782 = arith.cmpi ne, %add3A_778, %ne3A_781 : i32
      %ge3A_783 = arith.constant 16777216 : i32
      %ge3A_784 = arith.cmpi uge, %add3A_773, %ge3A_783 : i32
      %or3A_785 = arith.ori %ne3A_782, %ge3A_784 : i1
      %jit3A_786 = arith.constant 16777215 : i32
      %select_n3A_787 = arith.select %or3A_785, %jit3A_786, %add3A_773 : i32
      %jit3A_788 = arith.constant 0 : i32
      %select_n3A_789 = arith.select %lt3A_780, %jit3A_788, %select_n3A_787 : i32
      %add3A_790 = arith.constant 1 : i32
      %add3A_791 = arith.addi %squeeze3A_12, %add3A_790 : i32
      %add3A_792 = arith.constant 0 : i32
      %add3A_793 = arith.addi %squeeze3A_14, %add3A_792 : i32
      %lt3A_794 = arith.cmpi ult, %add3A_791, %squeeze3A_12 : i32
      %convert_element_type3A_795 = arith.extui %lt3A_794 : i1 to i32
      %add3A_796 = arith.addi %add3A_793, %convert_element_type3A_795 : i32
      %lt3A_797 = arith.constant 0 : i32
      %lt3A_798 = arith.cmpi slt, %add3A_796, %lt3A_797 : i32
      %ne3A_799 = arith.constant 0 : i32
      %ne3A_800 = arith.cmpi ne, %add3A_796, %ne3A_799 : i32
      %ge3A_801 = arith.constant 16777216 : i32
      %ge3A_802 = arith.cmpi uge, %add3A_791, %ge3A_801 : i32
      %or3A_803 = arith.ori %ne3A_800, %ge3A_802 : i1
      %jit3A_804 = arith.constant 16777215 : i32
      %select_n3A_805 = arith.select %or3A_803, %jit3A_804, %add3A_791 : i32
      %jit3A_806 = arith.constant 0 : i32
      %select_n3A_807 = arith.select %lt3A_798, %jit3A_806, %select_n3A_805 : i32
      %add3A_808 = arith.constant 2 : i32
      %add3A_809 = arith.addi %squeeze3A_12, %add3A_808 : i32
      %add3A_810 = arith.constant 0 : i32
      %add3A_811 = arith.addi %squeeze3A_14, %add3A_810 : i32
      %lt3A_812 = arith.cmpi ult, %add3A_809, %squeeze3A_12 : i32
      %convert_element_type3A_813 = arith.extui %lt3A_812 : i1 to i32
      %add3A_814 = arith.addi %add3A_811, %convert_element_type3A_813 : i32
      %lt3A_815 = arith.constant 0 : i32
      %lt3A_816 = arith.cmpi slt, %add3A_814, %lt3A_815 : i32
      %ne3A_817 = arith.constant 0 : i32
      %ne3A_818 = arith.cmpi ne, %add3A_814, %ne3A_817 : i32
      %ge3A_819 = arith.constant 16777216 : i32
      %ge3A_820 = arith.cmpi uge, %add3A_809, %ge3A_819 : i32
      %or3A_821 = arith.ori %ne3A_818, %ge3A_820 : i1
      %jit3A_822 = arith.constant 16777215 : i32
      %select_n3A_823 = arith.select %or3A_821, %jit3A_822, %add3A_809 : i32
      %jit3A_824 = arith.constant 0 : i32
      %select_n3A_825 = arith.select %lt3A_816, %jit3A_824, %select_n3A_823 : i32
      %add3A_826 = arith.constant 3 : i32
      %add3A_827 = arith.addi %squeeze3A_12, %add3A_826 : i32
      %add3A_828 = arith.constant 0 : i32
      %add3A_829 = arith.addi %squeeze3A_14, %add3A_828 : i32
      %lt3A_830 = arith.cmpi ult, %add3A_827, %squeeze3A_12 : i32
      %convert_element_type3A_831 = arith.extui %lt3A_830 : i1 to i32
      %add3A_832 = arith.addi %add3A_829, %convert_element_type3A_831 : i32
      %lt3A_833 = arith.constant 0 : i32
      %lt3A_834 = arith.cmpi slt, %add3A_832, %lt3A_833 : i32
      %ne3A_835 = arith.constant 0 : i32
      %ne3A_836 = arith.cmpi ne, %add3A_832, %ne3A_835 : i32
      %ge3A_837 = arith.constant 16777216 : i32
      %ge3A_838 = arith.cmpi uge, %add3A_827, %ge3A_837 : i32
      %or3A_839 = arith.ori %ne3A_836, %ge3A_838 : i1
      %jit3A_840 = arith.constant 16777215 : i32
      %select_n3A_841 = arith.select %or3A_839, %jit3A_840, %add3A_827 : i32
      %jit3A_842 = arith.constant 0 : i32
      %select_n3A_843 = arith.select %lt3A_834, %jit3A_842, %select_n3A_841 : i32
      %add3A_844 = arith.constant 4 : i32
      %add3A_845 = arith.addi %squeeze3A_12, %add3A_844 : i32
      %add3A_846 = arith.constant 0 : i32
      %add3A_847 = arith.addi %squeeze3A_14, %add3A_846 : i32
      %lt3A_848 = arith.cmpi ult, %add3A_845, %squeeze3A_12 : i32
      %convert_element_type3A_849 = arith.extui %lt3A_848 : i1 to i32
      %add3A_850 = arith.addi %add3A_847, %convert_element_type3A_849 : i32
      %lt3A_851 = arith.constant 0 : i32
      %lt3A_852 = arith.cmpi slt, %add3A_850, %lt3A_851 : i32
      %ne3A_853 = arith.constant 0 : i32
      %ne3A_854 = arith.cmpi ne, %add3A_850, %ne3A_853 : i32
      %ge3A_855 = arith.constant 16777216 : i32
      %ge3A_856 = arith.cmpi uge, %add3A_845, %ge3A_855 : i32
      %or3A_857 = arith.ori %ne3A_854, %ge3A_856 : i1
      %jit3A_858 = arith.constant 16777215 : i32
      %select_n3A_859 = arith.select %or3A_857, %jit3A_858, %add3A_845 : i32
      %jit3A_860 = arith.constant 0 : i32
      %select_n3A_861 = arith.select %lt3A_852, %jit3A_860, %select_n3A_859 : i32
      %add3A_862 = arith.constant 5 : i32
      %add3A_863 = arith.addi %squeeze3A_12, %add3A_862 : i32
      %add3A_864 = arith.constant 0 : i32
      %add3A_865 = arith.addi %squeeze3A_14, %add3A_864 : i32
      %lt3A_866 = arith.cmpi ult, %add3A_863, %squeeze3A_12 : i32
      %convert_element_type3A_867 = arith.extui %lt3A_866 : i1 to i32
      %add3A_868 = arith.addi %add3A_865, %convert_element_type3A_867 : i32
      %lt3A_869 = arith.constant 0 : i32
      %lt3A_870 = arith.cmpi slt, %add3A_868, %lt3A_869 : i32
      %ne3A_871 = arith.constant 0 : i32
      %ne3A_872 = arith.cmpi ne, %add3A_868, %ne3A_871 : i32
      %ge3A_873 = arith.constant 16777216 : i32
      %ge3A_874 = arith.cmpi uge, %add3A_863, %ge3A_873 : i32
      %or3A_875 = arith.ori %ne3A_872, %ge3A_874 : i1
      %jit3A_876 = arith.constant 16777215 : i32
      %select_n3A_877 = arith.select %or3A_875, %jit3A_876, %add3A_863 : i32
      %jit3A_878 = arith.constant 0 : i32
      %select_n3A_879 = arith.select %lt3A_870, %jit3A_878, %select_n3A_877 : i32
      %add3A_880 = arith.constant 6 : i32
      %add3A_881 = arith.addi %squeeze3A_12, %add3A_880 : i32
      %add3A_882 = arith.constant 0 : i32
      %add3A_883 = arith.addi %squeeze3A_14, %add3A_882 : i32
      %lt3A_884 = arith.cmpi ult, %add3A_881, %squeeze3A_12 : i32
      %convert_element_type3A_885 = arith.extui %lt3A_884 : i1 to i32
      %add3A_886 = arith.addi %add3A_883, %convert_element_type3A_885 : i32
      %lt3A_887 = arith.constant 0 : i32
      %lt3A_888 = arith.cmpi slt, %add3A_886, %lt3A_887 : i32
      %ne3A_889 = arith.constant 0 : i32
      %ne3A_890 = arith.cmpi ne, %add3A_886, %ne3A_889 : i32
      %ge3A_891 = arith.constant 16777216 : i32
      %ge3A_892 = arith.cmpi uge, %add3A_881, %ge3A_891 : i32
      %or3A_893 = arith.ori %ne3A_890, %ge3A_892 : i1
      %jit3A_894 = arith.constant 16777215 : i32
      %select_n3A_895 = arith.select %or3A_893, %jit3A_894, %add3A_881 : i32
      %jit3A_896 = arith.constant 0 : i32
      %select_n3A_897 = arith.select %lt3A_888, %jit3A_896, %select_n3A_895 : i32
      %add3A_898 = arith.constant 7 : i32
      %add3A_899 = arith.addi %squeeze3A_12, %add3A_898 : i32
      %add3A_900 = arith.constant 0 : i32
      %add3A_901 = arith.addi %squeeze3A_14, %add3A_900 : i32
      %lt3A_902 = arith.cmpi ult, %add3A_899, %squeeze3A_12 : i32
      %convert_element_type3A_903 = arith.extui %lt3A_902 : i1 to i32
      %add3A_904 = arith.addi %add3A_901, %convert_element_type3A_903 : i32
      %lt3A_905 = arith.constant 0 : i32
      %lt3A_906 = arith.cmpi slt, %add3A_904, %lt3A_905 : i32
      %ne3A_907 = arith.constant 0 : i32
      %ne3A_908 = arith.cmpi ne, %add3A_904, %ne3A_907 : i32
      %ge3A_909 = arith.constant 16777216 : i32
      %ge3A_910 = arith.cmpi uge, %add3A_899, %ge3A_909 : i32
      %or3A_911 = arith.ori %ne3A_908, %ge3A_910 : i1
      %jit3A_912 = arith.constant 16777215 : i32
      %select_n3A_913 = arith.select %or3A_911, %jit3A_912, %add3A_899 : i32
      %jit3A_914 = arith.constant 0 : i32
      %select_n3A_915 = arith.select %lt3A_906, %jit3A_914, %select_n3A_913 : i32
      %add3A_916 = arith.constant 0 : i32
      %add3A_917 = arith.addi %squeeze3A, %add3A_916 : i32
      %add3A_918 = arith.constant 0 : i32
      %add3A_919 = arith.addi %squeeze3A_6, %add3A_918 : i32
      %lt3A_920 = arith.cmpi ult, %add3A_917, %squeeze3A : i32
      %convert_element_type3A_921 = arith.extui %lt3A_920 : i1 to i32
      %add3A_922 = arith.addi %add3A_919, %convert_element_type3A_921 : i32
      %lt3A_923 = arith.constant 0 : i32
      %lt3A_924 = arith.cmpi slt, %add3A_922, %lt3A_923 : i32
      %ne3A_925 = arith.constant 0 : i32
      %ne3A_926 = arith.cmpi ne, %add3A_922, %ne3A_925 : i32
      %ge3A_927 = arith.constant 16777216 : i32
      %ge3A_928 = arith.cmpi uge, %add3A_917, %ge3A_927 : i32
      %or3A_929 = arith.ori %ne3A_926, %ge3A_928 : i1
      %jit3A_930 = arith.constant 16777215 : i32
      %select_n3A_931 = arith.select %or3A_929, %jit3A_930, %add3A_917 : i32
      %jit3A_932 = arith.constant 0 : i32
      %select_n3A_933 = arith.select %lt3A_924, %jit3A_932, %select_n3A_931 : i32
      %add3A_934 = arith.constant 1 : i32
      %add3A_935 = arith.addi %squeeze3A, %add3A_934 : i32
      %add3A_936 = arith.constant 0 : i32
      %add3A_937 = arith.addi %squeeze3A_6, %add3A_936 : i32
      %lt3A_938 = arith.cmpi ult, %add3A_935, %squeeze3A : i32
      %convert_element_type3A_939 = arith.extui %lt3A_938 : i1 to i32
      %add3A_940 = arith.addi %add3A_937, %convert_element_type3A_939 : i32
      %lt3A_941 = arith.constant 0 : i32
      %lt3A_942 = arith.cmpi slt, %add3A_940, %lt3A_941 : i32
      %ne3A_943 = arith.constant 0 : i32
      %ne3A_944 = arith.cmpi ne, %add3A_940, %ne3A_943 : i32
      %ge3A_945 = arith.constant 16777216 : i32
      %ge3A_946 = arith.cmpi uge, %add3A_935, %ge3A_945 : i32
      %or3A_947 = arith.ori %ne3A_944, %ge3A_946 : i1
      %jit3A_948 = arith.constant 16777215 : i32
      %select_n3A_949 = arith.select %or3A_947, %jit3A_948, %add3A_935 : i32
      %jit3A_950 = arith.constant 0 : i32
      %select_n3A_951 = arith.select %lt3A_942, %jit3A_950, %select_n3A_949 : i32
      %add3A_952 = arith.constant 2 : i32
      %add3A_953 = arith.addi %squeeze3A, %add3A_952 : i32
      %add3A_954 = arith.constant 0 : i32
      %add3A_955 = arith.addi %squeeze3A_6, %add3A_954 : i32
      %lt3A_956 = arith.cmpi ult, %add3A_953, %squeeze3A : i32
      %convert_element_type3A_957 = arith.extui %lt3A_956 : i1 to i32
      %add3A_958 = arith.addi %add3A_955, %convert_element_type3A_957 : i32
      %lt3A_959 = arith.constant 0 : i32
      %lt3A_960 = arith.cmpi slt, %add3A_958, %lt3A_959 : i32
      %ne3A_961 = arith.constant 0 : i32
      %ne3A_962 = arith.cmpi ne, %add3A_958, %ne3A_961 : i32
      %ge3A_963 = arith.constant 16777216 : i32
      %ge3A_964 = arith.cmpi uge, %add3A_953, %ge3A_963 : i32
      %or3A_965 = arith.ori %ne3A_962, %ge3A_964 : i1
      %jit3A_966 = arith.constant 16777215 : i32
      %select_n3A_967 = arith.select %or3A_965, %jit3A_966, %add3A_953 : i32
      %jit3A_968 = arith.constant 0 : i32
      %select_n3A_969 = arith.select %lt3A_960, %jit3A_968, %select_n3A_967 : i32
      %add3A_970 = arith.constant 3 : i32
      %add3A_971 = arith.addi %squeeze3A, %add3A_970 : i32
      %add3A_972 = arith.constant 0 : i32
      %add3A_973 = arith.addi %squeeze3A_6, %add3A_972 : i32
      %lt3A_974 = arith.cmpi ult, %add3A_971, %squeeze3A : i32
      %convert_element_type3A_975 = arith.extui %lt3A_974 : i1 to i32
      %add3A_976 = arith.addi %add3A_973, %convert_element_type3A_975 : i32
      %lt3A_977 = arith.constant 0 : i32
      %lt3A_978 = arith.cmpi slt, %add3A_976, %lt3A_977 : i32
      %ne3A_979 = arith.constant 0 : i32
      %ne3A_980 = arith.cmpi ne, %add3A_976, %ne3A_979 : i32
      %ge3A_981 = arith.constant 16777216 : i32
      %ge3A_982 = arith.cmpi uge, %add3A_971, %ge3A_981 : i32
      %or3A_983 = arith.ori %ne3A_980, %ge3A_982 : i1
      %jit3A_984 = arith.constant 16777215 : i32
      %select_n3A_985 = arith.select %or3A_983, %jit3A_984, %add3A_971 : i32
      %jit3A_986 = arith.constant 0 : i32
      %select_n3A_987 = arith.select %lt3A_978, %jit3A_986, %select_n3A_985 : i32
      %add3A_988 = arith.constant 4 : i32
      %add3A_989 = arith.addi %squeeze3A, %add3A_988 : i32
      %add3A_990 = arith.constant 0 : i32
      %add3A_991 = arith.addi %squeeze3A_6, %add3A_990 : i32
      %lt3A_992 = arith.cmpi ult, %add3A_989, %squeeze3A : i32
      %convert_element_type3A_993 = arith.extui %lt3A_992 : i1 to i32
      %add3A_994 = arith.addi %add3A_991, %convert_element_type3A_993 : i32
      %lt3A_995 = arith.constant 0 : i32
      %lt3A_996 = arith.cmpi slt, %add3A_994, %lt3A_995 : i32
      %ne3A_997 = arith.constant 0 : i32
      %ne3A_998 = arith.cmpi ne, %add3A_994, %ne3A_997 : i32
      %ge3A_999 = arith.constant 16777216 : i32
      %ge3A_1000 = arith.cmpi uge, %add3A_989, %ge3A_999 : i32
      %or3A_1001 = arith.ori %ne3A_998, %ge3A_1000 : i1
      %jit3A_1002 = arith.constant 16777215 : i32
      %select_n3A_1003 = arith.select %or3A_1001, %jit3A_1002, %add3A_989 : i32
      %jit3A_1004 = arith.constant 0 : i32
      %select_n3A_1005 = arith.select %lt3A_996, %jit3A_1004, %select_n3A_1003 : i32
      %add3A_1006 = arith.constant 5 : i32
      %add3A_1007 = arith.addi %squeeze3A, %add3A_1006 : i32
      %add3A_1008 = arith.constant 0 : i32
      %add3A_1009 = arith.addi %squeeze3A_6, %add3A_1008 : i32
      %lt3A_1010 = arith.cmpi ult, %add3A_1007, %squeeze3A : i32
      %convert_element_type3A_1011 = arith.extui %lt3A_1010 : i1 to i32
      %add3A_1012 = arith.addi %add3A_1009, %convert_element_type3A_1011 : i32
      %lt3A_1013 = arith.constant 0 : i32
      %lt3A_1014 = arith.cmpi slt, %add3A_1012, %lt3A_1013 : i32
      %ne3A_1015 = arith.constant 0 : i32
      %ne3A_1016 = arith.cmpi ne, %add3A_1012, %ne3A_1015 : i32
      %ge3A_1017 = arith.constant 16777216 : i32
      %ge3A_1018 = arith.cmpi uge, %add3A_1007, %ge3A_1017 : i32
      %or3A_1019 = arith.ori %ne3A_1016, %ge3A_1018 : i1
      %jit3A_1020 = arith.constant 16777215 : i32
      %select_n3A_1021 = arith.select %or3A_1019, %jit3A_1020, %add3A_1007 : i32
      %jit3A_1022 = arith.constant 0 : i32
      %select_n3A_1023 = arith.select %lt3A_1014, %jit3A_1022, %select_n3A_1021 : i32
      %add3A_1024 = arith.constant 6 : i32
      %add3A_1025 = arith.addi %squeeze3A, %add3A_1024 : i32
      %add3A_1026 = arith.constant 0 : i32
      %add3A_1027 = arith.addi %squeeze3A_6, %add3A_1026 : i32
      %lt3A_1028 = arith.cmpi ult, %add3A_1025, %squeeze3A : i32
      %convert_element_type3A_1029 = arith.extui %lt3A_1028 : i1 to i32
      %add3A_1030 = arith.addi %add3A_1027, %convert_element_type3A_1029 : i32
      %lt3A_1031 = arith.constant 0 : i32
      %lt3A_1032 = arith.cmpi slt, %add3A_1030, %lt3A_1031 : i32
      %ne3A_1033 = arith.constant 0 : i32
      %ne3A_1034 = arith.cmpi ne, %add3A_1030, %ne3A_1033 : i32
      %ge3A_1035 = arith.constant 16777216 : i32
      %ge3A_1036 = arith.cmpi uge, %add3A_1025, %ge3A_1035 : i32
      %or3A_1037 = arith.ori %ne3A_1034, %ge3A_1036 : i1
      %jit3A_1038 = arith.constant 16777215 : i32
      %select_n3A_1039 = arith.select %or3A_1037, %jit3A_1038, %add3A_1025 : i32
      %jit3A_1040 = arith.constant 0 : i32
      %select_n3A_1041 = arith.select %lt3A_1032, %jit3A_1040, %select_n3A_1039 : i32
      %add3A_1042 = arith.constant 7 : i32
      %add3A_1043 = arith.addi %squeeze3A, %add3A_1042 : i32
      %add3A_1044 = arith.constant 0 : i32
      %add3A_1045 = arith.addi %squeeze3A_6, %add3A_1044 : i32
      %lt3A_1046 = arith.cmpi ult, %add3A_1043, %squeeze3A : i32
      %convert_element_type3A_1047 = arith.extui %lt3A_1046 : i1 to i32
      %add3A_1048 = arith.addi %add3A_1045, %convert_element_type3A_1047 : i32
      %lt3A_1049 = arith.constant 0 : i32
      %lt3A_1050 = arith.cmpi slt, %add3A_1048, %lt3A_1049 : i32
      %ne3A_1051 = arith.constant 0 : i32
      %ne3A_1052 = arith.cmpi ne, %add3A_1048, %ne3A_1051 : i32
      %ge3A_1053 = arith.constant 16777216 : i32
      %ge3A_1054 = arith.cmpi uge, %add3A_1043, %ge3A_1053 : i32
      %or3A_1055 = arith.ori %ne3A_1052, %ge3A_1054 : i1
      %jit3A_1056 = arith.constant 16777215 : i32
      %select_n3A_1057 = arith.select %or3A_1055, %jit3A_1056, %add3A_1043 : i32
      %jit3A_1058 = arith.constant 0 : i32
      %select_n3A_1059 = arith.select %lt3A_1050, %jit3A_1058, %select_n3A_1057 : i32
      %broadcast_in_dim3A_1060 = arith.constant 0 : i32
      %broadcast_in_dim3A_1061 = vector.broadcast %broadcast_in_dim3A_1060 : i32 to vector<16xi32>
      %eq3A_1062 = arith.constant 0 : i32
      %eq3A_1063 = vector.broadcast %eq3A_1062 : i32 to vector<16xi32>
      %eq3A_1064 = arith.cmpi eq, %iota3A, %eq3A_1063 : vector<16xi32>
      %broadcast_in_dim3A_1065 = vector.broadcast %select_n3A_789 : i32 to vector<16xi32>
      %select_n3A_1066 = arith.select %eq3A_1064, %broadcast_in_dim3A_1065, %broadcast_in_dim3A_1061 : vector<16xi1>, vector<16xi32>
      %eq3A_1067 = arith.constant 8 : i32
      %eq3A_1068 = vector.broadcast %eq3A_1067 : i32 to vector<16xi32>
      %eq3A_1069 = arith.cmpi eq, %iota3A, %eq3A_1068 : vector<16xi32>
      %broadcast_in_dim3A_1070 = vector.broadcast %select_n3A_933 : i32 to vector<16xi32>
      %select_n3A_1071 = arith.select %eq3A_1069, %broadcast_in_dim3A_1070, %select_n3A_1066 : vector<16xi1>, vector<16xi32>
      %eq3A_1072 = arith.constant 1 : i32
      %eq3A_1073 = vector.broadcast %eq3A_1072 : i32 to vector<16xi32>
      %eq3A_1074 = arith.cmpi eq, %iota3A, %eq3A_1073 : vector<16xi32>
      %broadcast_in_dim3A_1075 = vector.broadcast %select_n3A_807 : i32 to vector<16xi32>
      %select_n3A_1076 = arith.select %eq3A_1074, %broadcast_in_dim3A_1075, %select_n3A_1071 : vector<16xi1>, vector<16xi32>
      %eq3A_1077 = arith.constant 9 : i32
      %eq3A_1078 = vector.broadcast %eq3A_1077 : i32 to vector<16xi32>
      %eq3A_1079 = arith.cmpi eq, %iota3A, %eq3A_1078 : vector<16xi32>
      %broadcast_in_dim3A_1080 = vector.broadcast %select_n3A_951 : i32 to vector<16xi32>
      %select_n3A_1081 = arith.select %eq3A_1079, %broadcast_in_dim3A_1080, %select_n3A_1076 : vector<16xi1>, vector<16xi32>
      %eq3A_1082 = arith.constant 2 : i32
      %eq3A_1083 = vector.broadcast %eq3A_1082 : i32 to vector<16xi32>
      %eq3A_1084 = arith.cmpi eq, %iota3A, %eq3A_1083 : vector<16xi32>
      %broadcast_in_dim3A_1085 = vector.broadcast %select_n3A_825 : i32 to vector<16xi32>
      %select_n3A_1086 = arith.select %eq3A_1084, %broadcast_in_dim3A_1085, %select_n3A_1081 : vector<16xi1>, vector<16xi32>
      %eq3A_1087 = arith.constant 10 : i32
      %eq3A_1088 = vector.broadcast %eq3A_1087 : i32 to vector<16xi32>
      %eq3A_1089 = arith.cmpi eq, %iota3A, %eq3A_1088 : vector<16xi32>
      %broadcast_in_dim3A_1090 = vector.broadcast %select_n3A_969 : i32 to vector<16xi32>
      %select_n3A_1091 = arith.select %eq3A_1089, %broadcast_in_dim3A_1090, %select_n3A_1086 : vector<16xi1>, vector<16xi32>
      %eq3A_1092 = arith.constant 3 : i32
      %eq3A_1093 = vector.broadcast %eq3A_1092 : i32 to vector<16xi32>
      %eq3A_1094 = arith.cmpi eq, %iota3A, %eq3A_1093 : vector<16xi32>
      %broadcast_in_dim3A_1095 = vector.broadcast %select_n3A_843 : i32 to vector<16xi32>
      %select_n3A_1096 = arith.select %eq3A_1094, %broadcast_in_dim3A_1095, %select_n3A_1091 : vector<16xi1>, vector<16xi32>
      %eq3A_1097 = arith.constant 11 : i32
      %eq3A_1098 = vector.broadcast %eq3A_1097 : i32 to vector<16xi32>
      %eq3A_1099 = arith.cmpi eq, %iota3A, %eq3A_1098 : vector<16xi32>
      %broadcast_in_dim3A_1100 = vector.broadcast %select_n3A_987 : i32 to vector<16xi32>
      %select_n3A_1101 = arith.select %eq3A_1099, %broadcast_in_dim3A_1100, %select_n3A_1096 : vector<16xi1>, vector<16xi32>
      %eq3A_1102 = arith.constant 4 : i32
      %eq3A_1103 = vector.broadcast %eq3A_1102 : i32 to vector<16xi32>
      %eq3A_1104 = arith.cmpi eq, %iota3A, %eq3A_1103 : vector<16xi32>
      %broadcast_in_dim3A_1105 = vector.broadcast %select_n3A_861 : i32 to vector<16xi32>
      %select_n3A_1106 = arith.select %eq3A_1104, %broadcast_in_dim3A_1105, %select_n3A_1101 : vector<16xi1>, vector<16xi32>
      %eq3A_1107 = arith.constant 12 : i32
      %eq3A_1108 = vector.broadcast %eq3A_1107 : i32 to vector<16xi32>
      %eq3A_1109 = arith.cmpi eq, %iota3A, %eq3A_1108 : vector<16xi32>
      %broadcast_in_dim3A_1110 = vector.broadcast %select_n3A_1005 : i32 to vector<16xi32>
      %select_n3A_1111 = arith.select %eq3A_1109, %broadcast_in_dim3A_1110, %select_n3A_1106 : vector<16xi1>, vector<16xi32>
      %eq3A_1112 = arith.constant 5 : i32
      %eq3A_1113 = vector.broadcast %eq3A_1112 : i32 to vector<16xi32>
      %eq3A_1114 = arith.cmpi eq, %iota3A, %eq3A_1113 : vector<16xi32>
      %broadcast_in_dim3A_1115 = vector.broadcast %select_n3A_879 : i32 to vector<16xi32>
      %select_n3A_1116 = arith.select %eq3A_1114, %broadcast_in_dim3A_1115, %select_n3A_1111 : vector<16xi1>, vector<16xi32>
      %eq3A_1117 = arith.constant 13 : i32
      %eq3A_1118 = vector.broadcast %eq3A_1117 : i32 to vector<16xi32>
      %eq3A_1119 = arith.cmpi eq, %iota3A, %eq3A_1118 : vector<16xi32>
      %broadcast_in_dim3A_1120 = vector.broadcast %select_n3A_1023 : i32 to vector<16xi32>
      %select_n3A_1121 = arith.select %eq3A_1119, %broadcast_in_dim3A_1120, %select_n3A_1116 : vector<16xi1>, vector<16xi32>
      %eq3A_1122 = arith.constant 6 : i32
      %eq3A_1123 = vector.broadcast %eq3A_1122 : i32 to vector<16xi32>
      %eq3A_1124 = arith.cmpi eq, %iota3A, %eq3A_1123 : vector<16xi32>
      %broadcast_in_dim3A_1125 = vector.broadcast %select_n3A_897 : i32 to vector<16xi32>
      %select_n3A_1126 = arith.select %eq3A_1124, %broadcast_in_dim3A_1125, %select_n3A_1121 : vector<16xi1>, vector<16xi32>
      %eq3A_1127 = arith.constant 14 : i32
      %eq3A_1128 = vector.broadcast %eq3A_1127 : i32 to vector<16xi32>
      %eq3A_1129 = arith.cmpi eq, %iota3A, %eq3A_1128 : vector<16xi32>
      %broadcast_in_dim3A_1130 = vector.broadcast %select_n3A_1041 : i32 to vector<16xi32>
      %select_n3A_1131 = arith.select %eq3A_1129, %broadcast_in_dim3A_1130, %select_n3A_1126 : vector<16xi1>, vector<16xi32>
      %eq3A_1132 = arith.constant 7 : i32
      %eq3A_1133 = vector.broadcast %eq3A_1132 : i32 to vector<16xi32>
      %eq3A_1134 = arith.cmpi eq, %iota3A, %eq3A_1133 : vector<16xi32>
      %broadcast_in_dim3A_1135 = vector.broadcast %select_n3A_915 : i32 to vector<16xi32>
      %select_n3A_1136 = arith.select %eq3A_1134, %broadcast_in_dim3A_1135, %select_n3A_1131 : vector<16xi1>, vector<16xi32>
      %eq3A_1137 = arith.constant 15 : i32
      %eq3A_1138 = vector.broadcast %eq3A_1137 : i32 to vector<16xi32>
      %eq3A_1139 = arith.cmpi eq, %iota3A, %eq3A_1138 : vector<16xi32>
      %broadcast_in_dim3A_1140 = vector.broadcast %select_n3A_1059 : i32 to vector<16xi32>
      %select_n3A_1141 = arith.select %eq3A_1139, %broadcast_in_dim3A_1140, %select_n3A_1136 : vector<16xi1>, vector<16xi32>
      %swap3A_1142 = arith.constant 0 : index
      %swap3A_1143 = tpu.vector_load %arg8[%swap3A_1142] {strides = array<i32>} : memref<16xi32, #tpu.memory_space<vmem>>, vector<16xi32>,
      %swap3A_1144 = vector.shape_cast %swap3A_1143 : vector<16xi32> to vector<16xi32>
      %swap3A_1145 = vector.shape_cast %select_n3A_1141 : vector<16xi32> to vector<16xi32>
      tpu.vector_store %arg8[%swap3A_1142], %swap3A_1145 {strides = array<i32>} : memref<16xi32, #tpu.memory_space<vmem>>, vector<16xi32>,
      %dma_start3A_1146 = arith.constant 0 : i32
      %dma_start3A_1147 = tpu.memref_slice %arg3[%dma_start3A_1146] : memref<16777216xi32, #tpu.memory_space<hbm>> -> memref<16777216xi32, #tpu.memory_space<hbm>>
      tpu.enqueue_indirect_dma source(%dma_start3A_1147 : memref<16777216xi32, #tpu.memory_space<hbm>>) target(%arg11 : memref<16xi32, #tpu.memory_space<vmem>>) offsets(%arg8 : memref<16xi32, #tpu.memory_space<vmem>>) semaphore(%arg16 : memref<!tpu.dma_semaphore, #tpu.memory_space<semaphore_mem>>)
      %dma_wait3A_1148 = arith.constant 0 : i32
      %dma_wait3A_1149 = tpu.memref_slice %arg3[%dma_wait3A_1148] : memref<16777216xi32, #tpu.memory_space<hbm>> -> memref<16777216xi32, #tpu.memory_space<hbm>>
      tpu.wait_indirect_dma semaphore(%arg16 : memref<!tpu.dma_semaphore, #tpu.memory_space<semaphore_mem>>) src(%dma_wait3A_1149 : memref<16777216xi32, #tpu.memory_space<hbm>>) dst(%arg11 : memref<16xi32, #tpu.memory_space<vmem>>)
      %get3A_1150 = arith.constant 0 : index
      %get3A_1151 = tpu.vector_load %arg9[%get3A_1150] {strides = array<i32>} : memref<16xi32, #tpu.memory_space<vmem>>, vector<16xi32>,
      %get3A_1152 = vector.shape_cast %get3A_1151 : vector<16xi32> to vector<16xi32>
      %get3A_1153 = arith.constant 0 : index
      %get3A_1154 = tpu.vector_load %arg10[%get3A_1153] {strides = array<i32>} : memref<16xi32, #tpu.memory_space<vmem>>, vector<16xi32>,
      %get3A_1155 = vector.shape_cast %get3A_1154 : vector<16xi32> to vector<16xi32>
      %get3A_1156 = arith.constant 0 : index
      %get3A_1157 = tpu.vector_load %arg11[%get3A_1156] {strides = array<i32>} : memref<16xi32, #tpu.memory_space<vmem>>, vector<16xi32>,
      %get3A_1158 = vector.shape_cast %get3A_1157 : vector<16xi32> to vector<16xi32>
      %slice3A_1159 = vector.extract_strided_slice %get3A_1152 {offsets = [0], sizes = [1], strides = [1]} : vector<16xi32> to vector<1xi32>
      %squeeze3A_1160 = vector.extract %slice3A_1159[0] : i32 from vector<1xi32>
      %slice3A_1161 = vector.extract_strided_slice %get3A_1152 {offsets = [1], sizes = [1], strides = [1]} : vector<16xi32> to vector<1xi32>
      %squeeze3A_1162 = vector.extract %slice3A_1161[0] : i32 from vector<1xi32>
      %slice3A_1163 = vector.extract_strided_slice %get3A_1152 {offsets = [2], sizes = [1], strides = [1]} : vector<16xi32> to vector<1xi32>
      %squeeze3A_1164 = vector.extract %slice3A_1163[0] : i32 from vector<1xi32>
      %slice3A_1165 = vector.extract_strided_slice %get3A_1152 {offsets = [3], sizes = [1], strides = [1]} : vector<16xi32> to vector<1xi32>
      %squeeze3A_1166 = vector.extract %slice3A_1165[0] : i32 from vector<1xi32>
      %slice3A_1167 = vector.extract_strided_slice %get3A_1152 {offsets = [4], sizes = [1], strides = [1]} : vector<16xi32> to vector<1xi32>
      %squeeze3A_1168 = vector.extract %slice3A_1167[0] : i32 from vector<1xi32>
      %slice3A_1169 = vector.extract_strided_slice %get3A_1152 {offsets = [5], sizes = [1], strides = [1]} : vector<16xi32> to vector<1xi32>
      %squeeze3A_1170 = vector.extract %slice3A_1169[0] : i32 from vector<1xi32>
      %slice3A_1171 = vector.extract_strided_slice %get3A_1152 {offsets = [6], sizes = [1], strides = [1]} : vector<16xi32> to vector<1xi32>
      %squeeze3A_1172 = vector.extract %slice3A_1171[0] : i32 from vector<1xi32>
      %slice3A_1173 = vector.extract_strided_slice %get3A_1152 {offsets = [7], sizes = [1], strides = [1]} : vector<16xi32> to vector<1xi32>
      %squeeze3A_1174 = vector.extract %slice3A_1173[0] : i32 from vector<1xi32>
      %slice3A_1175 = vector.extract_strided_slice %get3A_1152 {offsets = [8], sizes = [1], strides = [1]} : vector<16xi32> to vector<1xi32>
      %squeeze3A_1176 = vector.extract %slice3A_1175[0] : i32 from vector<1xi32>
      %slice3A_1177 = vector.extract_strided_slice %get3A_1152 {offsets = [9], sizes = [1], strides = [1]} : vector<16xi32> to vector<1xi32>
      %squeeze3A_1178 = vector.extract %slice3A_1177[0] : i32 from vector<1xi32>
      %slice3A_1179 = vector.extract_strided_slice %get3A_1152 {offsets = [10], sizes = [1], strides = [1]} : vector<16xi32> to vector<1xi32>
      %squeeze3A_1180 = vector.extract %slice3A_1179[0] : i32 from vector<1xi32>
      %slice3A_1181 = vector.extract_strided_slice %get3A_1152 {offsets = [11], sizes = [1], strides = [1]} : vector<16xi32> to vector<1xi32>
      %squeeze3A_1182 = vector.extract %slice3A_1181[0] : i32 from vector<1xi32>
      %slice3A_1183 = vector.extract_strided_slice %get3A_1152 {offsets = [12], sizes = [1], strides = [1]} : vector<16xi32> to vector<1xi32>
      %squeeze3A_1184 = vector.extract %slice3A_1183[0] : i32 from vector<1xi32>
      %slice3A_1185 = vector.extract_strided_slice %get3A_1152 {offsets = [13], sizes = [1], strides = [1]} : vector<16xi32> to vector<1xi32>
      %squeeze3A_1186 = vector.extract %slice3A_1185[0] : i32 from vector<1xi32>
      %slice3A_1187 = vector.extract_strided_slice %get3A_1152 {offsets = [14], sizes = [1], strides = [1]} : vector<16xi32> to vector<1xi32>
      %squeeze3A_1188 = vector.extract %slice3A_1187[0] : i32 from vector<1xi32>
      %slice3A_1189 = vector.extract_strided_slice %get3A_1152 {offsets = [15], sizes = [1], strides = [1]} : vector<16xi32> to vector<1xi32>
      %squeeze3A_1190 = vector.extract %slice3A_1189[0] : i32 from vector<1xi32>
      %slice3A_1191 = vector.extract_strided_slice %get3A_1155 {offsets = [0], sizes = [1], strides = [1]} : vector<16xi32> to vector<1xi32>
      %squeeze3A_1192 = vector.extract %slice3A_1191[0] : i32 from vector<1xi32>
      %slice3A_1193 = vector.extract_strided_slice %get3A_1155 {offsets = [1], sizes = [1], strides = [1]} : vector<16xi32> to vector<1xi32>
      %squeeze3A_1194 = vector.extract %slice3A_1193[0] : i32 from vector<1xi32>
      %slice3A_1195 = vector.extract_strided_slice %get3A_1155 {offsets = [2], sizes = [1], strides = [1]} : vector<16xi32> to vector<1xi32>
      %squeeze3A_1196 = vector.extract %slice3A_1195[0] : i32 from vector<1xi32>
      %slice3A_1197 = vector.extract_strided_slice %get3A_1155 {offsets = [3], sizes = [1], strides = [1]} : vector<16xi32> to vector<1xi32>
      %squeeze3A_1198 = vector.extract %slice3A_1197[0] : i32 from vector<1xi32>
      %slice3A_1199 = vector.extract_strided_slice %get3A_1155 {offsets = [4], sizes = [1], strides = [1]} : vector<16xi32> to vector<1xi32>
      %squeeze3A_1200 = vector.extract %slice3A_1199[0] : i32 from vector<1xi32>
      %slice3A_1201 = vector.extract_strided_slice %get3A_1155 {offsets = [5], sizes = [1], strides = [1]} : vector<16xi32> to vector<1xi32>
      %squeeze3A_1202 = vector.extract %slice3A_1201[0] : i32 from vector<1xi32>
      %slice3A_1203 = vector.extract_strided_slice %get3A_1155 {offsets = [6], sizes = [1], strides = [1]} : vector<16xi32> to vector<1xi32>
      %squeeze3A_1204 = vector.extract %slice3A_1203[0] : i32 from vector<1xi32>
      %slice3A_1205 = vector.extract_strided_slice %get3A_1155 {offsets = [7], sizes = [1], strides = [1]} : vector<16xi32> to vector<1xi32>
      %squeeze3A_1206 = vector.extract %slice3A_1205[0] : i32 from vector<1xi32>
      %slice3A_1207 = vector.extract_strided_slice %get3A_1155 {offsets = [8], sizes = [1], strides = [1]} : vector<16xi32> to vector<1xi32>
      %squeeze3A_1208 = vector.extract %slice3A_1207[0] : i32 from vector<1xi32>
      %slice3A_1209 = vector.extract_strided_slice %get3A_1155 {offsets = [9], sizes = [1], strides = [1]} : vector<16xi32> to vector<1xi32>
      %squeeze3A_1210 = vector.extract %slice3A_1209[0] : i32 from vector<1xi32>
      %slice3A_1211 = vector.extract_strided_slice %get3A_1155 {offsets = [10], sizes = [1], strides = [1]} : vector<16xi32> to vector<1xi32>
      %squeeze3A_1212 = vector.extract %slice3A_1211[0] : i32 from vector<1xi32>
      %slice3A_1213 = vector.extract_strided_slice %get3A_1155 {offsets = [11], sizes = [1], strides = [1]} : vector<16xi32> to vector<1xi32>
      %squeeze3A_1214 = vector.extract %slice3A_1213[0] : i32 from vector<1xi32>
      %slice3A_1215 = vector.extract_strided_slice %get3A_1155 {offsets = [12], sizes = [1], strides = [1]} : vector<16xi32> to vector<1xi32>
      %squeeze3A_1216 = vector.extract %slice3A_1215[0] : i32 from vector<1xi32>
      %slice3A_1217 = vector.extract_strided_slice %get3A_1155 {offsets = [13], sizes = [1], strides = [1]} : vector<16xi32> to vector<1xi32>
      %squeeze3A_1218 = vector.extract %slice3A_1217[0] : i32 from vector<1xi32>
      %slice3A_1219 = vector.extract_strided_slice %get3A_1155 {offsets = [14], sizes = [1], strides = [1]} : vector<16xi32> to vector<1xi32>
      %squeeze3A_1220 = vector.extract %slice3A_1219[0] : i32 from vector<1xi32>
      %slice3A_1221 = vector.extract_strided_slice %get3A_1155 {offsets = [15], sizes = [1], strides = [1]} : vector<16xi32> to vector<1xi32>
      %squeeze3A_1222 = vector.extract %slice3A_1221[0] : i32 from vector<1xi32>
      %slice3A_1223 = vector.extract_strided_slice %get3A_1158 {offsets = [0], sizes = [1], strides = [1]} : vector<16xi32> to vector<1xi32>
      %squeeze3A_1224 = vector.extract %slice3A_1223[0] : i32 from vector<1xi32>
      %slice3A_1225 = vector.extract_strided_slice %get3A_1158 {offsets = [1], sizes = [1], strides = [1]} : vector<16xi32> to vector<1xi32>
      %squeeze3A_1226 = vector.extract %slice3A_1225[0] : i32 from vector<1xi32>
      %slice3A_1227 = vector.extract_strided_slice %get3A_1158 {offsets = [2], sizes = [1], strides = [1]} : vector<16xi32> to vector<1xi32>
      %squeeze3A_1228 = vector.extract %slice3A_1227[0] : i32 from vector<1xi32>
      %slice3A_1229 = vector.extract_strided_slice %get3A_1158 {offsets = [3], sizes = [1], strides = [1]} : vector<16xi32> to vector<1xi32>
      %squeeze3A_1230 = vector.extract %slice3A_1229[0] : i32 from vector<1xi32>
      %slice3A_1231 = vector.extract_strided_slice %get3A_1158 {offsets = [4], sizes = [1], strides = [1]} : vector<16xi32> to vector<1xi32>
      %squeeze3A_1232 = vector.extract %slice3A_1231[0] : i32 from vector<1xi32>
      %slice3A_1233 = vector.extract_strided_slice %get3A_1158 {offsets = [5], sizes = [1], strides = [1]} : vector<16xi32> to vector<1xi32>
      %squeeze3A_1234 = vector.extract %slice3A_1233[0] : i32 from vector<1xi32>
      %slice3A_1235 = vector.extract_strided_slice %get3A_1158 {offsets = [6], sizes = [1], strides = [1]} : vector<16xi32> to vector<1xi32>
      %squeeze3A_1236 = vector.extract %slice3A_1235[0] : i32 from vector<1xi32>
      %slice3A_1237 = vector.extract_strided_slice %get3A_1158 {offsets = [7], sizes = [1], strides = [1]} : vector<16xi32> to vector<1xi32>
      %squeeze3A_1238 = vector.extract %slice3A_1237[0] : i32 from vector<1xi32>
      %add3A_1239 = arith.constant 0 : i32
      %add3A_1240 = arith.constant 1 : i32
      %add3A_1241 = arith.addi %add3A_1239, %add3A_1240 : i32
      %shift_left3A = arith.constant 8 : i32
      %shift_left3A_1242 = arith.shli %squeeze3A_1162, %shift_left3A : i32
      %or3A_1243 = arith.ori %squeeze3A_1160, %shift_left3A_1242 : i32
      %shift_left3A_1244 = arith.constant 16 : i32
      %shift_left3A_1245 = arith.shli %squeeze3A_1164, %shift_left3A_1244 : i32
      %or3A_1246 = arith.ori %or3A_1243, %shift_left3A_1245 : i32
      %shift_left3A_1247 = arith.constant 24 : i32
      %shift_left3A_1248 = arith.shli %squeeze3A_1166, %shift_left3A_1247 : i32
      %or3A_1249 = arith.ori %or3A_1246, %shift_left3A_1248 : i32
      %shift_left3A_1250 = arith.constant 8 : i32
      %shift_left3A_1251 = arith.shli %squeeze3A_1170, %shift_left3A_1250 : i32
      %or3A_1252 = arith.ori %squeeze3A_1168, %shift_left3A_1251 : i32
      %shift_left3A_1253 = arith.constant 16 : i32
      %shift_left3A_1254 = arith.shli %squeeze3A_1172, %shift_left3A_1253 : i32
      %or3A_1255 = arith.ori %or3A_1252, %shift_left3A_1254 : i32
      %shift_left3A_1256 = arith.constant 24 : i32
      %shift_left3A_1257 = arith.shli %squeeze3A_1174, %shift_left3A_1256 : i32
      %or3A_1258 = arith.ori %or3A_1255, %shift_left3A_1257 : i32
      %shift_right_logical3A = arith.constant 8 : i32
      %shift_right_logical3A_1259 = arith.shrui %or3A_1249, %shift_right_logical3A : i32
      %shift_left3A_1260 = arith.constant 24 : i32
      %shift_left3A_1261 = arith.shli %or3A_1258, %shift_left3A_1260 : i32
      %or3A_1262 = arith.ori %shift_right_logical3A_1259, %shift_left3A_1261 : i32
      %shift_right_arithmetic3A = arith.constant 8 : i32
      %shift_right_arithmetic3A_1263 = arith.shrsi %or3A_1258, %shift_right_arithmetic3A : i32
      %shift_left3A_1264 = arith.constant 8 : i32
      %shift_left3A_1265 = arith.shli %squeeze3A_1178, %shift_left3A_1264 : i32
      %or3A_1266 = arith.ori %squeeze3A_1176, %shift_left3A_1265 : i32
      %shift_left3A_1267 = arith.constant 16 : i32
      %shift_left3A_1268 = arith.shli %squeeze3A_1180, %shift_left3A_1267 : i32
      %or3A_1269 = arith.ori %or3A_1266, %shift_left3A_1268 : i32
      %shift_left3A_1270 = arith.constant 24 : i32
      %shift_left3A_1271 = arith.shli %squeeze3A_1182, %shift_left3A_1270 : i32
      %or3A_1272 = arith.ori %or3A_1269, %shift_left3A_1271 : i32
      %shift_left3A_1273 = arith.constant 8 : i32
      %shift_left3A_1274 = arith.shli %squeeze3A_1186, %shift_left3A_1273 : i32
      %or3A_1275 = arith.ori %squeeze3A_1184, %shift_left3A_1274 : i32
      %shift_left3A_1276 = arith.constant 16 : i32
      %shift_left3A_1277 = arith.shli %squeeze3A_1188, %shift_left3A_1276 : i32
      %or3A_1278 = arith.ori %or3A_1275, %shift_left3A_1277 : i32
      %shift_left3A_1279 = arith.constant 24 : i32
      %shift_left3A_1280 = arith.shli %squeeze3A_1190, %shift_left3A_1279 : i32
      %or3A_1281 = arith.ori %or3A_1278, %shift_left3A_1280 : i32
      %shift_left3A_1282 = arith.constant 8 : i32
      %shift_left3A_1283 = arith.shli %squeeze3A_1194, %shift_left3A_1282 : i32
      %or3A_1284 = arith.ori %squeeze3A_1192, %shift_left3A_1283 : i32
      %shift_left3A_1285 = arith.constant 16 : i32
      %shift_left3A_1286 = arith.shli %squeeze3A_1196, %shift_left3A_1285 : i32
      %or3A_1287 = arith.ori %or3A_1284, %shift_left3A_1286 : i32
      %shift_left3A_1288 = arith.constant 24 : i32
      %shift_left3A_1289 = arith.shli %squeeze3A_1198, %shift_left3A_1288 : i32
      %or3A_1290 = arith.ori %or3A_1287, %shift_left3A_1289 : i32
      %shift_left3A_1291 = arith.constant 8 : i32
      %shift_left3A_1292 = arith.shli %squeeze3A_1202, %shift_left3A_1291 : i32
      %or3A_1293 = arith.ori %squeeze3A_1200, %shift_left3A_1292 : i32
      %shift_left3A_1294 = arith.constant 16 : i32
      %shift_left3A_1295 = arith.shli %squeeze3A_1204, %shift_left3A_1294 : i32
      %or3A_1296 = arith.ori %or3A_1293, %shift_left3A_1295 : i32
      %shift_left3A_1297 = arith.constant 24 : i32
      %shift_left3A_1298 = arith.shli %squeeze3A_1206, %shift_left3A_1297 : i32
      %or3A_1299 = arith.ori %or3A_1296, %shift_left3A_1298 : i32
      %shift_left3A_1300 = arith.constant 8 : i32
      %shift_left3A_1301 = arith.shli %squeeze3A_1210, %shift_left3A_1300 : i32
      %or3A_1302 = arith.ori %squeeze3A_1208, %shift_left3A_1301 : i32
      %shift_left3A_1303 = arith.constant 16 : i32
      %shift_left3A_1304 = arith.shli %squeeze3A_1212, %shift_left3A_1303 : i32
      %or3A_1305 = arith.ori %or3A_1302, %shift_left3A_1304 : i32
      %shift_left3A_1306 = arith.constant 24 : i32
      %shift_left3A_1307 = arith.shli %squeeze3A_1214, %shift_left3A_1306 : i32
      %or3A_1308 = arith.ori %or3A_1305, %shift_left3A_1307 : i32
      %shift_left3A_1309 = arith.constant 8 : i32
      %shift_left3A_1310 = arith.shli %squeeze3A_1218, %shift_left3A_1309 : i32
      %or3A_1311 = arith.ori %squeeze3A_1216, %shift_left3A_1310 : i32
      %shift_left3A_1312 = arith.constant 16 : i32
      %shift_left3A_1313 = arith.shli %squeeze3A_1220, %shift_left3A_1312 : i32
      %or3A_1314 = arith.ori %or3A_1311, %shift_left3A_1313 : i32
      %shift_left3A_1315 = arith.constant 24 : i32
      %shift_left3A_1316 = arith.shli %squeeze3A_1222, %shift_left3A_1315 : i32
      %or3A_1317 = arith.ori %or3A_1314, %shift_left3A_1316 : i32
      %shift_left3A_1318 = arith.constant 8 : i32
      %shift_left3A_1319 = arith.shli %squeeze3A_1226, %shift_left3A_1318 : i32
      %or3A_1320 = arith.ori %squeeze3A_1224, %shift_left3A_1319 : i32
      %shift_left3A_1321 = arith.constant 16 : i32
      %shift_left3A_1322 = arith.shli %squeeze3A_1228, %shift_left3A_1321 : i32
      %or3A_1323 = arith.ori %or3A_1320, %shift_left3A_1322 : i32
      %shift_left3A_1324 = arith.constant 24 : i32
      %shift_left3A_1325 = arith.shli %squeeze3A_1230, %shift_left3A_1324 : i32
      %or3A_1326 = arith.ori %or3A_1323, %shift_left3A_1325 : i32
      %shift_left3A_1327 = arith.constant 8 : i32
      %shift_left3A_1328 = arith.shli %squeeze3A_1234, %shift_left3A_1327 : i32
      %or3A_1329 = arith.ori %squeeze3A_1232, %shift_left3A_1328 : i32
      %shift_left3A_1330 = arith.constant 16 : i32
      %shift_left3A_1331 = arith.shli %squeeze3A_1236, %shift_left3A_1330 : i32
      %or3A_1332 = arith.ori %or3A_1329, %shift_left3A_1331 : i32
      %shift_left3A_1333 = arith.constant 24 : i32
      %shift_left3A_1334 = arith.shli %squeeze3A_1238, %shift_left3A_1333 : i32
      %or3A_1335 = arith.ori %or3A_1332, %shift_left3A_1334 : i32
      %add3A_1336 = arith.constant 8 : i32
      %add3A_1337 = arith.addi %squeeze3A, %add3A_1336 : i32
      %add3A_1338 = arith.constant 0 : i32
      %add3A_1339 = arith.addi %squeeze3A_6, %add3A_1338 : i32
      %lt3A_1340 = arith.cmpi ult, %add3A_1337, %squeeze3A : i32
      %convert_element_type3A_1341 = arith.extui %lt3A_1340 : i1 to i32
      %add3A_1342 = arith.addi %add3A_1339, %convert_element_type3A_1341 : i32
      %sub3A = arith.constant 8 : i32
      %sub3A_1343 = arith.subi %squeeze3A_8, %sub3A : i32
      %sub3A_1344 = arith.constant 0 : i32
      %sub3A_1345 = arith.subi %squeeze3A_10, %sub3A_1344 : i32
      %lt3A_1346 = arith.constant 8 : i32
      %lt3A_1347 = arith.cmpi ult, %squeeze3A_8, %lt3A_1346 : i32
      %convert_element_type3A_1348 = arith.extui %lt3A_1347 : i1 to i32
      %sub3A_1349 = arith.subi %sub3A_1345, %convert_element_type3A_1348 : i32
      %add3A_1350 = arith.constant 8 : i32
      %add3A_1351 = arith.addi %squeeze3A_8, %add3A_1350 : i32
      %add3A_1352 = arith.constant 0 : i32
      %add3A_1353 = arith.addi %squeeze3A_10, %add3A_1352 : i32
      %lt3A_1354 = arith.cmpi ult, %add3A_1351, %squeeze3A_8 : i32
      %convert_element_type3A_1355 = arith.extui %lt3A_1354 : i1 to i32
      %add3A_1356 = arith.addi %add3A_1353, %convert_element_type3A_1355 : i32
      %add3A_1357 = arith.addi %squeeze3A_8, %or3A_1262 : i32
      %add3A_1358 = arith.addi %squeeze3A_10, %shift_right_arithmetic3A_1263 : i32
      %lt3A_1359 = arith.cmpi ult, %add3A_1357, %squeeze3A_8 : i32
      %convert_element_type3A_1360 = arith.extui %lt3A_1359 : i1 to i32
      %add3A_1361 = arith.addi %add3A_1358, %convert_element_type3A_1360 : i32
      %sub3A_1362 = arith.subi %sub3A_1343, %or3A_1262 : i32
      %sub3A_1363 = arith.subi %sub3A_1349, %shift_right_arithmetic3A_1263 : i32
      %lt3A_1364 = arith.cmpi ult, %sub3A_1343, %or3A_1262 : i32
      %convert_element_type3A_1365 = arith.extui %lt3A_1364 : i1 to i32
      %sub3A_1366 = arith.subi %sub3A_1363, %convert_element_type3A_1365 : i32
      %add3A_1367 = arith.constant 16 : i32
      %add3A_1368 = arith.addi %squeeze3A_12, %add3A_1367 : i32
      %add3A_1369 = arith.constant 0 : i32
      %add3A_1370 = arith.addi %squeeze3A_14, %add3A_1369 : i32
      %lt3A_1371 = arith.cmpi ult, %add3A_1368, %squeeze3A_12 : i32
      %convert_element_type3A_1372 = arith.extui %lt3A_1371 : i1 to i32
      %add3A_1373 = arith.addi %add3A_1370, %convert_element_type3A_1372 : i32
      %add3A_1374 = arith.addi %squeeze3A_12, %or3A_1262 : i32
      %add3A_1375 = arith.addi %squeeze3A_14, %shift_right_arithmetic3A_1263 : i32
      %lt3A_1376 = arith.cmpi ult, %add3A_1374, %squeeze3A_12 : i32
      %convert_element_type3A_1377 = arith.extui %lt3A_1376 : i1 to i32
      %add3A_1378 = arith.addi %add3A_1375, %convert_element_type3A_1377 : i32
      %or3A_1379 = arith.ori %squeeze3A_16, %squeeze3A_18 : i32
      %eq3A_1380 = arith.constant 0 : i32
      %eq3A_1381 = arith.cmpi eq, %or3A_1379, %eq3A_1380 : i32
      %select_n3A_1382 = arith.select %eq3A_1381, %add3A_1241, %squeeze3A_16 : i32
      %jit3A_1383 = arith.constant 0 : i32
      %select_n3A_1384 = arith.select %eq3A_1381, %jit3A_1383, %squeeze3A_18 : i32
      %add3A_1385 = arith.addi %or3A_1272, %squeeze3A_16 : i32
      %add3A_1386 = arith.addi %or3A_1281, %squeeze3A_18 : i32
      %lt3A_1387 = arith.cmpi ult, %add3A_1385, %or3A_1272 : i32
      %convert_element_type3A_1388 = arith.extui %lt3A_1387 : i1 to i32
      %add3A_1389 = arith.addi %add3A_1386, %convert_element_type3A_1388 : i32
      %sub3A_1390 = arith.subi %or3A_1272, %squeeze3A_16 : i32
      %sub3A_1391 = arith.subi %or3A_1281, %squeeze3A_18 : i32
      %lt3A_1392 = arith.cmpi ult, %or3A_1272, %squeeze3A_16 : i32
      %convert_element_type3A_1393 = arith.extui %lt3A_1392 : i1 to i32
      %sub3A_1394 = arith.subi %sub3A_1391, %convert_element_type3A_1393 : i32
      %and3A = arith.constant 65535 : i32
      %and3A_1395 = arith.andi %or3A_1272, %and3A : i32
      %shift_right_logical3A_1396 = arith.constant 16 : i32
      %shift_right_logical3A_1397 = arith.shrui %or3A_1272, %shift_right_logical3A_1396 : i32
      %and3A_1398 = arith.constant 65535 : i32
      %and3A_1399 = arith.andi %squeeze3A_16, %and3A_1398 : i32
      %shift_right_logical3A_1400 = arith.constant 16 : i32
      %shift_right_logical3A_1401 = arith.shrui %squeeze3A_16, %shift_right_logical3A_1400 : i32
      %mul3A_1402 = arith.muli %and3A_1395, %and3A_1399 : i32
      %mul3A_1403 = arith.muli %and3A_1395, %shift_right_logical3A_1401 : i32
      %mul3A_1404 = arith.muli %shift_right_logical3A_1397, %and3A_1399 : i32
      %mul3A_1405 = arith.muli %shift_right_logical3A_1397, %shift_right_logical3A_1401 : i32
      %add3A_1406 = arith.addi %mul3A_1403, %mul3A_1404 : i32
      %lt3A_1407 = arith.cmpi ult, %add3A_1406, %mul3A_1403 : i32
      %convert_element_type3A_1408 = arith.extui %lt3A_1407 : i1 to i32
      %shift_left3A_1409 = arith.constant 16 : i32
      %shift_left3A_1410 = arith.shli %add3A_1406, %shift_left3A_1409 : i32
      %add3A_1411 = arith.addi %mul3A_1402, %shift_left3A_1410 : i32
      %lt3A_1412 = arith.cmpi ult, %add3A_1411, %mul3A_1402 : i32
      %convert_element_type3A_1413 = arith.extui %lt3A_1412 : i1 to i32
      %shift_right_logical3A_1414 = arith.constant 16 : i32
      %shift_right_logical3A_1415 = arith.shrui %add3A_1406, %shift_right_logical3A_1414 : i32
      %add3A_1416 = arith.addi %mul3A_1405, %shift_right_logical3A_1415 : i32
      %shift_left3A_1417 = arith.constant 16 : i32
      %shift_left3A_1418 = arith.shli %convert_element_type3A_1408, %shift_left3A_1417 : i32
      %add3A_1419 = arith.addi %add3A_1416, %shift_left3A_1418 : i32
      %add3A_1420 = arith.addi %add3A_1419, %convert_element_type3A_1413 : i32
      %mul3A_1421 = arith.muli %or3A_1272, %squeeze3A_18 : i32
      %add3A_1422 = arith.addi %add3A_1420, %mul3A_1421 : i32
      %mul3A_1423 = arith.muli %or3A_1281, %squeeze3A_16 : i32
      %add3A_1424 = arith.addi %add3A_1422, %mul3A_1423 : i32
      %lt3A_1425 = arith.constant 0 : i32
      %lt3A_1426 = arith.cmpi slt, %or3A_1281, %lt3A_1425 : i32
      %lt3A_1427 = arith.constant 0 : i32
      %lt3A_1428 = arith.cmpi slt, %select_n3A_1384, %lt3A_1427 : i32
      %sub3A_1429 = arith.constant 0 : i32
      %sub3A_1430 = arith.subi %sub3A_1429, %or3A_1272 : i32
      %sub3A_1431 = arith.constant 0 : i32
      %sub3A_1432 = arith.subi %sub3A_1431, %or3A_1281 : i32
      %lt3A_1433 = arith.constant 0 : i32
      %lt3A_1434 = arith.cmpi ult, %lt3A_1433, %or3A_1272 : i32
      %convert_element_type3A_1435 = arith.extui %lt3A_1434 : i1 to i32
      %sub3A_1436 = arith.subi %sub3A_1432, %convert_element_type3A_1435 : i32
      %sub3A_1437 = arith.constant 0 : i32
      %sub3A_1438 = arith.subi %sub3A_1437, %select_n3A_1382 : i32
      %sub3A_1439 = arith.constant 0 : i32
      %sub3A_1440 = arith.subi %sub3A_1439, %select_n3A_1384 : i32
      %lt3A_1441 = arith.constant 0 : i32
      %lt3A_1442 = arith.cmpi ult, %lt3A_1441, %select_n3A_1382 : i32
      %convert_element_type3A_1443 = arith.extui %lt3A_1442 : i1 to i32
      %sub3A_1444 = arith.subi %sub3A_1440, %convert_element_type3A_1443 : i32
      %select_n3A_1445 = arith.select %lt3A_1426, %sub3A_1430, %or3A_1272 : i32
      %select_n3A_1446 = arith.select %lt3A_1426, %sub3A_1436, %or3A_1281 : i32
      %select_n3A_1447 = arith.select %lt3A_1428, %sub3A_1438, %select_n3A_1382 : i32
      %select_n3A_1448 = arith.select %lt3A_1428, %sub3A_1444, %select_n3A_1384 : i32
      %while3A = arith.constant 0 : i32
      %while3A_1449 = arith.constant 64 : i32
      %while3A_1450 = arith.constant 0 : i32
      %while3A_1451 = arith.constant 0 : i32
      %while3A_1452 = arith.constant 0 : i32
      %while3A_1453 = arith.constant 0 : i32
      %while3A_1454 = arith.subi %while3A_1449, %while3A : i32
      %while3A_1455 = arith.addi %while3A, %while3A_1454 : i32
      %while3A_1456 = arith.constant 1 : i32
      %while3A_1457 = arith.divsi %while3A_1454, %while3A_1456 : i32
      %while3A_1458 = arith.muli %while3A_1457, %while3A_1456 : i32
      %while3A_1459 = arith.addi %while3A, %while3A_1458 : i32
      %while3A_1460 = arith.constant 1 : i32
      %while3A_1461:4 = scf.for %while3A_2885 = %while3A to %while3A_1459 step %while3A_1460 iter_args(%while3A_2886 = %while3A_1450, %while3A_2887 = %while3A_1451, %while3A_2888 = %while3A_1452, %while3A_2889 = %while3A_1453) -> (i32, i32, i32, i32)  : i32 {
        %sub3A_2890 = arith.constant 63 : i32
        %sub3A_2891 = arith.subi %sub3A_2890, %while3A_2885 : i32
        %sub3A_2892 = arith.constant 32 : i32
        %sub3A_2893 = arith.subi %sub3A_2891, %sub3A_2892 : i32
        %max3A = arith.constant 0 : i32
        %max3A_2894 = arith.maxsi %sub3A_2893, %max3A : i32
        %min3A_2895 = arith.constant 31 : i32
        %min3A_2896 = arith.minsi %sub3A_2891, %min3A_2895 : i32
        %ge3A_2897 = arith.constant 32 : i32
        %ge3A_2898 = arith.cmpi sge, %sub3A_2891, %ge3A_2897 : i32
        %shift_right_logical3A_2899 = arith.shrui %select_n3A_1446, %max3A_2894 : i32
        %and3A_2900 = arith.constant 1 : i32
        %and3A_2901 = arith.andi %shift_right_logical3A_2899, %and3A_2900 : i32
        %shift_right_logical3A_2902 = arith.shrui %select_n3A_1445, %min3A_2896 : i32
        %and3A_2903 = arith.constant 1 : i32
        %and3A_2904 = arith.andi %shift_right_logical3A_2902, %and3A_2903 : i32
        %select_n3A_2905 = arith.select %ge3A_2898, %and3A_2901, %and3A_2904 : i32
        %shift_left3A_2906 = arith.constant 1 : i32
        %shift_left3A_2907 = arith.shli %while3A_2886, %shift_left3A_2906 : i32
        %or3A_2908 = arith.ori %shift_left3A_2907, %select_n3A_2905 : i32
        %shift_left3A_2909 = arith.constant 1 : i32
        %shift_left3A_2910 = arith.shli %while3A_2887, %shift_left3A_2909 : i32
        %shift_right_logical3A_2911 = arith.constant 31 : i32
        %shift_right_logical3A_2912 = arith.shrui %while3A_2886, %shift_right_logical3A_2911 : i32
        %or3A_2913 = arith.ori %shift_left3A_2910, %shift_right_logical3A_2912 : i32
        %lt3A_2914 = arith.cmpi ult, %or3A_2913, %select_n3A_1448 : i32
        %eq3A_2915 = arith.cmpi eq, %or3A_2913, %select_n3A_1448 : i32
        %lt3A_2916 = arith.cmpi ult, %or3A_2908, %select_n3A_1447 : i32
        %and3A_2917 = arith.andi %eq3A_2915, %lt3A_2916 : i1
        %or3A_2918 = arith.ori %lt3A_2914, %and3A_2917 : i1
        %not3A_2919 = arith.constant true
        %not3A_2920 = arith.xori %or3A_2918, %not3A_2919 : i1
        %sub3A_2921 = arith.subi %or3A_2908, %select_n3A_1447 : i32
        %sub3A_2922 = arith.subi %or3A_2913, %select_n3A_1448 : i32
        %lt3A_2923 = arith.cmpi ult, %or3A_2908, %select_n3A_1447 : i32
        %convert_element_type3A_2924 = arith.extui %lt3A_2923 : i1 to i32
        %sub3A_2925 = arith.subi %sub3A_2922, %convert_element_type3A_2924 : i32
        %select_n3A_2926 = arith.select %not3A_2920, %sub3A_2921, %or3A_2908 : i32
        %select_n3A_2927 = arith.select %not3A_2920, %sub3A_2925, %or3A_2913 : i32
        %shift_left3A_2928 = arith.constant 1 : i32
        %shift_left3A_2929 = arith.shli %while3A_2888, %shift_left3A_2928 : i32
        %convert_element_type3A_2930 = arith.extui %not3A_2920 : i1 to i32
        %or3A_2931 = arith.ori %shift_left3A_2929, %convert_element_type3A_2930 : i32
        %shift_left3A_2932 = arith.constant 1 : i32
        %shift_left3A_2933 = arith.shli %while3A_2889, %shift_left3A_2932 : i32
        %shift_right_logical3A_2934 = arith.constant 31 : i32
        %shift_right_logical3A_2935 = arith.shrui %while3A_2888, %shift_right_logical3A_2934 : i32
        %or3A_2936 = arith.ori %shift_left3A_2933, %shift_right_logical3A_2935 : i32
        scf.yield %select_n3A_2926, %select_n3A_2927, %or3A_2931, %or3A_2936 : i32, i32, i32, i32
      }
      %while3A_1462 = arith.constant 1 : i32
      %while3A_1463:4 = scf.for %while3A_2885 = %while3A_1459 to %while3A_1455 step %while3A_1462 iter_args(%while3A_2886 = %while3A_1461#0, %while3A_2887 = %while3A_1461#1, %while3A_2888 = %while3A_1461#2, %while3A_2889 = %while3A_1461#3) -> (i32, i32, i32, i32)  : i32 {
        %sub3A_2890 = arith.constant 63 : i32
        %sub3A_2891 = arith.subi %sub3A_2890, %while3A_2885 : i32
        %sub3A_2892 = arith.constant 32 : i32
        %sub3A_2893 = arith.subi %sub3A_2891, %sub3A_2892 : i32
        %max3A = arith.constant 0 : i32
        %max3A_2894 = arith.maxsi %sub3A_2893, %max3A : i32
        %min3A_2895 = arith.constant 31 : i32
        %min3A_2896 = arith.minsi %sub3A_2891, %min3A_2895 : i32
        %ge3A_2897 = arith.constant 32 : i32
        %ge3A_2898 = arith.cmpi sge, %sub3A_2891, %ge3A_2897 : i32
        %shift_right_logical3A_2899 = arith.shrui %select_n3A_1446, %max3A_2894 : i32
        %and3A_2900 = arith.constant 1 : i32
        %and3A_2901 = arith.andi %shift_right_logical3A_2899, %and3A_2900 : i32
        %shift_right_logical3A_2902 = arith.shrui %select_n3A_1445, %min3A_2896 : i32
        %and3A_2903 = arith.constant 1 : i32
        %and3A_2904 = arith.andi %shift_right_logical3A_2902, %and3A_2903 : i32
        %select_n3A_2905 = arith.select %ge3A_2898, %and3A_2901, %and3A_2904 : i32
        %shift_left3A_2906 = arith.constant 1 : i32
        %shift_left3A_2907 = arith.shli %while3A_2886, %shift_left3A_2906 : i32
        %or3A_2908 = arith.ori %shift_left3A_2907, %select_n3A_2905 : i32
        %shift_left3A_2909 = arith.constant 1 : i32
        %shift_left3A_2910 = arith.shli %while3A_2887, %shift_left3A_2909 : i32
        %shift_right_logical3A_2911 = arith.constant 31 : i32
        %shift_right_logical3A_2912 = arith.shrui %while3A_2886, %shift_right_logical3A_2911 : i32
        %or3A_2913 = arith.ori %shift_left3A_2910, %shift_right_logical3A_2912 : i32
        %lt3A_2914 = arith.cmpi ult, %or3A_2913, %select_n3A_1448 : i32
        %eq3A_2915 = arith.cmpi eq, %or3A_2913, %select_n3A_1448 : i32
        %lt3A_2916 = arith.cmpi ult, %or3A_2908, %select_n3A_1447 : i32
        %and3A_2917 = arith.andi %eq3A_2915, %lt3A_2916 : i1
        %or3A_2918 = arith.ori %lt3A_2914, %and3A_2917 : i1
        %not3A_2919 = arith.constant true
        %not3A_2920 = arith.xori %or3A_2918, %not3A_2919 : i1
        %sub3A_2921 = arith.subi %or3A_2908, %select_n3A_1447 : i32
        %sub3A_2922 = arith.subi %or3A_2913, %select_n3A_1448 : i32
        %lt3A_2923 = arith.cmpi ult, %or3A_2908, %select_n3A_1447 : i32
        %convert_element_type3A_2924 = arith.extui %lt3A_2923 : i1 to i32
        %sub3A_2925 = arith.subi %sub3A_2922, %convert_element_type3A_2924 : i32
        %select_n3A_2926 = arith.select %not3A_2920, %sub3A_2921, %or3A_2908 : i32
        %select_n3A_2927 = arith.select %not3A_2920, %sub3A_2925, %or3A_2913 : i32
        %shift_left3A_2928 = arith.constant 1 : i32
        %shift_left3A_2929 = arith.shli %while3A_2888, %shift_left3A_2928 : i32
        %convert_element_type3A_2930 = arith.extui %not3A_2920 : i1 to i32
        %or3A_2931 = arith.ori %shift_left3A_2929, %convert_element_type3A_2930 : i32
        %shift_left3A_2932 = arith.constant 1 : i32
        %shift_left3A_2933 = arith.shli %while3A_2889, %shift_left3A_2932 : i32
        %shift_right_logical3A_2934 = arith.constant 31 : i32
        %shift_right_logical3A_2935 = arith.shrui %while3A_2888, %shift_right_logical3A_2934 : i32
        %or3A_2936 = arith.ori %shift_left3A_2933, %shift_right_logical3A_2935 : i32
        scf.yield %select_n3A_2926, %select_n3A_2927, %or3A_2931, %or3A_2936 : i32, i32, i32, i32
      }
      %ne3A_1464 = arith.xori %lt3A_1426, %lt3A_1428 : i1
      %or3A_1465 = arith.ori %while3A_1463#0, %while3A_1463#1 : i32
      %eq3A_1466 = arith.constant 0 : i32
      %eq3A_1467 = arith.cmpi eq, %or3A_1465, %eq3A_1466 : i32
      %sub3A_1468 = arith.constant 0 : i32
      %sub3A_1469 = arith.subi %sub3A_1468, %while3A_1463#2 : i32
      %sub3A_1470 = arith.constant 0 : i32
      %sub3A_1471 = arith.subi %sub3A_1470, %while3A_1463#3 : i32
      %lt3A_1472 = arith.constant 0 : i32
      %lt3A_1473 = arith.cmpi ult, %lt3A_1472, %while3A_1463#2 : i32
      %convert_element_type3A_1474 = arith.extui %lt3A_1473 : i1 to i32
      %sub3A_1475 = arith.subi %sub3A_1471, %convert_element_type3A_1474 : i32
      %add3A_1476 = arith.constant 1 : i32
      %add3A_1477 = arith.addi %while3A_1463#2, %add3A_1476 : i32
      %add3A_1478 = arith.constant 0 : i32
      %add3A_1479 = arith.addi %while3A_1463#3, %add3A_1478 : i32
      %lt3A_1480 = arith.cmpi ult, %add3A_1477, %while3A_1463#2 : i32
      %convert_element_type3A_1481 = arith.extui %lt3A_1480 : i1 to i32
      %add3A_1482 = arith.addi %add3A_1479, %convert_element_type3A_1481 : i32
      %sub3A_1483 = arith.constant 0 : i32
      %sub3A_1484 = arith.subi %sub3A_1483, %add3A_1477 : i32
      %sub3A_1485 = arith.constant 0 : i32
      %sub3A_1486 = arith.subi %sub3A_1485, %add3A_1482 : i32
      %lt3A_1487 = arith.constant 0 : i32
      %lt3A_1488 = arith.cmpi ult, %lt3A_1487, %add3A_1477 : i32
      %convert_element_type3A_1489 = arith.extui %lt3A_1488 : i1 to i32
      %sub3A_1490 = arith.subi %sub3A_1486, %convert_element_type3A_1489 : i32
      %select_n3A_1491 = arith.select %eq3A_1467, %sub3A_1469, %sub3A_1484 : i32
      %select_n3A_1492 = arith.select %ne3A_1464, %select_n3A_1491, %while3A_1463#2 : i32
      %select_n3A_1493 = arith.select %eq3A_1467, %sub3A_1475, %sub3A_1490 : i32
      %select_n3A_1494 = arith.select %ne3A_1464, %select_n3A_1493, %while3A_1463#3 : i32
      %sub3A_1495 = arith.constant 0 : i32
      %sub3A_1496 = arith.subi %sub3A_1495, %while3A_1463#0 : i32
      %sub3A_1497 = arith.constant 0 : i32
      %sub3A_1498 = arith.subi %sub3A_1497, %while3A_1463#1 : i32
      %lt3A_1499 = arith.constant 0 : i32
      %lt3A_1500 = arith.cmpi ult, %lt3A_1499, %while3A_1463#0 : i32
      %convert_element_type3A_1501 = arith.extui %lt3A_1500 : i1 to i32
      %sub3A_1502 = arith.subi %sub3A_1498, %convert_element_type3A_1501 : i32
      %select_n3A_1503 = arith.select %lt3A_1426, %sub3A_1496, %while3A_1463#0 : i32
      %select_n3A_1504 = arith.select %lt3A_1426, %sub3A_1502, %while3A_1463#1 : i32
      %add3A_1505 = arith.addi %select_n3A_1503, %select_n3A_1382 : i32
      %add3A_1506 = arith.addi %select_n3A_1504, %select_n3A_1384 : i32
      %lt3A_1507 = arith.cmpi ult, %add3A_1505, %select_n3A_1503 : i32
      %convert_element_type3A_1508 = arith.extui %lt3A_1507 : i1 to i32
      %add3A_1509 = arith.addi %add3A_1506, %convert_element_type3A_1508 : i32
      %not3A = arith.constant true
      %not3A_1510 = arith.xori %eq3A_1467, %not3A : i1
      %and3A_1511 = arith.andi %ne3A_1464, %not3A_1510 : i1
      %select_n3A_1512 = arith.select %and3A_1511, %add3A_1505, %select_n3A_1503 : i32
      %select_n3A_1513 = arith.select %and3A_1511, %add3A_1509, %select_n3A_1504 : i32
      %and3A_1514 = arith.constant 63 : i32
      %and3A_1515 = arith.andi %squeeze3A_16, %and3A_1514 : i32
      %and3A_1516 = arith.constant 31 : i32
      %and3A_1517 = arith.andi %and3A_1515, %and3A_1516 : i32
      %shift_left3A_1518 = arith.shli %or3A_1272, %and3A_1517 : i32
      %shift_left3A_1519 = arith.shli %or3A_1281, %and3A_1517 : i32
      %sub3A_1520 = arith.constant 31 : i32
      %sub3A_1521 = arith.subi %sub3A_1520, %and3A_1517 : i32
      %shift_right_logical3A_1522 = arith.shrui %or3A_1272, %sub3A_1521 : i32
      %shift_right_logical3A_1523 = arith.constant 1 : i32
      %shift_right_logical3A_1524 = arith.shrui %shift_right_logical3A_1522, %shift_right_logical3A_1523 : i32
      %or3A_1525 = arith.ori %shift_left3A_1519, %shift_right_logical3A_1524 : i32
      %ge3A_1526 = arith.constant 32 : i32
      %ge3A_1527 = arith.cmpi uge, %and3A_1515, %ge3A_1526 : i32
      %jit3A_1528 = arith.constant 0 : i32
      %select_n3A_1529 = arith.select %ge3A_1527, %jit3A_1528, %shift_left3A_1518 : i32
      %shift_left3A_1530 = arith.shli %or3A_1272, %and3A_1517 : i32
      %select_n3A_1531 = arith.select %ge3A_1527, %shift_left3A_1530, %or3A_1525 : i32
      %and3A_1532 = arith.constant 31 : i32
      %and3A_1533 = arith.andi %and3A_1515, %and3A_1532 : i32
      %shift_right_logical3A_1534 = arith.shrui %or3A_1272, %and3A_1533 : i32
      %sub3A_1535 = arith.constant 31 : i32
      %sub3A_1536 = arith.subi %sub3A_1535, %and3A_1533 : i32
      %shift_left3A_1537 = arith.shli %or3A_1281, %sub3A_1536 : i32
      %shift_left3A_1538 = arith.constant 1 : i32
      %shift_left3A_1539 = arith.shli %shift_left3A_1537, %shift_left3A_1538 : i32
      %or3A_1540 = arith.ori %shift_right_logical3A_1534, %shift_left3A_1539 : i32
      %shift_right_arithmetic3A_1541 = arith.shrsi %or3A_1281, %and3A_1533 : i32
      %shift_right_arithmetic3A_1542 = arith.shrsi %or3A_1281, %and3A_1533 : i32
      %shift_right_arithmetic3A_1543 = arith.constant 31 : i32
      %shift_right_arithmetic3A_1544 = arith.shrsi %or3A_1281, %shift_right_arithmetic3A_1543 : i32
      %ge3A_1545 = arith.constant 32 : i32
      %ge3A_1546 = arith.cmpi uge, %and3A_1515, %ge3A_1545 : i32
      %select_n3A_1547 = arith.select %ge3A_1546, %shift_right_arithmetic3A_1542, %or3A_1540 : i32
      %select_n3A_1548 = arith.select %ge3A_1546, %shift_right_arithmetic3A_1544, %shift_right_arithmetic3A_1541 : i32
      %eq3A_1549 = arith.cmpi eq, %or3A_1272, %squeeze3A_16 : i32
      %eq3A_1550 = arith.cmpi eq, %or3A_1281, %squeeze3A_18 : i32
      %and3A_1551 = arith.andi %eq3A_1549, %eq3A_1550 : i1
      %lt3A_1552 = arith.cmpi slt, %or3A_1281, %squeeze3A_18 : i32
      %eq3A_1553 = arith.cmpi eq, %or3A_1281, %squeeze3A_18 : i32
      %lt3A_1554 = arith.cmpi ult, %or3A_1272, %squeeze3A_16 : i32
      %and3A_1555 = arith.andi %eq3A_1553, %lt3A_1554 : i1
      %or3A_1556 = arith.ori %lt3A_1552, %and3A_1555 : i1
      %lt3A_1557 = arith.cmpi slt, %squeeze3A_18, %or3A_1281 : i32
      %eq3A_1558 = arith.cmpi eq, %squeeze3A_18, %or3A_1281 : i32
      %lt3A_1559 = arith.cmpi ult, %squeeze3A_16, %or3A_1272 : i32
      %and3A_1560 = arith.andi %eq3A_1558, %lt3A_1559 : i1
      %or3A_1561 = arith.ori %lt3A_1557, %and3A_1560 : i1
      %min3A = arith.constant 38 : i32
      %min3A_1562 = arith.minui %squeeze3A_1160, %min3A : i32
      %eq3A_1563 = arith.constant 2 : i32
      %eq3A_1564 = arith.cmpi eq, %min3A_1562, %eq3A_1563 : i32
      %eq3A_1565 = arith.constant 3 : i32
      %eq3A_1566 = arith.cmpi eq, %min3A_1562, %eq3A_1565 : i32
      %or3A_1567 = arith.ori %eq3A_1564, %eq3A_1566 : i1
      %select_n3A_1568 = arith.select %or3A_1567, %or3A_1262, %add3A_1337 : i32
      %select_n3A_1569 = arith.select %or3A_1567, %shift_right_arithmetic3A_1263, %add3A_1342 : i32
      %eq3A_1570 = arith.constant 4 : i32
      %eq3A_1571 = arith.cmpi eq, %min3A_1562, %eq3A_1570 : i32
      %and3A_1572 = arith.andi %eq3A_1571, %eq3A_1381 : i1
      %select_n3A_1573 = arith.select %and3A_1572, %or3A_1262, %select_n3A_1568 : i32
      %select_n3A_1574 = arith.select %and3A_1572, %shift_right_arithmetic3A_1263, %select_n3A_1569 : i32
      %eq3A_1575 = arith.constant 5 : i32
      %eq3A_1576 = arith.cmpi eq, %min3A_1562, %eq3A_1575 : i32
      %not3A_1577 = arith.constant true
      %not3A_1578 = arith.xori %eq3A_1381, %not3A_1577 : i1
      %and3A_1579 = arith.andi %eq3A_1576, %not3A_1578 : i1
      %select_n3A_1580 = arith.select %and3A_1579, %or3A_1262, %select_n3A_1573 : i32
      %select_n3A_1581 = arith.select %and3A_1579, %shift_right_arithmetic3A_1263, %select_n3A_1574 : i32
      %eq3A_1582 = arith.constant 8 : i32
      %eq3A_1583 = arith.cmpi eq, %min3A_1562, %eq3A_1582 : i32
      %select_n3A_1584 = arith.select %eq3A_1583, %or3A_1308, %select_n3A_1580 : i32
      %select_n3A_1585 = arith.select %eq3A_1583, %or3A_1317, %select_n3A_1581 : i32
      %eq3A_1586 = arith.constant 38 : i32
      %eq3A_1587 = arith.cmpi eq, %min3A_1562, %eq3A_1586 : i32
      %select_n3A_1588 = arith.select %eq3A_1587, %squeeze3A, %select_n3A_1584 : i32
      %select_n3A_1589 = arith.select %eq3A_1587, %squeeze3A_6, %select_n3A_1585 : i32
      %eq3A_1590 = arith.constant 3 : i32
      %eq3A_1591 = arith.cmpi eq, %min3A_1562, %eq3A_1590 : i32
      %eq3A_1592 = arith.constant 13 : i32
      %eq3A_1593 = arith.cmpi eq, %min3A_1562, %eq3A_1592 : i32
      %or3A_1594 = arith.ori %eq3A_1591, %eq3A_1593 : i1
      %select_n3A_1595 = arith.select %or3A_1594, %sub3A_1343, %squeeze3A_8 : i32
      %select_n3A_1596 = arith.select %or3A_1594, %sub3A_1349, %squeeze3A_10 : i32
      %eq3A_1597 = arith.constant 6 : i32
      %eq3A_1598 = arith.cmpi eq, %min3A_1562, %eq3A_1597 : i32
      %select_n3A_1599 = arith.select %eq3A_1598, %sub3A_1362, %select_n3A_1595 : i32
      %select_n3A_1600 = arith.select %eq3A_1598, %sub3A_1366, %select_n3A_1596 : i32
      %eq3A_1601 = arith.constant 7 : i32
      %eq3A_1602 = arith.cmpi eq, %min3A_1562, %eq3A_1601 : i32
      %select_n3A_1603 = arith.select %eq3A_1602, %add3A_1357, %select_n3A_1599 : i32
      %select_n3A_1604 = arith.select %eq3A_1602, %add3A_1361, %select_n3A_1600 : i32
      %eq3A_1605 = arith.constant 8 : i32
      %eq3A_1606 = arith.cmpi eq, %min3A_1562, %eq3A_1605 : i32
      %select_n3A_1607 = arith.select %eq3A_1606, %add3A_1368, %select_n3A_1603 : i32
      %select_n3A_1608 = arith.select %eq3A_1606, %add3A_1373, %select_n3A_1604 : i32
      %eq3A_1609 = arith.constant 11 : i32
      %eq3A_1610 = arith.cmpi eq, %min3A_1562, %eq3A_1609 : i32
      %eq3A_1611 = arith.constant 12 : i32
      %eq3A_1612 = arith.cmpi eq, %min3A_1562, %eq3A_1611 : i32
      %or3A_1613 = arith.ori %eq3A_1610, %eq3A_1612 : i1
      %ge3A_1614 = arith.constant 14 : i32
      %ge3A_1615 = arith.cmpi uge, %min3A_1562, %ge3A_1614 : i32
      %le3A = arith.constant 29 : i32
      %le3A_1616 = arith.cmpi ule, %min3A_1562, %le3A : i32
      %and3A_1617 = arith.andi %ge3A_1615, %le3A_1616 : i1
      %or3A_1618 = arith.ori %or3A_1613, %and3A_1617 : i1
      %select_n3A_1619 = arith.select %or3A_1618, %add3A_1351, %select_n3A_1607 : i32
      %select_n3A_1620 = arith.select %or3A_1618, %add3A_1356, %select_n3A_1608 : i32
      %eq3A_1621 = arith.constant 6 : i32
      %eq3A_1622 = arith.cmpi eq, %min3A_1562, %eq3A_1621 : i32
      %select_n3A_1623 = arith.select %eq3A_1622, %sub3A_1343, %squeeze3A_12 : i32
      %select_n3A_1624 = arith.select %eq3A_1622, %sub3A_1349, %squeeze3A_14 : i32
      %eq3A_1625 = arith.constant 8 : i32
      %eq3A_1626 = arith.cmpi eq, %min3A_1562, %eq3A_1625 : i32
      %select_n3A_1627 = arith.select %eq3A_1626, %or3A_1326, %select_n3A_1623 : i32
      %select_n3A_1628 = arith.select %eq3A_1626, %or3A_1335, %select_n3A_1624 : i32
      %eq3A_1629 = arith.constant 0 : i32
      %eq3A_1630 = arith.cmpi eq, %min3A_1562, %eq3A_1629 : i32
      %select_n3A_1631 = arith.select %eq3A_1630, %add3A_1374, %squeeze3A_16 : i32
      %select_n3A_1632 = arith.select %eq3A_1630, %add3A_1378, %squeeze3A_18 : i32
      %eq3A_1633 = arith.constant 1 : i32
      %eq3A_1634 = arith.cmpi eq, %min3A_1562, %eq3A_1633 : i32
      %select_n3A_1635 = arith.select %eq3A_1634, %or3A_1262, %select_n3A_1631 : i32
      %select_n3A_1636 = arith.select %eq3A_1634, %shift_right_arithmetic3A_1263, %select_n3A_1632 : i32
      %eq3A_1637 = arith.constant 9 : i32
      %eq3A_1638 = arith.cmpi eq, %min3A_1562, %eq3A_1637 : i32
      %select_n3A_1639 = arith.select %eq3A_1638, %or3A_1290, %select_n3A_1635 : i32
      %select_n3A_1640 = arith.select %eq3A_1638, %or3A_1299, %select_n3A_1636 : i32
      %eq3A_1641 = arith.constant 10 : i32
      %eq3A_1642 = arith.cmpi eq, %min3A_1562, %eq3A_1641 : i32
      %and3A_1643 = arith.constant 255 : i32
      %and3A_1644 = arith.andi %or3A_1290, %and3A_1643 : i32
      %select_n3A_1645 = arith.select %eq3A_1642, %and3A_1644, %select_n3A_1639 : i32
      %jit3A_1646 = arith.constant 0 : i32
      %select_n3A_1647 = arith.select %eq3A_1642, %jit3A_1646, %select_n3A_1640 : i32
      %eq3A_1648 = arith.constant 14 : i32
      %eq3A_1649 = arith.cmpi eq, %min3A_1562, %eq3A_1648 : i32
      %select_n3A_1650 = arith.select %eq3A_1649, %add3A_1385, %select_n3A_1645 : i32
      %select_n3A_1651 = arith.select %eq3A_1649, %add3A_1389, %select_n3A_1647 : i32
      %eq3A_1652 = arith.constant 15 : i32
      %eq3A_1653 = arith.cmpi eq, %min3A_1562, %eq3A_1652 : i32
      %select_n3A_1654 = arith.select %eq3A_1653, %sub3A_1390, %select_n3A_1650 : i32
      %select_n3A_1655 = arith.select %eq3A_1653, %sub3A_1394, %select_n3A_1651 : i32
      %eq3A_1656 = arith.constant 16 : i32
      %eq3A_1657 = arith.cmpi eq, %min3A_1562, %eq3A_1656 : i32
      %select_n3A_1658 = arith.select %eq3A_1657, %add3A_1411, %select_n3A_1654 : i32
      %select_n3A_1659 = arith.select %eq3A_1657, %add3A_1424, %select_n3A_1655 : i32
      %eq3A_1660 = arith.constant 17 : i32
      %eq3A_1661 = arith.cmpi eq, %min3A_1562, %eq3A_1660 : i32
      %select_n3A_1662 = arith.select %eq3A_1661, %select_n3A_1492, %select_n3A_1658 : i32
      %select_n3A_1663 = arith.select %eq3A_1661, %select_n3A_1494, %select_n3A_1659 : i32
      %eq3A_1664 = arith.constant 18 : i32
      %eq3A_1665 = arith.cmpi eq, %min3A_1562, %eq3A_1664 : i32
      %select_n3A_1666 = arith.select %eq3A_1665, %select_n3A_1512, %select_n3A_1662 : i32
      %select_n3A_1667 = arith.select %eq3A_1665, %select_n3A_1513, %select_n3A_1663 : i32
      %eq3A_1668 = arith.constant 19 : i32
      %eq3A_1669 = arith.cmpi eq, %min3A_1562, %eq3A_1668 : i32
      %or3A_1670 = arith.ori %or3A_1272, %squeeze3A_16 : i32
      %or3A_1671 = arith.ori %or3A_1281, %squeeze3A_18 : i32
      %select_n3A_1672 = arith.select %eq3A_1669, %or3A_1670, %select_n3A_1666 : i32
      %select_n3A_1673 = arith.select %eq3A_1669, %or3A_1671, %select_n3A_1667 : i32
      %eq3A_1674 = arith.constant 20 : i32
      %eq3A_1675 = arith.cmpi eq, %min3A_1562, %eq3A_1674 : i32
      %xor3A = arith.xori %or3A_1272, %squeeze3A_16 : i32
      %xor3A_1676 = arith.xori %or3A_1281, %squeeze3A_18 : i32
      %select_n3A_1677 = arith.select %eq3A_1675, %xor3A, %select_n3A_1672 : i32
      %select_n3A_1678 = arith.select %eq3A_1675, %xor3A_1676, %select_n3A_1673 : i32
      %eq3A_1679 = arith.constant 21 : i32
      %eq3A_1680 = arith.cmpi eq, %min3A_1562, %eq3A_1679 : i32
      %and3A_1681 = arith.andi %or3A_1272, %squeeze3A_16 : i32
      %and3A_1682 = arith.andi %or3A_1281, %squeeze3A_18 : i32
      %select_n3A_1683 = arith.select %eq3A_1680, %and3A_1681, %select_n3A_1677 : i32
      %select_n3A_1684 = arith.select %eq3A_1680, %and3A_1682, %select_n3A_1678 : i32
      %eq3A_1685 = arith.constant 22 : i32
      %eq3A_1686 = arith.cmpi eq, %min3A_1562, %eq3A_1685 : i32
      %select_n3A_1687 = arith.select %eq3A_1686, %select_n3A_1529, %select_n3A_1683 : i32
      %select_n3A_1688 = arith.select %eq3A_1686, %select_n3A_1531, %select_n3A_1684 : i32
      %eq3A_1689 = arith.constant 23 : i32
      %eq3A_1690 = arith.cmpi eq, %min3A_1562, %eq3A_1689 : i32
      %select_n3A_1691 = arith.select %eq3A_1690, %select_n3A_1547, %select_n3A_1687 : i32
      %select_n3A_1692 = arith.select %eq3A_1690, %select_n3A_1548, %select_n3A_1688 : i32
      %eq3A_1693 = arith.constant 24 : i32
      %eq3A_1694 = arith.cmpi eq, %min3A_1562, %eq3A_1693 : i32
      %convert_element_type3A_1695 = arith.extui %and3A_1551 : i1 to i32
      %select_n3A_1696 = arith.select %eq3A_1694, %convert_element_type3A_1695, %select_n3A_1691 : i32
      %jit3A_1697 = arith.constant 0 : i32
      %select_n3A_1698 = arith.select %eq3A_1694, %jit3A_1697, %select_n3A_1692 : i32
      %eq3A_1699 = arith.constant 25 : i32
      %eq3A_1700 = arith.cmpi eq, %min3A_1562, %eq3A_1699 : i32
      %not3A_1701 = arith.constant true
      %not3A_1702 = arith.xori %and3A_1551, %not3A_1701 : i1
      %convert_element_type3A_1703 = arith.extui %not3A_1702 : i1 to i32
      %select_n3A_1704 = arith.select %eq3A_1700, %convert_element_type3A_1703, %select_n3A_1696 : i32
      %jit3A_1705 = arith.constant 0 : i32
      %select_n3A_1706 = arith.select %eq3A_1700, %jit3A_1705, %select_n3A_1698 : i32
      %eq3A_1707 = arith.constant 26 : i32
      %eq3A_1708 = arith.cmpi eq, %min3A_1562, %eq3A_1707 : i32
      %convert_element_type3A_1709 = arith.extui %or3A_1556 : i1 to i32
      %select_n3A_1710 = arith.select %eq3A_1708, %convert_element_type3A_1709, %select_n3A_1704 : i32
      %jit3A_1711 = arith.constant 0 : i32
      %select_n3A_1712 = arith.select %eq3A_1708, %jit3A_1711, %select_n3A_1706 : i32
      %eq3A_1713 = arith.constant 27 : i32
      %eq3A_1714 = arith.cmpi eq, %min3A_1562, %eq3A_1713 : i32
      %convert_element_type3A_1715 = arith.extui %or3A_1561 : i1 to i32
      %select_n3A_1716 = arith.select %eq3A_1714, %convert_element_type3A_1715, %select_n3A_1710 : i32
      %jit3A_1717 = arith.constant 0 : i32
      %select_n3A_1718 = arith.select %eq3A_1714, %jit3A_1717, %select_n3A_1712 : i32
      %eq3A_1719 = arith.constant 28 : i32
      %eq3A_1720 = arith.cmpi eq, %min3A_1562, %eq3A_1719 : i32
      %not3A_1721 = arith.constant true
      %not3A_1722 = arith.xori %or3A_1561, %not3A_1721 : i1
      %convert_element_type3A_1723 = arith.extui %not3A_1722 : i1 to i32
      %select_n3A_1724 = arith.select %eq3A_1720, %convert_element_type3A_1723, %select_n3A_1716 : i32
      %jit3A_1725 = arith.constant 0 : i32
      %select_n3A_1726 = arith.select %eq3A_1720, %jit3A_1725, %select_n3A_1718 : i32
      %eq3A_1727 = arith.constant 29 : i32
      %eq3A_1728 = arith.cmpi eq, %min3A_1562, %eq3A_1727 : i32
      %not3A_1729 = arith.constant true
      %not3A_1730 = arith.xori %or3A_1556, %not3A_1729 : i1
      %convert_element_type3A_1731 = arith.extui %not3A_1730 : i1 to i32
      %select_n3A_1732 = arith.select %eq3A_1728, %convert_element_type3A_1731, %select_n3A_1724 : i32
      %jit3A_1733 = arith.constant 0 : i32
      %select_n3A_1734 = arith.select %eq3A_1728, %jit3A_1733, %select_n3A_1726 : i32
      %ge3A_1735 = arith.constant 30 : i32
      %ge3A_1736 = arith.cmpi uge, %min3A_1562, %ge3A_1735 : i32
      %le3A_1737 = arith.constant 37 : i32
      %le3A_1738 = arith.cmpi ule, %min3A_1562, %le3A_1737 : i32
      %and3A_1739 = arith.andi %ge3A_1736, %le3A_1738 : i1
      %jit3A_1740 = arith.constant 0 : i32
      %select_n3A_1741 = arith.select %and3A_1739, %jit3A_1740, %select_n3A_1732 : i32
      %jit3A_1742 = arith.constant 0 : i32
      %select_n3A_1743 = arith.select %and3A_1739, %jit3A_1742, %select_n3A_1734 : i32
      %eq3A_1744 = arith.constant 38 : i32
      %eq3A_1745 = arith.cmpi eq, %squeeze3A_1160, %eq3A_1744 : i32
      %convert_element_type3A_1746 = arith.extui %eq3A_1745 : i1 to i32
      %eq3A_1747 = arith.constant 13 : i32
      %eq3A_1748 = arith.cmpi eq, %squeeze3A_1160, %eq3A_1747 : i32
      %eq3A_1749 = arith.constant 3 : i32
      %eq3A_1750 = arith.cmpi eq, %squeeze3A_1160, %eq3A_1749 : i32
      %eq3A_1751 = arith.constant 6 : i32
      %eq3A_1752 = arith.cmpi eq, %squeeze3A_1160, %eq3A_1751 : i32
      %eq3A_1753 = arith.constant 11 : i32
      %eq3A_1754 = arith.cmpi eq, %squeeze3A_1160, %eq3A_1753 : i32
      %eq3A_1755 = arith.constant 12 : i32
      %eq3A_1756 = arith.cmpi eq, %squeeze3A_1160, %eq3A_1755 : i32
      %or3A_1757 = arith.ori %eq3A_1748, %eq3A_1750 : i1
      %or3A_1758 = arith.ori %or3A_1757, %eq3A_1752 : i1
      %or3A_1759 = arith.ori %or3A_1758, %eq3A_1754 : i1
      %or3A_1760 = arith.ori %or3A_1758, %eq3A_1754 : i1
      %or3A_1761 = arith.ori %or3A_1760, %eq3A_1756 : i1
      %select_n3A_1762 = arith.select %eq3A_1750, %add3A_1337, %squeeze3A_16 : i32
      %select_n3A_1763 = arith.select %eq3A_1750, %add3A_1342, %squeeze3A_18 : i32
      %select_n3A_1764 = arith.select %eq3A_1752, %squeeze3A_12, %select_n3A_1762 : i32
      %select_n3A_1765 = arith.select %eq3A_1752, %squeeze3A_14, %select_n3A_1763 : i32
      %select_n3A_1766 = arith.select %or3A_1758, %select_n3A_1764, %squeeze3A_16 : i32
      %select_n3A_1767 = arith.select %or3A_1758, %select_n3A_1765, %squeeze3A_18 : i32
      %select_n3A_1768 = arith.select %or3A_1758, %sub3A_1343, %or3A_1272 : i32
      %select_n3A_1769 = arith.select %or3A_1758, %sub3A_1349, %or3A_1281 : i32
      %shift_right_logical3A_1770 = arith.constant 0 : i32
      %shift_right_logical3A_1771 = arith.shrui %select_n3A_1766, %shift_right_logical3A_1770 : i32
      %and3A_1772 = arith.constant 255 : i32
      %and3A_1773 = arith.andi %shift_right_logical3A_1771, %and3A_1772 : i32
      %shift_right_logical3A_1774 = arith.constant 8 : i32
      %shift_right_logical3A_1775 = arith.shrui %select_n3A_1766, %shift_right_logical3A_1774 : i32
      %and3A_1776 = arith.constant 255 : i32
      %and3A_1777 = arith.andi %shift_right_logical3A_1775, %and3A_1776 : i32
      %shift_right_logical3A_1778 = arith.constant 16 : i32
      %shift_right_logical3A_1779 = arith.shrui %select_n3A_1766, %shift_right_logical3A_1778 : i32
      %and3A_1780 = arith.constant 255 : i32
      %and3A_1781 = arith.andi %shift_right_logical3A_1779, %and3A_1780 : i32
      %shift_right_logical3A_1782 = arith.constant 24 : i32
      %shift_right_logical3A_1783 = arith.shrui %select_n3A_1766, %shift_right_logical3A_1782 : i32
      %and3A_1784 = arith.constant 255 : i32
      %and3A_1785 = arith.andi %shift_right_logical3A_1783, %and3A_1784 : i32
      %shift_right_logical3A_1786 = arith.constant 0 : i32
      %shift_right_logical3A_1787 = arith.shrui %select_n3A_1767, %shift_right_logical3A_1786 : i32
      %and3A_1788 = arith.constant 255 : i32
      %and3A_1789 = arith.andi %shift_right_logical3A_1787, %and3A_1788 : i32
      %shift_right_logical3A_1790 = arith.constant 8 : i32
      %shift_right_logical3A_1791 = arith.shrui %select_n3A_1767, %shift_right_logical3A_1790 : i32
      %and3A_1792 = arith.constant 255 : i32
      %and3A_1793 = arith.andi %shift_right_logical3A_1791, %and3A_1792 : i32
      %shift_right_logical3A_1794 = arith.constant 16 : i32
      %shift_right_logical3A_1795 = arith.shrui %select_n3A_1767, %shift_right_logical3A_1794 : i32
      %and3A_1796 = arith.constant 255 : i32
      %and3A_1797 = arith.andi %shift_right_logical3A_1795, %and3A_1796 : i32
      %shift_right_logical3A_1798 = arith.constant 24 : i32
      %shift_right_logical3A_1799 = arith.shrui %select_n3A_1767, %shift_right_logical3A_1798 : i32
      %and3A_1800 = arith.constant 255 : i32
      %and3A_1801 = arith.andi %shift_right_logical3A_1799, %and3A_1800 : i32
      %jit3A_1802 = arith.constant 0 : i32
      %jit3A_1803 = arith.constant 0 : i32
      %select_n3A_1804 = arith.select %or3A_1759, %jit3A_1802, %jit3A_1803 : i32
      %add3A_1805 = arith.addi %select_n3A_1768, %select_n3A_1804 : i32
      %add3A_1806 = arith.constant 0 : i32
      %add3A_1807 = arith.addi %select_n3A_1769, %add3A_1806 : i32
      %lt3A_1808 = arith.cmpi ult, %add3A_1805, %select_n3A_1768 : i32
      %convert_element_type3A_1809 = arith.extui %lt3A_1808 : i1 to i32
      %add3A_1810 = arith.addi %add3A_1807, %convert_element_type3A_1809 : i32
      %lt3A_1811 = arith.constant 0 : i32
      %lt3A_1812 = arith.cmpi slt, %add3A_1810, %lt3A_1811 : i32
      %ne3A_1813 = arith.constant 0 : i32
      %ne3A_1814 = arith.cmpi ne, %add3A_1810, %ne3A_1813 : i32
      %ge3A_1815 = arith.constant 16777216 : i32
      %ge3A_1816 = arith.cmpi uge, %add3A_1805, %ge3A_1815 : i32
      %or3A_1817 = arith.ori %ne3A_1814, %ge3A_1816 : i1
      %jit3A_1818 = arith.constant 16777215 : i32
      %select_n3A_1819 = arith.select %or3A_1817, %jit3A_1818, %add3A_1805 : i32
      %jit3A_1820 = arith.constant 0 : i32
      %select_n3A_1821 = arith.select %lt3A_1812, %jit3A_1820, %select_n3A_1819 : i32
      %select_n3A_1822 = arith.select %or3A_1759, %and3A_1773, %and3A_1773 : i32
      %jit3A_1823 = arith.constant 1 : i32
      %jit3A_1824 = arith.constant 0 : i32
      %select_n3A_1825 = arith.select %or3A_1759, %jit3A_1823, %jit3A_1824 : i32
      %add3A_1826 = arith.addi %select_n3A_1768, %select_n3A_1825 : i32
      %add3A_1827 = arith.constant 0 : i32
      %add3A_1828 = arith.addi %select_n3A_1769, %add3A_1827 : i32
      %lt3A_1829 = arith.cmpi ult, %add3A_1826, %select_n3A_1768 : i32
      %convert_element_type3A_1830 = arith.extui %lt3A_1829 : i1 to i32
      %add3A_1831 = arith.addi %add3A_1828, %convert_element_type3A_1830 : i32
      %lt3A_1832 = arith.constant 0 : i32
      %lt3A_1833 = arith.cmpi slt, %add3A_1831, %lt3A_1832 : i32
      %ne3A_1834 = arith.constant 0 : i32
      %ne3A_1835 = arith.cmpi ne, %add3A_1831, %ne3A_1834 : i32
      %ge3A_1836 = arith.constant 16777216 : i32
      %ge3A_1837 = arith.cmpi uge, %add3A_1826, %ge3A_1836 : i32
      %or3A_1838 = arith.ori %ne3A_1835, %ge3A_1837 : i1
      %jit3A_1839 = arith.constant 16777215 : i32
      %select_n3A_1840 = arith.select %or3A_1838, %jit3A_1839, %add3A_1826 : i32
      %jit3A_1841 = arith.constant 0 : i32
      %select_n3A_1842 = arith.select %lt3A_1833, %jit3A_1841, %select_n3A_1840 : i32
      %select_n3A_1843 = arith.select %or3A_1759, %and3A_1777, %and3A_1773 : i32
      %jit3A_1844 = arith.constant 2 : i32
      %jit3A_1845 = arith.constant 0 : i32
      %select_n3A_1846 = arith.select %or3A_1759, %jit3A_1844, %jit3A_1845 : i32
      %add3A_1847 = arith.addi %select_n3A_1768, %select_n3A_1846 : i32
      %add3A_1848 = arith.constant 0 : i32
      %add3A_1849 = arith.addi %select_n3A_1769, %add3A_1848 : i32
      %lt3A_1850 = arith.cmpi ult, %add3A_1847, %select_n3A_1768 : i32
      %convert_element_type3A_1851 = arith.extui %lt3A_1850 : i1 to i32
      %add3A_1852 = arith.addi %add3A_1849, %convert_element_type3A_1851 : i32
      %lt3A_1853 = arith.constant 0 : i32
      %lt3A_1854 = arith.cmpi slt, %add3A_1852, %lt3A_1853 : i32
      %ne3A_1855 = arith.constant 0 : i32
      %ne3A_1856 = arith.cmpi ne, %add3A_1852, %ne3A_1855 : i32
      %ge3A_1857 = arith.constant 16777216 : i32
      %ge3A_1858 = arith.cmpi uge, %add3A_1847, %ge3A_1857 : i32
      %or3A_1859 = arith.ori %ne3A_1856, %ge3A_1858 : i1
      %jit3A_1860 = arith.constant 16777215 : i32
      %select_n3A_1861 = arith.select %or3A_1859, %jit3A_1860, %add3A_1847 : i32
      %jit3A_1862 = arith.constant 0 : i32
      %select_n3A_1863 = arith.select %lt3A_1854, %jit3A_1862, %select_n3A_1861 : i32
      %select_n3A_1864 = arith.select %or3A_1759, %and3A_1781, %and3A_1773 : i32
      %jit3A_1865 = arith.constant 3 : i32
      %jit3A_1866 = arith.constant 0 : i32
      %select_n3A_1867 = arith.select %or3A_1759, %jit3A_1865, %jit3A_1866 : i32
      %add3A_1868 = arith.addi %select_n3A_1768, %select_n3A_1867 : i32
      %add3A_1869 = arith.constant 0 : i32
      %add3A_1870 = arith.addi %select_n3A_1769, %add3A_1869 : i32
      %lt3A_1871 = arith.cmpi ult, %add3A_1868, %select_n3A_1768 : i32
      %convert_element_type3A_1872 = arith.extui %lt3A_1871 : i1 to i32
      %add3A_1873 = arith.addi %add3A_1870, %convert_element_type3A_1872 : i32
      %lt3A_1874 = arith.constant 0 : i32
      %lt3A_1875 = arith.cmpi slt, %add3A_1873, %lt3A_1874 : i32
      %ne3A_1876 = arith.constant 0 : i32
      %ne3A_1877 = arith.cmpi ne, %add3A_1873, %ne3A_1876 : i32
      %ge3A_1878 = arith.constant 16777216 : i32
      %ge3A_1879 = arith.cmpi uge, %add3A_1868, %ge3A_1878 : i32
      %or3A_1880 = arith.ori %ne3A_1877, %ge3A_1879 : i1
      %jit3A_1881 = arith.constant 16777215 : i32
      %select_n3A_1882 = arith.select %or3A_1880, %jit3A_1881, %add3A_1868 : i32
      %jit3A_1883 = arith.constant 0 : i32
      %select_n3A_1884 = arith.select %lt3A_1875, %jit3A_1883, %select_n3A_1882 : i32
      %select_n3A_1885 = arith.select %or3A_1759, %and3A_1785, %and3A_1773 : i32
      %jit3A_1886 = arith.constant 4 : i32
      %jit3A_1887 = arith.constant 0 : i32
      %select_n3A_1888 = arith.select %or3A_1759, %jit3A_1886, %jit3A_1887 : i32
      %add3A_1889 = arith.addi %select_n3A_1768, %select_n3A_1888 : i32
      %add3A_1890 = arith.constant 0 : i32
      %add3A_1891 = arith.addi %select_n3A_1769, %add3A_1890 : i32
      %lt3A_1892 = arith.cmpi ult, %add3A_1889, %select_n3A_1768 : i32
      %convert_element_type3A_1893 = arith.extui %lt3A_1892 : i1 to i32
      %add3A_1894 = arith.addi %add3A_1891, %convert_element_type3A_1893 : i32
      %lt3A_1895 = arith.constant 0 : i32
      %lt3A_1896 = arith.cmpi slt, %add3A_1894, %lt3A_1895 : i32
      %ne3A_1897 = arith.constant 0 : i32
      %ne3A_1898 = arith.cmpi ne, %add3A_1894, %ne3A_1897 : i32
      %ge3A_1899 = arith.constant 16777216 : i32
      %ge3A_1900 = arith.cmpi uge, %add3A_1889, %ge3A_1899 : i32
      %or3A_1901 = arith.ori %ne3A_1898, %ge3A_1900 : i1
      %jit3A_1902 = arith.constant 16777215 : i32
      %select_n3A_1903 = arith.select %or3A_1901, %jit3A_1902, %add3A_1889 : i32
      %jit3A_1904 = arith.constant 0 : i32
      %select_n3A_1905 = arith.select %lt3A_1896, %jit3A_1904, %select_n3A_1903 : i32
      %select_n3A_1906 = arith.select %or3A_1759, %and3A_1789, %and3A_1773 : i32
      %jit3A_1907 = arith.constant 5 : i32
      %jit3A_1908 = arith.constant 0 : i32
      %select_n3A_1909 = arith.select %or3A_1759, %jit3A_1907, %jit3A_1908 : i32
      %add3A_1910 = arith.addi %select_n3A_1768, %select_n3A_1909 : i32
      %add3A_1911 = arith.constant 0 : i32
      %add3A_1912 = arith.addi %select_n3A_1769, %add3A_1911 : i32
      %lt3A_1913 = arith.cmpi ult, %add3A_1910, %select_n3A_1768 : i32
      %convert_element_type3A_1914 = arith.extui %lt3A_1913 : i1 to i32
      %add3A_1915 = arith.addi %add3A_1912, %convert_element_type3A_1914 : i32
      %lt3A_1916 = arith.constant 0 : i32
      %lt3A_1917 = arith.cmpi slt, %add3A_1915, %lt3A_1916 : i32
      %ne3A_1918 = arith.constant 0 : i32
      %ne3A_1919 = arith.cmpi ne, %add3A_1915, %ne3A_1918 : i32
      %ge3A_1920 = arith.constant 16777216 : i32
      %ge3A_1921 = arith.cmpi uge, %add3A_1910, %ge3A_1920 : i32
      %or3A_1922 = arith.ori %ne3A_1919, %ge3A_1921 : i1
      %jit3A_1923 = arith.constant 16777215 : i32
      %select_n3A_1924 = arith.select %or3A_1922, %jit3A_1923, %add3A_1910 : i32
      %jit3A_1925 = arith.constant 0 : i32
      %select_n3A_1926 = arith.select %lt3A_1917, %jit3A_1925, %select_n3A_1924 : i32
      %select_n3A_1927 = arith.select %or3A_1759, %and3A_1793, %and3A_1773 : i32
      %jit3A_1928 = arith.constant 6 : i32
      %jit3A_1929 = arith.constant 0 : i32
      %select_n3A_1930 = arith.select %or3A_1759, %jit3A_1928, %jit3A_1929 : i32
      %add3A_1931 = arith.addi %select_n3A_1768, %select_n3A_1930 : i32
      %add3A_1932 = arith.constant 0 : i32
      %add3A_1933 = arith.addi %select_n3A_1769, %add3A_1932 : i32
      %lt3A_1934 = arith.cmpi ult, %add3A_1931, %select_n3A_1768 : i32
      %convert_element_type3A_1935 = arith.extui %lt3A_1934 : i1 to i32
      %add3A_1936 = arith.addi %add3A_1933, %convert_element_type3A_1935 : i32
      %lt3A_1937 = arith.constant 0 : i32
      %lt3A_1938 = arith.cmpi slt, %add3A_1936, %lt3A_1937 : i32
      %ne3A_1939 = arith.constant 0 : i32
      %ne3A_1940 = arith.cmpi ne, %add3A_1936, %ne3A_1939 : i32
      %ge3A_1941 = arith.constant 16777216 : i32
      %ge3A_1942 = arith.cmpi uge, %add3A_1931, %ge3A_1941 : i32
      %or3A_1943 = arith.ori %ne3A_1940, %ge3A_1942 : i1
      %jit3A_1944 = arith.constant 16777215 : i32
      %select_n3A_1945 = arith.select %or3A_1943, %jit3A_1944, %add3A_1931 : i32
      %jit3A_1946 = arith.constant 0 : i32
      %select_n3A_1947 = arith.select %lt3A_1938, %jit3A_1946, %select_n3A_1945 : i32
      %select_n3A_1948 = arith.select %or3A_1759, %and3A_1797, %and3A_1773 : i32
      %jit3A_1949 = arith.constant 7 : i32
      %jit3A_1950 = arith.constant 0 : i32
      %select_n3A_1951 = arith.select %or3A_1759, %jit3A_1949, %jit3A_1950 : i32
      %add3A_1952 = arith.addi %select_n3A_1768, %select_n3A_1951 : i32
      %add3A_1953 = arith.constant 0 : i32
      %add3A_1954 = arith.addi %select_n3A_1769, %add3A_1953 : i32
      %lt3A_1955 = arith.cmpi ult, %add3A_1952, %select_n3A_1768 : i32
      %convert_element_type3A_1956 = arith.extui %lt3A_1955 : i1 to i32
      %add3A_1957 = arith.addi %add3A_1954, %convert_element_type3A_1956 : i32
      %lt3A_1958 = arith.constant 0 : i32
      %lt3A_1959 = arith.cmpi slt, %add3A_1957, %lt3A_1958 : i32
      %ne3A_1960 = arith.constant 0 : i32
      %ne3A_1961 = arith.cmpi ne, %add3A_1957, %ne3A_1960 : i32
      %ge3A_1962 = arith.constant 16777216 : i32
      %ge3A_1963 = arith.cmpi uge, %add3A_1952, %ge3A_1962 : i32
      %or3A_1964 = arith.ori %ne3A_1961, %ge3A_1963 : i1
      %jit3A_1965 = arith.constant 16777215 : i32
      %select_n3A_1966 = arith.select %or3A_1964, %jit3A_1965, %add3A_1952 : i32
      %jit3A_1967 = arith.constant 0 : i32
      %select_n3A_1968 = arith.select %lt3A_1959, %jit3A_1967, %select_n3A_1966 : i32
      %select_n3A_1969 = arith.select %or3A_1759, %and3A_1801, %and3A_1773 : i32
      %eq3A_1970 = arith.cmpi eq, %select_n3A_1821, %select_n3A_1821 : i32
      %select_n3A_1971 = arith.select %eq3A_1970, %select_n3A_1822, %select_n3A_1822 : i32
      %eq3A_1972 = arith.cmpi eq, %select_n3A_1821, %select_n3A_1842 : i32
      %select_n3A_1973 = arith.select %eq3A_1972, %select_n3A_1822, %select_n3A_1843 : i32
      %eq3A_1974 = arith.cmpi eq, %select_n3A_1821, %select_n3A_1863 : i32
      %select_n3A_1975 = arith.select %eq3A_1974, %select_n3A_1822, %select_n3A_1864 : i32
      %eq3A_1976 = arith.cmpi eq, %select_n3A_1821, %select_n3A_1884 : i32
      %select_n3A_1977 = arith.select %eq3A_1976, %select_n3A_1822, %select_n3A_1885 : i32
      %eq3A_1978 = arith.cmpi eq, %select_n3A_1821, %select_n3A_1905 : i32
      %select_n3A_1979 = arith.select %eq3A_1978, %select_n3A_1822, %select_n3A_1906 : i32
      %eq3A_1980 = arith.cmpi eq, %select_n3A_1821, %select_n3A_1926 : i32
      %select_n3A_1981 = arith.select %eq3A_1980, %select_n3A_1822, %select_n3A_1927 : i32
      %eq3A_1982 = arith.cmpi eq, %select_n3A_1821, %select_n3A_1947 : i32
      %select_n3A_1983 = arith.select %eq3A_1982, %select_n3A_1822, %select_n3A_1948 : i32
      %eq3A_1984 = arith.cmpi eq, %select_n3A_1821, %select_n3A_1968 : i32
      %select_n3A_1985 = arith.select %eq3A_1984, %select_n3A_1822, %select_n3A_1969 : i32
      %eq3A_1986 = arith.cmpi eq, %select_n3A_1842, %select_n3A_1821 : i32
      %select_n3A_1987 = arith.select %eq3A_1986, %select_n3A_1843, %select_n3A_1971 : i32
      %eq3A_1988 = arith.cmpi eq, %select_n3A_1842, %select_n3A_1842 : i32
      %select_n3A_1989 = arith.select %eq3A_1988, %select_n3A_1843, %select_n3A_1973 : i32
      %eq3A_1990 = arith.cmpi eq, %select_n3A_1842, %select_n3A_1863 : i32
      %select_n3A_1991 = arith.select %eq3A_1990, %select_n3A_1843, %select_n3A_1975 : i32
      %eq3A_1992 = arith.cmpi eq, %select_n3A_1842, %select_n3A_1884 : i32
      %select_n3A_1993 = arith.select %eq3A_1992, %select_n3A_1843, %select_n3A_1977 : i32
      %eq3A_1994 = arith.cmpi eq, %select_n3A_1842, %select_n3A_1905 : i32
      %select_n3A_1995 = arith.select %eq3A_1994, %select_n3A_1843, %select_n3A_1979 : i32
      %eq3A_1996 = arith.cmpi eq, %select_n3A_1842, %select_n3A_1926 : i32
      %select_n3A_1997 = arith.select %eq3A_1996, %select_n3A_1843, %select_n3A_1981 : i32
      %eq3A_1998 = arith.cmpi eq, %select_n3A_1842, %select_n3A_1947 : i32
      %select_n3A_1999 = arith.select %eq3A_1998, %select_n3A_1843, %select_n3A_1983 : i32
      %eq3A_2000 = arith.cmpi eq, %select_n3A_1842, %select_n3A_1968 : i32
      %select_n3A_2001 = arith.select %eq3A_2000, %select_n3A_1843, %select_n3A_1985 : i32
      %eq3A_2002 = arith.cmpi eq, %select_n3A_1863, %select_n3A_1821 : i32
      %select_n3A_2003 = arith.select %eq3A_2002, %select_n3A_1864, %select_n3A_1987 : i32
      %eq3A_2004 = arith.cmpi eq, %select_n3A_1863, %select_n3A_1842 : i32
      %select_n3A_2005 = arith.select %eq3A_2004, %select_n3A_1864, %select_n3A_1989 : i32
      %eq3A_2006 = arith.cmpi eq, %select_n3A_1863, %select_n3A_1863 : i32
      %select_n3A_2007 = arith.select %eq3A_2006, %select_n3A_1864, %select_n3A_1991 : i32
      %eq3A_2008 = arith.cmpi eq, %select_n3A_1863, %select_n3A_1884 : i32
      %select_n3A_2009 = arith.select %eq3A_2008, %select_n3A_1864, %select_n3A_1993 : i32
      %eq3A_2010 = arith.cmpi eq, %select_n3A_1863, %select_n3A_1905 : i32
      %select_n3A_2011 = arith.select %eq3A_2010, %select_n3A_1864, %select_n3A_1995 : i32
      %eq3A_2012 = arith.cmpi eq, %select_n3A_1863, %select_n3A_1926 : i32
      %select_n3A_2013 = arith.select %eq3A_2012, %select_n3A_1864, %select_n3A_1997 : i32
      %eq3A_2014 = arith.cmpi eq, %select_n3A_1863, %select_n3A_1947 : i32
      %select_n3A_2015 = arith.select %eq3A_2014, %select_n3A_1864, %select_n3A_1999 : i32
      %eq3A_2016 = arith.cmpi eq, %select_n3A_1863, %select_n3A_1968 : i32
      %select_n3A_2017 = arith.select %eq3A_2016, %select_n3A_1864, %select_n3A_2001 : i32
      %eq3A_2018 = arith.cmpi eq, %select_n3A_1884, %select_n3A_1821 : i32
      %select_n3A_2019 = arith.select %eq3A_2018, %select_n3A_1885, %select_n3A_2003 : i32
      %eq3A_2020 = arith.cmpi eq, %select_n3A_1884, %select_n3A_1842 : i32
      %select_n3A_2021 = arith.select %eq3A_2020, %select_n3A_1885, %select_n3A_2005 : i32
      %eq3A_2022 = arith.cmpi eq, %select_n3A_1884, %select_n3A_1863 : i32
      %select_n3A_2023 = arith.select %eq3A_2022, %select_n3A_1885, %select_n3A_2007 : i32
      %eq3A_2024 = arith.cmpi eq, %select_n3A_1884, %select_n3A_1884 : i32
      %select_n3A_2025 = arith.select %eq3A_2024, %select_n3A_1885, %select_n3A_2009 : i32
      %eq3A_2026 = arith.cmpi eq, %select_n3A_1884, %select_n3A_1905 : i32
      %select_n3A_2027 = arith.select %eq3A_2026, %select_n3A_1885, %select_n3A_2011 : i32
      %eq3A_2028 = arith.cmpi eq, %select_n3A_1884, %select_n3A_1926 : i32
      %select_n3A_2029 = arith.select %eq3A_2028, %select_n3A_1885, %select_n3A_2013 : i32
      %eq3A_2030 = arith.cmpi eq, %select_n3A_1884, %select_n3A_1947 : i32
      %select_n3A_2031 = arith.select %eq3A_2030, %select_n3A_1885, %select_n3A_2015 : i32
      %eq3A_2032 = arith.cmpi eq, %select_n3A_1884, %select_n3A_1968 : i32
      %select_n3A_2033 = arith.select %eq3A_2032, %select_n3A_1885, %select_n3A_2017 : i32
      %eq3A_2034 = arith.cmpi eq, %select_n3A_1905, %select_n3A_1821 : i32
      %select_n3A_2035 = arith.select %eq3A_2034, %select_n3A_1906, %select_n3A_2019 : i32
      %eq3A_2036 = arith.cmpi eq, %select_n3A_1905, %select_n3A_1842 : i32
      %select_n3A_2037 = arith.select %eq3A_2036, %select_n3A_1906, %select_n3A_2021 : i32
      %eq3A_2038 = arith.cmpi eq, %select_n3A_1905, %select_n3A_1863 : i32
      %select_n3A_2039 = arith.select %eq3A_2038, %select_n3A_1906, %select_n3A_2023 : i32
      %eq3A_2040 = arith.cmpi eq, %select_n3A_1905, %select_n3A_1884 : i32
      %select_n3A_2041 = arith.select %eq3A_2040, %select_n3A_1906, %select_n3A_2025 : i32
      %eq3A_2042 = arith.cmpi eq, %select_n3A_1905, %select_n3A_1905 : i32
      %select_n3A_2043 = arith.select %eq3A_2042, %select_n3A_1906, %select_n3A_2027 : i32
      %eq3A_2044 = arith.cmpi eq, %select_n3A_1905, %select_n3A_1926 : i32
      %select_n3A_2045 = arith.select %eq3A_2044, %select_n3A_1906, %select_n3A_2029 : i32
      %eq3A_2046 = arith.cmpi eq, %select_n3A_1905, %select_n3A_1947 : i32
      %select_n3A_2047 = arith.select %eq3A_2046, %select_n3A_1906, %select_n3A_2031 : i32
      %eq3A_2048 = arith.cmpi eq, %select_n3A_1905, %select_n3A_1968 : i32
      %select_n3A_2049 = arith.select %eq3A_2048, %select_n3A_1906, %select_n3A_2033 : i32
      %eq3A_2050 = arith.cmpi eq, %select_n3A_1926, %select_n3A_1821 : i32
      %select_n3A_2051 = arith.select %eq3A_2050, %select_n3A_1927, %select_n3A_2035 : i32
      %eq3A_2052 = arith.cmpi eq, %select_n3A_1926, %select_n3A_1842 : i32
      %select_n3A_2053 = arith.select %eq3A_2052, %select_n3A_1927, %select_n3A_2037 : i32
      %eq3A_2054 = arith.cmpi eq, %select_n3A_1926, %select_n3A_1863 : i32
      %select_n3A_2055 = arith.select %eq3A_2054, %select_n3A_1927, %select_n3A_2039 : i32
      %eq3A_2056 = arith.cmpi eq, %select_n3A_1926, %select_n3A_1884 : i32
      %select_n3A_2057 = arith.select %eq3A_2056, %select_n3A_1927, %select_n3A_2041 : i32
      %eq3A_2058 = arith.cmpi eq, %select_n3A_1926, %select_n3A_1905 : i32
      %select_n3A_2059 = arith.select %eq3A_2058, %select_n3A_1927, %select_n3A_2043 : i32
      %eq3A_2060 = arith.cmpi eq, %select_n3A_1926, %select_n3A_1926 : i32
      %select_n3A_2061 = arith.select %eq3A_2060, %select_n3A_1927, %select_n3A_2045 : i32
      %eq3A_2062 = arith.cmpi eq, %select_n3A_1926, %select_n3A_1947 : i32
      %select_n3A_2063 = arith.select %eq3A_2062, %select_n3A_1927, %select_n3A_2047 : i32
      %eq3A_2064 = arith.cmpi eq, %select_n3A_1926, %select_n3A_1968 : i32
      %select_n3A_2065 = arith.select %eq3A_2064, %select_n3A_1927, %select_n3A_2049 : i32
      %eq3A_2066 = arith.cmpi eq, %select_n3A_1947, %select_n3A_1821 : i32
      %select_n3A_2067 = arith.select %eq3A_2066, %select_n3A_1948, %select_n3A_2051 : i32
      %eq3A_2068 = arith.cmpi eq, %select_n3A_1947, %select_n3A_1842 : i32
      %select_n3A_2069 = arith.select %eq3A_2068, %select_n3A_1948, %select_n3A_2053 : i32
      %eq3A_2070 = arith.cmpi eq, %select_n3A_1947, %select_n3A_1863 : i32
      %select_n3A_2071 = arith.select %eq3A_2070, %select_n3A_1948, %select_n3A_2055 : i32
      %eq3A_2072 = arith.cmpi eq, %select_n3A_1947, %select_n3A_1884 : i32
      %select_n3A_2073 = arith.select %eq3A_2072, %select_n3A_1948, %select_n3A_2057 : i32
      %eq3A_2074 = arith.cmpi eq, %select_n3A_1947, %select_n3A_1905 : i32
      %select_n3A_2075 = arith.select %eq3A_2074, %select_n3A_1948, %select_n3A_2059 : i32
      %eq3A_2076 = arith.cmpi eq, %select_n3A_1947, %select_n3A_1926 : i32
      %select_n3A_2077 = arith.select %eq3A_2076, %select_n3A_1948, %select_n3A_2061 : i32
      %eq3A_2078 = arith.cmpi eq, %select_n3A_1947, %select_n3A_1947 : i32
      %select_n3A_2079 = arith.select %eq3A_2078, %select_n3A_1948, %select_n3A_2063 : i32
      %eq3A_2080 = arith.cmpi eq, %select_n3A_1947, %select_n3A_1968 : i32
      %select_n3A_2081 = arith.select %eq3A_2080, %select_n3A_1948, %select_n3A_2065 : i32
      %eq3A_2082 = arith.cmpi eq, %select_n3A_1968, %select_n3A_1821 : i32
      %select_n3A_2083 = arith.select %eq3A_2082, %select_n3A_1969, %select_n3A_2067 : i32
      %eq3A_2084 = arith.cmpi eq, %select_n3A_1968, %select_n3A_1842 : i32
      %select_n3A_2085 = arith.select %eq3A_2084, %select_n3A_1969, %select_n3A_2069 : i32
      %eq3A_2086 = arith.cmpi eq, %select_n3A_1968, %select_n3A_1863 : i32
      %select_n3A_2087 = arith.select %eq3A_2086, %select_n3A_1969, %select_n3A_2071 : i32
      %eq3A_2088 = arith.cmpi eq, %select_n3A_1968, %select_n3A_1884 : i32
      %select_n3A_2089 = arith.select %eq3A_2088, %select_n3A_1969, %select_n3A_2073 : i32
      %eq3A_2090 = arith.cmpi eq, %select_n3A_1968, %select_n3A_1905 : i32
      %select_n3A_2091 = arith.select %eq3A_2090, %select_n3A_1969, %select_n3A_2075 : i32
      %eq3A_2092 = arith.cmpi eq, %select_n3A_1968, %select_n3A_1926 : i32
      %select_n3A_2093 = arith.select %eq3A_2092, %select_n3A_1969, %select_n3A_2077 : i32
      %eq3A_2094 = arith.cmpi eq, %select_n3A_1968, %select_n3A_1947 : i32
      %select_n3A_2095 = arith.select %eq3A_2094, %select_n3A_1969, %select_n3A_2079 : i32
      %eq3A_2096 = arith.cmpi eq, %select_n3A_1968, %select_n3A_1968 : i32
      %select_n3A_2097 = arith.select %eq3A_2096, %select_n3A_1969, %select_n3A_2081 : i32
      %lt3A_2098 = arith.constant 0 : i32
      %lt3A_2099 = arith.cmpi slt, %squeeze3A_10, %lt3A_2098 : i32
      %ne3A_2100 = arith.constant 0 : i32
      %ne3A_2101 = arith.cmpi ne, %squeeze3A_10, %ne3A_2100 : i32
      %ge3A_2102 = arith.constant 16777216 : i32
      %ge3A_2103 = arith.cmpi uge, %squeeze3A_8, %ge3A_2102 : i32
      %or3A_2104 = arith.ori %ne3A_2101, %ge3A_2103 : i1
      %jit3A_2105 = arith.constant 16777215 : i32
      %select_n3A_2106 = arith.select %or3A_2104, %jit3A_2105, %squeeze3A_8 : i32
      %jit3A_2107 = arith.constant 0 : i32
      %select_n3A_2108 = arith.select %lt3A_2099, %jit3A_2107, %select_n3A_2106 : i32
      %select_n3A_2109 = arith.select %or3A_1761, %select_n3A_1821, %select_n3A_2108 : i32
      %select_n3A_2110 = arith.select %or3A_1761, %select_n3A_2083, %squeeze3A_1176 : i32
      %select_n3A_2111 = arith.select %or3A_1761, %select_n3A_1842, %select_n3A_2108 : i32
      %select_n3A_2112 = arith.select %or3A_1761, %select_n3A_2085, %squeeze3A_1176 : i32
      %select_n3A_2113 = arith.select %or3A_1761, %select_n3A_1863, %select_n3A_2108 : i32
      %select_n3A_2114 = arith.select %or3A_1761, %select_n3A_2087, %squeeze3A_1176 : i32
      %select_n3A_2115 = arith.select %or3A_1761, %select_n3A_1884, %select_n3A_2108 : i32
      %select_n3A_2116 = arith.select %or3A_1761, %select_n3A_2089, %squeeze3A_1176 : i32
      %select_n3A_2117 = arith.select %or3A_1761, %select_n3A_1905, %select_n3A_2108 : i32
      %select_n3A_2118 = arith.select %or3A_1761, %select_n3A_2091, %squeeze3A_1176 : i32
      %select_n3A_2119 = arith.select %or3A_1761, %select_n3A_1926, %select_n3A_2108 : i32
      %select_n3A_2120 = arith.select %or3A_1761, %select_n3A_2093, %squeeze3A_1176 : i32
      %select_n3A_2121 = arith.select %or3A_1761, %select_n3A_1947, %select_n3A_2108 : i32
      %select_n3A_2122 = arith.select %or3A_1761, %select_n3A_2095, %squeeze3A_1176 : i32
      %select_n3A_2123 = arith.select %or3A_1761, %select_n3A_1968, %select_n3A_2108 : i32
      %select_n3A_2124 = arith.select %or3A_1761, %select_n3A_2097, %squeeze3A_1176 : i32
      %and3A_2125 = arith.constant -128 : i32
      %and3A_2126 = arith.andi %select_n3A_2109, %and3A_2125 : i32
      %and3A_2127 = arith.constant -128 : i32
      %and3A_2128 = arith.andi %select_n3A_2123, %and3A_2127 : i32
      %multiple_of3A = tpu.assume_multiple %and3A_2126, 128 : i32
      "tpu.region"() ({
        %run_scoped3A = tpu.sem_alloc : memref<!tpu.dma_semaphore, #tpu.memory_space<semaphore_mem>>
        %dma_start3A_2885 = tpu.memref_slice %arg3[%multiple_of3A] : memref<16777216xi32, #tpu.memory_space<hbm>> -> memref<128xi32, #tpu.memory_space<hbm>>
        %dma_start3A_2886 = tpu.memref_slice %arg3[%multiple_of3A] : memref<16777216xi32, #tpu.memory_space<hbm>> -> memref<128xi32, #tpu.memory_space<hbm>>
        tpu.enqueue_dma source(%dma_start3A_2886 : memref<128xi32, #tpu.memory_space<hbm>>) target(%arg12 : memref<128xi32, #tpu.memory_space<vmem>>) target_semaphore(%run_scoped3A : memref<!tpu.dma_semaphore, #tpu.memory_space<semaphore_mem>>)
        %dma_wait3A_2887 = tpu.memref_slice %arg3[%multiple_of3A] : memref<16777216xi32, #tpu.memory_space<hbm>> -> memref<128xi32, #tpu.memory_space<hbm>>
        %dma_wait3A_2888 = tpu.memref_slice %arg3[%multiple_of3A] : memref<16777216xi32, #tpu.memory_space<hbm>> -> memref<128xi32, #tpu.memory_space<hbm>>
        tpu.wait_dma2 semaphore(%run_scoped3A : memref<!tpu.dma_semaphore, #tpu.memory_space<semaphore_mem>>) src(%dma_wait3A_2888 : memref<128xi32, #tpu.memory_space<hbm>>) dst(%arg12 : memref<128xi32, #tpu.memory_space<vmem>>)
        tpu.yield
      }) : () -> ()
      %get3A_2129 = arith.constant 0 : index
      %get3A_2130 = tpu.vector_load %arg12[%get3A_2129] {strides = array<i32>} : memref<128xi32, #tpu.memory_space<vmem>>, vector<16xi32>,
      %get3A_2131 = vector.shape_cast %get3A_2130 : vector<16xi32> to vector<16xi32>
      %add3A_2132 = arith.constant 0 : i32
      %add3A_2133 = arith.addi %and3A_2126, %add3A_2132 : i32
      %add3A_2134 = vector.broadcast %add3A_2133 : i32 to vector<16xi32>
      %add3A_2135 = arith.addi %add3A_2134, %iota3A : vector<16xi32>
      %eq3A_2136 = vector.broadcast %select_n3A_2109 : i32 to vector<16xi32>
      %eq3A_2137 = arith.cmpi eq, %add3A_2135, %eq3A_2136 : vector<16xi32>
      %broadcast_in_dim3A_2138 = vector.broadcast %select_n3A_2110 : i32 to vector<16xi32>
      %select_n3A_2139 = arith.select %eq3A_2137, %broadcast_in_dim3A_2138, %get3A_2131 : vector<16xi1>, vector<16xi32>
      %eq3A_2140 = vector.broadcast %select_n3A_2111 : i32 to vector<16xi32>
      %eq3A_2141 = arith.cmpi eq, %add3A_2135, %eq3A_2140 : vector<16xi32>
      %broadcast_in_dim3A_2142 = vector.broadcast %select_n3A_2112 : i32 to vector<16xi32>
      %select_n3A_2143 = arith.select %eq3A_2141, %broadcast_in_dim3A_2142, %select_n3A_2139 : vector<16xi1>, vector<16xi32>
      %eq3A_2144 = vector.broadcast %select_n3A_2113 : i32 to vector<16xi32>
      %eq3A_2145 = arith.cmpi eq, %add3A_2135, %eq3A_2144 : vector<16xi32>
      %broadcast_in_dim3A_2146 = vector.broadcast %select_n3A_2114 : i32 to vector<16xi32>
      %select_n3A_2147 = arith.select %eq3A_2145, %broadcast_in_dim3A_2146, %select_n3A_2143 : vector<16xi1>, vector<16xi32>
      %eq3A_2148 = vector.broadcast %select_n3A_2115 : i32 to vector<16xi32>
      %eq3A_2149 = arith.cmpi eq, %add3A_2135, %eq3A_2148 : vector<16xi32>
      %broadcast_in_dim3A_2150 = vector.broadcast %select_n3A_2116 : i32 to vector<16xi32>
      %select_n3A_2151 = arith.select %eq3A_2149, %broadcast_in_dim3A_2150, %select_n3A_2147 : vector<16xi1>, vector<16xi32>
      %eq3A_2152 = vector.broadcast %select_n3A_2117 : i32 to vector<16xi32>
      %eq3A_2153 = arith.cmpi eq, %add3A_2135, %eq3A_2152 : vector<16xi32>
      %broadcast_in_dim3A_2154 = vector.broadcast %select_n3A_2118 : i32 to vector<16xi32>
      %select_n3A_2155 = arith.select %eq3A_2153, %broadcast_in_dim3A_2154, %select_n3A_2151 : vector<16xi1>, vector<16xi32>
      %eq3A_2156 = vector.broadcast %select_n3A_2119 : i32 to vector<16xi32>
      %eq3A_2157 = arith.cmpi eq, %add3A_2135, %eq3A_2156 : vector<16xi32>
      %broadcast_in_dim3A_2158 = vector.broadcast %select_n3A_2120 : i32 to vector<16xi32>
      %select_n3A_2159 = arith.select %eq3A_2157, %broadcast_in_dim3A_2158, %select_n3A_2155 : vector<16xi1>, vector<16xi32>
      %eq3A_2160 = vector.broadcast %select_n3A_2121 : i32 to vector<16xi32>
      %eq3A_2161 = arith.cmpi eq, %add3A_2135, %eq3A_2160 : vector<16xi32>
      %broadcast_in_dim3A_2162 = vector.broadcast %select_n3A_2122 : i32 to vector<16xi32>
      %select_n3A_2163 = arith.select %eq3A_2161, %broadcast_in_dim3A_2162, %select_n3A_2159 : vector<16xi1>, vector<16xi32>
      %eq3A_2164 = vector.broadcast %select_n3A_2123 : i32 to vector<16xi32>
      %eq3A_2165 = arith.cmpi eq, %add3A_2135, %eq3A_2164 : vector<16xi32>
      %broadcast_in_dim3A_2166 = vector.broadcast %select_n3A_2124 : i32 to vector<16xi32>
      %select_n3A_2167 = arith.select %eq3A_2165, %broadcast_in_dim3A_2166, %select_n3A_2163 : vector<16xi1>, vector<16xi32>
      %swap3A_2168 = arith.constant 0 : index
      %swap3A_2169 = tpu.vector_load %arg15[%swap3A_2168] {strides = array<i32>} : memref<256xi32, #tpu.memory_space<vmem>>, vector<16xi32>,
      %swap3A_2170 = vector.shape_cast %swap3A_2169 : vector<16xi32> to vector<16xi32>
      %swap3A_2171 = vector.shape_cast %select_n3A_2167 : vector<16xi32> to vector<16xi32>
      tpu.vector_store %arg15[%swap3A_2168], %swap3A_2171 {strides = array<i32>} : memref<256xi32, #tpu.memory_space<vmem>>, vector<16xi32>,
      %get3A_2172 = arith.constant 16 : index
      %get3A_2173 = tpu.vector_load %arg12[%get3A_2172] {strides = array<i32>} : memref<128xi32, #tpu.memory_space<vmem>>, vector<16xi32>,
      %get3A_2174 = vector.shape_cast %get3A_2173 : vector<16xi32> to vector<16xi32>
      %add3A_2175 = arith.constant 16 : i32
      %add3A_2176 = arith.addi %and3A_2126, %add3A_2175 : i32
      %add3A_2177 = vector.broadcast %add3A_2176 : i32 to vector<16xi32>
      %add3A_2178 = arith.addi %add3A_2177, %iota3A : vector<16xi32>
      %eq3A_2179 = vector.broadcast %select_n3A_2109 : i32 to vector<16xi32>
      %eq3A_2180 = arith.cmpi eq, %add3A_2178, %eq3A_2179 : vector<16xi32>
      %broadcast_in_dim3A_2181 = vector.broadcast %select_n3A_2110 : i32 to vector<16xi32>
      %select_n3A_2182 = arith.select %eq3A_2180, %broadcast_in_dim3A_2181, %get3A_2174 : vector<16xi1>, vector<16xi32>
      %eq3A_2183 = vector.broadcast %select_n3A_2111 : i32 to vector<16xi32>
      %eq3A_2184 = arith.cmpi eq, %add3A_2178, %eq3A_2183 : vector<16xi32>
      %broadcast_in_dim3A_2185 = vector.broadcast %select_n3A_2112 : i32 to vector<16xi32>
      %select_n3A_2186 = arith.select %eq3A_2184, %broadcast_in_dim3A_2185, %select_n3A_2182 : vector<16xi1>, vector<16xi32>
      %eq3A_2187 = vector.broadcast %select_n3A_2113 : i32 to vector<16xi32>
      %eq3A_2188 = arith.cmpi eq, %add3A_2178, %eq3A_2187 : vector<16xi32>
      %broadcast_in_dim3A_2189 = vector.broadcast %select_n3A_2114 : i32 to vector<16xi32>
      %select_n3A_2190 = arith.select %eq3A_2188, %broadcast_in_dim3A_2189, %select_n3A_2186 : vector<16xi1>, vector<16xi32>
      %eq3A_2191 = vector.broadcast %select_n3A_2115 : i32 to vector<16xi32>
      %eq3A_2192 = arith.cmpi eq, %add3A_2178, %eq3A_2191 : vector<16xi32>
      %broadcast_in_dim3A_2193 = vector.broadcast %select_n3A_2116 : i32 to vector<16xi32>
      %select_n3A_2194 = arith.select %eq3A_2192, %broadcast_in_dim3A_2193, %select_n3A_2190 : vector<16xi1>, vector<16xi32>
      %eq3A_2195 = vector.broadcast %select_n3A_2117 : i32 to vector<16xi32>
      %eq3A_2196 = arith.cmpi eq, %add3A_2178, %eq3A_2195 : vector<16xi32>
      %broadcast_in_dim3A_2197 = vector.broadcast %select_n3A_2118 : i32 to vector<16xi32>
      %select_n3A_2198 = arith.select %eq3A_2196, %broadcast_in_dim3A_2197, %select_n3A_2194 : vector<16xi1>, vector<16xi32>
      %eq3A_2199 = vector.broadcast %select_n3A_2119 : i32 to vector<16xi32>
      %eq3A_2200 = arith.cmpi eq, %add3A_2178, %eq3A_2199 : vector<16xi32>
      %broadcast_in_dim3A_2201 = vector.broadcast %select_n3A_2120 : i32 to vector<16xi32>
      %select_n3A_2202 = arith.select %eq3A_2200, %broadcast_in_dim3A_2201, %select_n3A_2198 : vector<16xi1>, vector<16xi32>
      %eq3A_2203 = vector.broadcast %select_n3A_2121 : i32 to vector<16xi32>
      %eq3A_2204 = arith.cmpi eq, %add3A_2178, %eq3A_2203 : vector<16xi32>
      %broadcast_in_dim3A_2205 = vector.broadcast %select_n3A_2122 : i32 to vector<16xi32>
      %select_n3A_2206 = arith.select %eq3A_2204, %broadcast_in_dim3A_2205, %select_n3A_2202 : vector<16xi1>, vector<16xi32>
      %eq3A_2207 = vector.broadcast %select_n3A_2123 : i32 to vector<16xi32>
      %eq3A_2208 = arith.cmpi eq, %add3A_2178, %eq3A_2207 : vector<16xi32>
      %broadcast_in_dim3A_2209 = vector.broadcast %select_n3A_2124 : i32 to vector<16xi32>
      %select_n3A_2210 = arith.select %eq3A_2208, %broadcast_in_dim3A_2209, %select_n3A_2206 : vector<16xi1>, vector<16xi32>
      %swap3A_2211 = arith.constant 16 : index
      %swap3A_2212 = tpu.vector_load %arg15[%swap3A_2211] {strides = array<i32>} : memref<256xi32, #tpu.memory_space<vmem>>, vector<16xi32>,
      %swap3A_2213 = vector.shape_cast %swap3A_2212 : vector<16xi32> to vector<16xi32>
      %swap3A_2214 = vector.shape_cast %select_n3A_2210 : vector<16xi32> to vector<16xi32>
      tpu.vector_store %arg15[%swap3A_2211], %swap3A_2214 {strides = array<i32>} : memref<256xi32, #tpu.memory_space<vmem>>, vector<16xi32>,
      %get3A_2215 = arith.constant 32 : index
      %get3A_2216 = tpu.vector_load %arg12[%get3A_2215] {strides = array<i32>} : memref<128xi32, #tpu.memory_space<vmem>>, vector<16xi32>,
      %get3A_2217 = vector.shape_cast %get3A_2216 : vector<16xi32> to vector<16xi32>
      %add3A_2218 = arith.constant 32 : i32
      %add3A_2219 = arith.addi %and3A_2126, %add3A_2218 : i32
      %add3A_2220 = vector.broadcast %add3A_2219 : i32 to vector<16xi32>
      %add3A_2221 = arith.addi %add3A_2220, %iota3A : vector<16xi32>
      %eq3A_2222 = vector.broadcast %select_n3A_2109 : i32 to vector<16xi32>
      %eq3A_2223 = arith.cmpi eq, %add3A_2221, %eq3A_2222 : vector<16xi32>
      %broadcast_in_dim3A_2224 = vector.broadcast %select_n3A_2110 : i32 to vector<16xi32>
      %select_n3A_2225 = arith.select %eq3A_2223, %broadcast_in_dim3A_2224, %get3A_2217 : vector<16xi1>, vector<16xi32>
      %eq3A_2226 = vector.broadcast %select_n3A_2111 : i32 to vector<16xi32>
      %eq3A_2227 = arith.cmpi eq, %add3A_2221, %eq3A_2226 : vector<16xi32>
      %broadcast_in_dim3A_2228 = vector.broadcast %select_n3A_2112 : i32 to vector<16xi32>
      %select_n3A_2229 = arith.select %eq3A_2227, %broadcast_in_dim3A_2228, %select_n3A_2225 : vector<16xi1>, vector<16xi32>
      %eq3A_2230 = vector.broadcast %select_n3A_2113 : i32 to vector<16xi32>
      %eq3A_2231 = arith.cmpi eq, %add3A_2221, %eq3A_2230 : vector<16xi32>
      %broadcast_in_dim3A_2232 = vector.broadcast %select_n3A_2114 : i32 to vector<16xi32>
      %select_n3A_2233 = arith.select %eq3A_2231, %broadcast_in_dim3A_2232, %select_n3A_2229 : vector<16xi1>, vector<16xi32>
      %eq3A_2234 = vector.broadcast %select_n3A_2115 : i32 to vector<16xi32>
      %eq3A_2235 = arith.cmpi eq, %add3A_2221, %eq3A_2234 : vector<16xi32>
      %broadcast_in_dim3A_2236 = vector.broadcast %select_n3A_2116 : i32 to vector<16xi32>
      %select_n3A_2237 = arith.select %eq3A_2235, %broadcast_in_dim3A_2236, %select_n3A_2233 : vector<16xi1>, vector<16xi32>
      %eq3A_2238 = vector.broadcast %select_n3A_2117 : i32 to vector<16xi32>
      %eq3A_2239 = arith.cmpi eq, %add3A_2221, %eq3A_2238 : vector<16xi32>
      %broadcast_in_dim3A_2240 = vector.broadcast %select_n3A_2118 : i32 to vector<16xi32>
      %select_n3A_2241 = arith.select %eq3A_2239, %broadcast_in_dim3A_2240, %select_n3A_2237 : vector<16xi1>, vector<16xi32>
      %eq3A_2242 = vector.broadcast %select_n3A_2119 : i32 to vector<16xi32>
      %eq3A_2243 = arith.cmpi eq, %add3A_2221, %eq3A_2242 : vector<16xi32>
      %broadcast_in_dim3A_2244 = vector.broadcast %select_n3A_2120 : i32 to vector<16xi32>
      %select_n3A_2245 = arith.select %eq3A_2243, %broadcast_in_dim3A_2244, %select_n3A_2241 : vector<16xi1>, vector<16xi32>
      %eq3A_2246 = vector.broadcast %select_n3A_2121 : i32 to vector<16xi32>
      %eq3A_2247 = arith.cmpi eq, %add3A_2221, %eq3A_2246 : vector<16xi32>
      %broadcast_in_dim3A_2248 = vector.broadcast %select_n3A_2122 : i32 to vector<16xi32>
      %select_n3A_2249 = arith.select %eq3A_2247, %broadcast_in_dim3A_2248, %select_n3A_2245 : vector<16xi1>, vector<16xi32>
      %eq3A_2250 = vector.broadcast %select_n3A_2123 : i32 to vector<16xi32>
      %eq3A_2251 = arith.cmpi eq, %add3A_2221, %eq3A_2250 : vector<16xi32>
      %broadcast_in_dim3A_2252 = vector.broadcast %select_n3A_2124 : i32 to vector<16xi32>
      %select_n3A_2253 = arith.select %eq3A_2251, %broadcast_in_dim3A_2252, %select_n3A_2249 : vector<16xi1>, vector<16xi32>
      %swap3A_2254 = arith.constant 32 : index
      %swap3A_2255 = tpu.vector_load %arg15[%swap3A_2254] {strides = array<i32>} : memref<256xi32, #tpu.memory_space<vmem>>, vector<16xi32>,
      %swap3A_2256 = vector.shape_cast %swap3A_2255 : vector<16xi32> to vector<16xi32>
      %swap3A_2257 = vector.shape_cast %select_n3A_2253 : vector<16xi32> to vector<16xi32>
      tpu.vector_store %arg15[%swap3A_2254], %swap3A_2257 {strides = array<i32>} : memref<256xi32, #tpu.memory_space<vmem>>, vector<16xi32>,
      %get3A_2258 = arith.constant 48 : index
      %get3A_2259 = tpu.vector_load %arg12[%get3A_2258] {strides = array<i32>} : memref<128xi32, #tpu.memory_space<vmem>>, vector<16xi32>,
      %get3A_2260 = vector.shape_cast %get3A_2259 : vector<16xi32> to vector<16xi32>
      %add3A_2261 = arith.constant 48 : i32
      %add3A_2262 = arith.addi %and3A_2126, %add3A_2261 : i32
      %add3A_2263 = vector.broadcast %add3A_2262 : i32 to vector<16xi32>
      %add3A_2264 = arith.addi %add3A_2263, %iota3A : vector<16xi32>
      %eq3A_2265 = vector.broadcast %select_n3A_2109 : i32 to vector<16xi32>
      %eq3A_2266 = arith.cmpi eq, %add3A_2264, %eq3A_2265 : vector<16xi32>
      %broadcast_in_dim3A_2267 = vector.broadcast %select_n3A_2110 : i32 to vector<16xi32>
      %select_n3A_2268 = arith.select %eq3A_2266, %broadcast_in_dim3A_2267, %get3A_2260 : vector<16xi1>, vector<16xi32>
      %eq3A_2269 = vector.broadcast %select_n3A_2111 : i32 to vector<16xi32>
      %eq3A_2270 = arith.cmpi eq, %add3A_2264, %eq3A_2269 : vector<16xi32>
      %broadcast_in_dim3A_2271 = vector.broadcast %select_n3A_2112 : i32 to vector<16xi32>
      %select_n3A_2272 = arith.select %eq3A_2270, %broadcast_in_dim3A_2271, %select_n3A_2268 : vector<16xi1>, vector<16xi32>
      %eq3A_2273 = vector.broadcast %select_n3A_2113 : i32 to vector<16xi32>
      %eq3A_2274 = arith.cmpi eq, %add3A_2264, %eq3A_2273 : vector<16xi32>
      %broadcast_in_dim3A_2275 = vector.broadcast %select_n3A_2114 : i32 to vector<16xi32>
      %select_n3A_2276 = arith.select %eq3A_2274, %broadcast_in_dim3A_2275, %select_n3A_2272 : vector<16xi1>, vector<16xi32>
      %eq3A_2277 = vector.broadcast %select_n3A_2115 : i32 to vector<16xi32>
      %eq3A_2278 = arith.cmpi eq, %add3A_2264, %eq3A_2277 : vector<16xi32>
      %broadcast_in_dim3A_2279 = vector.broadcast %select_n3A_2116 : i32 to vector<16xi32>
      %select_n3A_2280 = arith.select %eq3A_2278, %broadcast_in_dim3A_2279, %select_n3A_2276 : vector<16xi1>, vector<16xi32>
      %eq3A_2281 = vector.broadcast %select_n3A_2117 : i32 to vector<16xi32>
      %eq3A_2282 = arith.cmpi eq, %add3A_2264, %eq3A_2281 : vector<16xi32>
      %broadcast_in_dim3A_2283 = vector.broadcast %select_n3A_2118 : i32 to vector<16xi32>
      %select_n3A_2284 = arith.select %eq3A_2282, %broadcast_in_dim3A_2283, %select_n3A_2280 : vector<16xi1>, vector<16xi32>
      %eq3A_2285 = vector.broadcast %select_n3A_2119 : i32 to vector<16xi32>
      %eq3A_2286 = arith.cmpi eq, %add3A_2264, %eq3A_2285 : vector<16xi32>
      %broadcast_in_dim3A_2287 = vector.broadcast %select_n3A_2120 : i32 to vector<16xi32>
      %select_n3A_2288 = arith.select %eq3A_2286, %broadcast_in_dim3A_2287, %select_n3A_2284 : vector<16xi1>, vector<16xi32>
      %eq3A_2289 = vector.broadcast %select_n3A_2121 : i32 to vector<16xi32>
      %eq3A_2290 = arith.cmpi eq, %add3A_2264, %eq3A_2289 : vector<16xi32>
      %broadcast_in_dim3A_2291 = vector.broadcast %select_n3A_2122 : i32 to vector<16xi32>
      %select_n3A_2292 = arith.select %eq3A_2290, %broadcast_in_dim3A_2291, %select_n3A_2288 : vector<16xi1>, vector<16xi32>
      %eq3A_2293 = vector.broadcast %select_n3A_2123 : i32 to vector<16xi32>
      %eq3A_2294 = arith.cmpi eq, %add3A_2264, %eq3A_2293 : vector<16xi32>
      %broadcast_in_dim3A_2295 = vector.broadcast %select_n3A_2124 : i32 to vector<16xi32>
      %select_n3A_2296 = arith.select %eq3A_2294, %broadcast_in_dim3A_2295, %select_n3A_2292 : vector<16xi1>, vector<16xi32>
      %swap3A_2297 = arith.constant 48 : index
      %swap3A_2298 = tpu.vector_load %arg15[%swap3A_2297] {strides = array<i32>} : memref<256xi32, #tpu.memory_space<vmem>>, vector<16xi32>,
      %swap3A_2299 = vector.shape_cast %swap3A_2298 : vector<16xi32> to vector<16xi32>
      %swap3A_2300 = vector.shape_cast %select_n3A_2296 : vector<16xi32> to vector<16xi32>
      tpu.vector_store %arg15[%swap3A_2297], %swap3A_2300 {strides = array<i32>} : memref<256xi32, #tpu.memory_space<vmem>>, vector<16xi32>,
      %get3A_2301 = arith.constant 64 : index
      %get3A_2302 = tpu.vector_load %arg12[%get3A_2301] {strides = array<i32>} : memref<128xi32, #tpu.memory_space<vmem>>, vector<16xi32>,
      %get3A_2303 = vector.shape_cast %get3A_2302 : vector<16xi32> to vector<16xi32>
      %add3A_2304 = arith.constant 64 : i32
      %add3A_2305 = arith.addi %and3A_2126, %add3A_2304 : i32
      %add3A_2306 = vector.broadcast %add3A_2305 : i32 to vector<16xi32>
      %add3A_2307 = arith.addi %add3A_2306, %iota3A : vector<16xi32>
      %eq3A_2308 = vector.broadcast %select_n3A_2109 : i32 to vector<16xi32>
      %eq3A_2309 = arith.cmpi eq, %add3A_2307, %eq3A_2308 : vector<16xi32>
      %broadcast_in_dim3A_2310 = vector.broadcast %select_n3A_2110 : i32 to vector<16xi32>
      %select_n3A_2311 = arith.select %eq3A_2309, %broadcast_in_dim3A_2310, %get3A_2303 : vector<16xi1>, vector<16xi32>
      %eq3A_2312 = vector.broadcast %select_n3A_2111 : i32 to vector<16xi32>
      %eq3A_2313 = arith.cmpi eq, %add3A_2307, %eq3A_2312 : vector<16xi32>
      %broadcast_in_dim3A_2314 = vector.broadcast %select_n3A_2112 : i32 to vector<16xi32>
      %select_n3A_2315 = arith.select %eq3A_2313, %broadcast_in_dim3A_2314, %select_n3A_2311 : vector<16xi1>, vector<16xi32>
      %eq3A_2316 = vector.broadcast %select_n3A_2113 : i32 to vector<16xi32>
      %eq3A_2317 = arith.cmpi eq, %add3A_2307, %eq3A_2316 : vector<16xi32>
      %broadcast_in_dim3A_2318 = vector.broadcast %select_n3A_2114 : i32 to vector<16xi32>
      %select_n3A_2319 = arith.select %eq3A_2317, %broadcast_in_dim3A_2318, %select_n3A_2315 : vector<16xi1>, vector<16xi32>
      %eq3A_2320 = vector.broadcast %select_n3A_2115 : i32 to vector<16xi32>
      %eq3A_2321 = arith.cmpi eq, %add3A_2307, %eq3A_2320 : vector<16xi32>
      %broadcast_in_dim3A_2322 = vector.broadcast %select_n3A_2116 : i32 to vector<16xi32>
      %select_n3A_2323 = arith.select %eq3A_2321, %broadcast_in_dim3A_2322, %select_n3A_2319 : vector<16xi1>, vector<16xi32>
      %eq3A_2324 = vector.broadcast %select_n3A_2117 : i32 to vector<16xi32>
      %eq3A_2325 = arith.cmpi eq, %add3A_2307, %eq3A_2324 : vector<16xi32>
      %broadcast_in_dim3A_2326 = vector.broadcast %select_n3A_2118 : i32 to vector<16xi32>
      %select_n3A_2327 = arith.select %eq3A_2325, %broadcast_in_dim3A_2326, %select_n3A_2323 : vector<16xi1>, vector<16xi32>
      %eq3A_2328 = vector.broadcast %select_n3A_2119 : i32 to vector<16xi32>
      %eq3A_2329 = arith.cmpi eq, %add3A_2307, %eq3A_2328 : vector<16xi32>
      %broadcast_in_dim3A_2330 = vector.broadcast %select_n3A_2120 : i32 to vector<16xi32>
      %select_n3A_2331 = arith.select %eq3A_2329, %broadcast_in_dim3A_2330, %select_n3A_2327 : vector<16xi1>, vector<16xi32>
      %eq3A_2332 = vector.broadcast %select_n3A_2121 : i32 to vector<16xi32>
      %eq3A_2333 = arith.cmpi eq, %add3A_2307, %eq3A_2332 : vector<16xi32>
      %broadcast_in_dim3A_2334 = vector.broadcast %select_n3A_2122 : i32 to vector<16xi32>
      %select_n3A_2335 = arith.select %eq3A_2333, %broadcast_in_dim3A_2334, %select_n3A_2331 : vector<16xi1>, vector<16xi32>
      %eq3A_2336 = vector.broadcast %select_n3A_2123 : i32 to vector<16xi32>
      %eq3A_2337 = arith.cmpi eq, %add3A_2307, %eq3A_2336 : vector<16xi32>
      %broadcast_in_dim3A_2338 = vector.broadcast %select_n3A_2124 : i32 to vector<16xi32>
      %select_n3A_2339 = arith.select %eq3A_2337, %broadcast_in_dim3A_2338, %select_n3A_2335 : vector<16xi1>, vector<16xi32>
      %swap3A_2340 = arith.constant 64 : index
      %swap3A_2341 = tpu.vector_load %arg15[%swap3A_2340] {strides = array<i32>} : memref<256xi32, #tpu.memory_space<vmem>>, vector<16xi32>,
      %swap3A_2342 = vector.shape_cast %swap3A_2341 : vector<16xi32> to vector<16xi32>
      %swap3A_2343 = vector.shape_cast %select_n3A_2339 : vector<16xi32> to vector<16xi32>
      tpu.vector_store %arg15[%swap3A_2340], %swap3A_2343 {strides = array<i32>} : memref<256xi32, #tpu.memory_space<vmem>>, vector<16xi32>,
      %get3A_2344 = arith.constant 80 : index
      %get3A_2345 = tpu.vector_load %arg12[%get3A_2344] {strides = array<i32>} : memref<128xi32, #tpu.memory_space<vmem>>, vector<16xi32>,
      %get3A_2346 = vector.shape_cast %get3A_2345 : vector<16xi32> to vector<16xi32>
      %add3A_2347 = arith.constant 80 : i32
      %add3A_2348 = arith.addi %and3A_2126, %add3A_2347 : i32
      %add3A_2349 = vector.broadcast %add3A_2348 : i32 to vector<16xi32>
      %add3A_2350 = arith.addi %add3A_2349, %iota3A : vector<16xi32>
      %eq3A_2351 = vector.broadcast %select_n3A_2109 : i32 to vector<16xi32>
      %eq3A_2352 = arith.cmpi eq, %add3A_2350, %eq3A_2351 : vector<16xi32>
      %broadcast_in_dim3A_2353 = vector.broadcast %select_n3A_2110 : i32 to vector<16xi32>
      %select_n3A_2354 = arith.select %eq3A_2352, %broadcast_in_dim3A_2353, %get3A_2346 : vector<16xi1>, vector<16xi32>
      %eq3A_2355 = vector.broadcast %select_n3A_2111 : i32 to vector<16xi32>
      %eq3A_2356 = arith.cmpi eq, %add3A_2350, %eq3A_2355 : vector<16xi32>
      %broadcast_in_dim3A_2357 = vector.broadcast %select_n3A_2112 : i32 to vector<16xi32>
      %select_n3A_2358 = arith.select %eq3A_2356, %broadcast_in_dim3A_2357, %select_n3A_2354 : vector<16xi1>, vector<16xi32>
      %eq3A_2359 = vector.broadcast %select_n3A_2113 : i32 to vector<16xi32>
      %eq3A_2360 = arith.cmpi eq, %add3A_2350, %eq3A_2359 : vector<16xi32>
      %broadcast_in_dim3A_2361 = vector.broadcast %select_n3A_2114 : i32 to vector<16xi32>
      %select_n3A_2362 = arith.select %eq3A_2360, %broadcast_in_dim3A_2361, %select_n3A_2358 : vector<16xi1>, vector<16xi32>
      %eq3A_2363 = vector.broadcast %select_n3A_2115 : i32 to vector<16xi32>
      %eq3A_2364 = arith.cmpi eq, %add3A_2350, %eq3A_2363 : vector<16xi32>
      %broadcast_in_dim3A_2365 = vector.broadcast %select_n3A_2116 : i32 to vector<16xi32>
      %select_n3A_2366 = arith.select %eq3A_2364, %broadcast_in_dim3A_2365, %select_n3A_2362 : vector<16xi1>, vector<16xi32>
      %eq3A_2367 = vector.broadcast %select_n3A_2117 : i32 to vector<16xi32>
      %eq3A_2368 = arith.cmpi eq, %add3A_2350, %eq3A_2367 : vector<16xi32>
      %broadcast_in_dim3A_2369 = vector.broadcast %select_n3A_2118 : i32 to vector<16xi32>
      %select_n3A_2370 = arith.select %eq3A_2368, %broadcast_in_dim3A_2369, %select_n3A_2366 : vector<16xi1>, vector<16xi32>
      %eq3A_2371 = vector.broadcast %select_n3A_2119 : i32 to vector<16xi32>
      %eq3A_2372 = arith.cmpi eq, %add3A_2350, %eq3A_2371 : vector<16xi32>
      %broadcast_in_dim3A_2373 = vector.broadcast %select_n3A_2120 : i32 to vector<16xi32>
      %select_n3A_2374 = arith.select %eq3A_2372, %broadcast_in_dim3A_2373, %select_n3A_2370 : vector<16xi1>, vector<16xi32>
      %eq3A_2375 = vector.broadcast %select_n3A_2121 : i32 to vector<16xi32>
      %eq3A_2376 = arith.cmpi eq, %add3A_2350, %eq3A_2375 : vector<16xi32>
      %broadcast_in_dim3A_2377 = vector.broadcast %select_n3A_2122 : i32 to vector<16xi32>
      %select_n3A_2378 = arith.select %eq3A_2376, %broadcast_in_dim3A_2377, %select_n3A_2374 : vector<16xi1>, vector<16xi32>
      %eq3A_2379 = vector.broadcast %select_n3A_2123 : i32 to vector<16xi32>
      %eq3A_2380 = arith.cmpi eq, %add3A_2350, %eq3A_2379 : vector<16xi32>
      %broadcast_in_dim3A_2381 = vector.broadcast %select_n3A_2124 : i32 to vector<16xi32>
      %select_n3A_2382 = arith.select %eq3A_2380, %broadcast_in_dim3A_2381, %select_n3A_2378 : vector<16xi1>, vector<16xi32>
      %swap3A_2383 = arith.constant 80 : index
      %swap3A_2384 = tpu.vector_load %arg15[%swap3A_2383] {strides = array<i32>} : memref<256xi32, #tpu.memory_space<vmem>>, vector<16xi32>,
      %swap3A_2385 = vector.shape_cast %swap3A_2384 : vector<16xi32> to vector<16xi32>
      %swap3A_2386 = vector.shape_cast %select_n3A_2382 : vector<16xi32> to vector<16xi32>
      tpu.vector_store %arg15[%swap3A_2383], %swap3A_2386 {strides = array<i32>} : memref<256xi32, #tpu.memory_space<vmem>>, vector<16xi32>,
      %get3A_2387 = arith.constant 96 : index
      %get3A_2388 = tpu.vector_load %arg12[%get3A_2387] {strides = array<i32>} : memref<128xi32, #tpu.memory_space<vmem>>, vector<16xi32>,
      %get3A_2389 = vector.shape_cast %get3A_2388 : vector<16xi32> to vector<16xi32>
      %add3A_2390 = arith.constant 96 : i32
      %add3A_2391 = arith.addi %and3A_2126, %add3A_2390 : i32
      %add3A_2392 = vector.broadcast %add3A_2391 : i32 to vector<16xi32>
      %add3A_2393 = arith.addi %add3A_2392, %iota3A : vector<16xi32>
      %eq3A_2394 = vector.broadcast %select_n3A_2109 : i32 to vector<16xi32>
      %eq3A_2395 = arith.cmpi eq, %add3A_2393, %eq3A_2394 : vector<16xi32>
      %broadcast_in_dim3A_2396 = vector.broadcast %select_n3A_2110 : i32 to vector<16xi32>
      %select_n3A_2397 = arith.select %eq3A_2395, %broadcast_in_dim3A_2396, %get3A_2389 : vector<16xi1>, vector<16xi32>
      %eq3A_2398 = vector.broadcast %select_n3A_2111 : i32 to vector<16xi32>
      %eq3A_2399 = arith.cmpi eq, %add3A_2393, %eq3A_2398 : vector<16xi32>
      %broadcast_in_dim3A_2400 = vector.broadcast %select_n3A_2112 : i32 to vector<16xi32>
      %select_n3A_2401 = arith.select %eq3A_2399, %broadcast_in_dim3A_2400, %select_n3A_2397 : vector<16xi1>, vector<16xi32>
      %eq3A_2402 = vector.broadcast %select_n3A_2113 : i32 to vector<16xi32>
      %eq3A_2403 = arith.cmpi eq, %add3A_2393, %eq3A_2402 : vector<16xi32>
      %broadcast_in_dim3A_2404 = vector.broadcast %select_n3A_2114 : i32 to vector<16xi32>
      %select_n3A_2405 = arith.select %eq3A_2403, %broadcast_in_dim3A_2404, %select_n3A_2401 : vector<16xi1>, vector<16xi32>
      %eq3A_2406 = vector.broadcast %select_n3A_2115 : i32 to vector<16xi32>
      %eq3A_2407 = arith.cmpi eq, %add3A_2393, %eq3A_2406 : vector<16xi32>
      %broadcast_in_dim3A_2408 = vector.broadcast %select_n3A_2116 : i32 to vector<16xi32>
      %select_n3A_2409 = arith.select %eq3A_2407, %broadcast_in_dim3A_2408, %select_n3A_2405 : vector<16xi1>, vector<16xi32>
      %eq3A_2410 = vector.broadcast %select_n3A_2117 : i32 to vector<16xi32>
      %eq3A_2411 = arith.cmpi eq, %add3A_2393, %eq3A_2410 : vector<16xi32>
      %broadcast_in_dim3A_2412 = vector.broadcast %select_n3A_2118 : i32 to vector<16xi32>
      %select_n3A_2413 = arith.select %eq3A_2411, %broadcast_in_dim3A_2412, %select_n3A_2409 : vector<16xi1>, vector<16xi32>
      %eq3A_2414 = vector.broadcast %select_n3A_2119 : i32 to vector<16xi32>
      %eq3A_2415 = arith.cmpi eq, %add3A_2393, %eq3A_2414 : vector<16xi32>
      %broadcast_in_dim3A_2416 = vector.broadcast %select_n3A_2120 : i32 to vector<16xi32>
      %select_n3A_2417 = arith.select %eq3A_2415, %broadcast_in_dim3A_2416, %select_n3A_2413 : vector<16xi1>, vector<16xi32>
      %eq3A_2418 = vector.broadcast %select_n3A_2121 : i32 to vector<16xi32>
      %eq3A_2419 = arith.cmpi eq, %add3A_2393, %eq3A_2418 : vector<16xi32>
      %broadcast_in_dim3A_2420 = vector.broadcast %select_n3A_2122 : i32 to vector<16xi32>
      %select_n3A_2421 = arith.select %eq3A_2419, %broadcast_in_dim3A_2420, %select_n3A_2417 : vector<16xi1>, vector<16xi32>
      %eq3A_2422 = vector.broadcast %select_n3A_2123 : i32 to vector<16xi32>
      %eq3A_2423 = arith.cmpi eq, %add3A_2393, %eq3A_2422 : vector<16xi32>
      %broadcast_in_dim3A_2424 = vector.broadcast %select_n3A_2124 : i32 to vector<16xi32>
      %select_n3A_2425 = arith.select %eq3A_2423, %broadcast_in_dim3A_2424, %select_n3A_2421 : vector<16xi1>, vector<16xi32>
      %swap3A_2426 = arith.constant 96 : index
      %swap3A_2427 = tpu.vector_load %arg15[%swap3A_2426] {strides = array<i32>} : memref<256xi32, #tpu.memory_space<vmem>>, vector<16xi32>,
      %swap3A_2428 = vector.shape_cast %swap3A_2427 : vector<16xi32> to vector<16xi32>
      %swap3A_2429 = vector.shape_cast %select_n3A_2425 : vector<16xi32> to vector<16xi32>
      tpu.vector_store %arg15[%swap3A_2426], %swap3A_2429 {strides = array<i32>} : memref<256xi32, #tpu.memory_space<vmem>>, vector<16xi32>,
      %get3A_2430 = arith.constant 112 : index
      %get3A_2431 = tpu.vector_load %arg12[%get3A_2430] {strides = array<i32>} : memref<128xi32, #tpu.memory_space<vmem>>, vector<16xi32>,
      %get3A_2432 = vector.shape_cast %get3A_2431 : vector<16xi32> to vector<16xi32>
      %add3A_2433 = arith.constant 112 : i32
      %add3A_2434 = arith.addi %and3A_2126, %add3A_2433 : i32
      %add3A_2435 = vector.broadcast %add3A_2434 : i32 to vector<16xi32>
      %add3A_2436 = arith.addi %add3A_2435, %iota3A : vector<16xi32>
      %eq3A_2437 = vector.broadcast %select_n3A_2109 : i32 to vector<16xi32>
      %eq3A_2438 = arith.cmpi eq, %add3A_2436, %eq3A_2437 : vector<16xi32>
      %broadcast_in_dim3A_2439 = vector.broadcast %select_n3A_2110 : i32 to vector<16xi32>
      %select_n3A_2440 = arith.select %eq3A_2438, %broadcast_in_dim3A_2439, %get3A_2432 : vector<16xi1>, vector<16xi32>
      %eq3A_2441 = vector.broadcast %select_n3A_2111 : i32 to vector<16xi32>
      %eq3A_2442 = arith.cmpi eq, %add3A_2436, %eq3A_2441 : vector<16xi32>
      %broadcast_in_dim3A_2443 = vector.broadcast %select_n3A_2112 : i32 to vector<16xi32>
      %select_n3A_2444 = arith.select %eq3A_2442, %broadcast_in_dim3A_2443, %select_n3A_2440 : vector<16xi1>, vector<16xi32>
      %eq3A_2445 = vector.broadcast %select_n3A_2113 : i32 to vector<16xi32>
      %eq3A_2446 = arith.cmpi eq, %add3A_2436, %eq3A_2445 : vector<16xi32>
      %broadcast_in_dim3A_2447 = vector.broadcast %select_n3A_2114 : i32 to vector<16xi32>
      %select_n3A_2448 = arith.select %eq3A_2446, %broadcast_in_dim3A_2447, %select_n3A_2444 : vector<16xi1>, vector<16xi32>
      %eq3A_2449 = vector.broadcast %select_n3A_2115 : i32 to vector<16xi32>
      %eq3A_2450 = arith.cmpi eq, %add3A_2436, %eq3A_2449 : vector<16xi32>
      %broadcast_in_dim3A_2451 = vector.broadcast %select_n3A_2116 : i32 to vector<16xi32>
      %select_n3A_2452 = arith.select %eq3A_2450, %broadcast_in_dim3A_2451, %select_n3A_2448 : vector<16xi1>, vector<16xi32>
      %eq3A_2453 = vector.broadcast %select_n3A_2117 : i32 to vector<16xi32>
      %eq3A_2454 = arith.cmpi eq, %add3A_2436, %eq3A_2453 : vector<16xi32>
      %broadcast_in_dim3A_2455 = vector.broadcast %select_n3A_2118 : i32 to vector<16xi32>
      %select_n3A_2456 = arith.select %eq3A_2454, %broadcast_in_dim3A_2455, %select_n3A_2452 : vector<16xi1>, vector<16xi32>
      %eq3A_2457 = vector.broadcast %select_n3A_2119 : i32 to vector<16xi32>
      %eq3A_2458 = arith.cmpi eq, %add3A_2436, %eq3A_2457 : vector<16xi32>
      %broadcast_in_dim3A_2459 = vector.broadcast %select_n3A_2120 : i32 to vector<16xi32>
      %select_n3A_2460 = arith.select %eq3A_2458, %broadcast_in_dim3A_2459, %select_n3A_2456 : vector<16xi1>, vector<16xi32>
      %eq3A_2461 = vector.broadcast %select_n3A_2121 : i32 to vector<16xi32>
      %eq3A_2462 = arith.cmpi eq, %add3A_2436, %eq3A_2461 : vector<16xi32>
      %broadcast_in_dim3A_2463 = vector.broadcast %select_n3A_2122 : i32 to vector<16xi32>
      %select_n3A_2464 = arith.select %eq3A_2462, %broadcast_in_dim3A_2463, %select_n3A_2460 : vector<16xi1>, vector<16xi32>
      %eq3A_2465 = vector.broadcast %select_n3A_2123 : i32 to vector<16xi32>
      %eq3A_2466 = arith.cmpi eq, %add3A_2436, %eq3A_2465 : vector<16xi32>
      %broadcast_in_dim3A_2467 = vector.broadcast %select_n3A_2124 : i32 to vector<16xi32>
      %select_n3A_2468 = arith.select %eq3A_2466, %broadcast_in_dim3A_2467, %select_n3A_2464 : vector<16xi1>, vector<16xi32>
      %swap3A_2469 = arith.constant 112 : index
      %swap3A_2470 = tpu.vector_load %arg15[%swap3A_2469] {strides = array<i32>} : memref<256xi32, #tpu.memory_space<vmem>>, vector<16xi32>,
      %swap3A_2471 = vector.shape_cast %swap3A_2470 : vector<16xi32> to vector<16xi32>
      %swap3A_2472 = vector.shape_cast %select_n3A_2468 : vector<16xi32> to vector<16xi32>
      tpu.vector_store %arg15[%swap3A_2469], %swap3A_2472 {strides = array<i32>} : memref<256xi32, #tpu.memory_space<vmem>>, vector<16xi32>,
      %multiple_of3A_2473 = tpu.assume_multiple %and3A_2128, 128 : i32
      "tpu.region"() ({
        %run_scoped3A = tpu.sem_alloc : memref<!tpu.dma_semaphore, #tpu.memory_space<semaphore_mem>>
        %dma_start3A_2885 = tpu.memref_slice %arg3[%multiple_of3A_2473] : memref<16777216xi32, #tpu.memory_space<hbm>> -> memref<128xi32, #tpu.memory_space<hbm>>
        %dma_start3A_2886 = tpu.memref_slice %arg3[%multiple_of3A_2473] : memref<16777216xi32, #tpu.memory_space<hbm>> -> memref<128xi32, #tpu.memory_space<hbm>>
        tpu.enqueue_dma source(%dma_start3A_2886 : memref<128xi32, #tpu.memory_space<hbm>>) target(%arg12 : memref<128xi32, #tpu.memory_space<vmem>>) target_semaphore(%run_scoped3A : memref<!tpu.dma_semaphore, #tpu.memory_space<semaphore_mem>>)
        %dma_wait3A_2887 = tpu.memref_slice %arg3[%multiple_of3A_2473] : memref<16777216xi32, #tpu.memory_space<hbm>> -> memref<128xi32, #tpu.memory_space<hbm>>
        %dma_wait3A_2888 = tpu.memref_slice %arg3[%multiple_of3A_2473] : memref<16777216xi32, #tpu.memory_space<hbm>> -> memref<128xi32, #tpu.memory_space<hbm>>
        tpu.wait_dma2 semaphore(%run_scoped3A : memref<!tpu.dma_semaphore, #tpu.memory_space<semaphore_mem>>) src(%dma_wait3A_2888 : memref<128xi32, #tpu.memory_space<hbm>>) dst(%arg12 : memref<128xi32, #tpu.memory_space<vmem>>)
        tpu.yield
      }) : () -> ()
      %get3A_2474 = arith.constant 0 : index
      %get3A_2475 = tpu.vector_load %arg12[%get3A_2474] {strides = array<i32>} : memref<128xi32, #tpu.memory_space<vmem>>, vector<16xi32>,
      %get3A_2476 = vector.shape_cast %get3A_2475 : vector<16xi32> to vector<16xi32>
      %add3A_2477 = arith.constant 0 : i32
      %add3A_2478 = arith.addi %and3A_2128, %add3A_2477 : i32
      %add3A_2479 = vector.broadcast %add3A_2478 : i32 to vector<16xi32>
      %add3A_2480 = arith.addi %add3A_2479, %iota3A : vector<16xi32>
      %eq3A_2481 = vector.broadcast %select_n3A_2109 : i32 to vector<16xi32>
      %eq3A_2482 = arith.cmpi eq, %add3A_2480, %eq3A_2481 : vector<16xi32>
      %broadcast_in_dim3A_2483 = vector.broadcast %select_n3A_2110 : i32 to vector<16xi32>
      %select_n3A_2484 = arith.select %eq3A_2482, %broadcast_in_dim3A_2483, %get3A_2476 : vector<16xi1>, vector<16xi32>
      %eq3A_2485 = vector.broadcast %select_n3A_2111 : i32 to vector<16xi32>
      %eq3A_2486 = arith.cmpi eq, %add3A_2480, %eq3A_2485 : vector<16xi32>
      %broadcast_in_dim3A_2487 = vector.broadcast %select_n3A_2112 : i32 to vector<16xi32>
      %select_n3A_2488 = arith.select %eq3A_2486, %broadcast_in_dim3A_2487, %select_n3A_2484 : vector<16xi1>, vector<16xi32>
      %eq3A_2489 = vector.broadcast %select_n3A_2113 : i32 to vector<16xi32>
      %eq3A_2490 = arith.cmpi eq, %add3A_2480, %eq3A_2489 : vector<16xi32>
      %broadcast_in_dim3A_2491 = vector.broadcast %select_n3A_2114 : i32 to vector<16xi32>
      %select_n3A_2492 = arith.select %eq3A_2490, %broadcast_in_dim3A_2491, %select_n3A_2488 : vector<16xi1>, vector<16xi32>
      %eq3A_2493 = vector.broadcast %select_n3A_2115 : i32 to vector<16xi32>
      %eq3A_2494 = arith.cmpi eq, %add3A_2480, %eq3A_2493 : vector<16xi32>
      %broadcast_in_dim3A_2495 = vector.broadcast %select_n3A_2116 : i32 to vector<16xi32>
      %select_n3A_2496 = arith.select %eq3A_2494, %broadcast_in_dim3A_2495, %select_n3A_2492 : vector<16xi1>, vector<16xi32>
      %eq3A_2497 = vector.broadcast %select_n3A_2117 : i32 to vector<16xi32>
      %eq3A_2498 = arith.cmpi eq, %add3A_2480, %eq3A_2497 : vector<16xi32>
      %broadcast_in_dim3A_2499 = vector.broadcast %select_n3A_2118 : i32 to vector<16xi32>
      %select_n3A_2500 = arith.select %eq3A_2498, %broadcast_in_dim3A_2499, %select_n3A_2496 : vector<16xi1>, vector<16xi32>
      %eq3A_2501 = vector.broadcast %select_n3A_2119 : i32 to vector<16xi32>
      %eq3A_2502 = arith.cmpi eq, %add3A_2480, %eq3A_2501 : vector<16xi32>
      %broadcast_in_dim3A_2503 = vector.broadcast %select_n3A_2120 : i32 to vector<16xi32>
      %select_n3A_2504 = arith.select %eq3A_2502, %broadcast_in_dim3A_2503, %select_n3A_2500 : vector<16xi1>, vector<16xi32>
      %eq3A_2505 = vector.broadcast %select_n3A_2121 : i32 to vector<16xi32>
      %eq3A_2506 = arith.cmpi eq, %add3A_2480, %eq3A_2505 : vector<16xi32>
      %broadcast_in_dim3A_2507 = vector.broadcast %select_n3A_2122 : i32 to vector<16xi32>
      %select_n3A_2508 = arith.select %eq3A_2506, %broadcast_in_dim3A_2507, %select_n3A_2504 : vector<16xi1>, vector<16xi32>
      %eq3A_2509 = vector.broadcast %select_n3A_2123 : i32 to vector<16xi32>
      %eq3A_2510 = arith.cmpi eq, %add3A_2480, %eq3A_2509 : vector<16xi32>
      %broadcast_in_dim3A_2511 = vector.broadcast %select_n3A_2124 : i32 to vector<16xi32>
      %select_n3A_2512 = arith.select %eq3A_2510, %broadcast_in_dim3A_2511, %select_n3A_2508 : vector<16xi1>, vector<16xi32>
      %swap3A_2513 = arith.constant 128 : index
      %swap3A_2514 = tpu.vector_load %arg15[%swap3A_2513] {strides = array<i32>} : memref<256xi32, #tpu.memory_space<vmem>>, vector<16xi32>,
      %swap3A_2515 = vector.shape_cast %swap3A_2514 : vector<16xi32> to vector<16xi32>
      %swap3A_2516 = vector.shape_cast %select_n3A_2512 : vector<16xi32> to vector<16xi32>
      tpu.vector_store %arg15[%swap3A_2513], %swap3A_2516 {strides = array<i32>} : memref<256xi32, #tpu.memory_space<vmem>>, vector<16xi32>,
      %get3A_2517 = arith.constant 16 : index
      %get3A_2518 = tpu.vector_load %arg12[%get3A_2517] {strides = array<i32>} : memref<128xi32, #tpu.memory_space<vmem>>, vector<16xi32>,
      %get3A_2519 = vector.shape_cast %get3A_2518 : vector<16xi32> to vector<16xi32>
      %add3A_2520 = arith.constant 16 : i32
      %add3A_2521 = arith.addi %and3A_2128, %add3A_2520 : i32
      %add3A_2522 = vector.broadcast %add3A_2521 : i32 to vector<16xi32>
      %add3A_2523 = arith.addi %add3A_2522, %iota3A : vector<16xi32>
      %eq3A_2524 = vector.broadcast %select_n3A_2109 : i32 to vector<16xi32>
      %eq3A_2525 = arith.cmpi eq, %add3A_2523, %eq3A_2524 : vector<16xi32>
      %broadcast_in_dim3A_2526 = vector.broadcast %select_n3A_2110 : i32 to vector<16xi32>
      %select_n3A_2527 = arith.select %eq3A_2525, %broadcast_in_dim3A_2526, %get3A_2519 : vector<16xi1>, vector<16xi32>
      %eq3A_2528 = vector.broadcast %select_n3A_2111 : i32 to vector<16xi32>
      %eq3A_2529 = arith.cmpi eq, %add3A_2523, %eq3A_2528 : vector<16xi32>
      %broadcast_in_dim3A_2530 = vector.broadcast %select_n3A_2112 : i32 to vector<16xi32>
      %select_n3A_2531 = arith.select %eq3A_2529, %broadcast_in_dim3A_2530, %select_n3A_2527 : vector<16xi1>, vector<16xi32>
      %eq3A_2532 = vector.broadcast %select_n3A_2113 : i32 to vector<16xi32>
      %eq3A_2533 = arith.cmpi eq, %add3A_2523, %eq3A_2532 : vector<16xi32>
      %broadcast_in_dim3A_2534 = vector.broadcast %select_n3A_2114 : i32 to vector<16xi32>
      %select_n3A_2535 = arith.select %eq3A_2533, %broadcast_in_dim3A_2534, %select_n3A_2531 : vector<16xi1>, vector<16xi32>
      %eq3A_2536 = vector.broadcast %select_n3A_2115 : i32 to vector<16xi32>
      %eq3A_2537 = arith.cmpi eq, %add3A_2523, %eq3A_2536 : vector<16xi32>
      %broadcast_in_dim3A_2538 = vector.broadcast %select_n3A_2116 : i32 to vector<16xi32>
      %select_n3A_2539 = arith.select %eq3A_2537, %broadcast_in_dim3A_2538, %select_n3A_2535 : vector<16xi1>, vector<16xi32>
      %eq3A_2540 = vector.broadcast %select_n3A_2117 : i32 to vector<16xi32>
      %eq3A_2541 = arith.cmpi eq, %add3A_2523, %eq3A_2540 : vector<16xi32>
      %broadcast_in_dim3A_2542 = vector.broadcast %select_n3A_2118 : i32 to vector<16xi32>
      %select_n3A_2543 = arith.select %eq3A_2541, %broadcast_in_dim3A_2542, %select_n3A_2539 : vector<16xi1>, vector<16xi32>
      %eq3A_2544 = vector.broadcast %select_n3A_2119 : i32 to vector<16xi32>
      %eq3A_2545 = arith.cmpi eq, %add3A_2523, %eq3A_2544 : vector<16xi32>
      %broadcast_in_dim3A_2546 = vector.broadcast %select_n3A_2120 : i32 to vector<16xi32>
      %select_n3A_2547 = arith.select %eq3A_2545, %broadcast_in_dim3A_2546, %select_n3A_2543 : vector<16xi1>, vector<16xi32>
      %eq3A_2548 = vector.broadcast %select_n3A_2121 : i32 to vector<16xi32>
      %eq3A_2549 = arith.cmpi eq, %add3A_2523, %eq3A_2548 : vector<16xi32>
      %broadcast_in_dim3A_2550 = vector.broadcast %select_n3A_2122 : i32 to vector<16xi32>
      %select_n3A_2551 = arith.select %eq3A_2549, %broadcast_in_dim3A_2550, %select_n3A_2547 : vector<16xi1>, vector<16xi32>
      %eq3A_2552 = vector.broadcast %select_n3A_2123 : i32 to vector<16xi32>
      %eq3A_2553 = arith.cmpi eq, %add3A_2523, %eq3A_2552 : vector<16xi32>
      %broadcast_in_dim3A_2554 = vector.broadcast %select_n3A_2124 : i32 to vector<16xi32>
      %select_n3A_2555 = arith.select %eq3A_2553, %broadcast_in_dim3A_2554, %select_n3A_2551 : vector<16xi1>, vector<16xi32>
      %swap3A_2556 = arith.constant 144 : index
      %swap3A_2557 = tpu.vector_load %arg15[%swap3A_2556] {strides = array<i32>} : memref<256xi32, #tpu.memory_space<vmem>>, vector<16xi32>,
      %swap3A_2558 = vector.shape_cast %swap3A_2557 : vector<16xi32> to vector<16xi32>
      %swap3A_2559 = vector.shape_cast %select_n3A_2555 : vector<16xi32> to vector<16xi32>
      tpu.vector_store %arg15[%swap3A_2556], %swap3A_2559 {strides = array<i32>} : memref<256xi32, #tpu.memory_space<vmem>>, vector<16xi32>,
      %get3A_2560 = arith.constant 32 : index
      %get3A_2561 = tpu.vector_load %arg12[%get3A_2560] {strides = array<i32>} : memref<128xi32, #tpu.memory_space<vmem>>, vector<16xi32>,
      %get3A_2562 = vector.shape_cast %get3A_2561 : vector<16xi32> to vector<16xi32>
      %add3A_2563 = arith.constant 32 : i32
      %add3A_2564 = arith.addi %and3A_2128, %add3A_2563 : i32
      %add3A_2565 = vector.broadcast %add3A_2564 : i32 to vector<16xi32>
      %add3A_2566 = arith.addi %add3A_2565, %iota3A : vector<16xi32>
      %eq3A_2567 = vector.broadcast %select_n3A_2109 : i32 to vector<16xi32>
      %eq3A_2568 = arith.cmpi eq, %add3A_2566, %eq3A_2567 : vector<16xi32>
      %broadcast_in_dim3A_2569 = vector.broadcast %select_n3A_2110 : i32 to vector<16xi32>
      %select_n3A_2570 = arith.select %eq3A_2568, %broadcast_in_dim3A_2569, %get3A_2562 : vector<16xi1>, vector<16xi32>
      %eq3A_2571 = vector.broadcast %select_n3A_2111 : i32 to vector<16xi32>
      %eq3A_2572 = arith.cmpi eq, %add3A_2566, %eq3A_2571 : vector<16xi32>
      %broadcast_in_dim3A_2573 = vector.broadcast %select_n3A_2112 : i32 to vector<16xi32>
      %select_n3A_2574 = arith.select %eq3A_2572, %broadcast_in_dim3A_2573, %select_n3A_2570 : vector<16xi1>, vector<16xi32>
      %eq3A_2575 = vector.broadcast %select_n3A_2113 : i32 to vector<16xi32>
      %eq3A_2576 = arith.cmpi eq, %add3A_2566, %eq3A_2575 : vector<16xi32>
      %broadcast_in_dim3A_2577 = vector.broadcast %select_n3A_2114 : i32 to vector<16xi32>
      %select_n3A_2578 = arith.select %eq3A_2576, %broadcast_in_dim3A_2577, %select_n3A_2574 : vector<16xi1>, vector<16xi32>
      %eq3A_2579 = vector.broadcast %select_n3A_2115 : i32 to vector<16xi32>
      %eq3A_2580 = arith.cmpi eq, %add3A_2566, %eq3A_2579 : vector<16xi32>
      %broadcast_in_dim3A_2581 = vector.broadcast %select_n3A_2116 : i32 to vector<16xi32>
      %select_n3A_2582 = arith.select %eq3A_2580, %broadcast_in_dim3A_2581, %select_n3A_2578 : vector<16xi1>, vector<16xi32>
      %eq3A_2583 = vector.broadcast %select_n3A_2117 : i32 to vector<16xi32>
      %eq3A_2584 = arith.cmpi eq, %add3A_2566, %eq3A_2583 : vector<16xi32>
      %broadcast_in_dim3A_2585 = vector.broadcast %select_n3A_2118 : i32 to vector<16xi32>
      %select_n3A_2586 = arith.select %eq3A_2584, %broadcast_in_dim3A_2585, %select_n3A_2582 : vector<16xi1>, vector<16xi32>
      %eq3A_2587 = vector.broadcast %select_n3A_2119 : i32 to vector<16xi32>
      %eq3A_2588 = arith.cmpi eq, %add3A_2566, %eq3A_2587 : vector<16xi32>
      %broadcast_in_dim3A_2589 = vector.broadcast %select_n3A_2120 : i32 to vector<16xi32>
      %select_n3A_2590 = arith.select %eq3A_2588, %broadcast_in_dim3A_2589, %select_n3A_2586 : vector<16xi1>, vector<16xi32>
      %eq3A_2591 = vector.broadcast %select_n3A_2121 : i32 to vector<16xi32>
      %eq3A_2592 = arith.cmpi eq, %add3A_2566, %eq3A_2591 : vector<16xi32>
      %broadcast_in_dim3A_2593 = vector.broadcast %select_n3A_2122 : i32 to vector<16xi32>
      %select_n3A_2594 = arith.select %eq3A_2592, %broadcast_in_dim3A_2593, %select_n3A_2590 : vector<16xi1>, vector<16xi32>
      %eq3A_2595 = vector.broadcast %select_n3A_2123 : i32 to vector<16xi32>
      %eq3A_2596 = arith.cmpi eq, %add3A_2566, %eq3A_2595 : vector<16xi32>
      %broadcast_in_dim3A_2597 = vector.broadcast %select_n3A_2124 : i32 to vector<16xi32>
      %select_n3A_2598 = arith.select %eq3A_2596, %broadcast_in_dim3A_2597, %select_n3A_2594 : vector<16xi1>, vector<16xi32>
      %swap3A_2599 = arith.constant 160 : index
      %swap3A_2600 = tpu.vector_load %arg15[%swap3A_2599] {strides = array<i32>} : memref<256xi32, #tpu.memory_space<vmem>>, vector<16xi32>,
      %swap3A_2601 = vector.shape_cast %swap3A_2600 : vector<16xi32> to vector<16xi32>
      %swap3A_2602 = vector.shape_cast %select_n3A_2598 : vector<16xi32> to vector<16xi32>
      tpu.vector_store %arg15[%swap3A_2599], %swap3A_2602 {strides = array<i32>} : memref<256xi32, #tpu.memory_space<vmem>>, vector<16xi32>,
      %get3A_2603 = arith.constant 48 : index
      %get3A_2604 = tpu.vector_load %arg12[%get3A_2603] {strides = array<i32>} : memref<128xi32, #tpu.memory_space<vmem>>, vector<16xi32>,
      %get3A_2605 = vector.shape_cast %get3A_2604 : vector<16xi32> to vector<16xi32>
      %add3A_2606 = arith.constant 48 : i32
      %add3A_2607 = arith.addi %and3A_2128, %add3A_2606 : i32
      %add3A_2608 = vector.broadcast %add3A_2607 : i32 to vector<16xi32>
      %add3A_2609 = arith.addi %add3A_2608, %iota3A : vector<16xi32>
      %eq3A_2610 = vector.broadcast %select_n3A_2109 : i32 to vector<16xi32>
      %eq3A_2611 = arith.cmpi eq, %add3A_2609, %eq3A_2610 : vector<16xi32>
      %broadcast_in_dim3A_2612 = vector.broadcast %select_n3A_2110 : i32 to vector<16xi32>
      %select_n3A_2613 = arith.select %eq3A_2611, %broadcast_in_dim3A_2612, %get3A_2605 : vector<16xi1>, vector<16xi32>
      %eq3A_2614 = vector.broadcast %select_n3A_2111 : i32 to vector<16xi32>
      %eq3A_2615 = arith.cmpi eq, %add3A_2609, %eq3A_2614 : vector<16xi32>
      %broadcast_in_dim3A_2616 = vector.broadcast %select_n3A_2112 : i32 to vector<16xi32>
      %select_n3A_2617 = arith.select %eq3A_2615, %broadcast_in_dim3A_2616, %select_n3A_2613 : vector<16xi1>, vector<16xi32>
      %eq3A_2618 = vector.broadcast %select_n3A_2113 : i32 to vector<16xi32>
      %eq3A_2619 = arith.cmpi eq, %add3A_2609, %eq3A_2618 : vector<16xi32>
      %broadcast_in_dim3A_2620 = vector.broadcast %select_n3A_2114 : i32 to vector<16xi32>
      %select_n3A_2621 = arith.select %eq3A_2619, %broadcast_in_dim3A_2620, %select_n3A_2617 : vector<16xi1>, vector<16xi32>
      %eq3A_2622 = vector.broadcast %select_n3A_2115 : i32 to vector<16xi32>
      %eq3A_2623 = arith.cmpi eq, %add3A_2609, %eq3A_2622 : vector<16xi32>
      %broadcast_in_dim3A_2624 = vector.broadcast %select_n3A_2116 : i32 to vector<16xi32>
      %select_n3A_2625 = arith.select %eq3A_2623, %broadcast_in_dim3A_2624, %select_n3A_2621 : vector<16xi1>, vector<16xi32>
      %eq3A_2626 = vector.broadcast %select_n3A_2117 : i32 to vector<16xi32>
      %eq3A_2627 = arith.cmpi eq, %add3A_2609, %eq3A_2626 : vector<16xi32>
      %broadcast_in_dim3A_2628 = vector.broadcast %select_n3A_2118 : i32 to vector<16xi32>
      %select_n3A_2629 = arith.select %eq3A_2627, %broadcast_in_dim3A_2628, %select_n3A_2625 : vector<16xi1>, vector<16xi32>
      %eq3A_2630 = vector.broadcast %select_n3A_2119 : i32 to vector<16xi32>
      %eq3A_2631 = arith.cmpi eq, %add3A_2609, %eq3A_2630 : vector<16xi32>
      %broadcast_in_dim3A_2632 = vector.broadcast %select_n3A_2120 : i32 to vector<16xi32>
      %select_n3A_2633 = arith.select %eq3A_2631, %broadcast_in_dim3A_2632, %select_n3A_2629 : vector<16xi1>, vector<16xi32>
      %eq3A_2634 = vector.broadcast %select_n3A_2121 : i32 to vector<16xi32>
      %eq3A_2635 = arith.cmpi eq, %add3A_2609, %eq3A_2634 : vector<16xi32>
      %broadcast_in_dim3A_2636 = vector.broadcast %select_n3A_2122 : i32 to vector<16xi32>
      %select_n3A_2637 = arith.select %eq3A_2635, %broadcast_in_dim3A_2636, %select_n3A_2633 : vector<16xi1>, vector<16xi32>
      %eq3A_2638 = vector.broadcast %select_n3A_2123 : i32 to vector<16xi32>
      %eq3A_2639 = arith.cmpi eq, %add3A_2609, %eq3A_2638 : vector<16xi32>
      %broadcast_in_dim3A_2640 = vector.broadcast %select_n3A_2124 : i32 to vector<16xi32>
      %select_n3A_2641 = arith.select %eq3A_2639, %broadcast_in_dim3A_2640, %select_n3A_2637 : vector<16xi1>, vector<16xi32>
      %swap3A_2642 = arith.constant 176 : index
      %swap3A_2643 = tpu.vector_load %arg15[%swap3A_2642] {strides = array<i32>} : memref<256xi32, #tpu.memory_space<vmem>>, vector<16xi32>,
      %swap3A_2644 = vector.shape_cast %swap3A_2643 : vector<16xi32> to vector<16xi32>
      %swap3A_2645 = vector.shape_cast %select_n3A_2641 : vector<16xi32> to vector<16xi32>
      tpu.vector_store %arg15[%swap3A_2642], %swap3A_2645 {strides = array<i32>} : memref<256xi32, #tpu.memory_space<vmem>>, vector<16xi32>,
      %get3A_2646 = arith.constant 64 : index
      %get3A_2647 = tpu.vector_load %arg12[%get3A_2646] {strides = array<i32>} : memref<128xi32, #tpu.memory_space<vmem>>, vector<16xi32>,
      %get3A_2648 = vector.shape_cast %get3A_2647 : vector<16xi32> to vector<16xi32>
      %add3A_2649 = arith.constant 64 : i32
      %add3A_2650 = arith.addi %and3A_2128, %add3A_2649 : i32
      %add3A_2651 = vector.broadcast %add3A_2650 : i32 to vector<16xi32>
      %add3A_2652 = arith.addi %add3A_2651, %iota3A : vector<16xi32>
      %eq3A_2653 = vector.broadcast %select_n3A_2109 : i32 to vector<16xi32>
      %eq3A_2654 = arith.cmpi eq, %add3A_2652, %eq3A_2653 : vector<16xi32>
      %broadcast_in_dim3A_2655 = vector.broadcast %select_n3A_2110 : i32 to vector<16xi32>
      %select_n3A_2656 = arith.select %eq3A_2654, %broadcast_in_dim3A_2655, %get3A_2648 : vector<16xi1>, vector<16xi32>
      %eq3A_2657 = vector.broadcast %select_n3A_2111 : i32 to vector<16xi32>
      %eq3A_2658 = arith.cmpi eq, %add3A_2652, %eq3A_2657 : vector<16xi32>
      %broadcast_in_dim3A_2659 = vector.broadcast %select_n3A_2112 : i32 to vector<16xi32>
      %select_n3A_2660 = arith.select %eq3A_2658, %broadcast_in_dim3A_2659, %select_n3A_2656 : vector<16xi1>, vector<16xi32>
      %eq3A_2661 = vector.broadcast %select_n3A_2113 : i32 to vector<16xi32>
      %eq3A_2662 = arith.cmpi eq, %add3A_2652, %eq3A_2661 : vector<16xi32>
      %broadcast_in_dim3A_2663 = vector.broadcast %select_n3A_2114 : i32 to vector<16xi32>
      %select_n3A_2664 = arith.select %eq3A_2662, %broadcast_in_dim3A_2663, %select_n3A_2660 : vector<16xi1>, vector<16xi32>
      %eq3A_2665 = vector.broadcast %select_n3A_2115 : i32 to vector<16xi32>
      %eq3A_2666 = arith.cmpi eq, %add3A_2652, %eq3A_2665 : vector<16xi32>
      %broadcast_in_dim3A_2667 = vector.broadcast %select_n3A_2116 : i32 to vector<16xi32>
      %select_n3A_2668 = arith.select %eq3A_2666, %broadcast_in_dim3A_2667, %select_n3A_2664 : vector<16xi1>, vector<16xi32>
      %eq3A_2669 = vector.broadcast %select_n3A_2117 : i32 to vector<16xi32>
      %eq3A_2670 = arith.cmpi eq, %add3A_2652, %eq3A_2669 : vector<16xi32>
      %broadcast_in_dim3A_2671 = vector.broadcast %select_n3A_2118 : i32 to vector<16xi32>
      %select_n3A_2672 = arith.select %eq3A_2670, %broadcast_in_dim3A_2671, %select_n3A_2668 : vector<16xi1>, vector<16xi32>
      %eq3A_2673 = vector.broadcast %select_n3A_2119 : i32 to vector<16xi32>
      %eq3A_2674 = arith.cmpi eq, %add3A_2652, %eq3A_2673 : vector<16xi32>
      %broadcast_in_dim3A_2675 = vector.broadcast %select_n3A_2120 : i32 to vector<16xi32>
      %select_n3A_2676 = arith.select %eq3A_2674, %broadcast_in_dim3A_2675, %select_n3A_2672 : vector<16xi1>, vector<16xi32>
      %eq3A_2677 = vector.broadcast %select_n3A_2121 : i32 to vector<16xi32>
      %eq3A_2678 = arith.cmpi eq, %add3A_2652, %eq3A_2677 : vector<16xi32>
      %broadcast_in_dim3A_2679 = vector.broadcast %select_n3A_2122 : i32 to vector<16xi32>
      %select_n3A_2680 = arith.select %eq3A_2678, %broadcast_in_dim3A_2679, %select_n3A_2676 : vector<16xi1>, vector<16xi32>
      %eq3A_2681 = vector.broadcast %select_n3A_2123 : i32 to vector<16xi32>
      %eq3A_2682 = arith.cmpi eq, %add3A_2652, %eq3A_2681 : vector<16xi32>
      %broadcast_in_dim3A_2683 = vector.broadcast %select_n3A_2124 : i32 to vector<16xi32>
      %select_n3A_2684 = arith.select %eq3A_2682, %broadcast_in_dim3A_2683, %select_n3A_2680 : vector<16xi1>, vector<16xi32>
      %swap3A_2685 = arith.constant 192 : index
      %swap3A_2686 = tpu.vector_load %arg15[%swap3A_2685] {strides = array<i32>} : memref<256xi32, #tpu.memory_space<vmem>>, vector<16xi32>,
      %swap3A_2687 = vector.shape_cast %swap3A_2686 : vector<16xi32> to vector<16xi32>
      %swap3A_2688 = vector.shape_cast %select_n3A_2684 : vector<16xi32> to vector<16xi32>
      tpu.vector_store %arg15[%swap3A_2685], %swap3A_2688 {strides = array<i32>} : memref<256xi32, #tpu.memory_space<vmem>>, vector<16xi32>,
      %get3A_2689 = arith.constant 80 : index
      %get3A_2690 = tpu.vector_load %arg12[%get3A_2689] {strides = array<i32>} : memref<128xi32, #tpu.memory_space<vmem>>, vector<16xi32>,
      %get3A_2691 = vector.shape_cast %get3A_2690 : vector<16xi32> to vector<16xi32>
      %add3A_2692 = arith.constant 80 : i32
      %add3A_2693 = arith.addi %and3A_2128, %add3A_2692 : i32
      %add3A_2694 = vector.broadcast %add3A_2693 : i32 to vector<16xi32>
      %add3A_2695 = arith.addi %add3A_2694, %iota3A : vector<16xi32>
      %eq3A_2696 = vector.broadcast %select_n3A_2109 : i32 to vector<16xi32>
      %eq3A_2697 = arith.cmpi eq, %add3A_2695, %eq3A_2696 : vector<16xi32>
      %broadcast_in_dim3A_2698 = vector.broadcast %select_n3A_2110 : i32 to vector<16xi32>
      %select_n3A_2699 = arith.select %eq3A_2697, %broadcast_in_dim3A_2698, %get3A_2691 : vector<16xi1>, vector<16xi32>
      %eq3A_2700 = vector.broadcast %select_n3A_2111 : i32 to vector<16xi32>
      %eq3A_2701 = arith.cmpi eq, %add3A_2695, %eq3A_2700 : vector<16xi32>
      %broadcast_in_dim3A_2702 = vector.broadcast %select_n3A_2112 : i32 to vector<16xi32>
      %select_n3A_2703 = arith.select %eq3A_2701, %broadcast_in_dim3A_2702, %select_n3A_2699 : vector<16xi1>, vector<16xi32>
      %eq3A_2704 = vector.broadcast %select_n3A_2113 : i32 to vector<16xi32>
      %eq3A_2705 = arith.cmpi eq, %add3A_2695, %eq3A_2704 : vector<16xi32>
      %broadcast_in_dim3A_2706 = vector.broadcast %select_n3A_2114 : i32 to vector<16xi32>
      %select_n3A_2707 = arith.select %eq3A_2705, %broadcast_in_dim3A_2706, %select_n3A_2703 : vector<16xi1>, vector<16xi32>
      %eq3A_2708 = vector.broadcast %select_n3A_2115 : i32 to vector<16xi32>
      %eq3A_2709 = arith.cmpi eq, %add3A_2695, %eq3A_2708 : vector<16xi32>
      %broadcast_in_dim3A_2710 = vector.broadcast %select_n3A_2116 : i32 to vector<16xi32>
      %select_n3A_2711 = arith.select %eq3A_2709, %broadcast_in_dim3A_2710, %select_n3A_2707 : vector<16xi1>, vector<16xi32>
      %eq3A_2712 = vector.broadcast %select_n3A_2117 : i32 to vector<16xi32>
      %eq3A_2713 = arith.cmpi eq, %add3A_2695, %eq3A_2712 : vector<16xi32>
      %broadcast_in_dim3A_2714 = vector.broadcast %select_n3A_2118 : i32 to vector<16xi32>
      %select_n3A_2715 = arith.select %eq3A_2713, %broadcast_in_dim3A_2714, %select_n3A_2711 : vector<16xi1>, vector<16xi32>
      %eq3A_2716 = vector.broadcast %select_n3A_2119 : i32 to vector<16xi32>
      %eq3A_2717 = arith.cmpi eq, %add3A_2695, %eq3A_2716 : vector<16xi32>
      %broadcast_in_dim3A_2718 = vector.broadcast %select_n3A_2120 : i32 to vector<16xi32>
      %select_n3A_2719 = arith.select %eq3A_2717, %broadcast_in_dim3A_2718, %select_n3A_2715 : vector<16xi1>, vector<16xi32>
      %eq3A_2720 = vector.broadcast %select_n3A_2121 : i32 to vector<16xi32>
      %eq3A_2721 = arith.cmpi eq, %add3A_2695, %eq3A_2720 : vector<16xi32>
      %broadcast_in_dim3A_2722 = vector.broadcast %select_n3A_2122 : i32 to vector<16xi32>
      %select_n3A_2723 = arith.select %eq3A_2721, %broadcast_in_dim3A_2722, %select_n3A_2719 : vector<16xi1>, vector<16xi32>
      %eq3A_2724 = vector.broadcast %select_n3A_2123 : i32 to vector<16xi32>
      %eq3A_2725 = arith.cmpi eq, %add3A_2695, %eq3A_2724 : vector<16xi32>
      %broadcast_in_dim3A_2726 = vector.broadcast %select_n3A_2124 : i32 to vector<16xi32>
      %select_n3A_2727 = arith.select %eq3A_2725, %broadcast_in_dim3A_2726, %select_n3A_2723 : vector<16xi1>, vector<16xi32>
      %swap3A_2728 = arith.constant 208 : index
      %swap3A_2729 = tpu.vector_load %arg15[%swap3A_2728] {strides = array<i32>} : memref<256xi32, #tpu.memory_space<vmem>>, vector<16xi32>,
      %swap3A_2730 = vector.shape_cast %swap3A_2729 : vector<16xi32> to vector<16xi32>
      %swap3A_2731 = vector.shape_cast %select_n3A_2727 : vector<16xi32> to vector<16xi32>
      tpu.vector_store %arg15[%swap3A_2728], %swap3A_2731 {strides = array<i32>} : memref<256xi32, #tpu.memory_space<vmem>>, vector<16xi32>,
      %get3A_2732 = arith.constant 96 : index
      %get3A_2733 = tpu.vector_load %arg12[%get3A_2732] {strides = array<i32>} : memref<128xi32, #tpu.memory_space<vmem>>, vector<16xi32>,
      %get3A_2734 = vector.shape_cast %get3A_2733 : vector<16xi32> to vector<16xi32>
      %add3A_2735 = arith.constant 96 : i32
      %add3A_2736 = arith.addi %and3A_2128, %add3A_2735 : i32
      %add3A_2737 = vector.broadcast %add3A_2736 : i32 to vector<16xi32>
      %add3A_2738 = arith.addi %add3A_2737, %iota3A : vector<16xi32>
      %eq3A_2739 = vector.broadcast %select_n3A_2109 : i32 to vector<16xi32>
      %eq3A_2740 = arith.cmpi eq, %add3A_2738, %eq3A_2739 : vector<16xi32>
      %broadcast_in_dim3A_2741 = vector.broadcast %select_n3A_2110 : i32 to vector<16xi32>
      %select_n3A_2742 = arith.select %eq3A_2740, %broadcast_in_dim3A_2741, %get3A_2734 : vector<16xi1>, vector<16xi32>
      %eq3A_2743 = vector.broadcast %select_n3A_2111 : i32 to vector<16xi32>
      %eq3A_2744 = arith.cmpi eq, %add3A_2738, %eq3A_2743 : vector<16xi32>
      %broadcast_in_dim3A_2745 = vector.broadcast %select_n3A_2112 : i32 to vector<16xi32>
      %select_n3A_2746 = arith.select %eq3A_2744, %broadcast_in_dim3A_2745, %select_n3A_2742 : vector<16xi1>, vector<16xi32>
      %eq3A_2747 = vector.broadcast %select_n3A_2113 : i32 to vector<16xi32>
      %eq3A_2748 = arith.cmpi eq, %add3A_2738, %eq3A_2747 : vector<16xi32>
      %broadcast_in_dim3A_2749 = vector.broadcast %select_n3A_2114 : i32 to vector<16xi32>
      %select_n3A_2750 = arith.select %eq3A_2748, %broadcast_in_dim3A_2749, %select_n3A_2746 : vector<16xi1>, vector<16xi32>
      %eq3A_2751 = vector.broadcast %select_n3A_2115 : i32 to vector<16xi32>
      %eq3A_2752 = arith.cmpi eq, %add3A_2738, %eq3A_2751 : vector<16xi32>
      %broadcast_in_dim3A_2753 = vector.broadcast %select_n3A_2116 : i32 to vector<16xi32>
      %select_n3A_2754 = arith.select %eq3A_2752, %broadcast_in_dim3A_2753, %select_n3A_2750 : vector<16xi1>, vector<16xi32>
      %eq3A_2755 = vector.broadcast %select_n3A_2117 : i32 to vector<16xi32>
      %eq3A_2756 = arith.cmpi eq, %add3A_2738, %eq3A_2755 : vector<16xi32>
      %broadcast_in_dim3A_2757 = vector.broadcast %select_n3A_2118 : i32 to vector<16xi32>
      %select_n3A_2758 = arith.select %eq3A_2756, %broadcast_in_dim3A_2757, %select_n3A_2754 : vector<16xi1>, vector<16xi32>
      %eq3A_2759 = vector.broadcast %select_n3A_2119 : i32 to vector<16xi32>
      %eq3A_2760 = arith.cmpi eq, %add3A_2738, %eq3A_2759 : vector<16xi32>
      %broadcast_in_dim3A_2761 = vector.broadcast %select_n3A_2120 : i32 to vector<16xi32>
      %select_n3A_2762 = arith.select %eq3A_2760, %broadcast_in_dim3A_2761, %select_n3A_2758 : vector<16xi1>, vector<16xi32>
      %eq3A_2763 = vector.broadcast %select_n3A_2121 : i32 to vector<16xi32>
      %eq3A_2764 = arith.cmpi eq, %add3A_2738, %eq3A_2763 : vector<16xi32>
      %broadcast_in_dim3A_2765 = vector.broadcast %select_n3A_2122 : i32 to vector<16xi32>
      %select_n3A_2766 = arith.select %eq3A_2764, %broadcast_in_dim3A_2765, %select_n3A_2762 : vector<16xi1>, vector<16xi32>
      %eq3A_2767 = vector.broadcast %select_n3A_2123 : i32 to vector<16xi32>
      %eq3A_2768 = arith.cmpi eq, %add3A_2738, %eq3A_2767 : vector<16xi32>
      %broadcast_in_dim3A_2769 = vector.broadcast %select_n3A_2124 : i32 to vector<16xi32>
      %select_n3A_2770 = arith.select %eq3A_2768, %broadcast_in_dim3A_2769, %select_n3A_2766 : vector<16xi1>, vector<16xi32>
      %swap3A_2771 = arith.constant 224 : index
      %swap3A_2772 = tpu.vector_load %arg15[%swap3A_2771] {strides = array<i32>} : memref<256xi32, #tpu.memory_space<vmem>>, vector<16xi32>,
      %swap3A_2773 = vector.shape_cast %swap3A_2772 : vector<16xi32> to vector<16xi32>
      %swap3A_2774 = vector.shape_cast %select_n3A_2770 : vector<16xi32> to vector<16xi32>
      tpu.vector_store %arg15[%swap3A_2771], %swap3A_2774 {strides = array<i32>} : memref<256xi32, #tpu.memory_space<vmem>>, vector<16xi32>,
      %get3A_2775 = arith.constant 112 : index
      %get3A_2776 = tpu.vector_load %arg12[%get3A_2775] {strides = array<i32>} : memref<128xi32, #tpu.memory_space<vmem>>, vector<16xi32>,
      %get3A_2777 = vector.shape_cast %get3A_2776 : vector<16xi32> to vector<16xi32>
      %add3A_2778 = arith.constant 112 : i32
      %add3A_2779 = arith.addi %and3A_2128, %add3A_2778 : i32
      %add3A_2780 = vector.broadcast %add3A_2779 : i32 to vector<16xi32>
      %add3A_2781 = arith.addi %add3A_2780, %iota3A : vector<16xi32>
      %eq3A_2782 = vector.broadcast %select_n3A_2109 : i32 to vector<16xi32>
      %eq3A_2783 = arith.cmpi eq, %add3A_2781, %eq3A_2782 : vector<16xi32>
      %broadcast_in_dim3A_2784 = vector.broadcast %select_n3A_2110 : i32 to vector<16xi32>
      %select_n3A_2785 = arith.select %eq3A_2783, %broadcast_in_dim3A_2784, %get3A_2777 : vector<16xi1>, vector<16xi32>
      %eq3A_2786 = vector.broadcast %select_n3A_2111 : i32 to vector<16xi32>
      %eq3A_2787 = arith.cmpi eq, %add3A_2781, %eq3A_2786 : vector<16xi32>
      %broadcast_in_dim3A_2788 = vector.broadcast %select_n3A_2112 : i32 to vector<16xi32>
      %select_n3A_2789 = arith.select %eq3A_2787, %broadcast_in_dim3A_2788, %select_n3A_2785 : vector<16xi1>, vector<16xi32>
      %eq3A_2790 = vector.broadcast %select_n3A_2113 : i32 to vector<16xi32>
      %eq3A_2791 = arith.cmpi eq, %add3A_2781, %eq3A_2790 : vector<16xi32>
      %broadcast_in_dim3A_2792 = vector.broadcast %select_n3A_2114 : i32 to vector<16xi32>
      %select_n3A_2793 = arith.select %eq3A_2791, %broadcast_in_dim3A_2792, %select_n3A_2789 : vector<16xi1>, vector<16xi32>
      %eq3A_2794 = vector.broadcast %select_n3A_2115 : i32 to vector<16xi32>
      %eq3A_2795 = arith.cmpi eq, %add3A_2781, %eq3A_2794 : vector<16xi32>
      %broadcast_in_dim3A_2796 = vector.broadcast %select_n3A_2116 : i32 to vector<16xi32>
      %select_n3A_2797 = arith.select %eq3A_2795, %broadcast_in_dim3A_2796, %select_n3A_2793 : vector<16xi1>, vector<16xi32>
      %eq3A_2798 = vector.broadcast %select_n3A_2117 : i32 to vector<16xi32>
      %eq3A_2799 = arith.cmpi eq, %add3A_2781, %eq3A_2798 : vector<16xi32>
      %broadcast_in_dim3A_2800 = vector.broadcast %select_n3A_2118 : i32 to vector<16xi32>
      %select_n3A_2801 = arith.select %eq3A_2799, %broadcast_in_dim3A_2800, %select_n3A_2797 : vector<16xi1>, vector<16xi32>
      %eq3A_2802 = vector.broadcast %select_n3A_2119 : i32 to vector<16xi32>
      %eq3A_2803 = arith.cmpi eq, %add3A_2781, %eq3A_2802 : vector<16xi32>
      %broadcast_in_dim3A_2804 = vector.broadcast %select_n3A_2120 : i32 to vector<16xi32>
      %select_n3A_2805 = arith.select %eq3A_2803, %broadcast_in_dim3A_2804, %select_n3A_2801 : vector<16xi1>, vector<16xi32>
      %eq3A_2806 = vector.broadcast %select_n3A_2121 : i32 to vector<16xi32>
      %eq3A_2807 = arith.cmpi eq, %add3A_2781, %eq3A_2806 : vector<16xi32>
      %broadcast_in_dim3A_2808 = vector.broadcast %select_n3A_2122 : i32 to vector<16xi32>
      %select_n3A_2809 = arith.select %eq3A_2807, %broadcast_in_dim3A_2808, %select_n3A_2805 : vector<16xi1>, vector<16xi32>
      %eq3A_2810 = vector.broadcast %select_n3A_2123 : i32 to vector<16xi32>
      %eq3A_2811 = arith.cmpi eq, %add3A_2781, %eq3A_2810 : vector<16xi32>
      %broadcast_in_dim3A_2812 = vector.broadcast %select_n3A_2124 : i32 to vector<16xi32>
      %select_n3A_2813 = arith.select %eq3A_2811, %broadcast_in_dim3A_2812, %select_n3A_2809 : vector<16xi1>, vector<16xi32>
      %swap3A_2814 = arith.constant 240 : index
      %swap3A_2815 = tpu.vector_load %arg15[%swap3A_2814] {strides = array<i32>} : memref<256xi32, #tpu.memory_space<vmem>>, vector<16xi32>,
      %swap3A_2816 = vector.shape_cast %swap3A_2815 : vector<16xi32> to vector<16xi32>
      %swap3A_2817 = vector.shape_cast %select_n3A_2813 : vector<16xi32> to vector<16xi32>
      tpu.vector_store %arg15[%swap3A_2814], %swap3A_2817 {strides = array<i32>} : memref<256xi32, #tpu.memory_space<vmem>>, vector<16xi32>,
      %broadcast_in_dim3A_2818 = arith.constant 0 : i32
      %broadcast_in_dim3A_2819 = vector.broadcast %broadcast_in_dim3A_2818 : i32 to vector<16xi32>
      %eq3A_2820 = arith.constant 0 : i32
      %eq3A_2821 = vector.broadcast %eq3A_2820 : i32 to vector<16xi32>
      %eq3A_2822 = arith.cmpi eq, %iota3A, %eq3A_2821 : vector<16xi32>
      %broadcast_in_dim3A_2823 = vector.broadcast %select_n3A_1588 : i32 to vector<16xi32>
      %select_n3A_2824 = arith.select %eq3A_2822, %broadcast_in_dim3A_2823, %broadcast_in_dim3A_2819 : vector<16xi1>, vector<16xi32>
      %eq3A_2825 = arith.constant 1 : i32
      %eq3A_2826 = vector.broadcast %eq3A_2825 : i32 to vector<16xi32>
      %eq3A_2827 = arith.cmpi eq, %iota3A, %eq3A_2826 : vector<16xi32>
      %broadcast_in_dim3A_2828 = vector.broadcast %select_n3A_1589 : i32 to vector<16xi32>
      %select_n3A_2829 = arith.select %eq3A_2827, %broadcast_in_dim3A_2828, %select_n3A_2824 : vector<16xi1>, vector<16xi32>
      %eq3A_2830 = arith.constant 2 : i32
      %eq3A_2831 = vector.broadcast %eq3A_2830 : i32 to vector<16xi32>
      %eq3A_2832 = arith.cmpi eq, %iota3A, %eq3A_2831 : vector<16xi32>
      %broadcast_in_dim3A_2833 = vector.broadcast %select_n3A_1619 : i32 to vector<16xi32>
      %select_n3A_2834 = arith.select %eq3A_2832, %broadcast_in_dim3A_2833, %select_n3A_2829 : vector<16xi1>, vector<16xi32>
      %eq3A_2835 = arith.constant 3 : i32
      %eq3A_2836 = vector.broadcast %eq3A_2835 : i32 to vector<16xi32>
      %eq3A_2837 = arith.cmpi eq, %iota3A, %eq3A_2836 : vector<16xi32>
      %broadcast_in_dim3A_2838 = vector.broadcast %select_n3A_1620 : i32 to vector<16xi32>
      %select_n3A_2839 = arith.select %eq3A_2837, %broadcast_in_dim3A_2838, %select_n3A_2834 : vector<16xi1>, vector<16xi32>
      %eq3A_2840 = arith.constant 4 : i32
      %eq3A_2841 = vector.broadcast %eq3A_2840 : i32 to vector<16xi32>
      %eq3A_2842 = arith.cmpi eq, %iota3A, %eq3A_2841 : vector<16xi32>
      %broadcast_in_dim3A_2843 = vector.broadcast %select_n3A_1627 : i32 to vector<16xi32>
      %select_n3A_2844 = arith.select %eq3A_2842, %broadcast_in_dim3A_2843, %select_n3A_2839 : vector<16xi1>, vector<16xi32>
      %eq3A_2845 = arith.constant 5 : i32
      %eq3A_2846 = vector.broadcast %eq3A_2845 : i32 to vector<16xi32>
      %eq3A_2847 = arith.cmpi eq, %iota3A, %eq3A_2846 : vector<16xi32>
      %broadcast_in_dim3A_2848 = vector.broadcast %select_n3A_1628 : i32 to vector<16xi32>
      %select_n3A_2849 = arith.select %eq3A_2847, %broadcast_in_dim3A_2848, %select_n3A_2844 : vector<16xi1>, vector<16xi32>
      %eq3A_2850 = arith.constant 6 : i32
      %eq3A_2851 = vector.broadcast %eq3A_2850 : i32 to vector<16xi32>
      %eq3A_2852 = arith.cmpi eq, %iota3A, %eq3A_2851 : vector<16xi32>
      %broadcast_in_dim3A_2853 = vector.broadcast %select_n3A_1741 : i32 to vector<16xi32>
      %select_n3A_2854 = arith.select %eq3A_2852, %broadcast_in_dim3A_2853, %select_n3A_2849 : vector<16xi1>, vector<16xi32>
      %eq3A_2855 = arith.constant 7 : i32
      %eq3A_2856 = vector.broadcast %eq3A_2855 : i32 to vector<16xi32>
      %eq3A_2857 = arith.cmpi eq, %iota3A, %eq3A_2856 : vector<16xi32>
      %broadcast_in_dim3A_2858 = vector.broadcast %select_n3A_1743 : i32 to vector<16xi32>
      %select_n3A_2859 = arith.select %eq3A_2857, %broadcast_in_dim3A_2858, %select_n3A_2854 : vector<16xi1>, vector<16xi32>
      %eq3A_2860 = arith.constant 8 : i32
      %eq3A_2861 = vector.broadcast %eq3A_2860 : i32 to vector<16xi32>
      %eq3A_2862 = arith.cmpi eq, %iota3A, %eq3A_2861 : vector<16xi32>
      %broadcast_in_dim3A_2863 = vector.broadcast %convert_element_type3A_1746 : i32 to vector<16xi32>
      %select_n3A_2864 = arith.select %eq3A_2862, %broadcast_in_dim3A_2863, %select_n3A_2859 : vector<16xi1>, vector<16xi32>
      %eq3A_2865 = arith.constant 0 : i32
      %eq3A_2866 = vector.broadcast %eq3A_2865 : i32 to vector<16xi32>
      %eq3A_2867 = arith.cmpi eq, %iota3A, %eq3A_2866 : vector<16xi32>
      %eq3A_2868 = arith.constant 1 : i32
      %eq3A_2869 = vector.broadcast %eq3A_2868 : i32 to vector<16xi32>
      %eq3A_2870 = arith.cmpi eq, %iota3A, %eq3A_2869 : vector<16xi32>
      %broadcast_in_dim3A_2871 = arith.constant 0 : i32
      %broadcast_in_dim3A_2872 = vector.broadcast %broadcast_in_dim3A_2871 : i32 to vector<16xi32>
      %broadcast_in_dim3A_2873 = vector.broadcast %and3A_2128 : i32 to vector<16xi32>
      %select_n3A_2874 = arith.select %eq3A_2870, %broadcast_in_dim3A_2873, %broadcast_in_dim3A_2872 : vector<16xi1>, vector<16xi32>
      %broadcast_in_dim3A_2875 = vector.broadcast %and3A_2126 : i32 to vector<16xi32>
      %select_n3A_2876 = arith.select %eq3A_2867, %broadcast_in_dim3A_2875, %select_n3A_2874 : vector<16xi1>, vector<16xi32>
      %swap3A_2877 = arith.constant 0 : index
      %swap3A_2878 = tpu.vector_load %arg13[%swap3A_2877] {strides = array<i32>} : memref<16xi32, #tpu.memory_space<vmem>>, vector<16xi32>,
      %swap3A_2879 = vector.shape_cast %swap3A_2878 : vector<16xi32> to vector<16xi32>
      %swap3A_2880 = vector.shape_cast %select_n3A_2864 : vector<16xi32> to vector<16xi32>
      tpu.vector_store %arg13[%swap3A_2877], %swap3A_2880 {strides = array<i32>} : memref<16xi32, #tpu.memory_space<vmem>>, vector<16xi32>,
      %swap3A_2881 = arith.constant 0 : index
      %swap3A_2882 = tpu.vector_load %arg14[%swap3A_2881] {strides = array<i32>} : memref<16xi32, #tpu.memory_space<vmem>>, vector<16xi32>,
      %swap3A_2883 = vector.shape_cast %swap3A_2882 : vector<16xi32> to vector<16xi32>
      %swap3A_2884 = vector.shape_cast %select_n3A_2876 : vector<16xi32> to vector<16xi32>
      tpu.vector_store %arg14[%swap3A_2881], %swap3A_2884 {strides = array<i32>} : memref<16xi32, #tpu.memory_space<vmem>>, vector<16xi32>,
      "tpu.region"() ({
        %run_scoped3A = tpu.sem_alloc : memref<!tpu.dma_semaphore, #tpu.memory_space<semaphore_mem>>
        tpu.enqueue_dma source(%arg13 : memref<16xi32, #tpu.memory_space<vmem>>) target(%arg4 : memref<16xi32, #tpu.memory_space<hbm>>) target_semaphore(%run_scoped3A : memref<!tpu.dma_semaphore, #tpu.memory_space<semaphore_mem>>)
        tpu.wait_dma2 semaphore(%run_scoped3A : memref<!tpu.dma_semaphore, #tpu.memory_space<semaphore_mem>>) src(%arg13 : memref<16xi32, #tpu.memory_space<vmem>>) dst(%arg4 : memref<16xi32, #tpu.memory_space<hbm>>)
        tpu.yield
      }) : () -> ()
      "tpu.region"() ({
        %run_scoped3A = tpu.sem_alloc : memref<!tpu.dma_semaphore, #tpu.memory_space<semaphore_mem>>
        tpu.enqueue_dma source(%arg14 : memref<16xi32, #tpu.memory_space<vmem>>) target(%arg5 : memref<16xi32, #tpu.memory_space<hbm>>) target_semaphore(%run_scoped3A : memref<!tpu.dma_semaphore, #tpu.memory_space<semaphore_mem>>)
        tpu.wait_dma2 semaphore(%run_scoped3A : memref<!tpu.dma_semaphore, #tpu.memory_space<semaphore_mem>>) src(%arg14 : memref<16xi32, #tpu.memory_space<vmem>>) dst(%arg5 : memref<16xi32, #tpu.memory_space<hbm>>)
        tpu.yield
      }) : () -> ()
      "tpu.region"() ({
        %run_scoped3A = tpu.sem_alloc : memref<!tpu.dma_semaphore, #tpu.memory_space<semaphore_mem>>
        tpu.enqueue_dma source(%arg15 : memref<256xi32, #tpu.memory_space<vmem>>) target(%arg6 : memref<256xi32, #tpu.memory_space<hbm>>) target_semaphore(%run_scoped3A : memref<!tpu.dma_semaphore, #tpu.memory_space<semaphore_mem>>)
        tpu.wait_dma2 semaphore(%run_scoped3A : memref<!tpu.dma_semaphore, #tpu.memory_space<semaphore_mem>>) src(%arg15 : memref<256xi32, #tpu.memory_space<vmem>>) dst(%arg6 : memref<256xi32, #tpu.memory_space<hbm>>)
        tpu.yield
      }) : () -> ()
    } else {
    }
    return
  }
}

module attributes {stable_mosaic.version = 14 : i64} {
  func.func @_patch_body(%arg0: memref<16xi32, #tpu.memory_space<smem>>, %arg1: memref<256xi32, #tpu.memory_space<hbm>>, %arg2: memref<16777216xi32, #tpu.memory_space<hbm>>, %arg3: memref<16777216xi32, #tpu.memory_space<hbm>>, %arg4: memref<!tpu.dma_semaphore, #tpu.memory_space<semaphore_mem>>) attributes {dimension_semantics = [], scalar_prefetch = 0 : i64, scratch_operands = 1 : i64, tpu.core_type = #tpu.core_type<tc>} {
    %get3A = arith.constant 0 : index
    %get3A_0 = memref.load %arg0[%get3A] : memref<16xi32, #tpu.memory_space<smem>>
    %multiple_of3A = tpu.assume_multiple %get3A_0, 128 : i32
    %dma_start3A = tpu.memref_slice %arg3[%multiple_of3A] : memref<16777216xi32, #tpu.memory_space<hbm>> -> memref<128xi32, #tpu.memory_space<hbm>>
    %dma_start3A_1 = arith.constant 0 : i32
    %dma_start3A_2 = tpu.memref_slice %arg1[%dma_start3A_1] : memref<256xi32, #tpu.memory_space<hbm>> -> memref<128xi32, #tpu.memory_space<hbm>>
    tpu.enqueue_dma source(%dma_start3A_2 : memref<128xi32, #tpu.memory_space<hbm>>) target(%dma_start3A : memref<128xi32, #tpu.memory_space<hbm>>) target_semaphore(%arg4 : memref<!tpu.dma_semaphore, #tpu.memory_space<semaphore_mem>>)
    %dma_wait3A = tpu.memref_slice %arg3[%multiple_of3A] : memref<16777216xi32, #tpu.memory_space<hbm>> -> memref<128xi32, #tpu.memory_space<hbm>>
    %dma_wait3A_3 = arith.constant 0 : i32
    %dma_wait3A_4 = tpu.memref_slice %arg1[%dma_wait3A_3] : memref<256xi32, #tpu.memory_space<hbm>> -> memref<128xi32, #tpu.memory_space<hbm>>
    tpu.wait_dma2 semaphore(%arg4 : memref<!tpu.dma_semaphore, #tpu.memory_space<semaphore_mem>>) src(%dma_wait3A_4 : memref<128xi32, #tpu.memory_space<hbm>>) dst(%dma_wait3A : memref<128xi32, #tpu.memory_space<hbm>>)
    %get3A_5 = arith.constant 1 : index
    %get3A_6 = memref.load %arg0[%get3A_5] : memref<16xi32, #tpu.memory_space<smem>>
    %multiple_of3A_7 = tpu.assume_multiple %get3A_6, 128 : i32
    %dma_start3A_8 = tpu.memref_slice %arg3[%multiple_of3A_7] : memref<16777216xi32, #tpu.memory_space<hbm>> -> memref<128xi32, #tpu.memory_space<hbm>>
    %dma_start3A_9 = arith.constant 128 : i32
    %dma_start3A_10 = tpu.memref_slice %arg1[%dma_start3A_9] : memref<256xi32, #tpu.memory_space<hbm>> -> memref<128xi32, #tpu.memory_space<hbm>>
    tpu.enqueue_dma source(%dma_start3A_10 : memref<128xi32, #tpu.memory_space<hbm>>) target(%dma_start3A_8 : memref<128xi32, #tpu.memory_space<hbm>>) target_semaphore(%arg4 : memref<!tpu.dma_semaphore, #tpu.memory_space<semaphore_mem>>)
    %dma_wait3A_11 = tpu.memref_slice %arg3[%multiple_of3A_7] : memref<16777216xi32, #tpu.memory_space<hbm>> -> memref<128xi32, #tpu.memory_space<hbm>>
    %dma_wait3A_12 = arith.constant 128 : i32
    %dma_wait3A_13 = tpu.memref_slice %arg1[%dma_wait3A_12] : memref<256xi32, #tpu.memory_space<hbm>> -> memref<128xi32, #tpu.memory_space<hbm>>
    tpu.wait_dma2 semaphore(%arg4 : memref<!tpu.dma_semaphore, #tpu.memory_space<semaphore_mem>>) src(%dma_wait3A_13 : memref<128xi32, #tpu.memory_space<hbm>>) dst(%dma_wait3A_11 : memref<128xi32, #tpu.memory_space<hbm>>)
    return
  }
}

</mosaic_0001>

<sc_bundles>
// kernel: kernel.4.cloned.1.call-start
scs
__scs_entry_jumppad:
0x0: {  	(pc) =	sbr.rel $0x88, $3  }
0x1: {  	(tag) =	ssettag $0x0;
	lr =	simm.s32 $0x1  }
0x2: {  	[smem:$0x3F9C] =	sst lr;
	_ =	strace $0xD0000000  }
0x3: {  	_ = 	snop  }
0x4: {  	_ = 	snop  }
0x5: {  	_ = 	snop  }
0x6: {  	_ = 	snop  }
0x7: {  	_ = 	snop  }
__scs_overlays_trampoline_lowered:
0x8: {  	[smem:$0x3FAB] =	sst s0  }
0x9: {  	[smem:$0x3FAC] =	sst s1  }
0xa: {  	[smem:$0x3FAD] =	sst s2  }
0xb: {  	[smem:$0x3FAE] =	sst s3  }
0xc: {  	[smem:$0x3FAF] =	sst s4  }
0xd: {  	[smem:$0x3FB0] =	sst s5  }
0xe: {  	[smem:$0x3FB1] =	sst s6  }
0xf: {  	[smem:$0x3FB2] =	sst s7  }
0x10: {  	[smem:$0x3FB3] =	sst s8  }
0x11: {  	[smem:$0x3FB4] =	sst s9;
	s0 =	simm.s32 @!p0 $0x0  }
0x12: {  	s1 =	sld [smem:$0x3F9A];
	s0 =	simm.s32 @p0 $0x1  }
0x13: {  	[smem:$0x3FB5] =	sst s0;
	s0 =	simm.s32 @!p1 $0x0  }
0x14: {  	s2 =	sld [smem:$0x3F99];
	s0 =	simm.s32 @p1 $0x1  }
0x15: {  	[smem:$0x3FB6] =	sst s0;
	s0 =	simm.s32 @!p2 $0x0  }
0x16: {  	s3 =	sld [smem:$0x3FDB];
	s0 =	simm.s32 @p2 $0x1  }
0x17: {  	s4 =	simm.s32 $0x1BF5;
	[smem:$0x3FB8] =	sst s0  }
0x18: {  	s0 =	sld [smem:$0x3F9B];
	_ =	swait.ge [sflag:s4], $0x0  }
0x19: {  	s7 =	sld [smem:$0x3F9C]  }
0x1a: {  	s8 =	sadd.s32 $0xFFFFE003, lr  }
0x1b: {  	s9 =	sadd.s32 $0xFFFFFEF7, lr;
	s5 =	simm.s32 $0xFFFFFFFF;
	p2 =	slt.u32 s8, $0xFFFFF086  }
0x1c: {  	p1 =	slt.u32 s9, $0xF7A;
	s5 =	simm.s32 @!p2 $0x0  }
0x1d: {  	s5 =	simm.s32 @p1 $0x1;
	p0 =	seq.s32 s7, s2  }
0x1e: {  	s7 =	smul.u32 @!p0 $0xF7A, s2;
	p2 =	seq.s32 @!p0 s5, $0x0  }
0x1f: {  	s9 =	smul.u32 $0xF7A, s1;
	s8 =	simm.s32 @!p0 $0x1BF5;
	p2 =	por !p2, p0  }
0x20: {  	[sflag:s8] =	ssyncset.s32 @!p0 $0xFFFFF086;
	s6 =	sadd.s32 @!p0 s3, s7;
	s7 =	simm.s32 @!p0 $0x108  }
0x21: {  	s3 =	sadd.s32 s3, s9;
	s6 =	sadd.s32 @!p0 $0x88, s6;
	s7 =	simm.s32 @p2 $0x1082  }
0x22: {  	[simem:s7], [sflag:s8] =	dma.local @!p0 [hbm:s6], $0xF7A  }
0x23: {  	s9 =	sor.u32 $0xD0000000, s2;
	s6 =	simm.s32 $0x108;
	_ =	swait.ge @!p0 [sflag:s8], $0x0  }
0x24: {  	s3 =	sadd.s32 $0x88, s3;
	s6 =	simm.s32 @!p1 $0x1082;
	[sflag:s4] =	ssyncset.s32 $0xFFFFF086  }
0x25: {  	[simem:s6], [sflag:s4] =	dma.local [hbm:s3], $0xF7A  }
0x26: {  	[smem:$0x3F9C] =	sst s1;
	(tag) =	ssettag s2;
	_ =	strace s9  }
0x27: {  	s1 =	sld [smem:$0x3FAC]  }
0x28: {  	s2 =	sld [smem:$0x3FAD]  }
0x29: {  	s4 =	sld [smem:$0x3FAF]  }
0x2a: {  	p0 =	seq.s32 s5, $0x0;
	s5 =	sld [smem:$0x3FB0]  }
0x2b: {  	s6 =	sld [smem:$0x3FB1]  }
0x2c: {  	s7 =	sld [smem:$0x3FB2]  }
0x2d: {  	s3 =	simm.s32 $0x108;
	s8 =	sld [smem:$0x3FB3]  }
0x2e: {  	s3 =	simm.s32 @!p0 $0x1082;
	s9 =	sld [smem:$0x3FB4]  }
0x2f: {  	lr =	sadd.s32 s0, s3;
	s0 =	sld [smem:$0x3FAB]  }
0x30: {  	s3 =	sld [smem:$0x3FAE]  }
0x31: {  	[smem:$0x3FB7] =	sst s10  }
0x32: {  	s10 =	sld [smem:$0x3FB5];
	_ =	sdelay $0x3  }
0x33: {  	p0 =	seq.s32 s10, $0x1;
	s10 =	sld [smem:$0x3FB7];
	_ =	sdelay $0x3  }
0x34: {  	[smem:$0x3FB7] =	sst s10  }
0x35: {  	s10 =	sld [smem:$0x3FB6];
	_ =	sdelay $0x3  }
0x36: {  	p1 =	seq.s32 s10, $0x1;
	s10 =	sld [smem:$0x3FB7];
	_ =	sdelay $0x3  }
0x37: {  	[smem:$0x3FB7] =	sst s10  }
0x38: {  	s10 =	sld [smem:$0x3FB8]  }
0x39: {  	_ = 	snop;
	(pc) =	sbr.ind lr, $3  }
0x3a: {  	_ = 	snop  }
0x3b: {  	_ = 	snop  }
0x3c: {  	p2 =	seq.s32 s10, $0x1;
	s10 =	sld [smem:$0x3FB7]  }
0x3d: {  	_ =	shalt  }
0x3e: {  	_ =	shalt  }
0x3f: {  	_ =	shalt  }
0x40: {  	_ =	shalt  }
0x41: {  	_ =	shalt  }
0x42: {  	_ =	shalt  }
0x43: {  	_ =	shalt  }
0x44: {  	_ =	shalt  }
0x45: {  	_ =	shalt  }
0x46: {  	_ =	shalt  }
0x47: {  	_ =	shalt  }
0x48: {  	_ =	shalt  }
0x49: {  	_ =	shalt  }
0x4a: {  	_ =	shalt  }
0x4b: {  	_ =	shalt  }
0x4c: {  	_ =	shalt  }
0x4d: {  	_ =	shalt  }
0x4e: {  	_ =	shalt  }
0x4f: {  	_ =	shalt  }
0x50: {  	_ =	shalt  }
0x51: {  	_ =	shalt  }
0x52: {  	_ =	shalt  }
0x53: {  	_ =	shalt  }
0x54: {  	_ =	shalt  }
0x55: {  	_ =	shalt  }
0x56: {  	_ =	shalt  }
0x57: {  	_ =	shalt  }
0x58: {  	_ =	shalt  }
0x59: {  	_ =	shalt  }
0x5a: {  	_ =	shalt  }
0x5b: {  	_ =	shalt  }
0x5c: {  	_ =	shalt  }
0x5d: {  	_ =	shalt  }
0x5e: {  	_ =	shalt  }
0x5f: {  	_ =	shalt  }
0x60: {  	_ =	shalt  }
0x61: {  	_ =	shalt  }
0x62: {  	_ =	shalt  }
0x63: {  	_ =	shalt  }
0x64: {  	_ =	shalt  }
0x65: {  	_ =	shalt  }
0x66: {  	_ =	shalt  }
0x67: {  	_ =	shalt  }
0x68: {  	_ =	shalt  }
0x69: {  	_ =	shalt  }
0x6a: {  	_ =	shalt  }
0x6b: {  	_ =	shalt  }
0x6c: {  	_ =	shalt  }
0x6d: {  	_ =	shalt  }
0x6e: {  	_ =	shalt  }
0x6f: {  	_ =	shalt  }
0x70: {  	_ =	shalt  }
0x71: {  	_ =	shalt  }
0x72: {  	_ =	shalt  }
0x73: {  	_ =	shalt  }
0x74: {  	_ =	shalt  }
0x75: {  	_ =	shalt  }
0x76: {  	_ =	shalt  }
0x77: {  	_ =	shalt  }
0x78: {  	_ =	shalt  }
0x79: {  	_ =	shalt  }
0x7a: {  	_ =	shalt  }
0x7b: {  	_ =	shalt  }
0x7c: {  	_ =	shalt  }
0x7d: {  	_ =	shalt  }
0x7e: {  	_ =	shalt  }
0x7f: {  	_ =	shalt  }
0x80: {  	_ =	shalt  }
0x81: {  	_ =	shalt  }
0x82: {  	_ =	shalt  }
0x83: {  	_ =	shalt  }
0x84: {  	_ =	shalt  }
0x85: {  	_ =	shalt  }
0x86: {  	_ =	shalt  }
0x87: {  	_ =	shalt  }
.Lfunc_end0:
.L_simem_size_0:
called_computation_lowered:
.L_overlay_start_0:
0x88: {  	s2 =	sld [smem:$0x3FD9]  }
0x89: {  	s3 =	sld [smem:$0x3FFE];
	_ =	sdelay $0x1  }
0x8a: {  	s1 =	srdreg.scid  }
0x8b: {  	s0 =	sand.u32 $0x1, s1  }
0x8c: {  	s14 =	sshll.u32 s0, $0xA;
	s2 =	sadd.s32 s3, s2  }
0x8d: {  	s2 =	sadd.s32 s2, s14  }
0x8e: {  	[smem:$0x3FC3] =	sst s2  }
0x8f: {  	_ = 	snop  }
0x90: {  	s2 =	sld [smem:$0x3FD0];
	_ =	sdelay $0x2  }
0x91: {  	s15 =	simm.s32 $0xA;
	s4 =	simm.s32 $0x10  }
0x92: {  	[smem:s4], [sflag:s15] =	dma.local [hbm:s2], $0x1  }
0x93: {  	_ =	swait.eq [sflag:s15], $0x1  }
0x94: {  	s16 =	sld [smem:$0x11]  }
0x95: {  	s17 =	sld [smem:$0x12];
	[sflag:s15] =	ssyncset.done $0x0  }
0x96: {  	s5 =	sld [smem:$0x13];
	[sflag:s15] =	ssyncadd.s32 $0xFFFFFFFF  }
0x97: {  	s18 =	sld [smem:$0x15];
	(tm) =	ssettm $0x1  }
0x98: {  	s6 =	sld [smem:$0x3FFB];
	_ =	sdelay $0x3  }
0x99: {  	_ =	strace s6  }
0x9a: {  	s6 =	sld [smem:$0x3FFC];
	_ =	sdelay $0x3  }
0x9b: {  	_ =	strace s6  }
0x9c: {  	s6 =	sld [smem:$0x3FFD];
	_ =	sdelay $0x3  }
0x9d: {  	_ =	strace s6  }
0x9e: {  	_ =	strace $0x8FFFFFFF  }
0x9f: {  	s19 =	sld [smem:$0x3FDB];
	_ =	sdelay $0x1  }
0xa0: {  	s7 =	simm.s32 $_scs_section_size  }
0xa1: {  	s8 =	simm.s32 $_size__tile_overlayer_lowered;
	s9 =	simm.s32 $_tile_overlayer_lowered  }
0xa2: {  	s22 =	simm.s32 $0x1BFF;
	s21 =	sshll.u32 s9, $0x1;
	s6 =	sadd.s32 s7, s19  }
0xa3: {  	s10 =	simm.s32 $0x0;
	s20 =	sshll.u32 s8, $0x1;
	s8 =	sadd.s32 s21, s6  }
0xa4: {  	[timem:s10], [sflag:s22] =	dma.local [hbm:s8], s20  }
0xa5: {  	_ =	swait.ge [sflag:s22], s20  }
0xa6: {  	s7 =	ssub.s32 $0x0, s20;
	[sflag:s22] =	ssyncset.done $0x0  }
0xa7: {  	[sflag:s22] =	ssyncadd.s32 s7;
	_ =	sdelay $0x1  }
0xa8: {  	s23 =	simm.s32 $0x1B8B  }
0xa9: {  	_ =	swait.ge [sflag:s23], $0x1  }
0xaa: {  	[sflag:s23] =	ssyncset.done $0x0  }
0xab: {  	s25 =	simm.s32 $0x1B8E;
	s24 =	sld [smem:$0x3FFE];
	[sflag:s23] =	ssyncadd.s32 $0xFFFFFFFF  }
0xac: {  	s26 =	simm.s32 $execute0_lowered;
	[smem:$0x3FD2] =	sst s25  }
0xad: {  	s8 =	sshll.u32 s26, $0x1;
	_ =	strace $0x80000046;
	[dreg:$0x1] =	wrdreg $0xFFFFFFFF  }
0xae: {  	s28 =	simm.s32 $_size_execute0_lowered;
	s6 =	sadd.s32 s6, s8;
	[dreg:$0x0] =	wrdreg $0x0  }
0xaf: {  	s8 =	sshll.u32 s28, $0x1;
	[dreg:$0x2] =	wrdreg s6  }
0xb0: {  	[dreg:$0x3] =	wrdreg s8  }
0xb1: {  	[dreg:$0x4] =	wrdreg $0xC0  }
0xb2: {  	_ =	task [dreg:s10], $0x5FFFF  }
0xb3: {  	[dreg:$0x1] =	wrdreg $0xFFFFFFFF  }
0xb4: {  	[dreg:$0x0] =	wrdreg $0x60  }
0xb5: {  	[dreg:$0x2] =	wrdreg s18  }
0xb6: {  	[dreg:$0x3] =	wrdreg s24  }
0xb7: {  	[dreg:$0x4] =	wrdreg s17  }
0xb8: {  	[dreg:$0x5] =	wrdreg s16  }
0xb9: {  	[dreg:$0x6] =	wrdreg s5  }
0xba: {  	[dreg:$0x7] =	wrdreg $0x9  }
0xbb: {  	_ =	task.clear_ibuf [dreg:s10], $0x8FFFF;
	_ =	strace $0x90000046  }
0xbc: {  	s29 =	simm.s32 $0x9;
	_ =	strace $0x80000048  }
0xbd: {  	_ =	swait.ge [sflag:s29], $0x1  }
0xbe: {  	[sflag:s29] =	ssyncadd.s32 $0xFFFFFFFF  }
0xbf: {  	_ =	strace $0x90000048  }
0xc0: {  	_ =	sfence  }
0xc1: {  	s30 =	sld [smem:$0x0];
	_ =	sdelay $0x2  }
0xc2: {  	s31 =	sshll.u32 s1, $0xD;
	s1 =	sshrl.u32 s1, $0x2  }
0xc3: {  	s3 =	sand.u32 $0x4000, s31;
	s1 =	sadd.s32 s1, s30  }
0xc4: {  	s0 =	sor.u32 s3, s0;
	s1 =	sshll.u32 s1, $0x11  }
0xc5: {  	s0 =	sor.u32 s1, s0  }
0xc6: {  	s0 =	sadd.s32 $0x8F2B, s0  }
0xc7: {  	[sflag:s0] =	ssyncadd.remote.s32 $0x1  }
0xc8: {  	_ =	sfence.sel $0xFFFF  }
0xc9: {  	[dreg:$0x0] =	wrdreg $0xFFFFFFFF;
	(pc) =	sbr.abs _section_cstart, $3  }
0xca: {  	[dreg:$0x1] =	wrdreg $0xFFFFFFFF  }
0xcb: {  	_ =	task.clear_ibuf [dreg:s10], $0x2FFFF;
	_ =	strace $0x9FFFFFFF  }
0xcc: {  	(tm) =	ssettm $0x7FFFFFFF  }
0xcd: {  	_ =	shalt  }
tec
execute0_lowered:
.L_overlay_start_1:
0x0: {  	(tag) =	ssettag $0x1  }
0x1: {  	s1 =	srdreg.scid  }
0x2: {  	s3 =	stileid.u32;
	s1 =	sand.u32 $0x1, s1  }
0x3: {  	s3 =	ssub.s32 $0x0, s3;
	s2 =	sshll.u32 s1, $0x4  }
0x4: {  	p0 =	sne.s32 s2, s3  }
.Ltmp0:
0x5: {  	_ = 	snop;
	(pc) =	sbr.rel @p0 .LBB2_5-.Ltmp0, $4  }
0x6: {  	_ = 	snop  }
0x7: {  	s4 =	simm.s32 $0x0  }
0x8: {  	[smem:$0x7FF] =	sst s4  }
0x9: {  	s0 =	rddreg [dreg:$0x1];
	_ =	strace $0x80000047  }
0xa: {  	s1 =	ssub.s32 $0x2, s1  }
0xb: {  	vm1 =	vcmask $0x704;
	s2 =	sshrl.u32 s1, $0x1  }
0xc: {  	v0 =	vlaneseq.u32;
	s0 =	sadd.s32 $0xA00, s0;
	vm10 =	vcmask $0xB08;
	vm11 =	vcmask $0xF0C;
	s1 =	ssub.s32 s1, s2  }
0xd: {  	vm12 =	vcmask $0x1310;
	vm13 =	vcmask $0x1714;
	vm6 =	vcmask $0x1B18;
	[dreg:$0x7] =	wrdreg s0;
	s31 =	smax.u32 s1, $0x1  }
0xe: {  	vm0 =	vcmask $0x1F1C;
	vm9 =	vcmask $0x300;
	vm8 =	vcmask $0x2320;
	s2 =	simm.s32 $0x2;
	s1 =	simm.s32 $0x0;
	[dreg:$0x8] =	wrdreg s31  }
.LBB2_2:
0xf: {  	[dreg:$0x9] =	wrdreg s1  }
0x10: {  	s0 =	simm.s32 $0x0;
	s5 =	rddreg [dreg:$0x0]  }
0x11: {  	[tilespmem:s0], [sflag:$0x2] =	stream.linear.gather [hbm4b:s5+s0], $0x80, $0x38;
	[tilespmem:$0x500] =	vst v63  }
0x12: {  	_ =	swait.ge [sflag:s2], $0x80  }
0x13: {  	[sflag:s2] =	ssyncset.done $0x0  }
0x14: {  	[sflag:s2] =	ssyncadd.s32 $0xFFFFFF80  }
0x15: {  	v1 =	vld [tilespmem:$0x0];
	_ =	sdelay $0x4  }
0x16: {  	(v2sf) =	vpush v1, $0x0  }
0x17: {  	(v2sf) =	vpush v1, $0x1;
	_ =	sdelay $0x2  }
0x18: {  	(v2sf) =	vpush v1, $0x2;
	_ =	sdelay $0x1  }
0x19: {  	(v2sf) =	vpush v1, $0x3;
	_ =	sdelay $0x2  }
0x1a: {  	(v2sf) =	vpush v1, $0x4;
	_ =	sdelay $0x1  }
0x1b: {  	(v2sf) =	vpush v1, $0x5  }
0x1c: {  	(v2sf) =	vpush v1, $0x6;
	_ =	sdelay $0x1  }
0x1d: {  	s9 =	simm.s32 $0x1;
	s1 =	simm.s32 $0x1  }
0x1e: {  	s5 =	simm.s32 $0x1;
	s2 =	simm.s32 $0x1;
	s13 =	spop (v2sf)  }
0x1f: {  	s12 =	spop (v2sf);
	s6 =	sadd.s32 $0x1, s13;
	s8 =	smin.u32 s13, $0xFFFFFF  }
0x20: {  	s7 =	sadd.s32 $0x2, s13;
	s3 =	sadd.s32 $0x3, s13;
	s10 =	sadd.s32 $0x4, s13  }
0x21: {  	s11 =	sadd.s32 $0x5, s13;
	[dreg:$0xd] =	wrdreg s13;
	s16 =	sadd.s32 $0x7, s13  }
0x22: {  	s21 =	spop (v2sf);
	p1 =	seq.s32 s6, $0x0;
	p2 =	seq.s32 s12, $0x0  }
0x23: {  	s0 =	smin.u32 s6, $0xFFFFFF;
	s3 =	smin.u32 s3, $0xFFFFFF;
	s6 =	simm.s32 $0x1  }
0x24: {  	[dreg:$0xc] =	wrdreg s12;
	s18 =	spop (v2sf);
	s1 =	simm.s32 @!p1 $0x0  }
0x25: {  	p1 =	slt.s32 s12, $0x0;
	s8 =	simm.s32 @!p2 $0xFFFFFF;
	s17 =	sadd.s32 $0x1, s21  }
0x26: {  	s25 =	smin.u32 s21, $0xFFFFFF;
	s19 =	sadd.s32 $0x2, s21;
	s20 =	sadd.s32 $0x3, s21  }
0x27: {  	s22 =	sadd.s32 $0x4, s21;
	s31 =	spop (v2sf);
	s1 =	sadd.s32 s1, s12  }
0x28: {  	s8 =	simm.s32 @p1 $0x0;
	p1 =	sgt.u32 s13, $0xFFFFFFFD;
	[dreg:$0xb] =	wrdreg s18  }
0x29: {  	s30 =	spop (v2sf);
	p0 =	sgt.u32 s31, $0xFFFFFFF7;
	p2 =	slt.s32 s1, $0x0  }
0x2a: {  	s2 =	simm.s32 @!p1 $0x0;
	s14 =	spop (v2sf);
	s9 =	simm.s32 @!p0 $0x0  }
0x2b: {  	p0 =	seq.s32 s1, $0x0;
	s2 =	sadd.s32 s2, s12;
	s1 =	smin.u32 s7, $0xFFFFFF  }
0x2c: {  	s0 =	simm.s32 @!p0 $0xFFFFFF;
	p0 =	slt.s32 s2, $0x0;
	p1 =	seq.s32 s2, $0x0  }
0x2d: {  	s2 =	simm.s32 $0x1;
	s1 =	simm.s32 @!p1 $0xFFFFFF;
	p1 =	sgt.u32 s13, $0xFFFFFFFC  }
0x2e: {  	s7 =	sadd.s32 $0x6, s13;
	s0 =	simm.s32 @p2 $0x0;
	s2 =	simm.s32 @!p1 $0x0  }
0x2f: {  	s1 =	simm.s32 @p0 $0x0;
	p0 =	sgt.u32 s13, $0xFFFFFFFB;
	s2 =	sadd.s32 s2, s12  }
0x30: {  	s5 =	simm.s32 @!p0 $0x0;
	p1 =	seq.s32 s2, $0x0;
	p0 =	slt.s32 s2, $0x0  }
0x31: {  	s5 =	sadd.s32 s5, s12;
	s2 =	smin.u32 s10, $0xFFFFFF;
	s3 =	simm.s32 @!p1 $0xFFFFFF  }
0x32: {  	p1 =	sgt.u32 s13, $0xFFFFFFFA;
	p2 =	slt.s32 s5, $0x0;
	s3 =	simm.s32 @p0 $0x0  }
0x33: {  	p0 =	seq.s32 s5, $0x0;
	s6 =	simm.s32 @!p1 $0x0;
	s5 =	smin.u32 s11, $0xFFFFFF  }
0x34: {  	s11 =	simm.s32 $0x1;
	s2 =	simm.s32 @!p0 $0xFFFFFF;
	s6 =	sadd.s32 s6, s12  }
0x35: {  	s2 =	simm.s32 @p2 $0x0;
	p0 =	slt.s32 s6, $0x0;
	p1 =	seq.s32 s6, $0x0  }
0x36: {  	s6 =	simm.s32 $0x1;
	p2 =	seq.s32 s18, $0x0;
	s5 =	simm.s32 @!p1 $0xFFFFFF  }
0x37: {  	p1 =	sgt.u32 s13, $0xFFFFFFF9;
	s25 =	simm.s32 @!p2 $0xFFFFFF;
	s5 =	simm.s32 @p0 $0x0  }
0x38: {  	s6 =	simm.s32 @!p1 $0x0;
	p0 =	sgt.u32 s13, $0xFFFFFFF8;
	s13 =	smin.u32 s20, $0xFFFFFF  }
0x39: {  	s10 =	sadd.s32 s6, s12;
	s6 =	smin.u32 s7, $0xFFFFFF;
	s11 =	simm.s32 @!p0 $0x0  }
0x3a: {  	(v2sf) =	vpush v1, $0x7;
	s7 =	smin.u32 s16, $0xFFFFFF;
	p1 =	seq.s32 s10, $0x0;
	p0 =	slt.s32 s10, $0x0  }
0x3b: {  	s15 =	sadd.s32 s11, s12;
	s11 =	simm.s32 $0x1;
	s10 =	smin.u32 s17, $0xFFFFFF  }
0x3c: {  	s12 =	simm.s32 $0x1;
	s6 =	simm.s32 @!p1 $0xFFFFFF;
	p1 =	seq.s32 s15, $0x0  }
0x3d: {  	s6 =	simm.s32 @p0 $0x0;
	s7 =	simm.s32 @!p1 $0xFFFFFF;
	p1 =	seq.s32 s17, $0x0  }
0x3e: {  	p0 =	slt.s32 s15, $0x0;
	s11 =	simm.s32 @!p1 $0x0;
	p1 =	slt.s32 s18, $0x0  }
0x3f: {  	s11 =	sadd.s32 s11, s18;
	s25 =	simm.s32 @p1 $0x0;
	p1 =	sgt.u32 s21, $0xFFFFFFFD  }
0x40: {  	s7 =	simm.s32 @p0 $0x0;
	p0 =	seq.s32 s11, $0x0;
	s12 =	simm.s32 @!p1 $0x0  }
0x41: {  	p2 =	slt.s32 s11, $0x0;
	s11 =	smin.u32 s19, $0xFFFFFF;
	s12 =	sadd.s32 s12, s18  }
0x42: {  	s10 =	simm.s32 @!p0 $0xFFFFFF;
	p0 =	slt.s32 s12, $0x0;
	p1 =	seq.s32 s12, $0x0  }
0x43: {  	s12 =	simm.s32 $0x1;
	s11 =	simm.s32 @!p1 $0xFFFFFF;
	p1 =	sgt.u32 s21, $0xFFFFFFFC  }
0x44: {  	s16 =	simm.s32 $0x1;
	s15 =	simm.s32 $0x1;
	s12 =	simm.s32 @!p1 $0x0  }
0x45: {  	s11 =	simm.s32 @p0 $0x0;
	p0 =	sgt.u32 s21, $0xFFFFFFFB;
	s12 =	sadd.s32 s12, s18  }
0x46: {  	s15 =	simm.s32 @!p0 $0x0;
	p1 =	seq.s32 s12, $0x0;
	p0 =	slt.s32 s12, $0x0  }
0x47: {  	s15 =	sadd.s32 s15, s18;
	s12 =	smin.u32 s22, $0xFFFFFF;
	s13 =	simm.s32 @!p1 $0xFFFFFF  }
0x48: {  	p1 =	sgt.u32 s21, $0xFFFFFFFA;
	s13 =	simm.s32 @p0 $0x0;
	p0 =	seq.s32 s15, $0x0  }
0x49: {  	s4 =	spop (v2sf);
	s16 =	simm.s32 @!p1 $0x0;
	s12 =	simm.s32 @!p0 $0xFFFFFF  }
0x4a: {  	s23 =	sadd.s32 s16, s18;
	p0 =	sgt.u32 s21, $0xFFFFFFF9;
	s16 =	simm.s32 $0x1  }
0x4b: {  	s10 =	simm.s32 @p2 $0x0;
	p1 =	slt.s32 s23, $0x0;
	s16 =	simm.s32 @!p0 $0x0  }
0x4c: {  	p2 =	slt.s32 s15, $0x0;
	s17 =	simm.s32 @!p1 $0x0;
	s16 =	sadd.s32 s16, s18  }
0x4d: {  	p0 =	sgt.u32 s21, $0xFFFFFFF8;
	s17 =	simm.s32 @p1 $0x1;
	p1 =	slt.s32 s16, $0x0  }
0x4e: {  	[smem:$0x7EB] =	sst s17;
	s17 =	simm.s32 $0x1;
	s15 =	simm.s32 @!p1 $0x0  }
0x4f: {  	s15 =	simm.s32 @p1 $0x1;
	s17 =	simm.s32 @!p0 $0x0;
	p0 =	seq.s32 s16, $0x0  }
0x50: {  	[smem:$0x7EE] =	sst s15;
	s15 =	simm.s32 @!p0 $0x0;
	s24 =	sadd.s32 s17, s18  }
0x51: {  	s18 =	sadd.s32 $0x1, s14;
	s15 =	simm.s32 @p0 $0x1;
	p0 =	slt.s32 s24, $0x0  }
0x52: {  	p1 =	seq.s32 s24, $0x0;
	[smem:$0x7EC] =	sst s15;
	s16 =	simm.s32 @!p0 $0x0  }
0x53: {  	s15 =	simm.s32 @!p1 $0x0;
	s16 =	simm.s32 @p0 $0x1;
	p0 =	seq.s32 s18, $0x0  }
0x54: {  	s15 =	simm.s32 @p1 $0x1;
	[smem:$0x7EF] =	sst s16;
	s16 =	simm.s32 $0x1  }
0x55: {  	s12 =	simm.s32 @p2 $0x0;
	[smem:$0x7ED] =	sst s15;
	s16 =	simm.s32 @!p0 $0x0  }
0x56: {  	s15 =	simm.s32 $0x1;
	p0 =	sgt.u32 s14, $0xFFFFFFFD;
	s16 =	sadd.s32 s16, s4  }
0x57: {  	p2 =	sgt.u32 s14, $0xFFFFFFFC;
	s15 =	simm.s32 @!p0 $0x0;
	p0 =	slt.s32 s16, $0x0  }
0x58: {  	s17 =	simm.s32 $0x1;
	s15 =	sadd.s32 s15, s4;
	s19 =	simm.s32 @!p0 $0x0  }
0x59: {  	s17 =	simm.s32 @!p2 $0x0;
	s19 =	simm.s32 @p0 $0x1;
	p0 =	slt.s32 s15, $0x0  }
0x5a: {  	p2 =	seq.s32 s16, $0x0;
	[smem:$0x7F0] =	sst s19;
	s19 =	simm.s32 @!p0 $0x0  }
0x5b: {  	s16 =	simm.s32 $0x1;
	s19 =	simm.s32 @p0 $0x1;
	p0 =	sgt.u32 s14, $0xFFFFFFFB  }
0x5c: {  	s26 =	sadd.s32 $0x5, s21;
	s16 =	simm.s32 @!p0 $0x0  }
0x5d: {  	p4 =	sgt.u32 s14, $0xFFFFFFFA;
	s17 =	sadd.s32 s17, s4;
	s16 =	sadd.s32 s16, s4  }
0x5e: {  	p5 =	sgt.u32 s14, $0xFFFFFFF9;
	p1 =	seq.s32 s17, $0x0;
	p0 =	slt.s32 s16, $0x0  }
0x5f: {  	p6 =	seq.s32 s15, $0x0;
	[smem:$0x7F1] =	sst s19;
	s19 =	simm.s32 @!p0 $0x0  }
0x60: {  	s15 =	simm.s32 $0x1;
	s19 =	simm.s32 @p0 $0x1;
	p0 =	seq.s32 s16, $0x0  }
0x61: {  	s15 =	simm.s32 @!p4 $0x0;
	p4 =	slt.s32 s17, $0x0;
	s16 =	simm.s32 @!p0 $0x0  }
0x62: {  	s17 =	simm.s32 $0x1;
	s15 =	sadd.s32 s15, s4;
	s16 =	simm.s32 @p0 $0x1  }
0x63: {  	p0 =	sgt.u32 s14, $0xFFFFFFF8;
	[smem:$0x7F2] =	sst s16;
	s16 =	simm.s32 $0x1  }
0x64: {  	s17 =	simm.s32 @!p5 $0x0;
	s16 =	simm.s32 @!p0 $0x0;
	p0 =	slt.s32 s15, $0x0  }
0x65: {  	s17 =	sadd.s32 s17, s4;
	[smem:$0x7F3] =	sst s19;
	s19 =	simm.s32 @!p0 $0x0  }
0x66: {  	[dreg:$0xa] =	wrdreg s21;
	s19 =	simm.s32 @p0 $0x1;
	p0 =	slt.s32 s17, $0x0  }
0x67: {  	s9 =	sadd.s32 s9, s30;
	p5 =	seq.s32 s15, $0x0;
	s15 =	simm.s32 @!p0 $0x0  }
0x68: {  	s20 =	smin.u32 s26, $0xFFFFFF;
	s15 =	simm.s32 @p0 $0x1;
	p0 =	seq.s32 s17, $0x0  }
0x69: {  	s16 =	sadd.s32 s16, s4;
	[smem:$0x7F7] =	sst s15;
	s15 =	simm.s32 @!p0 $0x0  }
0x6a: {  	s28 =	sld [smem:$0x7EB];
	s15 =	simm.s32 @p0 $0x1;
	p0 =	slt.s32 s16, $0x0  }
0x6b: {  	[dreg:$0xe] =	wrdreg s25;
	p3 =	seq.s32 s23, $0x0;
	s17 =	simm.s32 @!p0 $0x0  }
0x6c: {  	s20 =	simm.s32 @!p3 $0xFFFFFF;
	s17 =	simm.s32 @p0 $0x1;
	p0 =	seq.s32 s16, $0x0  }
0x6d: {  	p3 =	seq.s32 s28, $0x1;
	s28 =	sld [smem:$0x7EE];
	s16 =	simm.s32 @!p0 $0x0  }
0x6e: {  	s22 =	sadd.s32 $0x6, s21;
	[smem:$0x7F5] =	sst s15;
	s16 =	simm.s32 @p0 $0x1  }
0x6f: {  	s15 =	sadd.s32 $0x8, s31;
	[smem:$0x7F6] =	sst s16;
	s16 =	sadd.s32 $0x9, s31  }
0x70: {  	[smem:$0x7F8] =	sst s17;
	s17 =	simm.s32 $0x1;
	p0 =	slt.u32 s16, s15  }
0x71: {  	s21 =	sadd.s32 $0x7, s21;
	s23 =	sld [smem:$0x7EC];
	s17 =	simm.s32 @!p0 $0x0  }
0x72: {  	s24 =	smin.u32 s22, $0xFFFFFF;
	s26 =	sld [smem:$0x7ED];
	s29 =	sadd.s32 s17, s9  }
0x73: {  	s18 =	smin.u32 s18, $0xFFFFFF;
	s22 =	sld [smem:$0x7F0];
	p0 =	slt.s32 s29, $0x0  }
0x74: {  	[smem:$0x7F4] =	sst s19;
	s17 =	smin.u32 s21, $0xFFFFFF;
	s21 =	simm.s32 @!p0 $0x0  }
0x75: {  	s21 =	simm.s32 @p0 $0x1;
	p0 =	seq.s32 s29, $0x0;
	s29 =	sld [smem:$0x7EF]  }
0x76: {  	s18 =	simm.s32 @!p2 $0xFFFFFF;
	[smem:$0x7FA] =	sst s21;
	s19 =	simm.s32 @!p0 $0x0  }
0x77: {  	s21 =	sadd.s32 $0x2, s14;
	s19 =	simm.s32 @p0 $0x1;
	p0 =	seq.s32 s23, $0x1  }
0x78: {  	s23 =	smin.u32 s14, $0xFFFFFF;
	s24 =	simm.s32 @!p0 $0xFFFFFF;
	p0 =	seq.s32 s26, $0x1  }
0x79: {  	[smem:$0x7F9] =	sst s19;
	s17 =	simm.s32 @!p0 $0xFFFFFF;
	p0 =	seq.s32 s28, $0x1  }
0x7a: {  	s19 =	smin.u32 s21, $0xFFFFFF;
	s24 =	simm.s32 @p0 $0x0;
	p0 =	seq.s32 s29, $0x1  }
0x7b: {  	s26 =	sadd.s32 $0x3, s14;
	s17 =	simm.s32 @p0 $0x0;
	p0 =	seq.s32 s4, $0x0  }
0x7c: {  	s23 =	simm.s32 @!p0 $0xFFFFFF;
	p0 =	seq.s32 s22, $0x1;
	s22 =	sld [smem:$0x7F1]  }
0x7d: {  	s21 =	sadd.s32 $0xA, s31;
	s19 =	simm.s32 @!p6 $0xFFFFFF;
	s28 =	sadd.s32 $0x4, s14  }
0x7e: {  	v2 =	vmov s25;
	s25 =	smin.u32 s28, $0xFFFFFF;
	s29 =	sadd.s32 $0x5, s14;
	s28 =	sld [smem:$0x7F2]  }
0x7f: {  	s18 =	simm.s32 @p0 $0x0;
	p0 =	seq.s32 s22, $0x1;
	s22 =	smin.u32 s26, $0xFFFFFF  }
0x80: {  	s26 =	simm.s32 $0x1;
	s19 =	simm.s32 @p0 $0x0;
	p0 =	slt.u32 s21, s15  }
0x81: {  	v1 =	vmov s8;
	s8 =	smin.u32 s29, $0xFFFFFF;
	s26 =	simm.s32 @!p0 $0x0;
	p0 =	seq.s32 s28, $0x1  }
0x82: {  	v2 =	vcombine.low v1, v2;
	s29 =	sld [smem:$0x7F3];
	s26 =	sadd.s32 s26, s9;
	s25 =	simm.s32 @!p0 $0xFFFFFF  }
0x83: {  	p0 =	slt.s32 s26, $0x0;
	p2 =	seq.s32 s26, $0x0;
	s26 =	sld [smem:$0x7F4]  }
0x84: {  	vm15 =	veq.s32 v0, $0x9;
	v2 =	vsel vm1, s0, v2;
	s8 =	simm.s32 @!p5 $0xFFFFFF;
	s22 =	simm.s32 @!p1 $0xFFFFFF;
	s28 =	sadd.s32 $0x6, s14  }
0x85: {  	v2 =	vsel vm15, s10, v2;
	p1 =	seq.s32 s29, $0x1;
	s29 =	sld [smem:$0x7F5];
	s10 =	smin.u32 s28, $0xFFFFFF  }
0x86: {  	s25 =	simm.s32 @p1 $0x0;
	p1 =	seq.s32 s26, $0x1;
	s26 =	sadd.s32 $0xF, s31  }
0x87: {  	vm15 =	veq.s32 v0, $0xA;
	v2 =	vsel vm10, s1, v2;
	s28 =	simm.s32 $0x1;
	s8 =	simm.s32 @p1 $0x0;
	p1 =	slt.u32 s26, s15  }
0x88: {  	v2 =	vsel vm15, s11, v2;
	s20 =	simm.s32 @p3 $0x0;
	p3 =	seq.s32 s29, $0x1;
	s28 =	simm.s32 @!p1 $0x0  }
0x89: {  	vm15 =	veq.s32 v0, $0xB;
	v2 =	vsel vm11, s3, v2;
	s22 =	simm.s32 @p4 $0x0;
	s10 =	simm.s32 @!p3 $0xFFFFFF;
	s28 =	sadd.s32 s28, s9  }
0x8a: {  	v2 =	vsel vm15, s13, v2;
	p4 =	slt.s32 s28, $0x0;
	p3 =	seq.s32 s28, $0x0;
	s28 =	sld [smem:$0x7F6]  }
0x8b: {  	vm15 =	veq.s32 v0, $0xC;
	v2 =	vsel vm12, s2, v2  }
0x8c: {  	v2 =	vsel vm15, s12, v2  }
0x8d: {  	vm15 =	veq.s32 v0, $0xD;
	v2 =	vsel vm13, s5, v2;
	s29 =	sadd.s32 $0x7, s14;
	p5 =	seq.s32 s28, $0x1;
	s28 =	sld [smem:$0x7F7]  }
0x8e: {  	v2 =	vsel vm15, s20, v2;
	s11 =	smin.u32 s29, $0xFFFFFF;
	s29 =	sadd.s32 $0xB, s31  }
0x8f: {  	s13 =	simm.s32 $0x1;
	vm15 =	veq.s32 v0, $0xE;
	v2 =	vsel vm6, s6, v2;
	p1 =	slt.u32 s29, s15  }
0x90: {  	v2 =	vsel vm15, s24, v2;
	s13 =	simm.s32 @!p1 $0x0;
	p1 =	seq.s32 s28, $0x1;
	s28 =	sld [smem:$0x7F8]  }
0x91: {  	s20 =	simm.s32 $0x1;
	s16 =	smin.u32 s16, $0xFFFFFF;
	p6 =	slt.s32 s9, $0x0;
	vm15 =	veq.s32 v0, $0xF;
	v2 =	vsel vm0, s7, v2  }
0x92: {  	s24 =	rddreg [dreg:$0x7];
	v2 =	vsel vm15, s17, v2;
	s17 =	smin.u32 s29, $0xFFFFFF;
	s29 =	sadd.s32 $0xE, s31  }
0x93: {  	s11 =	simm.s32 @!p5 $0xFFFFFF;
	s10 =	simm.s32 @p1 $0x0;
	p1 =	seq.s32 s28, $0x1  }
0x94: {  	s28 =	sadd.s32 s13, s9;
	s13 =	smin.u32 s26, $0xFFFFFF;
	s26 =	sadd.s32 $0xC, s31  }
0x95: {  	s11 =	simm.s32 @p1 $0x0;
	p1 =	slt.s32 s28, $0x0;
	p5 =	slt.u32 s26, s15  }
0x96: {  	s13 =	simm.s32 @!p3 $0xFFFFFF;
	p3 =	seq.s32 s28, $0x0;
	s20 =	simm.s32 @!p5 $0x0  }
0x97: {  	s13 =	simm.s32 @p4 $0x0;
	p5 =	slt.s32 s4, $0x0;
	p4 =	seq.s32 s9, $0x0  }
0x98: {  	s17 =	simm.s32 @!p3 $0xFFFFFF;
	s12 =	simm.s32 @!p5 $0x0;
	s23 =	simm.s32 @p5 $0x0  }
0x99: {  	v3 =	vmov s13;
	s28 =	sadd.s32 s20, s9;
	s20 =	simm.s32 $0x10;
	s13 =	smin.u32 s21, $0xFFFFFF  }
0x9a: {  	s17 =	simm.s32 @p1 $0x0;
	s21 =	sadd.s32 $0x4, s31;
	s12 =	simm.s32 @p5 $0x1  }
0x9b: {  	v3 =	vsel vm9, s23, v3;
	p5 =	seq.s32 s28, $0x0;
	s23 =	simm.s32 $0x80;
	[smem:$0x7FD] =	sst s12  }
0x9c: {  	s13 =	simm.s32 @!p2 $0xFFFFFF;
	s12 =	smin.u32 s15, $0xFFFFFF;
	v3 =	vsel vm1, s18, v3;
	s18 =	sld [smem:$0x7F9]  }
0x9d: {  	s13 =	simm.s32 @p0 $0x0;
	s12 =	simm.s32 @!p4 $0xFFFFFF;
	p4 =	slt.s32 s28, $0x0  }
0x9e: {  	[tilespmem:$0x80] =	vst v2;
	v2 =	vsel vm10, s19, v3;
	s19 =	simm.s32 $0x100;
	s28 =	sadd.s32 $0xD, s31;
	s12 =	simm.s32 @p6 $0x0  }
0x9f: {  	[tilespmem:s19], [sflag:$0x1] =	stream.indirect.gather [hbm4b:s24+s20], $0x1, s23, s20, $0xb8;
	[tilespmem:$0x500] =	vst v63  }
0xa0: {  	v2 =	vsel vm11, s22, v2;
	s22 =	sld [smem:$0x7FA];
	s19 =	simm.s32 $0x1;
	p0 =	slt.u32 s28, s15  }
0xa1: {  	p6 =	seq.s32 s18, $0x1;
	_ =	swait.ge [sflag:s19], $0x10;
	s18 =	smin.u32 s26, $0xFFFFFF  }
0xa2: {  	v2 =	vsel vm12, s25, v2;
	s26 =	sadd.s32 $0x5, s31;
	s16 =	simm.s32 @!p6 $0xFFFFFF;
	s18 =	simm.s32 @!p5 $0xFFFFFF  }
0xa3: {  	v2 =	vsel vm13, s8, v2;
	s8 =	smin.u32 s28, $0xFFFFFF;
	[sflag:s19] =	ssyncset.done $0x0;
	s28 =	sadd.s32 $0x6, s31  }
0xa4: {  	p6 =	seq.s32 s22, $0x1;
	v2 =	vsel vm6, s10, v2;
	s10 =	simm.s32 $0x1;
	s18 =	simm.s32 @p4 $0x0  }
0xa5: {  	[sflag:s19] =	ssyncadd.s32 $0xFFFFFFF0;
	s16 =	simm.s32 @p6 $0x0;
	s10 =	simm.s32 @!p0 $0x0  }
0xa6: {  	v2 =	vsel vm0, s11, v2;
	p0 =	slt.u32 s29, s15;
	s15 =	simm.s32 $0x1;
	s11 =	simm.s32 $0x1  }
0xa7: {  	s10 =	sadd.s32 s10, s9;
	v2 =	vsel vm8, s12, v2;
	s15 =	simm.s32 @!p0 $0x0;
	s12 =	simm.s32 $0x1  }
0xa8: {  	vm7 =	vcmask $0x2724;
	p1 =	slt.s32 s10, $0x0;
	p0 =	seq.s32 s10, $0x0;
	s9 =	sadd.s32 s15, s9  }
0xa9: {  	vm8 =	vcmask $0x2B28;
	v2 =	vsel vm7, s16, v2;
	s10 =	smin.u32 s29, $0xFFFFFF;
	s15 =	sadd.s32 $0x1, s31;
	s8 =	simm.s32 @!p0 $0xFFFFFF  }
0xaa: {  	vm14 =	vmmov vm9;
	vm9 =	vcmask $0x2F2C;
	v2 =	vsel vm8, s13, v2;
	p0 =	seq.s32 s9, $0x0;
	s13 =	simm.s32 $0x180;
	s8 =	simm.s32 @p1 $0x0  }
0xab: {  	vm2 =	vmmov vm10;
	vm10 =	vcmask $0x3330;
	v2 =	vsel vm9, s17, v2;
	p1 =	slt.s32 s9, $0x0;
	s10 =	simm.s32 @!p0 $0xFFFFFF;
	p0 =	slt.s32 s30, $0x0  }
0xac: {  	vm3 =	vmmov vm11;
	vm11 =	vcmask $0x3734;
	s9 =	smin.u32 s15, $0xFFFFFF;
	s17 =	sadd.s32 $0x2, s31;
	v2 =	vsel vm10, s18, v2;
	s10 =	simm.s32 @p1 $0x0  }
0xad: {  	vm4 =	vmmov vm12;
	vm12 =	vcmask $0x3B38;
	p1 =	seq.s32 s30, $0x0;
	s18 =	sadd.s32 $0x3, s31;
	v2 =	vsel vm11, s8, v2;
	s8 =	smin.u32 s31, $0xFFFFFF  }
0xae: {  	v2 =	vsel vm12, s10, v2;
	s8 =	simm.s32 @!p1 $0xFFFFFF;
	p1 =	seq.s32 s15, $0x0;
	s10 =	simm.s32 $0x1  }
0xaf: {  	[tilespmem:$0x80] =	vst v2;
	s8 =	simm.s32 @p0 $0x0;
	s10 =	simm.s32 @!p1 $0x0;
	p0 =	sgt.u32 s31, $0xFFFFFFFD  }
0xb0: {  	[tilespmem:s13], [sflag:$0x1] =	stream.indirect.gather [hbm4b:s24+s20], $0x1, s23, s20, $0xb8;
	[tilespmem:$0x500] =	vst v63  }
0xb1: {  	s10 =	sadd.s32 s10, s30;
	s11 =	simm.s32 @!p0 $0x0;
	v2 =	vmov s8;
	s8 =	smin.u32 s21, $0xFFFFFF  }
0xb2: {  	p1 =	seq.s32 s10, $0x0;
	p0 =	slt.s32 s10, $0x0;
	s16 =	sadd.s32 s11, s30  }
0xb3: {  	s11 =	smin.u32 s17, $0xFFFFFF;
	s9 =	simm.s32 @!p1 $0xFFFFFF;
	p1 =	sgt.u32 s31, $0xFFFFFFFC  }
0xb4: {  	s10 =	smin.u32 s18, $0xFFFFFF;
	p2 =	slt.s32 s16, $0x0;
	s12 =	simm.s32 @!p1 $0x0  }
0xb5: {  	s9 =	simm.s32 @p0 $0x0;
	p0 =	seq.s32 s16, $0x0;
	s12 =	sadd.s32 s12, s30  }
0xb6: {  	s11 =	simm.s32 @!p0 $0xFFFFFF;
	v2 =	vsel vm1, s9, v2;
	p0 =	slt.s32 s12, $0x0;
	p1 =	seq.s32 s12, $0x0  }
0xb7: {  	s12 =	simm.s32 $0x1;
	v1 =	vcombine.low v2, v1;
	s10 =	simm.s32 @!p1 $0xFFFFFF;
	p1 =	sgt.u32 s31, $0xFFFFFFFB  }
0xb8: {  	s11 =	simm.s32 @p2 $0x0;
	s10 =	simm.s32 @p0 $0x0;
	s12 =	simm.s32 @!p1 $0x0  }
0xb9: {  	vm15 =	veq.s32 v0, $0x2;
	p0 =	sgt.u32 s31, $0xFFFFFFFA;
	v1 =	vsel vm7, s0, v1;
	s0 =	smin.u32 s26, $0xFFFFFF;
	s22 =	sadd.s32 s12, s30  }
0xba: {  	s12 =	simm.s32 $0x1;
	v1 =	vsel vm15, s11, v1;
	s11 =	simm.s32 $0x1;
	p1 =	seq.s32 s22, $0x0  }
0xbb: {  	s12 =	simm.s32 @!p0 $0x0;
	p0 =	slt.s32 s22, $0x0;
	v1 =	vsel vm8, s1, v1;
	s1 =	smin.u32 s28, $0xFFFFFF  }
0xbc: {  	vm15 =	veq.s32 v0, $0x3;
	s8 =	simm.s32 @!p1 $0xFFFFFF;
	s25 =	sadd.s32 s12, s30;
	p1 =	sgt.u32 s31, $0xFFFFFFF9  }
0xbd: {  	v1 =	vsel vm15, s10, v1;
	s10 =	sadd.s32 $0x7, s31;
	s8 =	simm.s32 @p0 $0x0;
	p0 =	seq.s32 s25, $0x0  }
0xbe: {  	vm15 =	veq.s32 v0, $0x4;
	p2 =	slt.s32 s25, $0x0;
	s11 =	simm.s32 @!p1 $0x0;
	v1 =	vsel vm9, s3, v1;
	p1 =	sgt.u32 s31, $0xFFFFFFF8  }
0xbf: {  	s3 =	simm.s32 $0x1;
	s0 =	simm.s32 @!p0 $0xFFFFFF;
	s29 =	sadd.s32 s11, s30;
	v1 =	vsel vm15, s8, v1  }
0xc0: {  	s3 =	simm.s32 @!p1 $0x0;
	vm15 =	veq.s32 v0, $0x5;
	s0 =	simm.s32 @p2 $0x0;
	p2 =	seq.s32 s29, $0x0;
	v1 =	vsel vm10, s2, v1  }
0xc1: {  	p0 =	slt.s32 s29, $0x0;
	s3 =	sadd.s32 s3, s30;
	s1 =	simm.s32 @!p2 $0xFFFFFF;
	v1 =	vsel vm15, s0, v1  }
0xc2: {  	s0 =	smin.u32 s10, $0xFFFFFF;
	vm15 =	veq.s32 v0, $0x6;
	s1 =	simm.s32 @p0 $0x0;
	p0 =	seq.s32 s3, $0x0;
	v1 =	vsel vm11, s5, v1  }
0xc3: {  	p1 =	slt.s32 s3, $0x0;
	s0 =	simm.s32 @!p0 $0xFFFFFF;
	v1 =	vsel vm15, s1, v1  }
0xc4: {  	_ =	swait.ge [sflag:s19], $0x10;
	vm15 =	veq.s32 v0, $0x7;
	s0 =	simm.s32 @p1 $0x0;
	v1 =	vsel vm12, s6, v1  }
0xc5: {  	[sflag:s19] =	ssyncset.done $0x0;
	vm7 =	vcmask $0x3F3C;
	v1 =	vsel vm15, s0, v1  }
0xc6: {  	[sflag:s19] =	ssyncadd.s32 $0xFFFFFFF0;
	v1 =	vsel vm7, s7, v1  }
0xc7: {  	s11 =	simm.s32 $0x200;
	[tilespmem:$0x80] =	vst v1  }
0xc8: {  	[tilespmem:s11], [sflag:$0x1] =	stream.indirect.gather [hbm4b:s24+s20], $0x1, s23, s20, $0xb8;
	[tilespmem:$0x500] =	vst v63  }
0xc9: {  	_ =	swait.ge [sflag:s19], $0x10  }
0xca: {  	[sflag:s19] =	ssyncset.done $0x0  }
0xcb: {  	[sflag:s19] =	ssyncadd.s32 $0xFFFFFFF0  }
0xcc: {  	v5 =	vld [tilespmem:$0x100];
	_ =	sdelay $0x4  }
0xcd: {  	(v2sf) =	vpush v5, $0x8  }
0xce: {  	v3 =	vshll.u32 v5, $0x8;
	(v2sf) =	vpush v5, $0xC  }
0xcf: {  	v2 =	vshll.u32 v5, $0x10;
	(v2sf) =	vpush v3, $0x9  }
0xd0: {  	v1 =	vshll.u32 v5, $0x18;
	(v2sf) =	vpush v2, $0xA  }
0xd1: {  	(v2sf) =	vpush v1, $0xB  }
0xd2: {  	(v2sf) =	vpush v3, $0xD  }
0xd3: {  	(v2sf) =	vpush v2, $0xE;
	_ =	sdelay $0x1  }
0xd4: {  	(v2sf) =	vpush v1, $0xF;
	_ =	sdelay $0x4  }
0xd5: {  	p5 =	por $0x1, $0x1;
	s21 =	smov.u32 s31  }
0xd6: {  	s18 =	smov.u32 s30;
	s9 =	simm.s32 $0x1F;
	s25 =	simm.s32 $0x3F  }
0xd7: {  	s28 =	smin.u32 s25, $0x1F;
	s2 =	simm.s32 $0xFFFFFFFF;
	s20 =	spop (v2sf)  }
0xd8: {  	s29 =	simm.s32 $0x0;
	s10 =	simm.s32 $0x1;
	s12 =	spop (v2sf)  }
0xd9: {  	s5 =	smov.u32 s14;
	s23 =	sor.u32 s4, s14;
	s13 =	spop (v2sf)  }
0xda: {  	s3 =	simm.s32 $0xFFFFFFFF;
	p1 =	seq.s32 s23, $0x0;
	s15 =	spop (v2sf)  }
0xdb: {  	[dreg:$0x1b] =	wrdreg s23;
	s5 =	simm.s32 @p1 $0x1;
	s16 =	spop (v2sf)  }
0xdc: {  	s26 =	sld [smem:$0x7FD];
	s1 =	sor.u32 s13, s15;
	s17 =	spop (v2sf)  }
0xdd: {  	s1 =	sor.u32 s16, s1;
	s19 =	spop (v2sf);
	s0 =	sor.u32 s12, s17  }
0xde: {  	[dreg:$0x1d] =	wrdreg s5;
	s8 =	sor.u32 s20, s1;
	s0 =	sor.u32 s19, s0  }
0xdf: {  	s22 =	spop (v2sf);
	p0 =	sne.s32 s8, $0x0;
	s6 =	smov.u32 s8  }
0xe0: {  	s7 =	sor.u32 s22, s0;
	s0 =	simm.s32 @!p1 $0x0;
	s2 =	simm.s32 @!p0 $0x0  }
0xe1: {  	p0 =	sne.s32 s5, $0x0;
	s0 =	simm.s32 @p1 $0x1;
	p1 =	slt.s32 s7, $0x0  }
0xe2: {  	s1 =	ssub.s32 s2, s7;
	s2 =	smov.u32 s7;
	s3 =	simm.s32 @!p0 $0x0  }
0xe3: {  	p0 =	por $0x1, $0x1;
	[smem:$0x7FB] =	sst s0;
	s0 =	ssub.s32 $0x0, s8  }
0xe4: {  	s2 =	smov.u32 @p1 s1;
	s1 =	ssub.s32 $0x0, s5;
	s9 =	simm.s32 @!p0 $0x0  }
0xe5: {  	p0 =	por $0x1, $0x1;
	[dreg:$0x6] =	wrdreg s2;
	s2 =	ssub.s32 s3, s4  }
0xe6: {  	s3 =	simm.s32 @!p1 $0x0;
	s6 =	smov.u32 @p1 s0;
	s0 =	smov.u32 s5  }
0xe7: {  	s3 =	simm.s32 @p1 $0x1;
	s24 =	rddreg [dreg:$0x6];
	p1 =	seq.s32 s26, $0x1  }
0xe8: {  	s0 =	smov.u32 @p1 s1;
	s9 =	sshrl.u32 s24, s9;
	s1 =	sshrl.u32 s6, s28  }
0xe9: {  	s19 =	simm.s32 $0x1;
	s5 =	simm.s32 $0x0;
	s1 =	smov.u32 @p0 s9  }
0xea: {  	[smem:$0x7FC] =	sst s3;
	s3 =	smov.u32 s4;
	s1 =	sand.u32 $0x1, s1  }
0xeb: {  	s12 =	sor.u32 s29, s5;
	s3 =	smov.u32 @p1 s2;
	s30 =	sor.u32 s5, s1  }
0xec: {  	s15 =	sor.u32 s29, s5;
	p4 =	seq.s32 s12, s3;
	p1 =	slt.u32 s30, s0  }
0xed: {  	s2 =	simm.s32 $0x3E;
	s13 =	smov.u32 s0;
	p0 =	por !p4, !p1  }
0xee: {  	s31 =	ssub.s32 s12, s3;
	p6 =	slt.u32 s12, s3;
	p0 =	por !p0, !p0  }
0xef: {  	s1 =	rddreg [dreg:$0x6];
	s10 =	simm.s32 @!p1 $0x0;
	p0 =	por p6, p0  }
0xf0: {  	s9 =	ssub.s32 s31, s10;
	s10 =	smin.u32 s2, $0x1F;
	p1 =	por !p0, !p0  }
0xf1: {  	v6 =	vld [tilespmem:$0x180];
	s13 =	simm.s32 @p0 $0x0;
	s9 =	smov.u32 @p0 s12;
	s12 =	simm.s32 $0x2  }
0xf2: {  	vm5 =	vmmov vm13;
	v4 =	vld [tilespmem:$0x200];
	s11 =	ssub.s32 s30, s13;
	s13 =	simm.s32 $0x1E;
	s19 =	simm.s32 @!p1 $0x0  }
.LBB2_3:
0xf3: {  	p0 =	sne.s32 s12, $0x3F;
	p1 =	sgt.s32 s13, $0x0  }
0xf4: {  	s5 =	sor.u32 s19, s5;
	s15 =	sshll.u32 s15, $0x1;
	s10 =	sshrl.u32 s6, s10  }
0xf5: {  	s2 =	sadd.s32 $0xFFFFFFFF, s2;
	s29 =	sshll.u32 s11, $0x1;
	s30 =	sshrl.u32 s11, $0x1F  }
0xf6: {  	s9 =	sshll.u32 s9, $0x1;
	s17 =	smov.u32 s0;
	s13 =	simm.s32 @!p1 $0x0  }
0xf7: {  	s19 =	simm.s32 $0x1;
	s16 =	sshrl.u32 s5, $0x1F;
	s1 =	sshrl.u32 s1, s13  }
0xf8: {  	s11 =	sor.u32 s30, s9;
	s5 =	sshll.u32 s5, $0x1;
	s10 =	smov.u32 @p5 s1  }
0xf9: {  	s15 =	sor.u32 s16, s15;
	p4 =	seq.s32 s11, s3;
	s10 =	sand.u32 $0x1, s10  }
0xfa: {  	s9 =	ssub.s32 s11, s3;
	s13 =	simm.s32 $0x1;
	s31 =	sor.u32 s29, s10  }
0xfb: {  	p6 =	slt.u32 s11, s3;
	p5 =	slt.u32 s12, $0x20;
	p2 =	slt.u32 s31, s0  }
.Ltmp1:
0xfc: {  	s1 =	rddreg [dreg:$0x6];
	p1 =	por !p4, !p2;
	(pc) =	sbr.rel @p0 .LBB2_3-.Ltmp1, $4  }
0xfd: {  	s12 =	sadd.s32 $0x1, s12;
	s13 =	simm.s32 @!p2 $0x0;
	p1 =	por !p1, !p1  }
0xfe: {  	s10 =	smin.u32 s2, $0x1F;
	s9 =	ssub.s32 s9, s13;
	p1 =	por p6, p1  }
0xff: {  	s13 =	sadd.s32 $0xFFFFFFE0, s2;
	p2 =	por !p1, !p1;
	s17 =	simm.s32 @p1 $0x0  }
0x100: {  	s9 =	smov.u32 @p1 s11;
	s11 =	ssub.s32 s31, s17;
	s19 =	simm.s32 @!p2 $0x0  }
0x101: {  	s2 =	rddreg [dreg:$0xa]  }
0x102: {  	s16 =	rddreg [dreg:$0xb]  }
0x103: {  	[smem:$0x7CE] =	sst s21  }
0x104: {  	s28 =	sadd.s32 s14, s8;
	[smem:$0x7CF] =	sst s18  }
0x105: {  	s24 =	sadd.s32 s4, s7;
	[dreg:$0x19] =	wrdreg s28  }
0x106: {  	s25 =	ssub.s32 s8, s14;
	[smem:$0x7BA] =	sst s24  }
0x107: {  	s12 =	sand.u32 $0x1F, s14;
	s26 =	ssub.s32 s7, s4;
	[dreg:$0x1a] =	wrdreg s25  }
0x108: {  	s31 =	sshll.u32 s8, s12;
	[smem:$0x7BB] =	sst s26  }
0x109: {  	(v2sf) =	vpush v5, $0x0;
	p0 =	sgt.s32 s13, $0x0;
	s22 =	sshrl.u32 s8, s12;
	[smem:$0x7E8] =	sst s31  }
0x10a: {  	s6 =	sshrl.u32 s6, s10;
	s23 =	sshra.s32 s7, s12;
	[dreg:$0xf] =	wrdreg s22  }
0x10b: {  	s9 =	sshll.u32 s9, $0x1;
	s24 =	sxor.u32 s14, s8;
	[dreg:$0x10] =	wrdreg s23  }
0x10c: {  	s13 =	simm.s32 @!p0 $0x0;
	s25 =	sxor.u32 s4, s7;
	[dreg:$0x15] =	wrdreg s24  }
0x10d: {  	p0 =	slt.u32 s2, $0x8;
	s26 =	sand.u32 s14, s8;
	[dreg:$0x16] =	wrdreg s25  }
0x10e: {  	s17 =	smov.u32 s2;
	s29 =	sxor.u32 $0x1F, s12;
	[dreg:$0x13] =	wrdreg s26  }
0x10f: {  	s2 =	simm.s32 $0x1;
	s30 =	sshrl.u32 s8, s29;
	s25 =	rddreg [dreg:$0xd]  }
0x110: {  	s1 =	sshrl.u32 s1, s13;
	s13 =	sshll.u32 s7, s12;
	[smem:$0x7BF] =	sst s30  }
0x111: {  	s2 =	simm.s32 @!p0 $0x0;
	s12 =	sadd.s32 $0xFFFFFFF8, s17;
	[smem:$0x7C0] =	sst s13  }
0x112: {  	p0 =	slt.u32 s28, s8;
	s28 =	sand.u32 $0xFFFF, s8;
	[smem:$0x7C7] =	sst s12  }
0x113: {  	s31 =	sshrl.u32 s8, $0x10;
	s17 =	sshra.s32 s7, $0x1F;
	[smem:$0x7B5] =	sst s28  }
0x114: {  	s22 =	sor.u32 s14, s8;
	s23 =	sor.u32 s4, s7;
	[smem:$0x7B7] =	sst s31  }
0x115: {  	s16 =	ssub.s32 s16, s2;
	s30 =	smul.u32 s4, s8;
	[dreg:$0x14] =	wrdreg s17  }
0x116: {  	s2 =	simm.s32 @!p0 $0x0;
	s13 =	smul.u32 s14, s7;
	[dreg:$0x18] =	wrdreg s22  }
0x117: {  	[dreg:$0x17] =	wrdreg s23;
	s28 =	sand.u32 s4, s7;
	s2 =	simm.s32 @p0 $0x1  }
0x118: {  	[smem:$0x7B9] =	sst s2;
	s2 =	sshll.u32 s7, s29;
	s29 =	spop (v2sf)  }
0x119: {  	s6 =	smov.u32 @p5 s1;
	s23 =	sld [smem:$0x7FC];
	p1 =	seq.s32 s29, $0x3  }
0x11a: {  	[dreg:$0x11] =	wrdreg s2;
	p3 =	seq.s32 s29, $0xD;
	s2 =	simm.s32 @!p1 $0x0  }
0x11b: {  	[smem:$0x7CA] =	sst s16;
	s2 =	simm.s32 @p1 $0x1;
	p1 =	por p1, p3  }
0x11c: {  	s31 =	sshrl.u32 s11, $0x1F;
	[smem:$0x78A] =	sst s2;
	s2 =	simm.s32 @!p1 $0x0  }
0x11d: {  	p0 =	slt.u32 s8, s14;
	[dreg:$0x12] =	wrdreg s28;
	s2 =	simm.s32 @p1 $0x1  }
0x11e: {  	s26 =	smov.u32 s25;
	[smem:$0x7C8] =	sst s2;
	s2 =	simm.s32 @!p0 $0x0  }
0x11f: {  	s28 =	rddreg [dreg:$0xe];
	s2 =	simm.s32 @p0 $0x1;
	p0 =	seq.s32 s8, s14  }
0x120: {  	s1 =	sand.u32 $0x1, s6;
	[smem:$0x7E5] =	sst s2;
	s2 =	simm.s32 @!p0 $0x0  }
0x121: {  	[dreg:$0x1e] =	wrdreg s30;
	s2 =	simm.s32 @p0 $0x1;
	p0 =	seq.s32 s7, s4  }
0x122: {  	s6 =	sor.u32 s31, s9;
	[smem:$0x7E3] =	sst s2;
	s2 =	simm.s32 @!p0 $0x0  }
0x123: {  	[dreg:$0x1f] =	wrdreg s13;
	s2 =	simm.s32 @p0 $0x1;
	p0 =	slt.s32 s7, s4  }
0x124: {  	s10 =	smov.u32 s28;
	[smem:$0x7E2] =	sst s2;
	s2 =	simm.s32 @!p0 $0x0  }
0x125: {  	s30 =	sshll.u32 s11, $0x1;
	p2 =	seq.s32 s29, $0x6;
	s2 =	simm.s32 @p0 $0x1  }
0x126: {  	s13 =	simm.s32 $0x0;
	[smem:$0x7E6] =	sst s2;
	s2 =	simm.s32 @!p2 $0x0  }
0x127: {  	[smem:$0x7E4] =	sst s28;
	p0 =	sgt.s32 s7, s4;
	s2 =	simm.s32 @p2 $0x1  }
0x128: {  	s1 =	sor.u32 s30, s1;
	[smem:$0x7C9] =	sst s2;
	s2 =	simm.s32 @!p0 $0x0  }
0x129: {  	s30 =	rddreg [dreg:$0x7];
	s2 =	simm.s32 @p0 $0x1;
	p0 =	sgt.u32 s8, s14  }
0x12a: {  	s17 =	ssub.s32 s6, s3;
	[smem:$0x7E9] =	sst s2;
	s2 =	simm.s32 @!p0 $0x0  }
0x12b: {  	p4 =	seq.s32 s29, $0xB;
	s2 =	simm.s32 @p0 $0x1;
	p0 =	por p2, p1  }
0x12c: {  	p6 =	seq.s32 s29, $0xC;
	s8 =	smov.u32 @p0 s12;
	s7 =	smov.u32 @p0 s16  }
0x12d: {  	[smem:$0x7E7] =	sst s2;
	p1 =	seq.s32 s7, $0x0;
	s2 =	smin.u32 s8, $0xFFFFFF  }
0x12e: {  	p2 =	por p4, p0;
	p3 =	slt.s32 s7, $0x0;
	s2 =	simm.s32 @!p1 $0xFFFFFF  }
0x12f: {  	s31 =	sld [smem:$0x78A];
	p6 =	por p6, p2;
	s2 =	simm.s32 @p3 $0x0  }
0x130: {  	p0 =	seq.s32 s6, s3;
	p3 =	slt.u32 s1, s0;
	s10 =	smov.u32 @p6 s2  }
0x131: {  	p1 =	por !p0, !p3;
	[smem:$0x78F] =	sst s10;
	s10 =	sshrl.u32 s10, $0x3  }
0x132: {  	p4 =	slt.u32 s6, s3;
	p1 =	por !p1, !p1;
	s10 =	sand.u32 $0x1FFFF0, s10  }
0x133: {  	s16 =	simm.s32 $0x280;
	p0 =	por p4, p1;
	s12 =	sadd.s32 s30, s10  }
0x134: {  	s9 =	simm.s32 @!p0 $0x0;
	s30 =	rddreg [dreg:$0xc];
	s10 =	sand.u32 $0xFFFF, s14  }
0x135: {  	[tilespmem:s16], [sflag:$0x2] =	stream.linear.gather [hbm4b:s12+s13], $0x80, $0x38;
	[tilespmem:$0x500] =	vst v63  }
0x136: {  	s0 =	simm.s32 @p0 $0x0;
	s9 =	simm.s32 @p0 $0x1;
	[smem:$0x7B8] =	sst s10  }
0x137: {  	s1 =	ssub.s32 s1, s0;
	s0 =	simm.s32 $0xFFFFFFFF;
	s16 =	sld [smem:$0x7C9]  }
0x138: {  	s12 =	sshrl.u32 s14, $0x10;
	s13 =	sand.u32 $0x20, s14;
	[smem:$0x796] =	sst s9  }
0x139: {  	s9 =	simm.s32 $0x1;
	s22 =	smov.u32 s1;
	[smem:$0x7BD] =	sst s1  }
0x13a: {  	p1 =	sne.s32 s1, $0x0;
	s1 =	simm.s32 $0x7;
	[smem:$0x7B6] =	sst s12  }
0x13b: {  	[smem:$0x7C1] =	sst s13;
	s12 =	simm.s32 $0x1;
	s9 =	simm.s32 @!p3 $0x0  }
0x13c: {  	s0 =	simm.s32 @!p1 $0x0;
	s1 =	simm.s32 @!p2 $0x0;
	p1 =	sgt.u32 s25, $0xFFFFFFF7  }
0x13d: {  	s3 =	ssub.s32 s17, s9;
	s11 =	sadd.s32 s1, s8;
	s1 =	simm.s32 $0x1  }
0x13e: {  	s9 =	simm.s32 $0x1;
	s3 =	smov.u32 @p0 s6;
	p0 =	seq.s32 s23, $0x1  }
0x13f: {  	p3 =	slt.u32 s11, s8;
	s0 =	ssub.s32 s0, s3;
	s6 =	sor.u32 s22, s3  }
0x140: {  	s1 =	simm.s32 @!p3 $0x0;
	s3 =	smov.u32 @p0 s0;
	s0 =	simm.s32 $0x1  }
0x141: {  	[smem:$0x7BC] =	sst s6;
	s24 =	smov.u32 s3;
	s0 =	simm.s32 @!p1 $0x0  }
0x142: {  	p0 =	seq.s32 s31, $0x1;
	[dreg:$0x1c] =	wrdreg s24;
	s0 =	sadd.s32 s0, s30  }
0x143: {  	s3 =	simm.s32 $0x6;
	s6 =	sadd.s32 s4, s24;
	[smem:$0x7C4] =	sst s0  }
0x144: {  	s1 =	sadd.s32 s1, s7;
	s3 =	simm.s32 @!p2 $0x0;
	[smem:$0x7BE] =	sst s6  }
0x145: {  	s6 =	smov.u32 s4;
	s4 =	smov.u32 @p0 s0;
	s0 =	sadd.s32 $0x8, s26  }
0x146: {  	s17 =	sadd.s32 s3, s8;
	s3 =	smov.u32 s14;
	[smem:$0x7C2] =	sst s0  }
0x147: {  	s14 =	smov.u32 @p0 s0;
	p1 =	slt.u32 s17, s8;
	p0 =	seq.s32 s16, $0x1  }
0x148: {  	s16 =	simm.s32 $0x3;
	s9 =	simm.s32 @!p1 $0x0;
	s14 =	smov.u32 @p0 s21  }
0x149: {  	s4 =	smov.u32 @p0 s18;
	p0 =	slt.s32 s1, $0x0;
	s16 =	simm.s32 @!p2 $0x0  }
0x14a: {  	s0 =	simm.s32 @!p0 $0x0;
	s23 =	sand.u32 $0xFF, s14;
	s22 =	sadd.s32 s9, s7  }
0x14b: {  	s9 =	sshrl.u32 s4, $0x18;
	s24 =	sshrl.u32 s4, $0x10;
	s0 =	simm.s32 @p0 $0x1  }
0x14c: {  	p0 =	seq.s32 s1, $0x0;
	s18 =	smov.u32 s23;
	s1 =	sand.u32 $0xFF, s24  }
0x14d: {  	s10 =	smov.u32 s23;
	s26 =	smov.u32 s23;
	[smem:$0x78E] =	sst s0  }
0x14e: {  	s0 =	simm.s32 @!p0 $0x0;
	s18 =	smov.u32 @p2 s9;
	s9 =	simm.s32 $0x5  }
0x14f: {  	s10 =	smov.u32 @p2 s1;
	s0 =	simm.s32 @p0 $0x1;
	p0 =	slt.s32 s22, $0x0  }
0x150: {  	s9 =	simm.s32 @!p2 $0x0;
	[smem:$0x78B] =	sst s0;
	s0 =	simm.s32 @!p0 $0x0  }
0x151: {  	s25 =	sadd.s32 s9, s8;
	s9 =	simm.s32 $0x4;
	s0 =	simm.s32 @p0 $0x1  }
0x152: {  	p0 =	seq.s32 s22, $0x0;
	s9 =	simm.s32 @!p2 $0x0;
	s21 =	sld [smem:$0x78B]  }
0x153: {  	p1 =	slt.u32 s25, s8;
	s22 =	smin.u32 s11, $0xFFFFFF;
	s11 =	sld [smem:$0x78E]  }
0x154: {  	(v2sf) =	vpush v5, $0x4;
	s13 =	smin.u32 s25, $0xFFFFFF;
	[smem:$0x78D] =	sst s0;
	s0 =	simm.s32 @!p0 $0x0  }
0x155: {  	(v2sf) =	vpush v6, $0x0;
	s12 =	simm.s32 @!p1 $0x0;
	s30 =	sadd.s32 s9, s8;
	s0 =	simm.s32 @p0 $0x1  }
0x156: {  	s31 =	sadd.s32 s12, s7;
	p1 =	slt.u32 s30, s8;
	s12 =	simm.s32 $0x1  }
0x157: {  	(v2sf) =	vpush v6, $0x4;
	s25 =	smin.u32 s30, $0xFFFFFF;
	[smem:$0x78C] =	sst s0;
	s12 =	simm.s32 @!p1 $0x0  }
0x158: {  	(v2sf) =	vpush v6, $0x8;
	p5 =	slt.s32 s31, $0x0;
	s0 =	sshrl.u32 s4, $0x8;
	p3 =	seq.s32 s31, $0x0  }
0x159: {  	s4 =	sand.u32 $0xFF, s4;
	s31 =	sld [smem:$0x78D];
	s9 =	sand.u32 $0xFF, s0  }
0x15a: {  	s12 =	sadd.s32 s12, s7;
	s0 =	smov.u32 s23;
	s13 =	simm.s32 @!p3 $0xFFFFFF  }
0x15b: {  	s30 =	sld [smem:$0x78C];
	s26 =	smov.u32 @p2 s9;
	p4 =	slt.s32 s12, $0x0  }
0x15c: {  	p1 =	seq.s32 s12, $0x0;
	s9 =	smov.u32 s23;
	s12 =	sadd.s32 s16, s8  }
0x15d: {  	(v2sf) =	vpush v6, $0xC;
	s16 =	sshrl.u32 s14, $0x18;
	s13 =	simm.s32 @p5 $0x0;
	s9 =	smov.u32 @p2 s4  }
0x15e: {  	s0 =	smov.u32 @p2 s16;
	p0 =	slt.u32 s12, s8;
	s16 =	simm.s32 $0x1  }
0x15f: {  	s25 =	simm.s32 @!p1 $0xFFFFFF;
	p1 =	seq.s32 s31, $0x1;
	s4 =	simm.s32 $0x2  }
0x160: {  	s16 =	simm.s32 @!p0 $0x0;
	p0 =	seq.s32 s21, $0x1;
	s25 =	simm.s32 @p4 $0x0  }
0x161: {  	s1 =	smov.u32 s0;
	s4 =	simm.s32 @!p2 $0x0;
	s22 =	simm.s32 @!p0 $0xFFFFFF  }
0x162: {  	(v2sf) =	vpush v4, $0x0;
	s24 =	sadd.s32 s16, s7;
	s16 =	smin.u32 s12, $0xFFFFFF;
	s4 =	sadd.s32 s4, s8  }
0x163: {  	s12 =	spop (v2sf);
	p0 =	seq.s32 s24, $0x0;
	p3 =	slt.s32 s24, $0x0  }
0x164: {  	(v2sf) =	vpush v4, $0x4;
	s24 =	smin.u32 s17, $0xFFFFFF;
	[smem:$0x79F] =	sst s12;
	s17 =	spop (v2sf)  }
0x165: {  	(v2sf) =	vpush v3, $0x1;
	s16 =	simm.s32 @!p0 $0xFFFFFF;
	p0 =	seq.s32 s30, $0x1;
	[smem:$0x7D8] =	sst s17  }
0x166: {  	(v2sf) =	vpush v2, $0x2;
	s21 =	spop (v2sf);
	s17 =	sshrl.u32 s14, $0x8;
	s16 =	simm.s32 @p3 $0x0  }
0x167: {  	s24 =	simm.s32 @!p0 $0xFFFFFF;
	[smem:$0x7A1] =	sst s21;
	s30 =	spop (v2sf)  }
0x168: {  	(v2sf) =	vpush v1, $0x3;
	s17 =	sand.u32 $0xFF, s17;
	p0 =	seq.s32 s25, s16;
	s24 =	simm.s32 @p1 $0x0  }
0x169: {  	p1 =	seq.s32 s11, $0x1;
	s1 =	smov.u32 @p0 s9;
	p0 =	seq.s32 s13, s16  }
0x16a: {  	s22 =	simm.s32 @p1 $0x0;
	s1 =	smov.u32 @p0 s26;
	p0 =	seq.s32 s24, s16  }
0x16b: {  	(v2sf) =	vpush v3, $0x5;
	s11 =	smov.u32 s20;
	s1 =	smov.u32 @p0 s10;
	p0 =	seq.s32 s22, s16  }
0x16c: {  	(v2sf) =	vpush v2, $0x6;
	[smem:$0x7A4] =	sst s30;
	s31 =	spop (v2sf);
	s1 =	smov.u32 @p0 s18  }
0x16d: {  	p0 =	slt.u32 s4, s8;
	s11 =	smov.u32 @p6 s1;
	s1 =	simm.s32 $0x1  }
0x16e: {  	(v2sf) =	vpush v1, $0x7;
	[smem:$0x7DB] =	sst s11;
	s1 =	simm.s32 @!p0 $0x0;
	s11 =	simm.s32 $0x1  }
0x16f: {  	v1 =	vshll.u32 v6, $0x10;
	[smem:$0x7A6] =	sst s31;
	s1 =	sadd.s32 s1, s7;
	s11 =	simm.s32 @!p2 $0x0  }
0x170: {  	v2 =	vshll.u32 v6, $0x18;
	(v2sf) =	vpush v1, $0x2;
	s11 =	sadd.s32 s11, s8;
	p1 =	slt.s32 s1, $0x0;
	p0 =	seq.s32 s1, $0x0  }
0x171: {  	v3 =	vshll.u32 v6, $0x8;
	(v2sf) =	vpush v2, $0x3;
	s1 =	smov.u32 s23;
	p3 =	slt.u32 s11, s8;
	s8 =	spop (v2sf)  }
0x172: {  	(v2sf) =	vpush v3, $0x1;
	s1 =	smov.u32 @p2 s17;
	s17 =	sshrl.u32 s14, $0x10;
	s14 =	smov.u32 s23  }
0x173: {  	[smem:$0x7AD] =	sst s8;
	s12 =	spop (v2sf);
	s8 =	simm.s32 $0x1  }
0x174: {  	(v2sf) =	vpush v3, $0x5;
	[smem:$0x7B0] =	sst s12;
	s8 =	simm.s32 @!p3 $0x0;
	s21 =	spop (v2sf)  }
0x175: {  	(v2sf) =	vpush v1, $0x6;
	[smem:$0x797] =	sst s21;
	s8 =	sadd.s32 s8, s7;
	s30 =	spop (v2sf)  }
0x176: {  	(v2sf) =	vpush v2, $0x7;
	s7 =	smin.u32 s4, $0xFFFFFF;
	s21 =	smin.u32 s11, $0xFFFFFF;
	s4 =	sand.u32 $0xFF, s17  }
0x177: {  	[smem:$0x798] =	sst s30;
	p3 =	slt.s32 s8, $0x0;
	s31 =	spop (v2sf)  }
0x178: {  	(v2sf) =	vpush v3, $0x9;
	p4 =	seq.s32 s8, $0x0;
	s7 =	simm.s32 @!p0 $0xFFFFFF;
	s14 =	smov.u32 @p2 s4  }
0x179: {  	s4 =	smov.u32 s1;
	p2 =	seq.s32 s25, s2;
	[smem:$0x799] =	sst s31  }
0x17a: {  	(v2sf) =	vpush v1, $0xA;
	s8 =	spop (v2sf);
	s7 =	simm.s32 @p1 $0x0;
	s21 =	simm.s32 @!p4 $0xFFFFFF  }
0x17b: {  	p1 =	seq.s32 s16, s2;
	[smem:$0x79C] =	sst s8;
	s12 =	spop (v2sf)  }
0x17c: {  	(v2sf) =	vpush v2, $0xB;
	s21 =	simm.s32 @p3 $0x0;
	s8 =	smov.u32 s28;
	p4 =	seq.s32 s25, s7  }
0x17d: {  	p3 =	seq.s32 s13, s7;
	[smem:$0x79A] =	sst s12;
	s30 =	spop (v2sf)  }
0x17e: {  	(v2sf) =	vpush v3, $0xD;
	p5 =	seq.s32 s16, s7;
	p0 =	seq.s32 s7, s21;
	[smem:$0x79B] =	sst s30  }
0x17f: {  	(v2sf) =	vpush v1, $0xE;
	s31 =	spop (v2sf);
	s4 =	smov.u32 @p0 s14;
	p0 =	seq.s32 s16, s21  }
0x180: {  	[smem:$0x79D] =	sst s31;
	s11 =	spop (v2sf);
	s4 =	smov.u32 @p0 s0  }
0x181: {  	v1 =	vshll.u32 v4, $0x8;
	(v2sf) =	vpush v2, $0xF;
	p0 =	seq.s32 s25, s21;
	[smem:$0x79E] =	sst s11;
	s12 =	spop (v2sf)  }
0x182: {  	(v2sf) =	vpush v1, $0x1;
	s4 =	smov.u32 @p0 s9;
	p0 =	seq.s32 s13, s21;
	[smem:$0x7A0] =	sst s12  }
0x183: {  	v2 =	vshll.u32 v4, $0x10;
	s17 =	spop (v2sf);
	s4 =	smov.u32 @p0 s26;
	p0 =	seq.s32 s24, s21  }
0x184: {  	v3 =	vshll.u32 v4, $0x18;
	(v2sf) =	vpush v2, $0x2;
	[smem:$0x7A2] =	sst s17;
	s30 =	spop (v2sf);
	s4 =	smov.u32 @p0 s10  }
0x185: {  	(v2sf) =	vpush v3, $0x3;
	p0 =	seq.s32 s22, s21;
	[smem:$0x7A3] =	sst s30;
	s31 =	spop (v2sf)  }
0x186: {  	s4 =	smov.u32 @p0 s18;
	s30 =	smov.u32 s28;
	p0 =	seq.s32 s21, s2  }
0x187: {  	(v2sf) =	vpush v1, $0x5;
	[smem:$0x7A8] =	sst s31;
	s11 =	spop (v2sf);
	s31 =	smov.u32 s28  }
0x188: {  	s23 =	smov.u32 @p0 s1;
	p0 =	seq.s32 s22, s25;
	s30 =	smov.u32 @p6 s16  }
0x189: {  	(v2sf) =	vpush v2, $0x6;
	[smem:$0x7A5] =	sst s11;
	s12 =	spop (v2sf);
	s11 =	smov.u32 s28  }
0x18a: {  	(v2sf) =	vpush v3, $0x7;
	s1 =	simm.s32 @!p0 $0x0;
	s31 =	smov.u32 @p6 s7;
	[smem:$0x7A9] =	sst s12  }
0x18b: {  	s12 =	smov.u32 s20;
	s17 =	spop (v2sf);
	s1 =	simm.s32 @p0 $0x1  }
0x18c: {  	p0 =	seq.s32 s24, s25;
	[smem:$0x7AB] =	sst s17;
	s17 =	smov.u32 s28  }
0x18d: {  	s28 =	smov.u32 @p6 s21;
	s21 =	spop (v2sf);
	[smem:$0x794] =	sst s1  }
0x18e: {  	s1 =	simm.s32 @!p0 $0x0;
	[smem:$0x7A7] =	sst s21;
	s21 =	spop (v2sf)  }
0x18f: {  	s20 =	smov.u32 @p6 s4;
	s1 =	simm.s32 @p0 $0x1;
	[smem:$0x7AA] =	sst s21  }
0x190: {  	p0 =	seq.s32 s13, s25;
	s4 =	spop (v2sf);
	[smem:$0x793] =	sst s1  }
0x191: {  	s1 =	simm.s32 @!p0 $0x0;
	[smem:$0x7AC] =	sst s4;
	s21 =	spop (v2sf)  }
0x192: {  	s11 =	smov.u32 @p6 s25;
	s1 =	simm.s32 @p0 $0x1;
	[smem:$0x7AE] =	sst s21  }
0x193: {  	p0 =	seq.s32 s22, s7;
	[smem:$0x791] =	sst s1;
	s4 =	spop (v2sf)  }
0x194: {  	s1 =	simm.s32 @!p0 $0x0;
	[smem:$0x7AF] =	sst s4;
	s21 =	spop (v2sf)  }
0x195: {  	s1 =	simm.s32 @p0 $0x1;
	p0 =	seq.s32 s24, s7;
	[smem:$0x7B3] =	sst s21  }
0x196: {  	[smem:$0x792] =	sst s1;
	s1 =	simm.s32 @!p0 $0x0;
	s25 =	spop (v2sf)  }
0x197: {  	s16 =	smov.u32 s12;
	s1 =	simm.s32 @p0 $0x1;
	[smem:$0x7B1] =	sst s25  }
0x198: {  	s17 =	smov.u32 @p6 s13;
	s4 =	spop (v2sf);
	[smem:$0x790] =	sst s1  }
0x199: {  	p0 =	seq.s32 s7, s2;
	[smem:$0x7B2] =	sst s4;
	s7 =	spop (v2sf)  }
0x19a: {  	s21 =	simm.s32 $0x2;
	s23 =	smov.u32 @p0 s14;
	[smem:$0x7B4] =	sst s7  }
0x19b: {  	s1 =	smov.u32 s14;
	p0 =	seq.s32 s22, s13;
	_ =	swait.ge [sflag:s21], $0x80  }
0x19c: {  	s4 =	smov.u32 s12;
	s1 =	smov.u32 @p5 s0;
	s14 =	sld [smem:$0x78F]  }
0x19d: {  	s23 =	smov.u32 @p1 s0;
	s0 =	simm.s32 @!p0 $0x0;
	p5 =	seq.s32 s24, s13  }
0x19e: {  	p1 =	seq.s32 s22, s2;
	s7 =	smov.u32 s12;
	s0 =	simm.s32 @p0 $0x1  }
0x19f: {  	p0 =	seq.s32 s13, s2;
	[smem:$0x795] =	sst s0;
	s0 =	sand.u32 $0xFFFF80, s14  }
0x1a0: {  	s23 =	smov.u32 @p2 s9;
	p2 =	seq.s32 s24, s2;
	s25 =	sor.u32 $0x10, s0  }
0x1a1: {  	s1 =	smov.u32 @p4 s9;
	s13 =	smov.u32 s12;
	v25 =	vor.u32 s25, v0;
	s25 =	sld [smem:$0x790]  }
0x1a2: {  	[sflag:s21] =	ssyncset.done $0x0;
	s23 =	smov.u32 @p0 s26;
	s2 =	sld [smem:$0x793]  }
0x1a3: {  	[sflag:s21] =	ssyncadd.s32 $0xFFFFFF80;
	s23 =	smov.u32 @p2 s10;
	s21 =	smov.u32 s12  }
0x1a4: {  	s23 =	smov.u32 @p1 s18;
	p0 =	seq.s32 s25, $0x1;
	s25 =	sld [smem:$0x791]  }
0x1a5: {  	s12 =	smov.u32 @p6 s23;
	[smem:$0x7EA] =	sst s0;
	s23 =	sor.u32 $0x20, s0  }
0x1a6: {  	s1 =	smov.u32 @p3 s26;
	v8 =	vor.u32 s23, v0;
	s23 =	sld [smem:$0x792]  }
0x1a7: {  	s1 =	smov.u32 @p0 s10;
	p0 =	seq.s32 s25, $0x1;
	s25 =	sor.u32 $0x30, s0  }
0x1a8: {  	v1 =	vld [tilespmem:$0x280];
	v7 =	vor.u32 s25, v0;
	s25 =	sld [smem:$0x794]  }
0x1a9: {  	s9 =	smov.u32 @p0 s26;
	p0 =	seq.s32 s23, $0x1;
	s23 =	sor.u32 $0x40, s0  }
0x1aa: {  	s1 =	smov.u32 @p0 s18;
	p0 =	seq.s32 s2, $0x1;
	s2 =	sor.u32 $0x50, s0  }
0x1ab: {  	v24 =	vor.u32 s0, v0;
	s9 =	smov.u32 @p0 s10;
	v3 =	vor.u32 s2, v0;
	s2 =	sor.u32 $0x70, s0;
	p0 =	seq.s32 s25, $0x1  }
0x1ac: {  	vm15 =	veq.s32 v24, s14;
	s25 =	sor.u32 $0x60, s0;
	s0 =	sld [smem:$0x7E4];
	s9 =	smov.u32 @p0 s18  }
0x1ad: {  	s21 =	smov.u32 @p6 s18;
	v1 =	vsel vm15, s12, v1;
	s4 =	smov.u32 @p6 s9;
	s9 =	sld [smem:$0x795]  }
0x1ae: {  	vm15 =	veq.s32 v24, s28;
	s26 =	smov.u32 @p5 s10;
	v26 =	vor.u32 s23, v0;
	s23 =	sld [smem:$0x7DB];
	v2 =	vor.u32 s25, v0;
	s25 =	smov.u32 s8  }
0x1af: {  	v9 =	vld [tilespmem:$0x290];
	v1 =	vsel vm15, s20, v1;
	vm15 =	veq.s32 v24, s31;
	s16 =	smov.u32 @p6 s1;
	s8 =	sld [smem:$0x799];
	s25 =	smov.u32 @p6 s22  }
0x1b0: {  	v1 =	vsel vm15, s16, v1;
	vm15 =	veq.s32 v24, s30;
	s0 =	smov.u32 @p6 s24;
	p0 =	seq.s32 s9, $0x1;
	s9 =	sld [smem:$0x7A5]  }
0x1b1: {  	v1 =	vsel vm15, s23, v1;
	vm15 =	veq.s32 v24, s11;
	s26 =	smov.u32 @p0 s18;
	p0 =	seq.s32 s22, s24;
	s22 =	sld [smem:$0x796]  }
0x1b2: {  	v10 =	vsel vm15, s4, v1;
	vm15 =	veq.s32 v24, s17;
	s7 =	smov.u32 @p6 s26;
	s10 =	smov.u32 @p0 s18;
	s26 =	sld [smem:$0x798]  }
0x1b3: {  	v1 =	vor.u32 s2, v0;
	s18 =	sor.u32 s19, s5;
	s19 =	sshll.u32 s15, $0x1;
	s15 =	sld [smem:$0x79B];
	v10 =	vsel vm15, s7, v10;
	vm15 =	veq.s32 v25, s14  }
0x1b4: {  	vm7 =	veq.s32 v24, s0;
	s13 =	smov.u32 @p6 s10;
	s5 =	sshrl.u32 s18, $0x1F;
	s10 =	sld [smem:$0x79A];
	v9 =	vsel vm15, s12, v9;
	vm15 =	veq.s32 v25, s28  }
0x1b5: {  	v10 =	vsel vm7, s13, v10;
	vm7 =	veq.s32 v25, s31;
	s2 =	sor.u32 s5, s19;
	s19 =	sld [smem:$0x79D];
	v9 =	vsel vm15, s20, v9  }
0x1b6: {  	p3 =	seq.s32 s22, $0x1;
	s22 =	sld [smem:$0x79E];
	v9 =	vsel vm7, s16, v9;
	vm7 =	veq.s32 v25, s30  }
0x1b7: {  	v11 =	vld [tilespmem:$0x2A0];
	s24 =	smov.u32 s0;
	s0 =	smov.u32 s23;
	v9 =	vsel vm7, s23, v9;
	s23 =	sld [smem:$0x797]  }
0x1b8: {  	[smem:$0x7E0] =	sst s2;
	p0 =	por !p3, !p3;
	s2 =	simm.s32 $0x1  }
0x1b9: {  	s1 =	sshll.u32 s18, $0x1;
	s18 =	sld [smem:$0x79C];
	vm15 =	veq.s32 v24, s25;
	s2 =	simm.s32 @!p0 $0x0  }
0x1ba: {  	[smem:$0x7E4] =	sst s24;
	v4 =	vsel vm15, s21, v10;
	vm7 =	veq.s32 v25, s11;
	s5 =	sor.u32 s23, s26;
	s26 =	sor.u32 s2, s1  }
0x1bb: {  	vm15 =	veq.s32 v8, s14;
	v9 =	vsel vm7, s4, v9;
	vm7 =	veq.s32 v25, s17;
	s2 =	sor.u32 s10, s15;
	s23 =	sor.u32 s19, s22;
	s19 =	sld [smem:$0x7A1]  }
0x1bc: {  	v27 =	vsel vm15, s12, v11;
	v9 =	vsel vm7, s7, v9;
	vm7 =	veq.s32 v8, s28;
	s2 =	sor.u32 s18, s2;
	s18 =	sld [smem:$0x7A0]  }
0x1bd: {  	v10 =	vsel vm7, s20, v27;
	vm7 =	veq.s32 v8, s31;
	s1 =	sor.u32 s8, s5;
	s5 =	sld [smem:$0x79F]  }
0x1be: {  	s22 =	sld [smem:$0x7A2];
	v10 =	vsel vm7, s16, v10;
	vm7 =	veq.s32 v8, s30  }
0x1bf: {  	s8 =	smov.u32 s0;
	v10 =	vsel vm7, s0, v10;
	s0 =	sor.u32 s18, s23;
	s23 =	sld [smem:$0x7A3]  }
0x1c0: {  	s10 =	sor.u32 s5, s2;
	s2 =	sld [smem:$0x7A4]  }
0x1c1: {  	s1 =	sor.u32 s29, s1;
	s18 =	sld [smem:$0x7A6]  }
0x1c2: {  	s1 =	sshrl.u32 s1, $0x8;
	s15 =	sshll.u32 s5, $0x18;
	[smem:$0x7D9] =	sst s0  }
0x1c3: {  	s5 =	sor.u32 s1, s15;
	s1 =	sor.u32 s19, s22;
	s19 =	sld [smem:$0x7A7]  }
0x1c4: {  	[smem:$0x7C3] =	sst s5  }
0x1c5: {  	s15 =	sor.u32 s2, s9;
	s2 =	sld [smem:$0x7A9]  }
0x1c6: {  	s1 =	sor.u32 s23, s1;
	s23 =	sld [smem:$0x7A8]  }
0x1c7: {  	s22 =	sor.u32 s18, s19;
	s18 =	sld [smem:$0x7B1]  }
0x1c8: {  	s9 =	sor.u32 s2, s15;
	s15 =	sld [smem:$0x7AA]  }
0x1c9: {  	s0 =	sor.u32 s23, s1;
	s23 =	sld [smem:$0x7AC]  }
0x1ca: {  	s1 =	sld [smem:$0x7AD]  }
0x1cb: {  	s2 =	sld [smem:$0x7AE]  }
0x1cc: {  	s19 =	sor.u32 s15, s22;
	s22 =	sld [smem:$0x7AB]  }
0x1cd: {  	[smem:$0x7DA] =	sst s0  }
0x1ce: {  	s15 =	sld [smem:$0x7B0]  }
0x1cf: {  	s0 =	sor.u32 s22, s9;
	s9 =	sld [smem:$0x7AF]  }
0x1d0: {  	s22 =	rddreg [dreg:$0xa]  }
0x1d1: {  	v28 =	vld [tilespmem:$0x2B0];
	[smem:$0x7C5] =	sst s0  }
0x1d2: {  	s0 =	sor.u32 s23, s19;
	s23 =	sld [smem:$0x7B2]  }
0x1d3: {  	vm15 =	veq.s32 v25, s24;
	s19 =	sor.u32 s15, s18;
	s15 =	sld [smem:$0x7B4]  }
0x1d4: {  	v9 =	vsel vm15, s13, v9;
	vm15 =	veq.s32 v25, s25;
	vm7 =	veq.s32 v8, s11;
	[smem:$0x7C6] =	sst s0  }
0x1d5: {  	v6 =	vsel vm15, s21, v9;
	v29 =	vsel vm7, s4, v10;
	vm7 =	veq.s32 v7, s14;
	s1 =	sor.u32 s1, s2;
	s0 =	sadd.s32 s22, s5;
	s22 =	sld [smem:$0x7C7]  }
0x1d6: {  	vm15 =	veq.s32 v8, s17;
	v30 =	vsel vm7, s12, v28;
	vm7 =	veq.s32 v7, s28;
	s9 =	sor.u32 s9, s1;
	s1 =	sld [smem:$0x7B3]  }
0x1d7: {  	v31 =	vld [tilespmem:$0x2C0];
	v9 =	vsel vm15, s7, v29;
	v10 =	vsel vm7, s20, v30;
	vm7 =	veq.s32 v7, s31;
	[smem:$0x7CC] =	sst s0  }
0x1d8: {  	vm15 =	veq.s32 v8, s24;
	v10 =	vsel vm7, s16, v10;
	vm7 =	veq.s32 v7, s30;
	s18 =	sor.u32 s23, s19;
	s23 =	rddreg [dreg:$0xb]  }
0x1d9: {  	v9 =	vsel vm15, s13, v9;
	v10 =	vsel vm7, s8, v10;
	vm7 =	veq.s32 v7, s11;
	p0 =	slt.u32 s0, s5;
	s0 =	sor.u32 s1, s9;
	s1 =	sld [smem:$0x7CA]  }
0x1da: {  	vm15 =	veq.s32 v8, s25;
	v32 =	vsel vm7, s4, v10;
	vm7 =	veq.s32 v7, s17;
	[smem:$0x7D2] =	sst s0;
	s0 =	sor.u32 s15, s18  }
0x1db: {  	v9 =	vsel vm15, s21, v9;
	v8 =	vsel vm7, s7, v32;
	vm7 =	veq.s32 v26, s14;
	s19 =	simm.s32 $0x1;
	s18 =	sshra.s32 s10, $0x8;
	[smem:$0x7D3] =	sst s0  }
0x1dc: {  	v34 =	vld [tilespmem:$0x2D0];
	vm15 =	veq.s32 v7, s24;
	v33 =	vsel vm7, s12, v31;
	vm7 =	veq.s32 v26, s28;
	s19 =	simm.s32 @!p0 $0x0;
	s10 =	sadd.s32 s23, s18;
	s23 =	sld [smem:$0x7CE]  }
0x1dd: {  	v8 =	vsel vm15, s13, v8;
	v10 =	vsel vm7, s20, v33;
	vm7 =	veq.s32 v26, s31;
	p0 =	slt.u32 s22, s5;
	s9 =	simm.s32 $0x1;
	[smem:$0x7D7] =	sst s18  }
0x1de: {  	vm15 =	veq.s32 v7, s25;
	v35 =	vsel vm7, s16, v10;
	vm7 =	veq.s32 v26, s30;
	s15 =	ssub.s32 s1, s18;
	s19 =	sadd.s32 s19, s10;
	s1 =	sld [smem:$0x7CF]  }
0x1df: {  	v8 =	vsel vm15, s21, v8;
	v7 =	vsel vm7, s8, v35;
	vm7 =	veq.s32 v26, s11;
	s9 =	simm.s32 @!p0 $0x0;
	[smem:$0x7CD] =	sst s19  }
0x1e0: {  	vm15 =	veq.s32 v3, s14;
	v7 =	vsel vm7, s4, v7;
	vm7 =	veq.s32 v26, s17;
	s22 =	ssub.s32 s15, s9;
	s15 =	sld [smem:$0x7B6]  }
0x1e1: {  	v36 =	vsel vm15, s12, v34;
	v7 =	vsel vm7, s7, v7;
	vm7 =	veq.s32 v3, s28;
	[smem:$0x7CB] =	sst s22;
	s0 =	sadd.s32 s23, s5  }
0x1e2: {  	v37 =	vld [tilespmem:$0x2E0];
	vm15 =	veq.s32 v26, s24;
	v10 =	vsel vm7, s20, v36;
	vm7 =	veq.s32 v3, s31;
	p0 =	slt.u32 s0, s5;
	s5 =	sld [smem:$0x7B5]  }
0x1e3: {  	v7 =	vsel vm15, s13, v7;
	v10 =	vsel vm7, s16, v10;
	vm7 =	veq.s32 v3, s30;
	s22 =	sld [smem:$0x7B8]  }
0x1e4: {  	s2 =	smov.u32 s21;
	vm15 =	veq.s32 v26, s25;
	v38 =	vsel vm7, s8, v10;
	vm7 =	veq.s32 v3, s11;
	s19 =	sadd.s32 s1, s18;
	s1 =	sld [smem:$0x7B7]  }
0x1e5: {  	v7 =	vsel vm15, s2, v7;
	v5 =	vsel vm7, s4, v38;
	vm7 =	veq.s32 v3, s17;
	s9 =	simm.s32 $0x1;
	[smem:$0x7D4] =	sst s0;
	s10 =	smul.u32 s15, s5  }
0x1e6: {  	v39 =	vld [tilespmem:$0x2F0];
	vm15 =	veq.s32 v2, s14;
	v5 =	vsel vm7, s7, v5;
	vm7 =	veq.s32 v3, s24;
	s9 =	simm.s32 @!p0 $0x0;
	s21 =	smul.u32 s22, s5;
	s5 =	sld [smem:$0x7B9]  }
0x1e7: {  	v11 =	vsel vm15, s12, v37;
	v5 =	vsel vm7, s13, v5;
	vm7 =	veq.s32 v2, s28;
	s9 =	sadd.s32 s9, s19;
	s19 =	sld [smem:$0x7BA];
	s23 =	smul.u32 s22, s1  }
0x1e8: {  	p2 =	seq.s32 s26, $0xFFFFFFFF;
	vm15 =	veq.s32 v3, s25;
	v3 =	vsel vm7, s20, v11;
	vm7 =	veq.s32 v2, s31;
	[smem:$0x7D6] =	sst s9;
	s9 =	simm.s32 $0x1  }
0x1e9: {  	v5 =	vsel vm15, s2, v5;
	v3 =	vsel vm7, s16, v3;
	vm7 =	veq.s32 v2, s30;
	p0 =	seq.s32 s5, $0x1;
	s5 =	sadd.s32 s23, s10;
	s23 =	sld [smem:$0x7E5]  }
0x1ea: {  	vm15 =	veq.s32 v1, s14;
	v3 =	vsel vm7, s8, v3;
	vm7 =	veq.s32 v2, s11;
	s22 =	simm.s32 $0x1;
	s9 =	simm.s32 @!p0 $0x0;
	[smem:$0x7D1] =	sst s5  }
0x1eb: {  	v10 =	vsel vm15, s12, v39;
	v3 =	vsel vm7, s4, v3;
	vm7 =	veq.s32 v1, s28;
	p5 =	slt.u32 s5, s10;
	s0 =	sadd.s32 s9, s19;
	s19 =	sld [smem:$0x7BB]  }
0x1ec: {  	vm15 =	veq.s32 v2, s17;
	v40 =	vsel vm7, s20, v10;
	vm7 =	veq.s32 v1, s31;
	s9 =	sshll.u32 s5, $0x10;
	s5 =	sld [smem:$0x7BC];
	p0 =	seq.s32 s23, $0x1  }
0x1ed: {  	[tilespmem:$0x400] =	vst v4;
	p3 =	sne.s32 s26, $0xFFFFFFFF;
	v3 =	vsel vm15, s7, v3;
	v4 =	vsel vm7, s16, v40;
	vm7 =	veq.s32 v1, s30;
	[smem:$0x7DC] =	sst s0;
	s22 =	simm.s32 @!p0 $0x0  }
0x1ee: {  	vm15 =	veq.s32 v2, s24;
	v4 =	vsel vm7, s8, v4;
	vm7 =	veq.s32 v1, s11;
	s8 =	simm.s32 $0x280;
	s0 =	ssub.s32 s19, s22;
	s19 =	sld [smem:$0x7BD]  }
0x1ef: {  	v3 =	vsel vm15, s13, v3;
	v4 =	vsel vm7, s4, v4;
	vm7 =	veq.s32 v1, s17;
	p1 =	sne.s32 s5, $0x0;
	s5 =	smov.u32 s14;
	s14 =	sld [smem:$0x7FD]  }
0x1f0: {  	vm15 =	veq.s32 v2, s25;
	v2 =	vsel vm7, s7, v4;
	vm7 =	veq.s32 v1, s24;
	s24 =	smov.u32 s2;
	s22 =	smul.u32 s15, s1;
	s15 =	rddreg [dreg:$0x1d]  }
0x1f1: {  	s10 =	simm.s32 $0xFFFFFFFF;
	s1 =	sadd.s32 s21, s9;
	[smem:$0x7DD] =	sst s0  }
0x1f2: {  	s10 =	simm.s32 @!p2 $0x0;
	s21 =	simm.s32 $0x1;
	[smem:$0x7DE] =	sst s1  }
0x1f3: {  	p0 =	slt.u32 s1, s9;
	s21 =	simm.s32 @!p3 $0x0;
	s1 =	sld [smem:$0x7E0]  }
0x1f4: {  	s9 =	sld [smem:$0x7FC];
	p3 =	sne.s32 s26, $0x0;
	s0 =	simm.s32 @!p0 $0x0  }
0x1f5: {  	[smem:$0x7D0] =	sst s22;
	s22 =	simm.s32 $0xFFFFFFFF;
	s0 =	simm.s32 @p0 $0x1  }
0x1f6: {  	s23 =	ssub.s32 $0x0, s19;
	s22 =	simm.s32 @!p1 $0x0;
	p4 =	seq.s32 s14, $0x1  }
0x1f7: {  	[smem:$0x7D5] =	sst s0;
	s10 =	ssub.s32 s10, s1;
	p0 =	seq.s32 s9, $0x1  }
0x1f8: {  	s22 =	ssub.s32 s22, s26;
	s10 =	ssub.s32 s10, s21;
	s21 =	simm.s32 $0xFFFFFFFF  }
0x1f9: {  	s0 =	rddreg [dreg:$0x1c];
	p2 =	por !p0, !p0;
	s21 =	simm.s32 @!p3 $0x0  }
0x1fa: {  	s9 =	simm.s32 $0x0;
	p2 =	por @!p4 p0, p0;
	s21 =	ssub.s32 s21, s1  }
0x1fb: {  	[tilespmem:$0x410] =	vst v6;
	s19 =	smov.u32 @p0 s23;
	s26 =	smov.u32 @p2 s22;
	s21 =	smov.u32 @p1 s10  }
0x1fc: {  	[tilespmem:$0x420] =	vst v9;
	s22 =	sadd.s32 s15, s19;
	s1 =	smov.u32 @p2 s21;
	s21 =	sld [smem:$0x7BE]  }
0x1fd: {  	[tilespmem:$0x430] =	vst v8;
	s23 =	sshrl.u32 s25, $0x3;
	p3 =	slt.u32 s22, s19;
	s10 =	simm.s32 $0x1  }
0x1fe: {  	[tilespmem:$0x440] =	vst v7;
	[smem:$0x7DF] =	sst s26;
	p1 =	por !p2, !p1;
	s10 =	simm.s32 @!p3 $0x0  }
0x1ff: {  	[tilespmem:$0x450] =	vst v5;
	v3 =	vsel vm15, s2, v3;
	v2 =	vsel vm7, s13, v2;
	vm7 =	veq.s32 v1, s25;
	p1 =	por !p1, !p1;
	[smem:$0x7E0] =	sst s1;
	s10 =	sadd.s32 s10, s21  }
0x200: {  	[tilespmem:$0x460] =	vst v3;
	v1 =	vsel vm7, s2, v2;
	s1 =	rddreg [dreg:$0x7];
	s21 =	sand.u32 $0x1FFFF0, s23;
	s0 =	smov.u32 @p1 s10  }
0x201: {  	[tilespmem:$0x470] =	vst v1;
	s15 =	simm.s32 $0x2;
	s2 =	sadd.s32 s1, s21;
	[dreg:$0x1c] =	wrdreg s0  }
0x202: {  	[tilespmem:s8], [sflag:$0x2] =	stream.linear.gather [hbm4b:s2+s9], $0x80, $0x38;
	[tilespmem:$0x500] =	vst v63  }
0x203: {  	s10 =	rddreg [dreg:$0x1b];
	_ =	swait.ge [sflag:s15], $0x80  }
0x204: {  	s14 =	smov.u32 s25;
	s21 =	sld [smem:$0x7FB]  }
0x205: {  	p4 =	seq.s32 s29, $0x4;
	s26 =	sand.u32 $0xFFFFFFFE, s29;
	s23 =	sld [smem:$0x7BF]  }
0x206: {  	s19 =	smov.u32 @p1 s22;
	p1 =	seq.s32 s26, $0x2;
	s26 =	sld [smem:$0x7C0]  }
0x207: {  	p0 =	seq.s32 s29, $0x5;
	s22 =	simm.s32 $0x2;
	s1 =	sld [smem:$0x7C1]  }
0x208: {  	p2 =	sne.s32 s10, $0x0;
	[sflag:s15] =	ssyncset.done $0x0;
	s0 =	sld [smem:$0x7E8]  }
0x209: {  	p2 =	por !p2, !p0;
	s10 =	sld [smem:$0x7C2];
	[sflag:s22] =	ssyncadd.s32 $0xFFFFFF80  }
0x20a: {  	s22 =	sld [smem:$0x7C4];
	p6 =	seq.s32 s21, $0x1;
	s25 =	sshrl.u32 s23, $0x1  }
0x20b: {  	[smem:$0x7E1] =	sst s0;
	s23 =	sand.u32 $0xFFFF80, s14;
	p3 =	por !p6, !p4  }
0x20c: {  	p4 =	por !p2, !p2;
	s21 =	sor.u32 s26, s25;
	s25 =	sld [smem:$0x7C3]  }
0x20d: {  	p2 =	seq.s32 s1, $0x0;
	s2 =	sor.u32 $0x10, s23;
	s1 =	rddreg [dreg:$0xa]  }
0x20e: {  	s15 =	sor.u32 $0x40, s23;
	v44 =	vor.u32 s2, v0;
	s2 =	sld [smem:$0x7C5]  }
0x20f: {  	s8 =	sor.u32 $0x20, s23;
	v47 =	vor.u32 s15, v0;
	s15 =	sld [smem:$0x7C7]  }
0x210: {  	s9 =	sor.u32 $0x30, s23;
	v45 =	vor.u32 s8, v0;
	s8 =	sld [smem:$0x7C8]  }
0x211: {  	s26 =	sor.u32 $0x70, s23;
	v46 =	vor.u32 s9, v0;
	s9 =	rddreg [dreg:$0x1e]  }
0x212: {  	p3 =	por !p3, !p3;
	s0 =	smov.u32 @p2 s21;
	v1 =	vor.u32 s26, v0;
	s26 =	rddreg [dreg:$0x1f]  }
0x213: {  	s21 =	sor.u32 $0x60, s23;
	p1 =	por p3, p1;
	[smem:$0x7E8] =	sst s0  }
0x214: {  	s0 =	rddreg [dreg:$0xd];
	p3 =	sgt.u32 s1, $0xFFFFFFF7;
	p1 =	por p4, p1  }
0x215: {  	v48 =	vor.u32 s23, v0;
	p4 =	seq.s32 s29, $0x8;
	s10 =	smov.u32 @p1 s25;
	s22 =	smov.u32 @p1 s18  }
0x216: {  	vm7 =	veq.s32 v48, s5;
	s18 =	sor.u32 $0x50, s23;
	p1 =	sgt.u32 s29, $0x25;
	s10 =	smov.u32 @p4 s2  }
0x217: {  	v2 =	vor.u32 s21, v0;
	vm15 =	veq.s32 v44, s5;
	vm8 =	veq.s32 v45, s5;
	s2 =	sld [smem:$0x7C6];
	s10 =	smov.u32 @p1 s0;
	s0 =	simm.s32 $0x1  }
0x218: {  	v41 =	vld [tilespmem:$0x280];
	vm9 =	veq.s32 v46, s5;
	vm10 =	veq.s32 v47, s5;
	v3 =	vor.u32 s18, v0;
	s18 =	rddreg [dreg:$0xb];
	s0 =	simm.s32 @!p3 $0x0  }
0x219: {  	v42 =	vld [tilespmem:$0x290];
	vm13 =	veq.s32 v1, s5;
	vm12 =	veq.s32 v2, s5;
	vm11 =	veq.s32 v3, s5;
	s5 =	sadd.s32 s0, s18;
	s0 =	sadd.s32 s9, s26;
	s9 =	sld [smem:$0x7C9]  }
0x21a: {  	v43 =	vld [tilespmem:$0x2A0];
	s22 =	smov.u32 @p4 s2;
	s2 =	rddreg [dreg:$0xc]  }
0x21b: {  	v12 =	vld [tilespmem:$0x2B0];
	s21 =	ssub.s32 s15, s25;
	s22 =	smov.u32 @p1 s2;
	p1 =	seq.s32 s8, $0x1  }
0x21c: {  	v13 =	vld [tilespmem:$0x2C0];
	s2 =	sadd.s32 $0x8, s1;
	s1 =	smov.u32 @p1 s15;
	p0 =	seq.s32 s9, $0x1  }
0x21d: {  	v14 =	vld [tilespmem:$0x2D0];
	s1 =	smov.u32 @p0 s21  }
0x21e: {  	v15 =	vld [tilespmem:$0x2E0];
	s8 =	smov.u32 s1;
	s1 =	sld [smem:$0x7CA]  }
0x21f: {  	v16 =	vld [tilespmem:$0x2F0];
	s9 =	sld [smem:$0x7CB];
	_ =	sdelay $0x1  }
0x220: {  	s18 =	smov.u32 @p1 s1  }
0x221: {  	v9 =	vsel vm7, s12, v41;
	v10 =	vsel vm15, s12, v42;
	s18 =	smov.u32 @p0 s9;
	s9 =	sld [smem:$0x7CC]  }
0x222: {  	v11 =	vsel vm8, s12, v43;
	v12 =	vsel vm9, s12, v12;
	v13 =	vsel vm10, s12, v13  }
0x223: {  	v16 =	vsel vm13, s12, v16;
	v15 =	vsel vm12, s12, v15;
	v14 =	vsel vm11, s12, v14;
	s12 =	sld [smem:$0x7CE];
	p1 =	seq.s32 s29, $0x7  }
0x224: {  	vm7 =	veq.s32 v48, s28;
	vm8 =	veq.s32 v44, s28;
	s8 =	smov.u32 @p1 s9;
	s9 =	sld [smem:$0x7CD]  }
0x225: {  	vm9 =	veq.s32 v45, s28;
	vm10 =	veq.s32 v46, s28;
	vm13 =	veq.s32 v2, s28  }
0x226: {  	vm15 =	veq.s32 v1, s28;
	vm12 =	veq.s32 v3, s28;
	vm11 =	veq.s32 v47, s28;
	s26 =	sadd.s32 $0xFFFFFFF5, s29;
	p3 =	sgt.u32 s12, $0xFFFFFFEF;
	s28 =	smov.u32 s12  }
0x227: {  	s18 =	smov.u32 @p1 s9;
	s9 =	sadd.s32 $0x10, s12;
	s12 =	sld [smem:$0x7CF]  }
0x228: {  	s21 =	simm.s32 $0x1;
	p1 =	slt.u32 s26, $0x2;
	s26 =	sadd.s32 $0xFFFFFFF2, s29  }
0x229: {  	s21 =	simm.s32 @!p3 $0x0;
	p6 =	slt.u32 s26, $0x10  }
0x22a: {  	s8 =	smov.u32 @p4 s9;
	s26 =	sld [smem:$0x7D0];
	s9 =	sadd.s32 s21, s12  }
0x22b: {  	s18 =	smov.u32 @p4 s9;
	s9 =	sld [smem:$0x7D1];
	_ =	sdelay $0x2  }
0x22c: {  	s21 =	sadd.s32 s26, s0;
	s0 =	sshrl.u32 s9, $0x10;
	s9 =	smov.u32 s12  }
0x22d: {  	s9 =	smov.u32 @p0 s1;
	s1 =	sld [smem:$0x7D2]  }
0x22e: {  	s26 =	smov.u32 s28  }
0x22f: {  	v9 =	vsel vm7, s20, v9;
	v10 =	vsel vm8, s20, v10;
	s26 =	smov.u32 @p0 s15  }
0x230: {  	v11 =	vsel vm9, s20, v11;
	v12 =	vsel vm10, s20, v12;
	v16 =	vsel vm15, s20, v16;
	s26 =	smov.u32 @p4 s1;
	s1 =	sld [smem:$0x7D3]  }
0x231: {  	v15 =	vsel vm13, s20, v15;
	v13 =	vsel vm11, s20, v13;
	v14 =	vsel vm12, s20, v14;
	s20 =	simm.s32 $0x10000  }
0x232: {  	s20 =	simm.s32 @!p5 $0x0;
	s15 =	sld [smem:$0x7D5]  }
0x233: {  	p1 =	por p1, p6;
	s9 =	smov.u32 @p4 s1;
	s1 =	sld [smem:$0x7D4]  }
0x234: {  	s8 =	smov.u32 @p1 s2;
	s18 =	smov.u32 @p1 s5;
	s0 =	sadd.s32 s0, s21  }
0x235: {  	p1 =	seq.s32 s29, $0x0;
	p0 =	seq.s32 s15, $0x1;
	s0 =	sadd.s32 s20, s0  }
0x236: {  	s20 =	simm.s32 $0x1;
	s3 =	smov.u32 @p1 s1;
	s1 =	sld [smem:$0x7D6]  }
0x237: {  	vm7 =	veq.s32 v48, s31;
	vm8 =	veq.s32 v44, s31;
	vm9 =	veq.s32 v45, s31;
	s21 =	sld [smem:$0x7D8];
	s20 =	simm.s32 @!p0 $0x0;
	p0 =	seq.s32 s29, $0x1  }
0x238: {  	vm10 =	veq.s32 v46, s31;
	vm15 =	veq.s32 v1, s31;
	vm13 =	veq.s32 v2, s31;
	s3 =	smov.u32 @p0 s25;
	s25 =	sld [smem:$0x7D9]  }
0x239: {  	v9 =	vsel vm7, s16, v9;
	v10 =	vsel vm8, s16, v10;
	v11 =	vsel vm9, s16, v11;
	s6 =	smov.u32 @p1 s1;
	s1 =	sld [smem:$0x7D7]  }
0x23a: {  	v12 =	vsel vm10, s16, v12;
	vm11 =	veq.s32 v47, s31;
	vm12 =	veq.s32 v3, s31;
	s31 =	rddreg [dreg:$0xf]  }
0x23b: {  	v16 =	vsel vm15, s16, v16;
	vm7 =	veq.s32 v48, s30;
	vm8 =	veq.s32 v44, s30;
	s28 =	sld [smem:$0x7DB];
	s2 =	sor.u32 s21, s25  }
0x23c: {  	vm9 =	veq.s32 v45, s30;
	vm10 =	veq.s32 v46, s30;
	vm15 =	veq.s32 v1, s30;
	s6 =	smov.u32 @p0 s1;
	p0 =	seq.s32 s29, $0x9;
	s1 =	sld [smem:$0x7DA]  }
0x23d: {  	v15 =	vsel vm13, s16, v15;
	vm13 =	veq.s32 v2, s30;
	v13 =	vsel vm11, s16, v13;
	p1 =	seq.s32 s29, $0xA;
	s3 =	smov.u32 @p0 s2;
	s2 =	sand.u32 $0xFF, s21  }
0x23e: {  	v14 =	vsel vm12, s16, v14;
	vm11 =	veq.s32 v47, s30;
	vm12 =	veq.s32 v3, s30;
	s30 =	rddreg [dreg:$0x11];
	s3 =	smov.u32 @p1 s2  }
0x23f: {  	s2 =	rddreg [dreg:$0x19];
	s6 =	smov.u32 @p0 s1;
	p0 =	seq.s32 s29, $0xE  }
0x240: {  	v9 =	vsel vm7, s28, v9;
	s3 =	smov.u32 @p0 s2;
	s2 =	sld [smem:$0x7DC]  }
0x241: {  	s16 =	sld [smem:$0x7E7];
	v10 =	vsel vm8, s28, v10;
	v11 =	vsel vm9, s28, v11;
	v12 =	vsel vm10, s28, v12  }
0x242: {  	s5 =	rddreg [dreg:$0x14];
	v13 =	vsel vm11, s28, v13;
	v14 =	vsel vm12, s28, v14;
	v15 =	vsel vm13, s28, v15;
	s6 =	simm.s32 @p1 $0x0  }
0x243: {  	v16 =	vsel vm15, s28, v16;
	vm7 =	veq.s32 v48, s11;
	vm8 =	veq.s32 v44, s11;
	p1 =	seq.s32 s29, $0xF;
	s6 =	smov.u32 @p0 s2;
	s2 =	rddreg [dreg:$0x1a]  }
0x244: {  	vm9 =	veq.s32 v45, s11;
	vm10 =	veq.s32 v46, s11;
	vm11 =	veq.s32 v47, s11;
	s3 =	smov.u32 @p1 s2;
	s2 =	sld [smem:$0x7DD]  }
0x245: {  	vm12 =	veq.s32 v3, s11;
	vm13 =	veq.s32 v2, s11;
	vm15 =	veq.s32 v1, s11;
	s11 =	rddreg [dreg:$0x10]  }
0x246: {  	s12 =	sld [smem:$0x7E5];
	s0 =	sadd.s32 s20, s0  }
0x247: {  	v9 =	vsel vm7, s4, v9;
	v10 =	vsel vm8, s4, v10;
	vm7 =	veq.s32 v48, s17;
	p0 =	seq.s32 s29, $0x10;
	s6 =	smov.u32 @p1 s2;
	s2 =	sld [smem:$0x7DE]  }
0x248: {  	v11 =	vsel vm9, s4, v11;
	v12 =	vsel vm10, s4, v12;
	v13 =	vsel vm11, s4, v13;
	s6 =	smov.u32 @p0 s0;
	s0 =	sld [smem:$0x7DF]  }
0x249: {  	v14 =	vsel vm12, s4, v14;
	v15 =	vsel vm13, s4, v15;
	v16 =	vsel vm15, s4, v16;
	s4 =	sld [smem:$0x7E3]  }
0x24a: {  	vm8 =	veq.s32 v44, s17;
	vm9 =	veq.s32 v47, s17;
	vm10 =	veq.s32 v3, s17;
	s15 =	sld [smem:$0x7E6];
	p1 =	seq.s32 s29, $0x11;
	s3 =	smov.u32 @p0 s2  }
0x24b: {  	vm11 =	veq.s32 v2, s17;
	vm12 =	veq.s32 v1, s17;
	v9 =	vsel vm7, s7, v9;
	s3 =	smov.u32 @p1 s0;
	s0 =	sld [smem:$0x7E0]  }
0x24c: {  	v10 =	vsel vm8, s7, v10;
	vm7 =	veq.s32 v45, s17;
	vm8 =	veq.s32 v46, s17;
	s17 =	sld [smem:$0x7E9]  }
0x24d: {  	s1 =	sld [smem:$0x7E1];
	p0 =	seq.s32 s29, $0x12  }
0x24e: {  	s3 =	smov.u32 @p0 s19;
	s6 =	smov.u32 @p1 s0;
	s0 =	rddreg [dreg:$0x1c]  }
0x24f: {  	p1 =	seq.s32 s29, $0x13;
	s6 =	smov.u32 @p0 s0;
	s0 =	rddreg [dreg:$0x18]  }
0x250: {  	s3 =	smov.u32 @p1 s0;
	s0 =	rddreg [dreg:$0x17]  }
0x251: {  	s2 =	rddreg [dreg:$0x15];
	p0 =	seq.s32 s29, $0x14;
	s6 =	smov.u32 @p1 s0  }
0x252: {  	s0 =	sshll.u32 s30, $0x1;
	s3 =	smov.u32 @p0 s2;
	s2 =	rddreg [dreg:$0x16]  }
0x253: {  	s6 =	smov.u32 @p0 s2;
	s0 =	sor.u32 s31, s0;
	s2 =	smov.u32 s11  }
0x254: {  	p0 =	seq.s32 s29, $0x15;
	s2 =	smov.u32 @p2 s0;
	s0 =	rddreg [dreg:$0x13]  }
0x255: {  	s1 =	simm.s32 @!p2 $0x0;
	p1 =	seq.s32 s29, $0x16;
	s3 =	smov.u32 @p0 s0  }
0x256: {  	s3 =	smov.u32 @p1 s1;
	s1 =	sld [smem:$0x7E2]  }
0x257: {  	s20 =	sld [smem:$0x7EA]  }
0x258: {  	s5 =	smov.u32 @p2 s11;
	p6 =	seq.s32 s12, $0x1;
	s11 =	sld [smem:$0x7E4]  }
0x259: {  	p5 =	seq.s32 s4, $0x1;
	s0 =	rddreg [dreg:$0x12];
	p4 =	seq.s32 s1, $0x1  }
0x25a: {  	s6 =	smov.u32 @p0 s0;
	s1 =	sld [smem:$0x7E8];
	p2 =	por !p5, !p4  }
0x25b: {  	v55 =	vmov s10;
	s0 =	simm.s32 $0x1;
	p0 =	seq.s32 s29, $0x17;
	p3 =	por !p2, !p2  }
0x25c: {  	v13 =	vsel vm9, s7, v13;
	v14 =	vsel vm10, s7, v14;
	v15 =	vsel vm11, s7, v15;
	s3 =	smov.u32 @p0 s2;
	s0 =	simm.s32 @!p3 $0x0;
	p3 =	seq.s32 s29, $0x18  }
0x25d: {  	v16 =	vsel vm12, s7, v16;
	v11 =	vsel vm7, s7, v11;
	v12 =	vsel vm8, s7, v12;
	s2 =	simm.s32 $0x1;
	s6 =	smov.u32 @p1 s1;
	s3 =	smov.u32 @p3 s0  }
0x25e: {  	vm7 =	veq.s32 v48, s14;
	vm13 =	veq.s32 v48, s11;
	vm8 =	veq.s32 v44, s11;
	p3 =	por !p4, !p6;
	s0 =	simm.s32 $0x1;
	p6 =	seq.s32 s15, $0x1  }
0x25f: {  	vm9 =	veq.s32 v45, s11;
	vm10 =	veq.s32 v46, s11;
	vm11 =	veq.s32 v47, s11;
	s0 =	simm.s32 @!p2 $0x0;
	p5 =	por !p3, !p3;
	p3 =	seq.s32 s29, $0x19  }
0x260: {  	vm12 =	veq.s32 v3, s11;
	vm15 =	veq.s32 v1, s11;
	v9 =	vsel vm13, s13, v9;
	p2 =	por p6, p5;
	s3 =	smov.u32 @p3 s0;
	p6 =	seq.s32 s16, $0x1  }
0x261: {  	vm13 =	veq.s32 v2, s11;
	v49 =	vsel vm8, s13, v10;
	v50 =	vsel vm9, s13, v11;
	s0 =	simm.s32 $0x1;
	p3 =	por !p4, !p6;
	p4 =	seq.s32 s29, $0x1A  }
0x262: {  	v51 =	vsel vm10, s13, v12;
	v52 =	vsel vm11, s13, v13;
	v53 =	vsel vm12, s13, v14;
	s0 =	simm.s32 @!p2 $0x0;
	p6 =	seq.s32 s17, $0x1;
	p5 =	por !p3, !p3  }
0x263: {  	v56 =	vsel vm15, s13, v16;
	vm8 =	veq.s32 v45, s14;
	v8 =	vsel vm7, s24, v9;
	s3 =	smov.u32 @p4 s0;
	s0 =	simm.s32 $0x1;
	p1 =	por p6, p5  }
0x264: {  	v54 =	vsel vm13, s13, v15;
	vm7 =	veq.s32 v44, s14;
	v15 =	vnsel vm14, $0x0, v55;
	p3 =	seq.s32 s29, $0x1B;
	s0 =	simm.s32 @!p1 $0x0;
	p1 =	por !p1, !p1  }
0x265: {  	v58 =	vsel vm8, s24, v50;
	vm8 =	veq.s32 v47, s14;
	v15 =	vsel vm1, s22, v15;
	[tilespmem:$0x480] =	vst v8;
	s3 =	smov.u32 @p3 s0;
	s2 =	simm.s32 @!p1 $0x0;
	p1 =	seq.s32 s29, $0x1C  }
0x266: {  	v57 =	vsel vm7, s24, v49;
	vm7 =	veq.s32 v46, s14;
	[tilespmem:$0x4A0] =	vst v58;
	v59 =	vsel vm2, s8, v15;
	s0 =	simm.s32 $0x1;
	s3 =	smov.u32 @p1 s2;
	p1 =	por !p2, !p2  }
0x267: {  	[tilespmem:$0x490] =	vst v57;
	v60 =	vsel vm7, s24, v51;
	vm7 =	veq.s32 v3, s14;
	v61 =	vsel vm3, s18, v59;
	s18 =	sadd.s32 $0xFFFFFFE2, s29;
	s0 =	simm.s32 @!p1 $0x0;
	p1 =	seq.s32 s29, $0x1D  }
0x268: {  	s19 =	sadd.s32 $0xFFFFFFE8, s29;
	v3 =	vsel vm8, s24, v52;
	vm8 =	veq.s32 v1, s14;
	[tilespmem:$0x4B0] =	vst v60;
	v62 =	vsel vm4, s26, v61;
	s3 =	smov.u32 @p1 s0;
	p1 =	slt.u32 s18, $0x8  }
0x269: {  	[tilespmem:$0x4C0] =	vst v3;
	v3 =	vsel vm7, s24, v53;
	vm7 =	veq.s32 v2, s14;
	s6 =	smov.u32 @p0 s5;
	p0 =	slt.u32 s19, $0xE;
	v4 =	vsel vm5, s9, v62;
	s3 =	simm.s32 @p1 $0x0  }
0x26a: {  	v63 =	vsel vm8, s24, v56;
	vm8 =	vcmask $0x2320;
	[tilespmem:$0x4D0] =	vst v3;
	s6 =	simm.s32 @p0 $0x0;
	s0 =	simm.s32 $0x1;
	p1 =	seq.s32 s29, $0x26;
	v2 =	vsel vm6, s3, v4  }
0x26b: {  	v1 =	vsel vm7, s24, v54;
	v3 =	vmov s23;
	[tilespmem:$0x4F0] =	vst v63;
	s0 =	simm.s32 @!p1 $0x0;
	v2 =	vsel vm0, s6, v2  }
0x26c: {  	vm7 =	veq.s32 v0, $0x0;
	[tilespmem:$0x4E0] =	vst v1;
	v1 =	vsel vm8, s0, v2;
	v2 =	vnsel vm1, $0x0, v3  }
0x26d: {  	s21 =	rddreg [dreg:$0x2];
	v2 =	vsel vm7, s20, v2;
	[tilespmem:$0x300] =	vst v1  }
0x26e: {  	s22 =	simm.s32 $0x300;
	s23 =	simm.s32 $0x0;
	s2 =	simm.s32 $0x2;
	[tilespmem:$0x380] =	vst v2  }
0x26f: {  	[hbm4b:s21+s23] =	stream.linear.scatter [tilespmem:s22], [sflag:$0x2], $0x80, $0x38;
	[tilespmem:$0x500] =	vst v63  }
0x270: {  	_ =	swait.ge [sflag:s2], $0x80  }
0x271: {  	[sflag:s2] =	ssyncset.done $0x0  }
0x272: {  	[sflag:s2] =	ssyncadd.s32 $0xFFFFFF80  }
0x273: {  	s25 =	simm.s32 $0x380;
	s24 =	rddreg [dreg:$0x3]  }
0x274: {  	[hbm4b:s24+s23] =	stream.linear.scatter [tilespmem:s25], [sflag:$0x2], $0x80, $0x38;
	[tilespmem:$0x500] =	vst v63  }
0x275: {  	_ =	swait.ge [sflag:s2], $0x80  }
0x276: {  	[sflag:s2] =	ssyncset.done $0x0  }
0x277: {  	[sflag:s2] =	ssyncadd.s32 $0xFFFFFF80  }
0x278: {  	s26 =	simm.s32 $0x0;
	s29 =	simm.s32 $0x400;
	s28 =	rddreg [dreg:$0x4]  }
0x279: {  	[hbm4b:s28+s26] =	stream.linear.scatter [tilespmem:s29], [sflag:$0x2], $0x100, $0x38;
	[tilespmem:$0x500] =	vst v63  }
0x27a: {  	_ =	swait.ge [sflag:s2], $0x100  }
0x27b: {  	s30 =	rddreg [dreg:$0x9]  }
0x27c: {  	s31 =	rddreg [dreg:$0x8];
	s1 =	sadd.s32 $0x1, s30  }
0x27d: {  	p0 =	sne.s32 s1, s31  }
.Ltmp2:
0x27e: {  	_ = 	snop;
	(pc) =	sbr.rel @p0 .LBB2_2-.Ltmp2, $3  }
0x27f: {  	_ =	sdelay $0x1  }
0x280: {  	vm9 =	vmmov vm14;
	vm10 =	vmmov vm2;
	[sflag:s2] =	ssyncset.done $0x0  }
0x281: {  	vm11 =	vmmov vm3;
	vm12 =	vmmov vm4;
	vm13 =	vmmov vm5;
	[sflag:s2] =	ssyncadd.s32 $0xFFFFFF00  }
.LBB2_5:
0x282: {  	_ =	sfence.sel $0x180000  }
0x283: {  	[bflag:$0x0] =	sbarrier.arrive $0xFFFF  }
0x284: {  	_ =	strace $0x90000047  }
0x285: {  	s0 =	stileid.u32;
	[bflag:$0x2] =	sbarrier.arrive $0xFFFF  }
0x286: {  	p0 =	sne.s32 s0, $0x0;
	s0 =	rddreg [dreg:$0x5]  }
0x287: {  	s0 =	sadd.s32 @!p0 $0x100000, s0  }
0x288: {  	[sflag:s0] =	ssyncadd.tile.s32 @!p0 $0x1;
	_ =	shalt  }
.Lfunc_end2:
_tile_overlayer_lowered:
.L_overlay_start_2:
0x289: {  	(tag) =	ssettag $0x2  }
0x28a: {  	s0 =	rddreg [dreg:$0x0];
	s2 =	stileid.u32  }
0x28b: {  	s1 =	rddreg [dreg:$0x1];
	p0 =	sne.s32 s2, $0x0  }
0x28c: {  	s3 =	rddreg [dreg:$0x2];
	[bflag:$0x3] =	sbarrier.arrive $0xFFFF;
	s2 =	simm.s32 @!p0 $0x1C02  }
0x28d: {  	[timem:s3], [sflag:s2] =	dma.local @!p0 [hbm:s0], s1  }
0x28e: {  	s0 =	simm.s32 @!p0 $0x2  }
0x28f: {  	_ =	swait.ge @!p0 [sflag:s0], s1  }
0x290: {  	s1 =	ssub.s32 @!p0 $0x0, s1;
	[sflag:s0] =	ssyncset.done @!p0 $0x0  }
0x291: {  	[sflag:s0] =	ssyncadd.s32 @!p0 s1  }
0x292: {  	[bflag:$0x3] =	sbarrier.arrive $0xFFFF  }
0x293: {  	_ =	shalt  }

</sc_bundles>
